<compile_context>
chip_gen: v7x
topology: tpu7x:2x2x1
jax: 0.10.2.dev20260603
libtpu: 0.0.44.dev20260713+nightly
codegen_flags: <defaults>
</compile_context>

<pallas_src>
import functools

import jax
import jax.numpy as jnp
from jax import lax
from jax.experimental import pallas as pl
from jax.experimental.pallas import tpu as pltpu
from jax.experimental.pallas import tpu_sc as plsc

N = 256
E = 8192
D = 64
P = 5
LANES = 16

NW = 32


def _wt_body(ev_ref, ee_ref, out_ref):
    w = lax.dot_general(
        ev_ref[...],
        ee_ref[...],
        dimension_numbers=(((1,), (1,)), ((), ())),
        preferred_element_type=jnp.float32,
    )

    def pack(a, b):
        ha = lax.bitcast_convert_type(a.astype(jnp.bfloat16), jnp.uint16)
        hb = lax.bitcast_convert_type(b.astype(jnp.bfloat16), jnp.uint16)
        return (ha.astype(jnp.uint32) | (hb.astype(jnp.uint32) << 16)).astype(jnp.int32)

    out_ref[0:1, :] = pack(w[0:1], w[1:2])
    out_ref[1:2, :] = pack(w[2:3], w[3:4])
    out_ref[2:3, :] = lax.bitcast_convert_type(w[4:5], jnp.int32)


def _compute_wt(ev_pad, ee):
    return pl.pallas_call(
        _wt_body,
        out_shape=jax.ShapeDtypeStruct((3, E), jnp.int32),
    )(ev_pad, ee)


_sc_mesh = plsc.VectorSubcoreMesh(core_axis_name="c", subcore_axis_name="s")


ROWS_PER_W = N // NW


@functools.partial(
    pl.kernel,
    out_type=jax.ShapeDtypeStruct((N, N), jnp.float32),
    mesh=_sc_mesh,
    compiler_params=pltpu.CompilerParams(needs_layout_passes=False),
    scratch_types=[
        pltpu.VMEM((3 * E,), jnp.int32),
        pltpu.VMEM((P, ROWS_PER_W, N), jnp.int32),
        pltpu.VMEM((ROWS_PER_W, N), jnp.float32),
        pltpu.SemaphoreType.DMA,
        pltpu.SemaphoreType.DMA,
    ],
)
def _sc_encode(wt_hbm, idx_hbm, out_hbm, table_v, idx_v, out_v, sem_t, sem_i):
    wid = lax.axis_index("s") * 2 + lax.axis_index("c")
    row0 = wid * ROWS_PER_W
    cp_t = pltpu.async_copy(wt_hbm, table_v, sem_t)
    cps = [pltpu.async_copy(idx_hbm.at[p, pl.ds(row0, ROWS_PER_W)], idx_v.at[p], sem_i)
           for p in range(P)]
    for cp in cps:
        cp.wait()
    cp_t.wait()

    himask = jnp.full((LANES,), -65536, jnp.int32)
    for r in range(ROWS_PER_W):
        @plsc.parallel_loop(0, N // LANES, unroll=2)
        def body(g):
            off = g * LANES
            acc = jnp.zeros((LANES,), jnp.float32)
            cnt = jnp.zeros((LANES,), jnp.float32)
            idxs, masks = [], []
            for p in range(P):
                idx = idx_v[p, r, pl.ds(off, LANES)]
                idxs.append(jnp.maximum(idx, 0))
                masks.append(idx >= 0)
                cnt = cnt + jnp.where(idx >= 0, 1.0, 0.0)
            for q in range(2):
                v01 = plsc.load_gather(table_v, [idxs[2 * q] + q * E])
                v01b = plsc.load_gather(table_v, [idxs[2 * q + 1] + q * E])
                lo = plsc.bitcast(lax.shift_left(v01, 16), jnp.float32)
                hi = plsc.bitcast(jnp.bitwise_and(v01b, himask), jnp.float32)
                acc = acc + jnp.where(masks[2 * q], lo, 0.0)
                acc = acc + jnp.where(masks[2 * q + 1], hi, 0.0)
            v4 = plsc.load_gather(table_v, [idxs[4] + 2 * E])
            acc = acc + jnp.where(masks[4], plsc.bitcast(v4, jnp.float32), 0.0)
            out_v[r, pl.ds(off, LANES)] = acc / jnp.maximum(cnt, 1.0)

    pltpu.sync_copy(out_v, out_hbm.at[pl.ds(row0, ROWS_PER_W)])


def kernel(x, edge_embedding, edge_paths, edge_vector):
    del x
    ev_pad = jnp.zeros((8, D), jnp.float32).at[:P].set(edge_vector)
    wt = _compute_wt(ev_pad, edge_embedding).reshape(-1)
    idx_t = edge_paths.astype(jnp.int32).transpose(2, 0, 1)
    return _sc_encode(wt, idx_t)

# --- scband reference (transcript-rebuilt; emitter-appended) ---
"""Pipeline reference for scband-edge-encoding-73839077752851 (READ-ONLY COPY).

The authoritative reference and input builder live on the scoring server;
editing this copy changes nothing except your own understanding.
"""

import jax, jax.numpy as jnp
import numpy as np

NUM_NODES = 256
NUM_EDGES = 8192
EDGE_EMBEDDING_DIM = 64
MAX_PATH_DISTANCE = 5


def setup_inputs(seed: int = 0) -> dict:
    key = jax.random.key(seed)
    k_x, k_e, k_p, k_v = jax.random.split(key, 4)
    x = jax.random.normal(k_x, (NUM_NODES, EDGE_EMBEDDING_DIM), dtype=jnp.float32)
    edge_embedding = jax.random.normal(k_e, (NUM_EDGES, EDGE_EMBEDDING_DIM), dtype=jnp.float32)
    # path indices in [-1, NUM_EDGES); -1 means 'no edge at this hop' (padding)
    edge_paths = jax.random.randint(k_p, (NUM_NODES, NUM_NODES, MAX_PATH_DISTANCE), -1, NUM_EDGES, dtype=jnp.int64)
    # learned parameter from __init__: nn.Parameter(torch.randn(max_path_distance, edge_embedding_dim))
    edge_vector = jax.random.normal(k_v, (MAX_PATH_DISTANCE, EDGE_EMBEDDING_DIM), dtype=jnp.float32)
    return {"x": x, "edge_embedding": edge_embedding, "edge_paths": edge_paths, "edge_vector": edge_vector}


def reference(x, edge_embedding, edge_paths, edge_vector):
    # edge_mask: True where a real edge index is present
    edge_mask = edge_paths != -1                       # (N, N, P) bool
    path_lengths = edge_mask.sum(axis=2)               # (N, N) int
    # gather edge embeddings along every path hop; -1 wraps to the last row in
    # torch advanced indexing too, but those positions are masked to zero below
    gathered = edge_embedding[edge_paths]              # (N, N, P, d)
    edge_path_embeddings = jnp.where(edge_mask[..., None], gathered, 0.0)
    # weight each hop by the learned per-hop vector, sum over feature dim and hops
    edge_path_encoding = (edge_path_embeddings * edge_vector[None, None, :, :]).sum(axis=-1).sum(axis=-1)  # (N, N)
    non_empty_paths = path_lengths != 0
    safe_len = jnp.maximum(path_lengths, 1).astype(jnp.float32)
    edge_path_encoding = jnp.where(non_empty_paths, edge_path_encoding / safe_len, edge_path_encoding)
    return edge_path_encoding

if __name__ == "__main__":
    import jax
    _d = setup_inputs()
    print(jax.jit(kernel)(*tuple(_d.values())))

</pallas_src>

<mosaic_0001>
#map = affine_map<(d0, d1) -> (0)>
#map1 = affine_map<(d0, d1) -> (0, 0, 0)>
#map2 = affine_map<(d0, d1) -> (0, 0)>
module attributes {stable_mosaic.version = 14 : i64} {
  func.func @_sc_encode(%arg0: i32, %arg1: i32, %arg2: memref<24576xi32, #tpu.memory_space<hbm>>, %arg3: memref<5x256x256xi32, #tpu.memory_space<hbm>>, %arg4: memref<256x256xf32, #tpu.memory_space<hbm>>, %arg5: memref<24576xi32, #tpu.memory_space<vmem>>, %arg6: memref<5x8x256xi32, #tpu.memory_space<vmem>>, %arg7: memref<8x256xf32, #tpu.memory_space<vmem>>, %arg8: memref<!tpu.dma_semaphore, #tpu.memory_space<semaphore_mem>>, %arg9: memref<!tpu.dma_semaphore, #tpu.memory_space<semaphore_mem>>) attributes {dimension_semantics = [#tpu.dimension_semantics<core_parallel>, #tpu.dimension_semantics<subcore_parallel>], iteration_bounds = array<i64: 2, 16>, scalar_prefetch = 0 : i64, scratch_operands = 5 : i64, tpu.core_type = #tpu.core_type<sc_vector_subcore>, window_params = [{transform_indices = #map}, {transform_indices = #map1}, {transform_indices = #map2}]} {
    %mul3A = arith.constant 2 : i32
    %mul3A_0 = arith.muli %arg1, %mul3A : i32
    %add3A = arith.addi %mul3A_0, %arg0 : i32
    %mul3A_1 = arith.constant 8 : i32
    %mul3A_2 = arith.muli %add3A, %mul3A_1 : i32
    tpu.enqueue_dma source(%arg2 : memref<24576xi32, #tpu.memory_space<hbm>>) target(%arg5 : memref<24576xi32, #tpu.memory_space<vmem>>) target_semaphore(%arg8 : memref<!tpu.dma_semaphore, #tpu.memory_space<semaphore_mem>>)
    %dma_start3A = arith.constant 0 : i32
    %dma_start3A_3 = arith.constant 0 : i32
    %dma_start3A_4 = arith.constant 0 : i32
    %dma_start3A_5 = arith.constant 0 : i32
    %dma_start3A_6 = tpu.memref_slice %arg6[%dma_start3A_3, %dma_start3A_4, %dma_start3A_5] : memref<5x8x256xi32, #tpu.memory_space<vmem>> -> memref<1x8x256xi32, #tpu.memory_space<vmem>>
    %dma_start3A_7 = tpu.memref_squeeze %dma_start3A_6 : memref<1x8x256xi32, #tpu.memory_space<vmem>> -> memref<8x256xi32, #tpu.memory_space<vmem>>
    %dma_start3A_8 = arith.constant 0 : i32
    %dma_start3A_9 = tpu.memref_slice %arg3[%dma_start3A, %mul3A_2, %dma_start3A_8] : memref<5x256x256xi32, #tpu.memory_space<hbm>> -> memref<1x8x256xi32, #tpu.memory_space<hbm>>
    %dma_start3A_10 = tpu.memref_squeeze %dma_start3A_9 : memref<1x8x256xi32, #tpu.memory_space<hbm>> -> memref<8x256xi32, #tpu.memory_space<hbm>>
    %dma_start3A_11 = arith.constant 0 : i32
    %dma_start3A_12 = arith.constant 0 : i32
    %dma_start3A_13 = tpu.memref_slice %arg6[%dma_start3A_3, %dma_start3A_11, %dma_start3A_12] : memref<5x8x256xi32, #tpu.memory_space<vmem>> -> memref<1x8x256xi32, #tpu.memory_space<vmem>>
    %dma_start3A_14 = tpu.memref_squeeze %dma_start3A_13 : memref<1x8x256xi32, #tpu.memory_space<vmem>> -> memref<8x256xi32, #tpu.memory_space<vmem>>
    %dma_start3A_15 = arith.constant 0 : i32
    %dma_start3A_16 = tpu.memref_slice %arg3[%dma_start3A, %mul3A_2, %dma_start3A_15] : memref<5x256x256xi32, #tpu.memory_space<hbm>> -> memref<1x8x256xi32, #tpu.memory_space<hbm>>
    %dma_start3A_17 = tpu.memref_squeeze %dma_start3A_16 : memref<1x8x256xi32, #tpu.memory_space<hbm>> -> memref<8x256xi32, #tpu.memory_space<hbm>>
    tpu.enqueue_dma source(%dma_start3A_17 : memref<8x256xi32, #tpu.memory_space<hbm>>) target(%dma_start3A_14 : memref<8x256xi32, #tpu.memory_space<vmem>>) target_semaphore(%arg9 : memref<!tpu.dma_semaphore, #tpu.memory_space<semaphore_mem>>)
    %dma_start3A_18 = arith.constant 1 : i32
    %dma_start3A_19 = arith.constant 1 : i32
    %dma_start3A_20 = arith.constant 0 : i32
    %dma_start3A_21 = arith.constant 0 : i32
    %dma_start3A_22 = tpu.memref_slice %arg6[%dma_start3A_19, %dma_start3A_20, %dma_start3A_21] : memref<5x8x256xi32, #tpu.memory_space<vmem>> -> memref<1x8x256xi32, #tpu.memory_space<vmem>>
    %dma_start3A_23 = tpu.memref_squeeze %dma_start3A_22 : memref<1x8x256xi32, #tpu.memory_space<vmem>> -> memref<8x256xi32, #tpu.memory_space<vmem>>
    %dma_start3A_24 = arith.constant 0 : i32
    %dma_start3A_25 = tpu.memref_slice %arg3[%dma_start3A_18, %mul3A_2, %dma_start3A_24] : memref<5x256x256xi32, #tpu.memory_space<hbm>> -> memref<1x8x256xi32, #tpu.memory_space<hbm>>
    %dma_start3A_26 = tpu.memref_squeeze %dma_start3A_25 : memref<1x8x256xi32, #tpu.memory_space<hbm>> -> memref<8x256xi32, #tpu.memory_space<hbm>>
    %dma_start3A_27 = arith.constant 0 : i32
    %dma_start3A_28 = arith.constant 0 : i32
    %dma_start3A_29 = tpu.memref_slice %arg6[%dma_start3A_19, %dma_start3A_27, %dma_start3A_28] : memref<5x8x256xi32, #tpu.memory_space<vmem>> -> memref<1x8x256xi32, #tpu.memory_space<vmem>>
    %dma_start3A_30 = tpu.memref_squeeze %dma_start3A_29 : memref<1x8x256xi32, #tpu.memory_space<vmem>> -> memref<8x256xi32, #tpu.memory_space<vmem>>
    %dma_start3A_31 = arith.constant 0 : i32
    %dma_start3A_32 = tpu.memref_slice %arg3[%dma_start3A_18, %mul3A_2, %dma_start3A_31] : memref<5x256x256xi32, #tpu.memory_space<hbm>> -> memref<1x8x256xi32, #tpu.memory_space<hbm>>
    %dma_start3A_33 = tpu.memref_squeeze %dma_start3A_32 : memref<1x8x256xi32, #tpu.memory_space<hbm>> -> memref<8x256xi32, #tpu.memory_space<hbm>>
    tpu.enqueue_dma source(%dma_start3A_33 : memref<8x256xi32, #tpu.memory_space<hbm>>) target(%dma_start3A_30 : memref<8x256xi32, #tpu.memory_space<vmem>>) target_semaphore(%arg9 : memref<!tpu.dma_semaphore, #tpu.memory_space<semaphore_mem>>)
    %dma_start3A_34 = arith.constant 2 : i32
    %dma_start3A_35 = arith.constant 2 : i32
    %dma_start3A_36 = arith.constant 0 : i32
    %dma_start3A_37 = arith.constant 0 : i32
    %dma_start3A_38 = tpu.memref_slice %arg6[%dma_start3A_35, %dma_start3A_36, %dma_start3A_37] : memref<5x8x256xi32, #tpu.memory_space<vmem>> -> memref<1x8x256xi32, #tpu.memory_space<vmem>>
    %dma_start3A_39 = tpu.memref_squeeze %dma_start3A_38 : memref<1x8x256xi32, #tpu.memory_space<vmem>> -> memref<8x256xi32, #tpu.memory_space<vmem>>
    %dma_start3A_40 = arith.constant 0 : i32
    %dma_start3A_41 = tpu.memref_slice %arg3[%dma_start3A_34, %mul3A_2, %dma_start3A_40] : memref<5x256x256xi32, #tpu.memory_space<hbm>> -> memref<1x8x256xi32, #tpu.memory_space<hbm>>
    %dma_start3A_42 = tpu.memref_squeeze %dma_start3A_41 : memref<1x8x256xi32, #tpu.memory_space<hbm>> -> memref<8x256xi32, #tpu.memory_space<hbm>>
    %dma_start3A_43 = arith.constant 0 : i32
    %dma_start3A_44 = arith.constant 0 : i32
    %dma_start3A_45 = tpu.memref_slice %arg6[%dma_start3A_35, %dma_start3A_43, %dma_start3A_44] : memref<5x8x256xi32, #tpu.memory_space<vmem>> -> memref<1x8x256xi32, #tpu.memory_space<vmem>>
    %dma_start3A_46 = tpu.memref_squeeze %dma_start3A_45 : memref<1x8x256xi32, #tpu.memory_space<vmem>> -> memref<8x256xi32, #tpu.memory_space<vmem>>
    %dma_start3A_47 = arith.constant 0 : i32
    %dma_start3A_48 = tpu.memref_slice %arg3[%dma_start3A_34, %mul3A_2, %dma_start3A_47] : memref<5x256x256xi32, #tpu.memory_space<hbm>> -> memref<1x8x256xi32, #tpu.memory_space<hbm>>
    %dma_start3A_49 = tpu.memref_squeeze %dma_start3A_48 : memref<1x8x256xi32, #tpu.memory_space<hbm>> -> memref<8x256xi32, #tpu.memory_space<hbm>>
    tpu.enqueue_dma source(%dma_start3A_49 : memref<8x256xi32, #tpu.memory_space<hbm>>) target(%dma_start3A_46 : memref<8x256xi32, #tpu.memory_space<vmem>>) target_semaphore(%arg9 : memref<!tpu.dma_semaphore, #tpu.memory_space<semaphore_mem>>)
    %dma_start3A_50 = arith.constant 3 : i32
    %dma_start3A_51 = arith.constant 3 : i32
    %dma_start3A_52 = arith.constant 0 : i32
    %dma_start3A_53 = arith.constant 0 : i32
    %dma_start3A_54 = tpu.memref_slice %arg6[%dma_start3A_51, %dma_start3A_52, %dma_start3A_53] : memref<5x8x256xi32, #tpu.memory_space<vmem>> -> memref<1x8x256xi32, #tpu.memory_space<vmem>>
    %dma_start3A_55 = tpu.memref_squeeze %dma_start3A_54 : memref<1x8x256xi32, #tpu.memory_space<vmem>> -> memref<8x256xi32, #tpu.memory_space<vmem>>
    %dma_start3A_56 = arith.constant 0 : i32
    %dma_start3A_57 = tpu.memref_slice %arg3[%dma_start3A_50, %mul3A_2, %dma_start3A_56] : memref<5x256x256xi32, #tpu.memory_space<hbm>> -> memref<1x8x256xi32, #tpu.memory_space<hbm>>
    %dma_start3A_58 = tpu.memref_squeeze %dma_start3A_57 : memref<1x8x256xi32, #tpu.memory_space<hbm>> -> memref<8x256xi32, #tpu.memory_space<hbm>>
    %dma_start3A_59 = arith.constant 0 : i32
    %dma_start3A_60 = arith.constant 0 : i32
    %dma_start3A_61 = tpu.memref_slice %arg6[%dma_start3A_51, %dma_start3A_59, %dma_start3A_60] : memref<5x8x256xi32, #tpu.memory_space<vmem>> -> memref<1x8x256xi32, #tpu.memory_space<vmem>>
    %dma_start3A_62 = tpu.memref_squeeze %dma_start3A_61 : memref<1x8x256xi32, #tpu.memory_space<vmem>> -> memref<8x256xi32, #tpu.memory_space<vmem>>
    %dma_start3A_63 = arith.constant 0 : i32
    %dma_start3A_64 = tpu.memref_slice %arg3[%dma_start3A_50, %mul3A_2, %dma_start3A_63] : memref<5x256x256xi32, #tpu.memory_space<hbm>> -> memref<1x8x256xi32, #tpu.memory_space<hbm>>
    %dma_start3A_65 = tpu.memref_squeeze %dma_start3A_64 : memref<1x8x256xi32, #tpu.memory_space<hbm>> -> memref<8x256xi32, #tpu.memory_space<hbm>>
    tpu.enqueue_dma source(%dma_start3A_65 : memref<8x256xi32, #tpu.memory_space<hbm>>) target(%dma_start3A_62 : memref<8x256xi32, #tpu.memory_space<vmem>>) target_semaphore(%arg9 : memref<!tpu.dma_semaphore, #tpu.memory_space<semaphore_mem>>)
    %dma_start3A_66 = arith.constant 4 : i32
    %dma_start3A_67 = arith.constant 4 : i32
    %dma_start3A_68 = arith.constant 0 : i32
    %dma_start3A_69 = arith.constant 0 : i32
    %dma_start3A_70 = tpu.memref_slice %arg6[%dma_start3A_67, %dma_start3A_68, %dma_start3A_69] : memref<5x8x256xi32, #tpu.memory_space<vmem>> -> memref<1x8x256xi32, #tpu.memory_space<vmem>>
    %dma_start3A_71 = tpu.memref_squeeze %dma_start3A_70 : memref<1x8x256xi32, #tpu.memory_space<vmem>> -> memref<8x256xi32, #tpu.memory_space<vmem>>
    %dma_start3A_72 = arith.constant 0 : i32
    %dma_start3A_73 = tpu.memref_slice %arg3[%dma_start3A_66, %mul3A_2, %dma_start3A_72] : memref<5x256x256xi32, #tpu.memory_space<hbm>> -> memref<1x8x256xi32, #tpu.memory_space<hbm>>
    %dma_start3A_74 = tpu.memref_squeeze %dma_start3A_73 : memref<1x8x256xi32, #tpu.memory_space<hbm>> -> memref<8x256xi32, #tpu.memory_space<hbm>>
    %dma_start3A_75 = arith.constant 0 : i32
    %dma_start3A_76 = arith.constant 0 : i32
    %dma_start3A_77 = tpu.memref_slice %arg6[%dma_start3A_67, %dma_start3A_75, %dma_start3A_76] : memref<5x8x256xi32, #tpu.memory_space<vmem>> -> memref<1x8x256xi32, #tpu.memory_space<vmem>>
    %dma_start3A_78 = tpu.memref_squeeze %dma_start3A_77 : memref<1x8x256xi32, #tpu.memory_space<vmem>> -> memref<8x256xi32, #tpu.memory_space<vmem>>
    %dma_start3A_79 = arith.constant 0 : i32
    %dma_start3A_80 = tpu.memref_slice %arg3[%dma_start3A_66, %mul3A_2, %dma_start3A_79] : memref<5x256x256xi32, #tpu.memory_space<hbm>> -> memref<1x8x256xi32, #tpu.memory_space<hbm>>
    %dma_start3A_81 = tpu.memref_squeeze %dma_start3A_80 : memref<1x8x256xi32, #tpu.memory_space<hbm>> -> memref<8x256xi32, #tpu.memory_space<hbm>>
    tpu.enqueue_dma source(%dma_start3A_81 : memref<8x256xi32, #tpu.memory_space<hbm>>) target(%dma_start3A_78 : memref<8x256xi32, #tpu.memory_space<vmem>>) target_semaphore(%arg9 : memref<!tpu.dma_semaphore, #tpu.memory_space<semaphore_mem>>)
    %dma_wait3A = arith.constant 0 : i32
    %dma_wait3A_82 = arith.constant 0 : i32
    %dma_wait3A_83 = arith.constant 0 : i32
    %dma_wait3A_84 = arith.constant 0 : i32
    %dma_wait3A_85 = tpu.memref_slice %arg6[%dma_wait3A_82, %dma_wait3A_83, %dma_wait3A_84] : memref<5x8x256xi32, #tpu.memory_space<vmem>> -> memref<1x8x256xi32, #tpu.memory_space<vmem>>
    %dma_wait3A_86 = tpu.memref_squeeze %dma_wait3A_85 : memref<1x8x256xi32, #tpu.memory_space<vmem>> -> memref<8x256xi32, #tpu.memory_space<vmem>>
    %dma_wait3A_87 = arith.constant 0 : i32
    %dma_wait3A_88 = tpu.memref_slice %arg3[%dma_wait3A, %mul3A_2, %dma_wait3A_87] : memref<5x256x256xi32, #tpu.memory_space<hbm>> -> memref<1x8x256xi32, #tpu.memory_space<hbm>>
    %dma_wait3A_89 = tpu.memref_squeeze %dma_wait3A_88 : memref<1x8x256xi32, #tpu.memory_space<hbm>> -> memref<8x256xi32, #tpu.memory_space<hbm>>
    %dma_wait3A_90 = arith.constant 0 : i32
    %dma_wait3A_91 = arith.constant 0 : i32
    %dma_wait3A_92 = tpu.memref_slice %arg6[%dma_wait3A_82, %dma_wait3A_90, %dma_wait3A_91] : memref<5x8x256xi32, #tpu.memory_space<vmem>> -> memref<1x8x256xi32, #tpu.memory_space<vmem>>
    %dma_wait3A_93 = tpu.memref_squeeze %dma_wait3A_92 : memref<1x8x256xi32, #tpu.memory_space<vmem>> -> memref<8x256xi32, #tpu.memory_space<vmem>>
    %dma_wait3A_94 = arith.constant 0 : i32
    %dma_wait3A_95 = tpu.memref_slice %arg3[%dma_wait3A, %mul3A_2, %dma_wait3A_94] : memref<5x256x256xi32, #tpu.memory_space<hbm>> -> memref<1x8x256xi32, #tpu.memory_space<hbm>>
    %dma_wait3A_96 = tpu.memref_squeeze %dma_wait3A_95 : memref<1x8x256xi32, #tpu.memory_space<hbm>> -> memref<8x256xi32, #tpu.memory_space<hbm>>
    tpu.wait_dma2 semaphore(%arg9 : memref<!tpu.dma_semaphore, #tpu.memory_space<semaphore_mem>>) src(%dma_wait3A_96 : memref<8x256xi32, #tpu.memory_space<hbm>>) dst(%dma_wait3A_93 : memref<8x256xi32, #tpu.memory_space<vmem>>)
    %dma_wait3A_97 = arith.constant 1 : i32
    %dma_wait3A_98 = arith.constant 1 : i32
    %dma_wait3A_99 = arith.constant 0 : i32
    %dma_wait3A_100 = arith.constant 0 : i32
    %dma_wait3A_101 = tpu.memref_slice %arg6[%dma_wait3A_98, %dma_wait3A_99, %dma_wait3A_100] : memref<5x8x256xi32, #tpu.memory_space<vmem>> -> memref<1x8x256xi32, #tpu.memory_space<vmem>>
    %dma_wait3A_102 = tpu.memref_squeeze %dma_wait3A_101 : memref<1x8x256xi32, #tpu.memory_space<vmem>> -> memref<8x256xi32, #tpu.memory_space<vmem>>
    %dma_wait3A_103 = arith.constant 0 : i32
    %dma_wait3A_104 = tpu.memref_slice %arg3[%dma_wait3A_97, %mul3A_2, %dma_wait3A_103] : memref<5x256x256xi32, #tpu.memory_space<hbm>> -> memref<1x8x256xi32, #tpu.memory_space<hbm>>
    %dma_wait3A_105 = tpu.memref_squeeze %dma_wait3A_104 : memref<1x8x256xi32, #tpu.memory_space<hbm>> -> memref<8x256xi32, #tpu.memory_space<hbm>>
    %dma_wait3A_106 = arith.constant 0 : i32
    %dma_wait3A_107 = arith.constant 0 : i32
    %dma_wait3A_108 = tpu.memref_slice %arg6[%dma_wait3A_98, %dma_wait3A_106, %dma_wait3A_107] : memref<5x8x256xi32, #tpu.memory_space<vmem>> -> memref<1x8x256xi32, #tpu.memory_space<vmem>>
    %dma_wait3A_109 = tpu.memref_squeeze %dma_wait3A_108 : memref<1x8x256xi32, #tpu.memory_space<vmem>> -> memref<8x256xi32, #tpu.memory_space<vmem>>
    %dma_wait3A_110 = arith.constant 0 : i32
    %dma_wait3A_111 = tpu.memref_slice %arg3[%dma_wait3A_97, %mul3A_2, %dma_wait3A_110] : memref<5x256x256xi32, #tpu.memory_space<hbm>> -> memref<1x8x256xi32, #tpu.memory_space<hbm>>
    %dma_wait3A_112 = tpu.memref_squeeze %dma_wait3A_111 : memref<1x8x256xi32, #tpu.memory_space<hbm>> -> memref<8x256xi32, #tpu.memory_space<hbm>>
    tpu.wait_dma2 semaphore(%arg9 : memref<!tpu.dma_semaphore, #tpu.memory_space<semaphore_mem>>) src(%dma_wait3A_112 : memref<8x256xi32, #tpu.memory_space<hbm>>) dst(%dma_wait3A_109 : memref<8x256xi32, #tpu.memory_space<vmem>>)
    %dma_wait3A_113 = arith.constant 2 : i32
    %dma_wait3A_114 = arith.constant 2 : i32
    %dma_wait3A_115 = arith.constant 0 : i32
    %dma_wait3A_116 = arith.constant 0 : i32
    %dma_wait3A_117 = tpu.memref_slice %arg6[%dma_wait3A_114, %dma_wait3A_115, %dma_wait3A_116] : memref<5x8x256xi32, #tpu.memory_space<vmem>> -> memref<1x8x256xi32, #tpu.memory_space<vmem>>
    %dma_wait3A_118 = tpu.memref_squeeze %dma_wait3A_117 : memref<1x8x256xi32, #tpu.memory_space<vmem>> -> memref<8x256xi32, #tpu.memory_space<vmem>>
    %dma_wait3A_119 = arith.constant 0 : i32
    %dma_wait3A_120 = tpu.memref_slice %arg3[%dma_wait3A_113, %mul3A_2, %dma_wait3A_119] : memref<5x256x256xi32, #tpu.memory_space<hbm>> -> memref<1x8x256xi32, #tpu.memory_space<hbm>>
    %dma_wait3A_121 = tpu.memref_squeeze %dma_wait3A_120 : memref<1x8x256xi32, #tpu.memory_space<hbm>> -> memref<8x256xi32, #tpu.memory_space<hbm>>
    %dma_wait3A_122 = arith.constant 0 : i32
    %dma_wait3A_123 = arith.constant 0 : i32
    %dma_wait3A_124 = tpu.memref_slice %arg6[%dma_wait3A_114, %dma_wait3A_122, %dma_wait3A_123] : memref<5x8x256xi32, #tpu.memory_space<vmem>> -> memref<1x8x256xi32, #tpu.memory_space<vmem>>
    %dma_wait3A_125 = tpu.memref_squeeze %dma_wait3A_124 : memref<1x8x256xi32, #tpu.memory_space<vmem>> -> memref<8x256xi32, #tpu.memory_space<vmem>>
    %dma_wait3A_126 = arith.constant 0 : i32
    %dma_wait3A_127 = tpu.memref_slice %arg3[%dma_wait3A_113, %mul3A_2, %dma_wait3A_126] : memref<5x256x256xi32, #tpu.memory_space<hbm>> -> memref<1x8x256xi32, #tpu.memory_space<hbm>>
    %dma_wait3A_128 = tpu.memref_squeeze %dma_wait3A_127 : memref<1x8x256xi32, #tpu.memory_space<hbm>> -> memref<8x256xi32, #tpu.memory_space<hbm>>
    tpu.wait_dma2 semaphore(%arg9 : memref<!tpu.dma_semaphore, #tpu.memory_space<semaphore_mem>>) src(%dma_wait3A_128 : memref<8x256xi32, #tpu.memory_space<hbm>>) dst(%dma_wait3A_125 : memref<8x256xi32, #tpu.memory_space<vmem>>)
    %dma_wait3A_129 = arith.constant 3 : i32
    %dma_wait3A_130 = arith.constant 3 : i32
    %dma_wait3A_131 = arith.constant 0 : i32
    %dma_wait3A_132 = arith.constant 0 : i32
    %dma_wait3A_133 = tpu.memref_slice %arg6[%dma_wait3A_130, %dma_wait3A_131, %dma_wait3A_132] : memref<5x8x256xi32, #tpu.memory_space<vmem>> -> memref<1x8x256xi32, #tpu.memory_space<vmem>>
    %dma_wait3A_134 = tpu.memref_squeeze %dma_wait3A_133 : memref<1x8x256xi32, #tpu.memory_space<vmem>> -> memref<8x256xi32, #tpu.memory_space<vmem>>
    %dma_wait3A_135 = arith.constant 0 : i32
    %dma_wait3A_136 = tpu.memref_slice %arg3[%dma_wait3A_129, %mul3A_2, %dma_wait3A_135] : memref<5x256x256xi32, #tpu.memory_space<hbm>> -> memref<1x8x256xi32, #tpu.memory_space<hbm>>
    %dma_wait3A_137 = tpu.memref_squeeze %dma_wait3A_136 : memref<1x8x256xi32, #tpu.memory_space<hbm>> -> memref<8x256xi32, #tpu.memory_space<hbm>>
    %dma_wait3A_138 = arith.constant 0 : i32
    %dma_wait3A_139 = arith.constant 0 : i32
    %dma_wait3A_140 = tpu.memref_slice %arg6[%dma_wait3A_130, %dma_wait3A_138, %dma_wait3A_139] : memref<5x8x256xi32, #tpu.memory_space<vmem>> -> memref<1x8x256xi32, #tpu.memory_space<vmem>>
    %dma_wait3A_141 = tpu.memref_squeeze %dma_wait3A_140 : memref<1x8x256xi32, #tpu.memory_space<vmem>> -> memref<8x256xi32, #tpu.memory_space<vmem>>
    %dma_wait3A_142 = arith.constant 0 : i32
    %dma_wait3A_143 = tpu.memref_slice %arg3[%dma_wait3A_129, %mul3A_2, %dma_wait3A_142] : memref<5x256x256xi32, #tpu.memory_space<hbm>> -> memref<1x8x256xi32, #tpu.memory_space<hbm>>
    %dma_wait3A_144 = tpu.memref_squeeze %dma_wait3A_143 : memref<1x8x256xi32, #tpu.memory_space<hbm>> -> memref<8x256xi32, #tpu.memory_space<hbm>>
    tpu.wait_dma2 semaphore(%arg9 : memref<!tpu.dma_semaphore, #tpu.memory_space<semaphore_mem>>) src(%dma_wait3A_144 : memref<8x256xi32, #tpu.memory_space<hbm>>) dst(%dma_wait3A_141 : memref<8x256xi32, #tpu.memory_space<vmem>>)
    %dma_wait3A_145 = arith.constant 4 : i32
    %dma_wait3A_146 = arith.constant 4 : i32
    %dma_wait3A_147 = arith.constant 0 : i32
    %dma_wait3A_148 = arith.constant 0 : i32
    %dma_wait3A_149 = tpu.memref_slice %arg6[%dma_wait3A_146, %dma_wait3A_147, %dma_wait3A_148] : memref<5x8x256xi32, #tpu.memory_space<vmem>> -> memref<1x8x256xi32, #tpu.memory_space<vmem>>
    %dma_wait3A_150 = tpu.memref_squeeze %dma_wait3A_149 : memref<1x8x256xi32, #tpu.memory_space<vmem>> -> memref<8x256xi32, #tpu.memory_space<vmem>>
    %dma_wait3A_151 = arith.constant 0 : i32
    %dma_wait3A_152 = tpu.memref_slice %arg3[%dma_wait3A_145, %mul3A_2, %dma_wait3A_151] : memref<5x256x256xi32, #tpu.memory_space<hbm>> -> memref<1x8x256xi32, #tpu.memory_space<hbm>>
    %dma_wait3A_153 = tpu.memref_squeeze %dma_wait3A_152 : memref<1x8x256xi32, #tpu.memory_space<hbm>> -> memref<8x256xi32, #tpu.memory_space<hbm>>
    %dma_wait3A_154 = arith.constant 0 : i32
    %dma_wait3A_155 = arith.constant 0 : i32
    %dma_wait3A_156 = tpu.memref_slice %arg6[%dma_wait3A_146, %dma_wait3A_154, %dma_wait3A_155] : memref<5x8x256xi32, #tpu.memory_space<vmem>> -> memref<1x8x256xi32, #tpu.memory_space<vmem>>
    %dma_wait3A_157 = tpu.memref_squeeze %dma_wait3A_156 : memref<1x8x256xi32, #tpu.memory_space<vmem>> -> memref<8x256xi32, #tpu.memory_space<vmem>>
    %dma_wait3A_158 = arith.constant 0 : i32
    %dma_wait3A_159 = tpu.memref_slice %arg3[%dma_wait3A_145, %mul3A_2, %dma_wait3A_158] : memref<5x256x256xi32, #tpu.memory_space<hbm>> -> memref<1x8x256xi32, #tpu.memory_space<hbm>>
    %dma_wait3A_160 = tpu.memref_squeeze %dma_wait3A_159 : memref<1x8x256xi32, #tpu.memory_space<hbm>> -> memref<8x256xi32, #tpu.memory_space<hbm>>
    tpu.wait_dma2 semaphore(%arg9 : memref<!tpu.dma_semaphore, #tpu.memory_space<semaphore_mem>>) src(%dma_wait3A_160 : memref<8x256xi32, #tpu.memory_space<hbm>>) dst(%dma_wait3A_157 : memref<8x256xi32, #tpu.memory_space<vmem>>)
    tpu.wait_dma2 semaphore(%arg8 : memref<!tpu.dma_semaphore, #tpu.memory_space<semaphore_mem>>) src(%arg2 : memref<24576xi32, #tpu.memory_space<hbm>>) dst(%arg5 : memref<24576xi32, #tpu.memory_space<vmem>>)
    %broadcast_in_dim3A = arith.constant -65536 : i32
    %broadcast_in_dim3A_161 = vector.broadcast %broadcast_in_dim3A : i32 to vector<16xi32>
    %parallel_loop3A = arith.constant 0 : i32
    %parallel_loop3A_162 = arith.constant 16 : i32
    %parallel_loop3A_163 = arith.constant 1 : i32
    scf.for %parallel_loop3A_185 = %parallel_loop3A to %parallel_loop3A_162 step %parallel_loop3A_163  : i32 {
      %parallel_loop3A_186 = arith.constant 16 : i32
      %parallel_loop3A_187 = arith.muli %parallel_loop3A_185, %parallel_loop3A_186 : i32
      %parallel_loop3A_188 = arith.constant 0.000000e+00 : f32
      %parallel_loop3A_189 = vector.broadcast %parallel_loop3A_188 : f32 to vector<16xf32>
      %parallel_loop3A_190 = arith.constant 0.000000e+00 : f32
      %parallel_loop3A_191 = vector.broadcast %parallel_loop3A_190 : f32 to vector<16xf32>
      %parallel_loop3A_192 = arith.constant 0 : i32
      %parallel_loop3A_193 = arith.constant 0 : i32
      %parallel_loop3A_194 = arith.index_cast %parallel_loop3A_192 : i32 to index
      %parallel_loop3A_195 = arith.index_cast %parallel_loop3A_193 : i32 to index
      %parallel_loop3A_196 = arith.index_cast %parallel_loop3A_187 : i32 to index
      %parallel_loop3A_197 = tpu.vector_load %arg6[%parallel_loop3A_194, %parallel_loop3A_195, %parallel_loop3A_196] {strides = array<i32>} : memref<5x8x256xi32, #tpu.memory_space<vmem>>, vector<16xi32>,
      %parallel_loop3A_198 = arith.constant 0 : i32
      %parallel_loop3A_199 = vector.broadcast %parallel_loop3A_198 : i32 to vector<16xi32>
      %parallel_loop3A_200 = arith.maxsi %parallel_loop3A_197, %parallel_loop3A_199 : vector<16xi32>
      %parallel_loop3A_201 = arith.constant 0 : i32
      %parallel_loop3A_202 = vector.broadcast %parallel_loop3A_201 : i32 to vector<16xi32>
      %parallel_loop3A_203 = arith.cmpi sge, %parallel_loop3A_197, %parallel_loop3A_202 : vector<16xi32>
      %parallel_loop3A_204 = arith.constant 0 : i32
      %parallel_loop3A_205 = vector.broadcast %parallel_loop3A_204 : i32 to vector<16xi32>
      %parallel_loop3A_206 = arith.cmpi sge, %parallel_loop3A_197, %parallel_loop3A_205 : vector<16xi32>
      %parallel_loop3A_207 = arith.constant 1.000000e+00 : f32
      %parallel_loop3A_208 = arith.constant 0.000000e+00 : f32
      %parallel_loop3A_209 = vector.broadcast %parallel_loop3A_207 : f32 to vector<16xf32>
      %parallel_loop3A_210 = vector.broadcast %parallel_loop3A_208 : f32 to vector<16xf32>
      %parallel_loop3A_211 = arith.select %parallel_loop3A_206, %parallel_loop3A_209, %parallel_loop3A_210 : vector<16xi1>, vector<16xf32>
      %parallel_loop3A_212 = arith.addf %parallel_loop3A_191, %parallel_loop3A_211 : vector<16xf32>
      %parallel_loop3A_213 = arith.constant 1 : i32
      %parallel_loop3A_214 = arith.constant 0 : i32
      %parallel_loop3A_215 = arith.index_cast %parallel_loop3A_213 : i32 to index
      %parallel_loop3A_216 = arith.index_cast %parallel_loop3A_214 : i32 to index
      %parallel_loop3A_217 = arith.index_cast %parallel_loop3A_187 : i32 to index
      %parallel_loop3A_218 = tpu.vector_load %arg6[%parallel_loop3A_215, %parallel_loop3A_216, %parallel_loop3A_217] {strides = array<i32>} : memref<5x8x256xi32, #tpu.memory_space<vmem>>, vector<16xi32>,
      %parallel_loop3A_219 = arith.constant 0 : i32
      %parallel_loop3A_220 = vector.broadcast %parallel_loop3A_219 : i32 to vector<16xi32>
      %parallel_loop3A_221 = arith.maxsi %parallel_loop3A_218, %parallel_loop3A_220 : vector<16xi32>
      %parallel_loop3A_222 = arith.constant 0 : i32
      %parallel_loop3A_223 = vector.broadcast %parallel_loop3A_222 : i32 to vector<16xi32>
      %parallel_loop3A_224 = arith.cmpi sge, %parallel_loop3A_218, %parallel_loop3A_223 : vector<16xi32>
      %parallel_loop3A_225 = arith.constant 0 : i32
      %parallel_loop3A_226 = vector.broadcast %parallel_loop3A_225 : i32 to vector<16xi32>
      %parallel_loop3A_227 = arith.cmpi sge, %parallel_loop3A_218, %parallel_loop3A_226 : vector<16xi32>
      %parallel_loop3A_228 = arith.constant 1.000000e+00 : f32
      %parallel_loop3A_229 = arith.constant 0.000000e+00 : f32
      %parallel_loop3A_230 = vector.broadcast %parallel_loop3A_228 : f32 to vector<16xf32>
      %parallel_loop3A_231 = vector.broadcast %parallel_loop3A_229 : f32 to vector<16xf32>
      %parallel_loop3A_232 = arith.select %parallel_loop3A_227, %parallel_loop3A_230, %parallel_loop3A_231 : vector<16xi1>, vector<16xf32>
      %parallel_loop3A_233 = arith.addf %parallel_loop3A_212, %parallel_loop3A_232 : vector<16xf32>
      %parallel_loop3A_234 = arith.constant 2 : i32
      %parallel_loop3A_235 = arith.constant 0 : i32
      %parallel_loop3A_236 = arith.index_cast %parallel_loop3A_234 : i32 to index
      %parallel_loop3A_237 = arith.index_cast %parallel_loop3A_235 : i32 to index
      %parallel_loop3A_238 = arith.index_cast %parallel_loop3A_187 : i32 to index
      %parallel_loop3A_239 = tpu.vector_load %arg6[%parallel_loop3A_236, %parallel_loop3A_237, %parallel_loop3A_238] {strides = array<i32>} : memref<5x8x256xi32, #tpu.memory_space<vmem>>, vector<16xi32>,
      %parallel_loop3A_240 = arith.constant 0 : i32
      %parallel_loop3A_241 = vector.broadcast %parallel_loop3A_240 : i32 to vector<16xi32>
      %parallel_loop3A_242 = arith.maxsi %parallel_loop3A_239, %parallel_loop3A_241 : vector<16xi32>
      %parallel_loop3A_243 = arith.constant 0 : i32
      %parallel_loop3A_244 = vector.broadcast %parallel_loop3A_243 : i32 to vector<16xi32>
      %parallel_loop3A_245 = arith.cmpi sge, %parallel_loop3A_239, %parallel_loop3A_244 : vector<16xi32>
      %parallel_loop3A_246 = arith.constant 0 : i32
      %parallel_loop3A_247 = vector.broadcast %parallel_loop3A_246 : i32 to vector<16xi32>
      %parallel_loop3A_248 = arith.cmpi sge, %parallel_loop3A_239, %parallel_loop3A_247 : vector<16xi32>
      %parallel_loop3A_249 = arith.constant 1.000000e+00 : f32
      %parallel_loop3A_250 = arith.constant 0.000000e+00 : f32
      %parallel_loop3A_251 = vector.broadcast %parallel_loop3A_249 : f32 to vector<16xf32>
      %parallel_loop3A_252 = vector.broadcast %parallel_loop3A_250 : f32 to vector<16xf32>
      %parallel_loop3A_253 = arith.select %parallel_loop3A_248, %parallel_loop3A_251, %parallel_loop3A_252 : vector<16xi1>, vector<16xf32>
      %parallel_loop3A_254 = arith.addf %parallel_loop3A_233, %parallel_loop3A_253 : vector<16xf32>
      %parallel_loop3A_255 = arith.constant 3 : i32
      %parallel_loop3A_256 = arith.constant 0 : i32
      %parallel_loop3A_257 = arith.index_cast %parallel_loop3A_255 : i32 to index
      %parallel_loop3A_258 = arith.index_cast %parallel_loop3A_256 : i32 to index
      %parallel_loop3A_259 = arith.index_cast %parallel_loop3A_187 : i32 to index
      %parallel_loop3A_260 = tpu.vector_load %arg6[%parallel_loop3A_257, %parallel_loop3A_258, %parallel_loop3A_259] {strides = array<i32>} : memref<5x8x256xi32, #tpu.memory_space<vmem>>, vector<16xi32>,
      %parallel_loop3A_261 = arith.constant 0 : i32
      %parallel_loop3A_262 = vector.broadcast %parallel_loop3A_261 : i32 to vector<16xi32>
      %parallel_loop3A_263 = arith.maxsi %parallel_loop3A_260, %parallel_loop3A_262 : vector<16xi32>
      %parallel_loop3A_264 = arith.constant 0 : i32
      %parallel_loop3A_265 = vector.broadcast %parallel_loop3A_264 : i32 to vector<16xi32>
      %parallel_loop3A_266 = arith.cmpi sge, %parallel_loop3A_260, %parallel_loop3A_265 : vector<16xi32>
      %parallel_loop3A_267 = arith.constant 0 : i32
      %parallel_loop3A_268 = vector.broadcast %parallel_loop3A_267 : i32 to vector<16xi32>
      %parallel_loop3A_269 = arith.cmpi sge, %parallel_loop3A_260, %parallel_loop3A_268 : vector<16xi32>
      %parallel_loop3A_270 = arith.constant 1.000000e+00 : f32
      %parallel_loop3A_271 = arith.constant 0.000000e+00 : f32
      %parallel_loop3A_272 = vector.broadcast %parallel_loop3A_270 : f32 to vector<16xf32>
      %parallel_loop3A_273 = vector.broadcast %parallel_loop3A_271 : f32 to vector<16xf32>
      %parallel_loop3A_274 = arith.select %parallel_loop3A_269, %parallel_loop3A_272, %parallel_loop3A_273 : vector<16xi1>, vector<16xf32>
      %parallel_loop3A_275 = arith.addf %parallel_loop3A_254, %parallel_loop3A_274 : vector<16xf32>
      %parallel_loop3A_276 = arith.constant 4 : i32
      %parallel_loop3A_277 = arith.constant 0 : i32
      %parallel_loop3A_278 = arith.index_cast %parallel_loop3A_276 : i32 to index
      %parallel_loop3A_279 = arith.index_cast %parallel_loop3A_277 : i32 to index
      %parallel_loop3A_280 = arith.index_cast %parallel_loop3A_187 : i32 to index
      %parallel_loop3A_281 = tpu.vector_load %arg6[%parallel_loop3A_278, %parallel_loop3A_279, %parallel_loop3A_280] {strides = array<i32>} : memref<5x8x256xi32, #tpu.memory_space<vmem>>, vector<16xi32>,
      %parallel_loop3A_282 = arith.constant 0 : i32
      %parallel_loop3A_283 = vector.broadcast %parallel_loop3A_282 : i32 to vector<16xi32>
      %parallel_loop3A_284 = arith.maxsi %parallel_loop3A_281, %parallel_loop3A_283 : vector<16xi32>
      %parallel_loop3A_285 = arith.constant 0 : i32
      %parallel_loop3A_286 = vector.broadcast %parallel_loop3A_285 : i32 to vector<16xi32>
      %parallel_loop3A_287 = arith.cmpi sge, %parallel_loop3A_281, %parallel_loop3A_286 : vector<16xi32>
      %parallel_loop3A_288 = arith.constant 0 : i32
      %parallel_loop3A_289 = vector.broadcast %parallel_loop3A_288 : i32 to vector<16xi32>
      %parallel_loop3A_290 = arith.cmpi sge, %parallel_loop3A_281, %parallel_loop3A_289 : vector<16xi32>
      %parallel_loop3A_291 = arith.constant 1.000000e+00 : f32
      %parallel_loop3A_292 = arith.constant 0.000000e+00 : f32
      %parallel_loop3A_293 = vector.broadcast %parallel_loop3A_291 : f32 to vector<16xf32>
      %parallel_loop3A_294 = vector.broadcast %parallel_loop3A_292 : f32 to vector<16xf32>
      %parallel_loop3A_295 = arith.select %parallel_loop3A_290, %parallel_loop3A_293, %parallel_loop3A_294 : vector<16xi1>, vector<16xf32>
      %parallel_loop3A_296 = arith.addf %parallel_loop3A_275, %parallel_loop3A_295 : vector<16xf32>
      %parallel_loop3A_297 = arith.constant 0 : i32
      %parallel_loop3A_298 = vector.broadcast %parallel_loop3A_297 : i32 to vector<16xi32>
      %parallel_loop3A_299 = arith.addi %parallel_loop3A_200, %parallel_loop3A_298 : vector<16xi32>
      %parallel_loop3A_300 = tpu.vector_load_idx %arg5[%parallel_loop3A_299] : memref<24576xi32, #tpu.memory_space<vmem>>[vector<16xi32>], vector<16xi32>,
      %parallel_loop3A_301 = arith.constant 0 : i32
      %parallel_loop3A_302 = vector.broadcast %parallel_loop3A_301 : i32 to vector<16xi32>
      %parallel_loop3A_303 = arith.addi %parallel_loop3A_221, %parallel_loop3A_302 : vector<16xi32>
      %parallel_loop3A_304 = tpu.vector_load_idx %arg5[%parallel_loop3A_303] : memref<24576xi32, #tpu.memory_space<vmem>>[vector<16xi32>], vector<16xi32>,
      %parallel_loop3A_305 = arith.constant 16 : i32
      %parallel_loop3A_306 = vector.broadcast %parallel_loop3A_305 : i32 to vector<16xi32>
      %parallel_loop3A_307 = arith.shli %parallel_loop3A_300, %parallel_loop3A_306 : vector<16xi32>
      %parallel_loop3A_308 = vector.bitcast %parallel_loop3A_307 : vector<16xi32> to vector<16xf32>
      %parallel_loop3A_309 = arith.andi %parallel_loop3A_304, %broadcast_in_dim3A_161 : vector<16xi32>
      %parallel_loop3A_310 = vector.bitcast %parallel_loop3A_309 : vector<16xi32> to vector<16xf32>
      %parallel_loop3A_311 = arith.constant 0.000000e+00 : f32
      %parallel_loop3A_312 = vector.broadcast %parallel_loop3A_311 : f32 to vector<16xf32>
      %parallel_loop3A_313 = arith.select %parallel_loop3A_203, %parallel_loop3A_308, %parallel_loop3A_312 : vector<16xi1>, vector<16xf32>
      %parallel_loop3A_314 = arith.addf %parallel_loop3A_189, %parallel_loop3A_313 : vector<16xf32>
      %parallel_loop3A_315 = arith.constant 0.000000e+00 : f32
      %parallel_loop3A_316 = vector.broadcast %parallel_loop3A_315 : f32 to vector<16xf32>
      %parallel_loop3A_317 = arith.select %parallel_loop3A_224, %parallel_loop3A_310, %parallel_loop3A_316 : vector<16xi1>, vector<16xf32>
      %parallel_loop3A_318 = arith.addf %parallel_loop3A_314, %parallel_loop3A_317 : vector<16xf32>
      %parallel_loop3A_319 = arith.constant 8192 : i32
      %parallel_loop3A_320 = vector.broadcast %parallel_loop3A_319 : i32 to vector<16xi32>
      %parallel_loop3A_321 = arith.addi %parallel_loop3A_242, %parallel_loop3A_320 : vector<16xi32>
      %parallel_loop3A_322 = tpu.vector_load_idx %arg5[%parallel_loop3A_321] : memref<24576xi32, #tpu.memory_space<vmem>>[vector<16xi32>], vector<16xi32>,
      %parallel_loop3A_323 = arith.constant 8192 : i32
      %parallel_loop3A_324 = vector.broadcast %parallel_loop3A_323 : i32 to vector<16xi32>
      %parallel_loop3A_325 = arith.addi %parallel_loop3A_263, %parallel_loop3A_324 : vector<16xi32>
      %parallel_loop3A_326 = tpu.vector_load_idx %arg5[%parallel_loop3A_325] : memref<24576xi32, #tpu.memory_space<vmem>>[vector<16xi32>], vector<16xi32>,
      %parallel_loop3A_327 = arith.constant 16 : i32
      %parallel_loop3A_328 = vector.broadcast %parallel_loop3A_327 : i32 to vector<16xi32>
      %parallel_loop3A_329 = arith.shli %parallel_loop3A_322, %parallel_loop3A_328 : vector<16xi32>
      %parallel_loop3A_330 = vector.bitcast %parallel_loop3A_329 : vector<16xi32> to vector<16xf32>
      %parallel_loop3A_331 = arith.andi %parallel_loop3A_326, %broadcast_in_dim3A_161 : vector<16xi32>
      %parallel_loop3A_332 = vector.bitcast %parallel_loop3A_331 : vector<16xi32> to vector<16xf32>
      %parallel_loop3A_333 = arith.constant 0.000000e+00 : f32
      %parallel_loop3A_334 = vector.broadcast %parallel_loop3A_333 : f32 to vector<16xf32>
      %parallel_loop3A_335 = arith.select %parallel_loop3A_245, %parallel_loop3A_330, %parallel_loop3A_334 : vector<16xi1>, vector<16xf32>
      %parallel_loop3A_336 = arith.addf %parallel_loop3A_318, %parallel_loop3A_335 : vector<16xf32>
      %parallel_loop3A_337 = arith.constant 0.000000e+00 : f32
      %parallel_loop3A_338 = vector.broadcast %parallel_loop3A_337 : f32 to vector<16xf32>
      %parallel_loop3A_339 = arith.select %parallel_loop3A_266, %parallel_loop3A_332, %parallel_loop3A_338 : vector<16xi1>, vector<16xf32>
      %parallel_loop3A_340 = arith.addf %parallel_loop3A_336, %parallel_loop3A_339 : vector<16xf32>
      %parallel_loop3A_341 = arith.constant 16384 : i32
      %parallel_loop3A_342 = vector.broadcast %parallel_loop3A_341 : i32 to vector<16xi32>
      %parallel_loop3A_343 = arith.addi %parallel_loop3A_284, %parallel_loop3A_342 : vector<16xi32>
      %parallel_loop3A_344 = tpu.vector_load_idx %arg5[%parallel_loop3A_343] : memref<24576xi32, #tpu.memory_space<vmem>>[vector<16xi32>], vector<16xi32>,
      %parallel_loop3A_345 = vector.bitcast %parallel_loop3A_344 : vector<16xi32> to vector<16xf32>
      %parallel_loop3A_346 = arith.constant 0.000000e+00 : f32
      %parallel_loop3A_347 = vector.broadcast %parallel_loop3A_346 : f32 to vector<16xf32>
      %parallel_loop3A_348 = arith.select %parallel_loop3A_287, %parallel_loop3A_345, %parallel_loop3A_347 : vector<16xi1>, vector<16xf32>
      %parallel_loop3A_349 = arith.addf %parallel_loop3A_340, %parallel_loop3A_348 : vector<16xf32>
      %parallel_loop3A_350 = arith.constant 1.000000e+00 : f32
      %parallel_loop3A_351 = vector.broadcast %parallel_loop3A_350 : f32 to vector<16xf32>
      %parallel_loop3A_352 = arith.maximumf %parallel_loop3A_296, %parallel_loop3A_351 : vector<16xf32>
      %parallel_loop3A_353 = arith.divf %parallel_loop3A_349, %parallel_loop3A_352 : vector<16xf32>
      %parallel_loop3A_354 = arith.constant 0 : i32
      %parallel_loop3A_355 = arith.index_cast %parallel_loop3A_354 : i32 to index
      %parallel_loop3A_356 = arith.index_cast %parallel_loop3A_187 : i32 to index
      %parallel_loop3A_357 = tpu.vector_load %arg7[%parallel_loop3A_355, %parallel_loop3A_356] {strides = array<i32>} : memref<8x256xf32, #tpu.memory_space<vmem>>, vector<16xf32>,
      tpu.vector_store %arg7[%parallel_loop3A_355, %parallel_loop3A_356], %parallel_loop3A_353 {strides = array<i32>} : memref<8x256xf32, #tpu.memory_space<vmem>>, vector<16xf32>,
    } {sc.loop_unroll_factor = 2 : i64, sc.parallel_access}
    %parallel_loop3A_164 = arith.constant 0 : i32
    %parallel_loop3A_165 = arith.constant 16 : i32
    %parallel_loop3A_166 = arith.constant 1 : i32
    scf.for %parallel_loop3A_185 = %parallel_loop3A_164 to %parallel_loop3A_165 step %parallel_loop3A_166  : i32 {
      %parallel_loop3A_186 = arith.constant 16 : i32
      %parallel_loop3A_187 = arith.muli %parallel_loop3A_185, %parallel_loop3A_186 : i32
      %parallel_loop3A_188 = arith.constant 0.000000e+00 : f32
      %parallel_loop3A_189 = vector.broadcast %parallel_loop3A_188 : f32 to vector<16xf32>
      %parallel_loop3A_190 = arith.constant 0.000000e+00 : f32
      %parallel_loop3A_191 = vector.broadcast %parallel_loop3A_190 : f32 to vector<16xf32>
      %parallel_loop3A_192 = arith.constant 0 : i32
      %parallel_loop3A_193 = arith.constant 1 : i32
      %parallel_loop3A_194 = arith.index_cast %parallel_loop3A_192 : i32 to index
      %parallel_loop3A_195 = arith.index_cast %parallel_loop3A_193 : i32 to index
      %parallel_loop3A_196 = arith.index_cast %parallel_loop3A_187 : i32 to index
      %parallel_loop3A_197 = tpu.vector_load %arg6[%parallel_loop3A_194, %parallel_loop3A_195, %parallel_loop3A_196] {strides = array<i32>} : memref<5x8x256xi32, #tpu.memory_space<vmem>>, vector<16xi32>,
      %parallel_loop3A_198 = arith.constant 0 : i32
      %parallel_loop3A_199 = vector.broadcast %parallel_loop3A_198 : i32 to vector<16xi32>
      %parallel_loop3A_200 = arith.maxsi %parallel_loop3A_197, %parallel_loop3A_199 : vector<16xi32>
      %parallel_loop3A_201 = arith.constant 0 : i32
      %parallel_loop3A_202 = vector.broadcast %parallel_loop3A_201 : i32 to vector<16xi32>
      %parallel_loop3A_203 = arith.cmpi sge, %parallel_loop3A_197, %parallel_loop3A_202 : vector<16xi32>
      %parallel_loop3A_204 = arith.constant 0 : i32
      %parallel_loop3A_205 = vector.broadcast %parallel_loop3A_204 : i32 to vector<16xi32>
      %parallel_loop3A_206 = arith.cmpi sge, %parallel_loop3A_197, %parallel_loop3A_205 : vector<16xi32>
      %parallel_loop3A_207 = arith.constant 1.000000e+00 : f32
      %parallel_loop3A_208 = arith.constant 0.000000e+00 : f32
      %parallel_loop3A_209 = vector.broadcast %parallel_loop3A_207 : f32 to vector<16xf32>
      %parallel_loop3A_210 = vector.broadcast %parallel_loop3A_208 : f32 to vector<16xf32>
      %parallel_loop3A_211 = arith.select %parallel_loop3A_206, %parallel_loop3A_209, %parallel_loop3A_210 : vector<16xi1>, vector<16xf32>
      %parallel_loop3A_212 = arith.addf %parallel_loop3A_191, %parallel_loop3A_211 : vector<16xf32>
      %parallel_loop3A_213 = arith.constant 1 : i32
      %parallel_loop3A_214 = arith.constant 1 : i32
      %parallel_loop3A_215 = arith.index_cast %parallel_loop3A_213 : i32 to index
      %parallel_loop3A_216 = arith.index_cast %parallel_loop3A_214 : i32 to index
      %parallel_loop3A_217 = arith.index_cast %parallel_loop3A_187 : i32 to index
      %parallel_loop3A_218 = tpu.vector_load %arg6[%parallel_loop3A_215, %parallel_loop3A_216, %parallel_loop3A_217] {strides = array<i32>} : memref<5x8x256xi32, #tpu.memory_space<vmem>>, vector<16xi32>,
      %parallel_loop3A_219 = arith.constant 0 : i32
      %parallel_loop3A_220 = vector.broadcast %parallel_loop3A_219 : i32 to vector<16xi32>
      %parallel_loop3A_221 = arith.maxsi %parallel_loop3A_218, %parallel_loop3A_220 : vector<16xi32>
      %parallel_loop3A_222 = arith.constant 0 : i32
      %parallel_loop3A_223 = vector.broadcast %parallel_loop3A_222 : i32 to vector<16xi32>
      %parallel_loop3A_224 = arith.cmpi sge, %parallel_loop3A_218, %parallel_loop3A_223 : vector<16xi32>
      %parallel_loop3A_225 = arith.constant 0 : i32
      %parallel_loop3A_226 = vector.broadcast %parallel_loop3A_225 : i32 to vector<16xi32>
      %parallel_loop3A_227 = arith.cmpi sge, %parallel_loop3A_218, %parallel_loop3A_226 : vector<16xi32>
      %parallel_loop3A_228 = arith.constant 1.000000e+00 : f32
      %parallel_loop3A_229 = arith.constant 0.000000e+00 : f32
      %parallel_loop3A_230 = vector.broadcast %parallel_loop3A_228 : f32 to vector<16xf32>
      %parallel_loop3A_231 = vector.broadcast %parallel_loop3A_229 : f32 to vector<16xf32>
      %parallel_loop3A_232 = arith.select %parallel_loop3A_227, %parallel_loop3A_230, %parallel_loop3A_231 : vector<16xi1>, vector<16xf32>
      %parallel_loop3A_233 = arith.addf %parallel_loop3A_212, %parallel_loop3A_232 : vector<16xf32>
      %parallel_loop3A_234 = arith.constant 2 : i32
      %parallel_loop3A_235 = arith.constant 1 : i32
      %parallel_loop3A_236 = arith.index_cast %parallel_loop3A_234 : i32 to index
      %parallel_loop3A_237 = arith.index_cast %parallel_loop3A_235 : i32 to index
      %parallel_loop3A_238 = arith.index_cast %parallel_loop3A_187 : i32 to index
      %parallel_loop3A_239 = tpu.vector_load %arg6[%parallel_loop3A_236, %parallel_loop3A_237, %parallel_loop3A_238] {strides = array<i32>} : memref<5x8x256xi32, #tpu.memory_space<vmem>>, vector<16xi32>,
      %parallel_loop3A_240 = arith.constant 0 : i32
      %parallel_loop3A_241 = vector.broadcast %parallel_loop3A_240 : i32 to vector<16xi32>
      %parallel_loop3A_242 = arith.maxsi %parallel_loop3A_239, %parallel_loop3A_241 : vector<16xi32>
      %parallel_loop3A_243 = arith.constant 0 : i32
      %parallel_loop3A_244 = vector.broadcast %parallel_loop3A_243 : i32 to vector<16xi32>
      %parallel_loop3A_245 = arith.cmpi sge, %parallel_loop3A_239, %parallel_loop3A_244 : vector<16xi32>
      %parallel_loop3A_246 = arith.constant 0 : i32
      %parallel_loop3A_247 = vector.broadcast %parallel_loop3A_246 : i32 to vector<16xi32>
      %parallel_loop3A_248 = arith.cmpi sge, %parallel_loop3A_239, %parallel_loop3A_247 : vector<16xi32>
      %parallel_loop3A_249 = arith.constant 1.000000e+00 : f32
      %parallel_loop3A_250 = arith.constant 0.000000e+00 : f32
      %parallel_loop3A_251 = vector.broadcast %parallel_loop3A_249 : f32 to vector<16xf32>
      %parallel_loop3A_252 = vector.broadcast %parallel_loop3A_250 : f32 to vector<16xf32>
      %parallel_loop3A_253 = arith.select %parallel_loop3A_248, %parallel_loop3A_251, %parallel_loop3A_252 : vector<16xi1>, vector<16xf32>
      %parallel_loop3A_254 = arith.addf %parallel_loop3A_233, %parallel_loop3A_253 : vector<16xf32>
      %parallel_loop3A_255 = arith.constant 3 : i32
      %parallel_loop3A_256 = arith.constant 1 : i32
      %parallel_loop3A_257 = arith.index_cast %parallel_loop3A_255 : i32 to index
      %parallel_loop3A_258 = arith.index_cast %parallel_loop3A_256 : i32 to index
      %parallel_loop3A_259 = arith.index_cast %parallel_loop3A_187 : i32 to index
      %parallel_loop3A_260 = tpu.vector_load %arg6[%parallel_loop3A_257, %parallel_loop3A_258, %parallel_loop3A_259] {strides = array<i32>} : memref<5x8x256xi32, #tpu.memory_space<vmem>>, vector<16xi32>,
      %parallel_loop3A_261 = arith.constant 0 : i32
      %parallel_loop3A_262 = vector.broadcast %parallel_loop3A_261 : i32 to vector<16xi32>
      %parallel_loop3A_263 = arith.maxsi %parallel_loop3A_260, %parallel_loop3A_262 : vector<16xi32>
      %parallel_loop3A_264 = arith.constant 0 : i32
      %parallel_loop3A_265 = vector.broadcast %parallel_loop3A_264 : i32 to vector<16xi32>
      %parallel_loop3A_266 = arith.cmpi sge, %parallel_loop3A_260, %parallel_loop3A_265 : vector<16xi32>
      %parallel_loop3A_267 = arith.constant 0 : i32
      %parallel_loop3A_268 = vector.broadcast %parallel_loop3A_267 : i32 to vector<16xi32>
      %parallel_loop3A_269 = arith.cmpi sge, %parallel_loop3A_260, %parallel_loop3A_268 : vector<16xi32>
      %parallel_loop3A_270 = arith.constant 1.000000e+00 : f32
      %parallel_loop3A_271 = arith.constant 0.000000e+00 : f32
      %parallel_loop3A_272 = vector.broadcast %parallel_loop3A_270 : f32 to vector<16xf32>
      %parallel_loop3A_273 = vector.broadcast %parallel_loop3A_271 : f32 to vector<16xf32>
      %parallel_loop3A_274 = arith.select %parallel_loop3A_269, %parallel_loop3A_272, %parallel_loop3A_273 : vector<16xi1>, vector<16xf32>
      %parallel_loop3A_275 = arith.addf %parallel_loop3A_254, %parallel_loop3A_274 : vector<16xf32>
      %parallel_loop3A_276 = arith.constant 4 : i32
      %parallel_loop3A_277 = arith.constant 1 : i32
      %parallel_loop3A_278 = arith.index_cast %parallel_loop3A_276 : i32 to index
      %parallel_loop3A_279 = arith.index_cast %parallel_loop3A_277 : i32 to index
      %parallel_loop3A_280 = arith.index_cast %parallel_loop3A_187 : i32 to index
      %parallel_loop3A_281 = tpu.vector_load %arg6[%parallel_loop3A_278, %parallel_loop3A_279, %parallel_loop3A_280] {strides = array<i32>} : memref<5x8x256xi32, #tpu.memory_space<vmem>>, vector<16xi32>,
      %parallel_loop3A_282 = arith.constant 0 : i32
      %parallel_loop3A_283 = vector.broadcast %parallel_loop3A_282 : i32 to vector<16xi32>
      %parallel_loop3A_284 = arith.maxsi %parallel_loop3A_281, %parallel_loop3A_283 : vector<16xi32>
      %parallel_loop3A_285 = arith.constant 0 : i32
      %parallel_loop3A_286 = vector.broadcast %parallel_loop3A_285 : i32 to vector<16xi32>
      %parallel_loop3A_287 = arith.cmpi sge, %parallel_loop3A_281, %parallel_loop3A_286 : vector<16xi32>
      %parallel_loop3A_288 = arith.constant 0 : i32
      %parallel_loop3A_289 = vector.broadcast %parallel_loop3A_288 : i32 to vector<16xi32>
      %parallel_loop3A_290 = arith.cmpi sge, %parallel_loop3A_281, %parallel_loop3A_289 : vector<16xi32>
      %parallel_loop3A_291 = arith.constant 1.000000e+00 : f32
      %parallel_loop3A_292 = arith.constant 0.000000e+00 : f32
      %parallel_loop3A_293 = vector.broadcast %parallel_loop3A_291 : f32 to vector<16xf32>
      %parallel_loop3A_294 = vector.broadcast %parallel_loop3A_292 : f32 to vector<16xf32>
      %parallel_loop3A_295 = arith.select %parallel_loop3A_290, %parallel_loop3A_293, %parallel_loop3A_294 : vector<16xi1>, vector<16xf32>
      %parallel_loop3A_296 = arith.addf %parallel_loop3A_275, %parallel_loop3A_295 : vector<16xf32>
      %parallel_loop3A_297 = arith.constant 0 : i32
      %parallel_loop3A_298 = vector.broadcast %parallel_loop3A_297 : i32 to vector<16xi32>
      %parallel_loop3A_299 = arith.addi %parallel_loop3A_200, %parallel_loop3A_298 : vector<16xi32>
      %parallel_loop3A_300 = tpu.vector_load_idx %arg5[%parallel_loop3A_299] : memref<24576xi32, #tpu.memory_space<vmem>>[vector<16xi32>], vector<16xi32>,
      %parallel_loop3A_301 = arith.constant 0 : i32
      %parallel_loop3A_302 = vector.broadcast %parallel_loop3A_301 : i32 to vector<16xi32>
      %parallel_loop3A_303 = arith.addi %parallel_loop3A_221, %parallel_loop3A_302 : vector<16xi32>
      %parallel_loop3A_304 = tpu.vector_load_idx %arg5[%parallel_loop3A_303] : memref<24576xi32, #tpu.memory_space<vmem>>[vector<16xi32>], vector<16xi32>,
      %parallel_loop3A_305 = arith.constant 16 : i32
      %parallel_loop3A_306 = vector.broadcast %parallel_loop3A_305 : i32 to vector<16xi32>
      %parallel_loop3A_307 = arith.shli %parallel_loop3A_300, %parallel_loop3A_306 : vector<16xi32>
      %parallel_loop3A_308 = vector.bitcast %parallel_loop3A_307 : vector<16xi32> to vector<16xf32>
      %parallel_loop3A_309 = arith.andi %parallel_loop3A_304, %broadcast_in_dim3A_161 : vector<16xi32>
      %parallel_loop3A_310 = vector.bitcast %parallel_loop3A_309 : vector<16xi32> to vector<16xf32>
      %parallel_loop3A_311 = arith.constant 0.000000e+00 : f32
      %parallel_loop3A_312 = vector.broadcast %parallel_loop3A_311 : f32 to vector<16xf32>
      %parallel_loop3A_313 = arith.select %parallel_loop3A_203, %parallel_loop3A_308, %parallel_loop3A_312 : vector<16xi1>, vector<16xf32>
      %parallel_loop3A_314 = arith.addf %parallel_loop3A_189, %parallel_loop3A_313 : vector<16xf32>
      %parallel_loop3A_315 = arith.constant 0.000000e+00 : f32
      %parallel_loop3A_316 = vector.broadcast %parallel_loop3A_315 : f32 to vector<16xf32>
      %parallel_loop3A_317 = arith.select %parallel_loop3A_224, %parallel_loop3A_310, %parallel_loop3A_316 : vector<16xi1>, vector<16xf32>
      %parallel_loop3A_318 = arith.addf %parallel_loop3A_314, %parallel_loop3A_317 : vector<16xf32>
      %parallel_loop3A_319 = arith.constant 8192 : i32
      %parallel_loop3A_320 = vector.broadcast %parallel_loop3A_319 : i32 to vector<16xi32>
      %parallel_loop3A_321 = arith.addi %parallel_loop3A_242, %parallel_loop3A_320 : vector<16xi32>
      %parallel_loop3A_322 = tpu.vector_load_idx %arg5[%parallel_loop3A_321] : memref<24576xi32, #tpu.memory_space<vmem>>[vector<16xi32>], vector<16xi32>,
      %parallel_loop3A_323 = arith.constant 8192 : i32
      %parallel_loop3A_324 = vector.broadcast %parallel_loop3A_323 : i32 to vector<16xi32>
      %parallel_loop3A_325 = arith.addi %parallel_loop3A_263, %parallel_loop3A_324 : vector<16xi32>
      %parallel_loop3A_326 = tpu.vector_load_idx %arg5[%parallel_loop3A_325] : memref<24576xi32, #tpu.memory_space<vmem>>[vector<16xi32>], vector<16xi32>,
      %parallel_loop3A_327 = arith.constant 16 : i32
      %parallel_loop3A_328 = vector.broadcast %parallel_loop3A_327 : i32 to vector<16xi32>
      %parallel_loop3A_329 = arith.shli %parallel_loop3A_322, %parallel_loop3A_328 : vector<16xi32>
      %parallel_loop3A_330 = vector.bitcast %parallel_loop3A_329 : vector<16xi32> to vector<16xf32>
      %parallel_loop3A_331 = arith.andi %parallel_loop3A_326, %broadcast_in_dim3A_161 : vector<16xi32>
      %parallel_loop3A_332 = vector.bitcast %parallel_loop3A_331 : vector<16xi32> to vector<16xf32>
      %parallel_loop3A_333 = arith.constant 0.000000e+00 : f32
      %parallel_loop3A_334 = vector.broadcast %parallel_loop3A_333 : f32 to vector<16xf32>
      %parallel_loop3A_335 = arith.select %parallel_loop3A_245, %parallel_loop3A_330, %parallel_loop3A_334 : vector<16xi1>, vector<16xf32>
      %parallel_loop3A_336 = arith.addf %parallel_loop3A_318, %parallel_loop3A_335 : vector<16xf32>
      %parallel_loop3A_337 = arith.constant 0.000000e+00 : f32
      %parallel_loop3A_338 = vector.broadcast %parallel_loop3A_337 : f32 to vector<16xf32>
      %parallel_loop3A_339 = arith.select %parallel_loop3A_266, %parallel_loop3A_332, %parallel_loop3A_338 : vector<16xi1>, vector<16xf32>
      %parallel_loop3A_340 = arith.addf %parallel_loop3A_336, %parallel_loop3A_339 : vector<16xf32>
      %parallel_loop3A_341 = arith.constant 16384 : i32
      %parallel_loop3A_342 = vector.broadcast %parallel_loop3A_341 : i32 to vector<16xi32>
      %parallel_loop3A_343 = arith.addi %parallel_loop3A_284, %parallel_loop3A_342 : vector<16xi32>
      %parallel_loop3A_344 = tpu.vector_load_idx %arg5[%parallel_loop3A_343] : memref<24576xi32, #tpu.memory_space<vmem>>[vector<16xi32>], vector<16xi32>,
      %parallel_loop3A_345 = vector.bitcast %parallel_loop3A_344 : vector<16xi32> to vector<16xf32>
      %parallel_loop3A_346 = arith.constant 0.000000e+00 : f32
      %parallel_loop3A_347 = vector.broadcast %parallel_loop3A_346 : f32 to vector<16xf32>
      %parallel_loop3A_348 = arith.select %parallel_loop3A_287, %parallel_loop3A_345, %parallel_loop3A_347 : vector<16xi1>, vector<16xf32>
      %parallel_loop3A_349 = arith.addf %parallel_loop3A_340, %parallel_loop3A_348 : vector<16xf32>
      %parallel_loop3A_350 = arith.constant 1.000000e+00 : f32
      %parallel_loop3A_351 = vector.broadcast %parallel_loop3A_350 : f32 to vector<16xf32>
      %parallel_loop3A_352 = arith.maximumf %parallel_loop3A_296, %parallel_loop3A_351 : vector<16xf32>
      %parallel_loop3A_353 = arith.divf %parallel_loop3A_349, %parallel_loop3A_352 : vector<16xf32>
      %parallel_loop3A_354 = arith.constant 1 : i32
      %parallel_loop3A_355 = arith.index_cast %parallel_loop3A_354 : i32 to index
      %parallel_loop3A_356 = arith.index_cast %parallel_loop3A_187 : i32 to index
      %parallel_loop3A_357 = tpu.vector_load %arg7[%parallel_loop3A_355, %parallel_loop3A_356] {strides = array<i32>} : memref<8x256xf32, #tpu.memory_space<vmem>>, vector<16xf32>,
      tpu.vector_store %arg7[%parallel_loop3A_355, %parallel_loop3A_356], %parallel_loop3A_353 {strides = array<i32>} : memref<8x256xf32, #tpu.memory_space<vmem>>, vector<16xf32>,
    } {sc.loop_unroll_factor = 2 : i64, sc.parallel_access}
    %parallel_loop3A_167 = arith.constant 0 : i32
    %parallel_loop3A_168 = arith.constant 16 : i32
    %parallel_loop3A_169 = arith.constant 1 : i32
    scf.for %parallel_loop3A_185 = %parallel_loop3A_167 to %parallel_loop3A_168 step %parallel_loop3A_169  : i32 {
      %parallel_loop3A_186 = arith.constant 16 : i32
      %parallel_loop3A_187 = arith.muli %parallel_loop3A_185, %parallel_loop3A_186 : i32
      %parallel_loop3A_188 = arith.constant 0.000000e+00 : f32
      %parallel_loop3A_189 = vector.broadcast %parallel_loop3A_188 : f32 to vector<16xf32>
      %parallel_loop3A_190 = arith.constant 0.000000e+00 : f32
      %parallel_loop3A_191 = vector.broadcast %parallel_loop3A_190 : f32 to vector<16xf32>
      %parallel_loop3A_192 = arith.constant 0 : i32
      %parallel_loop3A_193 = arith.constant 2 : i32
      %parallel_loop3A_194 = arith.index_cast %parallel_loop3A_192 : i32 to index
      %parallel_loop3A_195 = arith.index_cast %parallel_loop3A_193 : i32 to index
      %parallel_loop3A_196 = arith.index_cast %parallel_loop3A_187 : i32 to index
      %parallel_loop3A_197 = tpu.vector_load %arg6[%parallel_loop3A_194, %parallel_loop3A_195, %parallel_loop3A_196] {strides = array<i32>} : memref<5x8x256xi32, #tpu.memory_space<vmem>>, vector<16xi32>,
      %parallel_loop3A_198 = arith.constant 0 : i32
      %parallel_loop3A_199 = vector.broadcast %parallel_loop3A_198 : i32 to vector<16xi32>
      %parallel_loop3A_200 = arith.maxsi %parallel_loop3A_197, %parallel_loop3A_199 : vector<16xi32>
      %parallel_loop3A_201 = arith.constant 0 : i32
      %parallel_loop3A_202 = vector.broadcast %parallel_loop3A_201 : i32 to vector<16xi32>
      %parallel_loop3A_203 = arith.cmpi sge, %parallel_loop3A_197, %parallel_loop3A_202 : vector<16xi32>
      %parallel_loop3A_204 = arith.constant 0 : i32
      %parallel_loop3A_205 = vector.broadcast %parallel_loop3A_204 : i32 to vector<16xi32>
      %parallel_loop3A_206 = arith.cmpi sge, %parallel_loop3A_197, %parallel_loop3A_205 : vector<16xi32>
      %parallel_loop3A_207 = arith.constant 1.000000e+00 : f32
      %parallel_loop3A_208 = arith.constant 0.000000e+00 : f32
      %parallel_loop3A_209 = vector.broadcast %parallel_loop3A_207 : f32 to vector<16xf32>
      %parallel_loop3A_210 = vector.broadcast %parallel_loop3A_208 : f32 to vector<16xf32>
      %parallel_loop3A_211 = arith.select %parallel_loop3A_206, %parallel_loop3A_209, %parallel_loop3A_210 : vector<16xi1>, vector<16xf32>
      %parallel_loop3A_212 = arith.addf %parallel_loop3A_191, %parallel_loop3A_211 : vector<16xf32>
      %parallel_loop3A_213 = arith.constant 1 : i32
      %parallel_loop3A_214 = arith.constant 2 : i32
      %parallel_loop3A_215 = arith.index_cast %parallel_loop3A_213 : i32 to index
      %parallel_loop3A_216 = arith.index_cast %parallel_loop3A_214 : i32 to index
      %parallel_loop3A_217 = arith.index_cast %parallel_loop3A_187 : i32 to index
      %parallel_loop3A_218 = tpu.vector_load %arg6[%parallel_loop3A_215, %parallel_loop3A_216, %parallel_loop3A_217] {strides = array<i32>} : memref<5x8x256xi32, #tpu.memory_space<vmem>>, vector<16xi32>,
      %parallel_loop3A_219 = arith.constant 0 : i32
      %parallel_loop3A_220 = vector.broadcast %parallel_loop3A_219 : i32 to vector<16xi32>
      %parallel_loop3A_221 = arith.maxsi %parallel_loop3A_218, %parallel_loop3A_220 : vector<16xi32>
      %parallel_loop3A_222 = arith.constant 0 : i32
      %parallel_loop3A_223 = vector.broadcast %parallel_loop3A_222 : i32 to vector<16xi32>
      %parallel_loop3A_224 = arith.cmpi sge, %parallel_loop3A_218, %parallel_loop3A_223 : vector<16xi32>
      %parallel_loop3A_225 = arith.constant 0 : i32
      %parallel_loop3A_226 = vector.broadcast %parallel_loop3A_225 : i32 to vector<16xi32>
      %parallel_loop3A_227 = arith.cmpi sge, %parallel_loop3A_218, %parallel_loop3A_226 : vector<16xi32>
      %parallel_loop3A_228 = arith.constant 1.000000e+00 : f32
      %parallel_loop3A_229 = arith.constant 0.000000e+00 : f32
      %parallel_loop3A_230 = vector.broadcast %parallel_loop3A_228 : f32 to vector<16xf32>
      %parallel_loop3A_231 = vector.broadcast %parallel_loop3A_229 : f32 to vector<16xf32>
      %parallel_loop3A_232 = arith.select %parallel_loop3A_227, %parallel_loop3A_230, %parallel_loop3A_231 : vector<16xi1>, vector<16xf32>
      %parallel_loop3A_233 = arith.addf %parallel_loop3A_212, %parallel_loop3A_232 : vector<16xf32>
      %parallel_loop3A_234 = arith.constant 2 : i32
      %parallel_loop3A_235 = arith.constant 2 : i32
      %parallel_loop3A_236 = arith.index_cast %parallel_loop3A_234 : i32 to index
      %parallel_loop3A_237 = arith.index_cast %parallel_loop3A_235 : i32 to index
      %parallel_loop3A_238 = arith.index_cast %parallel_loop3A_187 : i32 to index
      %parallel_loop3A_239 = tpu.vector_load %arg6[%parallel_loop3A_236, %parallel_loop3A_237, %parallel_loop3A_238] {strides = array<i32>} : memref<5x8x256xi32, #tpu.memory_space<vmem>>, vector<16xi32>,
      %parallel_loop3A_240 = arith.constant 0 : i32
      %parallel_loop3A_241 = vector.broadcast %parallel_loop3A_240 : i32 to vector<16xi32>
      %parallel_loop3A_242 = arith.maxsi %parallel_loop3A_239, %parallel_loop3A_241 : vector<16xi32>
      %parallel_loop3A_243 = arith.constant 0 : i32
      %parallel_loop3A_244 = vector.broadcast %parallel_loop3A_243 : i32 to vector<16xi32>
      %parallel_loop3A_245 = arith.cmpi sge, %parallel_loop3A_239, %parallel_loop3A_244 : vector<16xi32>
      %parallel_loop3A_246 = arith.constant 0 : i32
      %parallel_loop3A_247 = vector.broadcast %parallel_loop3A_246 : i32 to vector<16xi32>
      %parallel_loop3A_248 = arith.cmpi sge, %parallel_loop3A_239, %parallel_loop3A_247 : vector<16xi32>
      %parallel_loop3A_249 = arith.constant 1.000000e+00 : f32
      %parallel_loop3A_250 = arith.constant 0.000000e+00 : f32
      %parallel_loop3A_251 = vector.broadcast %parallel_loop3A_249 : f32 to vector<16xf32>
      %parallel_loop3A_252 = vector.broadcast %parallel_loop3A_250 : f32 to vector<16xf32>
      %parallel_loop3A_253 = arith.select %parallel_loop3A_248, %parallel_loop3A_251, %parallel_loop3A_252 : vector<16xi1>, vector<16xf32>
      %parallel_loop3A_254 = arith.addf %parallel_loop3A_233, %parallel_loop3A_253 : vector<16xf32>
      %parallel_loop3A_255 = arith.constant 3 : i32
      %parallel_loop3A_256 = arith.constant 2 : i32
      %parallel_loop3A_257 = arith.index_cast %parallel_loop3A_255 : i32 to index
      %parallel_loop3A_258 = arith.index_cast %parallel_loop3A_256 : i32 to index
      %parallel_loop3A_259 = arith.index_cast %parallel_loop3A_187 : i32 to index
      %parallel_loop3A_260 = tpu.vector_load %arg6[%parallel_loop3A_257, %parallel_loop3A_258, %parallel_loop3A_259] {strides = array<i32>} : memref<5x8x256xi32, #tpu.memory_space<vmem>>, vector<16xi32>,
      %parallel_loop3A_261 = arith.constant 0 : i32
      %parallel_loop3A_262 = vector.broadcast %parallel_loop3A_261 : i32 to vector<16xi32>
      %parallel_loop3A_263 = arith.maxsi %parallel_loop3A_260, %parallel_loop3A_262 : vector<16xi32>
      %parallel_loop3A_264 = arith.constant 0 : i32
      %parallel_loop3A_265 = vector.broadcast %parallel_loop3A_264 : i32 to vector<16xi32>
      %parallel_loop3A_266 = arith.cmpi sge, %parallel_loop3A_260, %parallel_loop3A_265 : vector<16xi32>
      %parallel_loop3A_267 = arith.constant 0 : i32
      %parallel_loop3A_268 = vector.broadcast %parallel_loop3A_267 : i32 to vector<16xi32>
      %parallel_loop3A_269 = arith.cmpi sge, %parallel_loop3A_260, %parallel_loop3A_268 : vector<16xi32>
      %parallel_loop3A_270 = arith.constant 1.000000e+00 : f32
      %parallel_loop3A_271 = arith.constant 0.000000e+00 : f32
      %parallel_loop3A_272 = vector.broadcast %parallel_loop3A_270 : f32 to vector<16xf32>
      %parallel_loop3A_273 = vector.broadcast %parallel_loop3A_271 : f32 to vector<16xf32>
      %parallel_loop3A_274 = arith.select %parallel_loop3A_269, %parallel_loop3A_272, %parallel_loop3A_273 : vector<16xi1>, vector<16xf32>
      %parallel_loop3A_275 = arith.addf %parallel_loop3A_254, %parallel_loop3A_274 : vector<16xf32>
      %parallel_loop3A_276 = arith.constant 4 : i32
      %parallel_loop3A_277 = arith.constant 2 : i32
      %parallel_loop3A_278 = arith.index_cast %parallel_loop3A_276 : i32 to index
      %parallel_loop3A_279 = arith.index_cast %parallel_loop3A_277 : i32 to index
      %parallel_loop3A_280 = arith.index_cast %parallel_loop3A_187 : i32 to index
      %parallel_loop3A_281 = tpu.vector_load %arg6[%parallel_loop3A_278, %parallel_loop3A_279, %parallel_loop3A_280] {strides = array<i32>} : memref<5x8x256xi32, #tpu.memory_space<vmem>>, vector<16xi32>,
      %parallel_loop3A_282 = arith.constant 0 : i32
      %parallel_loop3A_283 = vector.broadcast %parallel_loop3A_282 : i32 to vector<16xi32>
      %parallel_loop3A_284 = arith.maxsi %parallel_loop3A_281, %parallel_loop3A_283 : vector<16xi32>
      %parallel_loop3A_285 = arith.constant 0 : i32
      %parallel_loop3A_286 = vector.broadcast %parallel_loop3A_285 : i32 to vector<16xi32>
      %parallel_loop3A_287 = arith.cmpi sge, %parallel_loop3A_281, %parallel_loop3A_286 : vector<16xi32>
      %parallel_loop3A_288 = arith.constant 0 : i32
      %parallel_loop3A_289 = vector.broadcast %parallel_loop3A_288 : i32 to vector<16xi32>
      %parallel_loop3A_290 = arith.cmpi sge, %parallel_loop3A_281, %parallel_loop3A_289 : vector<16xi32>
      %parallel_loop3A_291 = arith.constant 1.000000e+00 : f32
      %parallel_loop3A_292 = arith.constant 0.000000e+00 : f32
      %parallel_loop3A_293 = vector.broadcast %parallel_loop3A_291 : f32 to vector<16xf32>
      %parallel_loop3A_294 = vector.broadcast %parallel_loop3A_292 : f32 to vector<16xf32>
      %parallel_loop3A_295 = arith.select %parallel_loop3A_290, %parallel_loop3A_293, %parallel_loop3A_294 : vector<16xi1>, vector<16xf32>
      %parallel_loop3A_296 = arith.addf %parallel_loop3A_275, %parallel_loop3A_295 : vector<16xf32>
      %parallel_loop3A_297 = arith.constant 0 : i32
      %parallel_loop3A_298 = vector.broadcast %parallel_loop3A_297 : i32 to vector<16xi32>
      %parallel_loop3A_299 = arith.addi %parallel_loop3A_200, %parallel_loop3A_298 : vector<16xi32>
      %parallel_loop3A_300 = tpu.vector_load_idx %arg5[%parallel_loop3A_299] : memref<24576xi32, #tpu.memory_space<vmem>>[vector<16xi32>], vector<16xi32>,
      %parallel_loop3A_301 = arith.constant 0 : i32
      %parallel_loop3A_302 = vector.broadcast %parallel_loop3A_301 : i32 to vector<16xi32>
      %parallel_loop3A_303 = arith.addi %parallel_loop3A_221, %parallel_loop3A_302 : vector<16xi32>
      %parallel_loop3A_304 = tpu.vector_load_idx %arg5[%parallel_loop3A_303] : memref<24576xi32, #tpu.memory_space<vmem>>[vector<16xi32>], vector<16xi32>,
      %parallel_loop3A_305 = arith.constant 16 : i32
      %parallel_loop3A_306 = vector.broadcast %parallel_loop3A_305 : i32 to vector<16xi32>
      %parallel_loop3A_307 = arith.shli %parallel_loop3A_300, %parallel_loop3A_306 : vector<16xi32>
      %parallel_loop3A_308 = vector.bitcast %parallel_loop3A_307 : vector<16xi32> to vector<16xf32>
      %parallel_loop3A_309 = arith.andi %parallel_loop3A_304, %broadcast_in_dim3A_161 : vector<16xi32>
      %parallel_loop3A_310 = vector.bitcast %parallel_loop3A_309 : vector<16xi32> to vector<16xf32>
      %parallel_loop3A_311 = arith.constant 0.000000e+00 : f32
      %parallel_loop3A_312 = vector.broadcast %parallel_loop3A_311 : f32 to vector<16xf32>
      %parallel_loop3A_313 = arith.select %parallel_loop3A_203, %parallel_loop3A_308, %parallel_loop3A_312 : vector<16xi1>, vector<16xf32>
      %parallel_loop3A_314 = arith.addf %parallel_loop3A_189, %parallel_loop3A_313 : vector<16xf32>
      %parallel_loop3A_315 = arith.constant 0.000000e+00 : f32
      %parallel_loop3A_316 = vector.broadcast %parallel_loop3A_315 : f32 to vector<16xf32>
      %parallel_loop3A_317 = arith.select %parallel_loop3A_224, %parallel_loop3A_310, %parallel_loop3A_316 : vector<16xi1>, vector<16xf32>
      %parallel_loop3A_318 = arith.addf %parallel_loop3A_314, %parallel_loop3A_317 : vector<16xf32>
      %parallel_loop3A_319 = arith.constant 8192 : i32
      %parallel_loop3A_320 = vector.broadcast %parallel_loop3A_319 : i32 to vector<16xi32>
      %parallel_loop3A_321 = arith.addi %parallel_loop3A_242, %parallel_loop3A_320 : vector<16xi32>
      %parallel_loop3A_322 = tpu.vector_load_idx %arg5[%parallel_loop3A_321] : memref<24576xi32, #tpu.memory_space<vmem>>[vector<16xi32>], vector<16xi32>,
      %parallel_loop3A_323 = arith.constant 8192 : i32
      %parallel_loop3A_324 = vector.broadcast %parallel_loop3A_323 : i32 to vector<16xi32>
      %parallel_loop3A_325 = arith.addi %parallel_loop3A_263, %parallel_loop3A_324 : vector<16xi32>
      %parallel_loop3A_326 = tpu.vector_load_idx %arg5[%parallel_loop3A_325] : memref<24576xi32, #tpu.memory_space<vmem>>[vector<16xi32>], vector<16xi32>,
      %parallel_loop3A_327 = arith.constant 16 : i32
      %parallel_loop3A_328 = vector.broadcast %parallel_loop3A_327 : i32 to vector<16xi32>
      %parallel_loop3A_329 = arith.shli %parallel_loop3A_322, %parallel_loop3A_328 : vector<16xi32>
      %parallel_loop3A_330 = vector.bitcast %parallel_loop3A_329 : vector<16xi32> to vector<16xf32>
      %parallel_loop3A_331 = arith.andi %parallel_loop3A_326, %broadcast_in_dim3A_161 : vector<16xi32>
      %parallel_loop3A_332 = vector.bitcast %parallel_loop3A_331 : vector<16xi32> to vector<16xf32>
      %parallel_loop3A_333 = arith.constant 0.000000e+00 : f32
      %parallel_loop3A_334 = vector.broadcast %parallel_loop3A_333 : f32 to vector<16xf32>
      %parallel_loop3A_335 = arith.select %parallel_loop3A_245, %parallel_loop3A_330, %parallel_loop3A_334 : vector<16xi1>, vector<16xf32>
      %parallel_loop3A_336 = arith.addf %parallel_loop3A_318, %parallel_loop3A_335 : vector<16xf32>
      %parallel_loop3A_337 = arith.constant 0.000000e+00 : f32
      %parallel_loop3A_338 = vector.broadcast %parallel_loop3A_337 : f32 to vector<16xf32>
      %parallel_loop3A_339 = arith.select %parallel_loop3A_266, %parallel_loop3A_332, %parallel_loop3A_338 : vector<16xi1>, vector<16xf32>
      %parallel_loop3A_340 = arith.addf %parallel_loop3A_336, %parallel_loop3A_339 : vector<16xf32>
      %parallel_loop3A_341 = arith.constant 16384 : i32
      %parallel_loop3A_342 = vector.broadcast %parallel_loop3A_341 : i32 to vector<16xi32>
      %parallel_loop3A_343 = arith.addi %parallel_loop3A_284, %parallel_loop3A_342 : vector<16xi32>
      %parallel_loop3A_344 = tpu.vector_load_idx %arg5[%parallel_loop3A_343] : memref<24576xi32, #tpu.memory_space<vmem>>[vector<16xi32>], vector<16xi32>,
      %parallel_loop3A_345 = vector.bitcast %parallel_loop3A_344 : vector<16xi32> to vector<16xf32>
      %parallel_loop3A_346 = arith.constant 0.000000e+00 : f32
      %parallel_loop3A_347 = vector.broadcast %parallel_loop3A_346 : f32 to vector<16xf32>
      %parallel_loop3A_348 = arith.select %parallel_loop3A_287, %parallel_loop3A_345, %parallel_loop3A_347 : vector<16xi1>, vector<16xf32>
      %parallel_loop3A_349 = arith.addf %parallel_loop3A_340, %parallel_loop3A_348 : vector<16xf32>
      %parallel_loop3A_350 = arith.constant 1.000000e+00 : f32
      %parallel_loop3A_351 = vector.broadcast %parallel_loop3A_350 : f32 to vector<16xf32>
      %parallel_loop3A_352 = arith.maximumf %parallel_loop3A_296, %parallel_loop3A_351 : vector<16xf32>
      %parallel_loop3A_353 = arith.divf %parallel_loop3A_349, %parallel_loop3A_352 : vector<16xf32>
      %parallel_loop3A_354 = arith.constant 2 : i32
      %parallel_loop3A_355 = arith.index_cast %parallel_loop3A_354 : i32 to index
      %parallel_loop3A_356 = arith.index_cast %parallel_loop3A_187 : i32 to index
      %parallel_loop3A_357 = tpu.vector_load %arg7[%parallel_loop3A_355, %parallel_loop3A_356] {strides = array<i32>} : memref<8x256xf32, #tpu.memory_space<vmem>>, vector<16xf32>,
      tpu.vector_store %arg7[%parallel_loop3A_355, %parallel_loop3A_356], %parallel_loop3A_353 {strides = array<i32>} : memref<8x256xf32, #tpu.memory_space<vmem>>, vector<16xf32>,
    } {sc.loop_unroll_factor = 2 : i64, sc.parallel_access}
    %parallel_loop3A_170 = arith.constant 0 : i32
    %parallel_loop3A_171 = arith.constant 16 : i32
    %parallel_loop3A_172 = arith.constant 1 : i32
    scf.for %parallel_loop3A_185 = %parallel_loop3A_170 to %parallel_loop3A_171 step %parallel_loop3A_172  : i32 {
      %parallel_loop3A_186 = arith.constant 16 : i32
      %parallel_loop3A_187 = arith.muli %parallel_loop3A_185, %parallel_loop3A_186 : i32
      %parallel_loop3A_188 = arith.constant 0.000000e+00 : f32
      %parallel_loop3A_189 = vector.broadcast %parallel_loop3A_188 : f32 to vector<16xf32>
      %parallel_loop3A_190 = arith.constant 0.000000e+00 : f32
      %parallel_loop3A_191 = vector.broadcast %parallel_loop3A_190 : f32 to vector<16xf32>
      %parallel_loop3A_192 = arith.constant 0 : i32
      %parallel_loop3A_193 = arith.constant 3 : i32
      %parallel_loop3A_194 = arith.index_cast %parallel_loop3A_192 : i32 to index
      %parallel_loop3A_195 = arith.index_cast %parallel_loop3A_193 : i32 to index
      %parallel_loop3A_196 = arith.index_cast %parallel_loop3A_187 : i32 to index
      %parallel_loop3A_197 = tpu.vector_load %arg6[%parallel_loop3A_194, %parallel_loop3A_195, %parallel_loop3A_196] {strides = array<i32>} : memref<5x8x256xi32, #tpu.memory_space<vmem>>, vector<16xi32>,
      %parallel_loop3A_198 = arith.constant 0 : i32
      %parallel_loop3A_199 = vector.broadcast %parallel_loop3A_198 : i32 to vector<16xi32>
      %parallel_loop3A_200 = arith.maxsi %parallel_loop3A_197, %parallel_loop3A_199 : vector<16xi32>
      %parallel_loop3A_201 = arith.constant 0 : i32
      %parallel_loop3A_202 = vector.broadcast %parallel_loop3A_201 : i32 to vector<16xi32>
      %parallel_loop3A_203 = arith.cmpi sge, %parallel_loop3A_197, %parallel_loop3A_202 : vector<16xi32>
      %parallel_loop3A_204 = arith.constant 0 : i32
      %parallel_loop3A_205 = vector.broadcast %parallel_loop3A_204 : i32 to vector<16xi32>
      %parallel_loop3A_206 = arith.cmpi sge, %parallel_loop3A_197, %parallel_loop3A_205 : vector<16xi32>
      %parallel_loop3A_207 = arith.constant 1.000000e+00 : f32
      %parallel_loop3A_208 = arith.constant 0.000000e+00 : f32
      %parallel_loop3A_209 = vector.broadcast %parallel_loop3A_207 : f32 to vector<16xf32>
      %parallel_loop3A_210 = vector.broadcast %parallel_loop3A_208 : f32 to vector<16xf32>
      %parallel_loop3A_211 = arith.select %parallel_loop3A_206, %parallel_loop3A_209, %parallel_loop3A_210 : vector<16xi1>, vector<16xf32>
      %parallel_loop3A_212 = arith.addf %parallel_loop3A_191, %parallel_loop3A_211 : vector<16xf32>
      %parallel_loop3A_213 = arith.constant 1 : i32
      %parallel_loop3A_214 = arith.constant 3 : i32
      %parallel_loop3A_215 = arith.index_cast %parallel_loop3A_213 : i32 to index
      %parallel_loop3A_216 = arith.index_cast %parallel_loop3A_214 : i32 to index
      %parallel_loop3A_217 = arith.index_cast %parallel_loop3A_187 : i32 to index
      %parallel_loop3A_218 = tpu.vector_load %arg6[%parallel_loop3A_215, %parallel_loop3A_216, %parallel_loop3A_217] {strides = array<i32>} : memref<5x8x256xi32, #tpu.memory_space<vmem>>, vector<16xi32>,
      %parallel_loop3A_219 = arith.constant 0 : i32
      %parallel_loop3A_220 = vector.broadcast %parallel_loop3A_219 : i32 to vector<16xi32>
      %parallel_loop3A_221 = arith.maxsi %parallel_loop3A_218, %parallel_loop3A_220 : vector<16xi32>
      %parallel_loop3A_222 = arith.constant 0 : i32
      %parallel_loop3A_223 = vector.broadcast %parallel_loop3A_222 : i32 to vector<16xi32>
      %parallel_loop3A_224 = arith.cmpi sge, %parallel_loop3A_218, %parallel_loop3A_223 : vector<16xi32>
      %parallel_loop3A_225 = arith.constant 0 : i32
      %parallel_loop3A_226 = vector.broadcast %parallel_loop3A_225 : i32 to vector<16xi32>
      %parallel_loop3A_227 = arith.cmpi sge, %parallel_loop3A_218, %parallel_loop3A_226 : vector<16xi32>
      %parallel_loop3A_228 = arith.constant 1.000000e+00 : f32
      %parallel_loop3A_229 = arith.constant 0.000000e+00 : f32
      %parallel_loop3A_230 = vector.broadcast %parallel_loop3A_228 : f32 to vector<16xf32>
      %parallel_loop3A_231 = vector.broadcast %parallel_loop3A_229 : f32 to vector<16xf32>
      %parallel_loop3A_232 = arith.select %parallel_loop3A_227, %parallel_loop3A_230, %parallel_loop3A_231 : vector<16xi1>, vector<16xf32>
      %parallel_loop3A_233 = arith.addf %parallel_loop3A_212, %parallel_loop3A_232 : vector<16xf32>
      %parallel_loop3A_234 = arith.constant 2 : i32
      %parallel_loop3A_235 = arith.constant 3 : i32
      %parallel_loop3A_236 = arith.index_cast %parallel_loop3A_234 : i32 to index
      %parallel_loop3A_237 = arith.index_cast %parallel_loop3A_235 : i32 to index
      %parallel_loop3A_238 = arith.index_cast %parallel_loop3A_187 : i32 to index
      %parallel_loop3A_239 = tpu.vector_load %arg6[%parallel_loop3A_236, %parallel_loop3A_237, %parallel_loop3A_238] {strides = array<i32>} : memref<5x8x256xi32, #tpu.memory_space<vmem>>, vector<16xi32>,
      %parallel_loop3A_240 = arith.constant 0 : i32
      %parallel_loop3A_241 = vector.broadcast %parallel_loop3A_240 : i32 to vector<16xi32>
      %parallel_loop3A_242 = arith.maxsi %parallel_loop3A_239, %parallel_loop3A_241 : vector<16xi32>
      %parallel_loop3A_243 = arith.constant 0 : i32
      %parallel_loop3A_244 = vector.broadcast %parallel_loop3A_243 : i32 to vector<16xi32>
      %parallel_loop3A_245 = arith.cmpi sge, %parallel_loop3A_239, %parallel_loop3A_244 : vector<16xi32>
      %parallel_loop3A_246 = arith.constant 0 : i32
      %parallel_loop3A_247 = vector.broadcast %parallel_loop3A_246 : i32 to vector<16xi32>
      %parallel_loop3A_248 = arith.cmpi sge, %parallel_loop3A_239, %parallel_loop3A_247 : vector<16xi32>
      %parallel_loop3A_249 = arith.constant 1.000000e+00 : f32
      %parallel_loop3A_250 = arith.constant 0.000000e+00 : f32
      %parallel_loop3A_251 = vector.broadcast %parallel_loop3A_249 : f32 to vector<16xf32>
      %parallel_loop3A_252 = vector.broadcast %parallel_loop3A_250 : f32 to vector<16xf32>
      %parallel_loop3A_253 = arith.select %parallel_loop3A_248, %parallel_loop3A_251, %parallel_loop3A_252 : vector<16xi1>, vector<16xf32>
      %parallel_loop3A_254 = arith.addf %parallel_loop3A_233, %parallel_loop3A_253 : vector<16xf32>
      %parallel_loop3A_255 = arith.constant 3 : i32
      %parallel_loop3A_256 = arith.constant 3 : i32
      %parallel_loop3A_257 = arith.index_cast %parallel_loop3A_255 : i32 to index
      %parallel_loop3A_258 = arith.index_cast %parallel_loop3A_256 : i32 to index
      %parallel_loop3A_259 = arith.index_cast %parallel_loop3A_187 : i32 to index
      %parallel_loop3A_260 = tpu.vector_load %arg6[%parallel_loop3A_257, %parallel_loop3A_258, %parallel_loop3A_259] {strides = array<i32>} : memref<5x8x256xi32, #tpu.memory_space<vmem>>, vector<16xi32>,
      %parallel_loop3A_261 = arith.constant 0 : i32
      %parallel_loop3A_262 = vector.broadcast %parallel_loop3A_261 : i32 to vector<16xi32>
      %parallel_loop3A_263 = arith.maxsi %parallel_loop3A_260, %parallel_loop3A_262 : vector<16xi32>
      %parallel_loop3A_264 = arith.constant 0 : i32
      %parallel_loop3A_265 = vector.broadcast %parallel_loop3A_264 : i32 to vector<16xi32>
      %parallel_loop3A_266 = arith.cmpi sge, %parallel_loop3A_260, %parallel_loop3A_265 : vector<16xi32>
      %parallel_loop3A_267 = arith.constant 0 : i32
      %parallel_loop3A_268 = vector.broadcast %parallel_loop3A_267 : i32 to vector<16xi32>
      %parallel_loop3A_269 = arith.cmpi sge, %parallel_loop3A_260, %parallel_loop3A_268 : vector<16xi32>
      %parallel_loop3A_270 = arith.constant 1.000000e+00 : f32
      %parallel_loop3A_271 = arith.constant 0.000000e+00 : f32
      %parallel_loop3A_272 = vector.broadcast %parallel_loop3A_270 : f32 to vector<16xf32>
      %parallel_loop3A_273 = vector.broadcast %parallel_loop3A_271 : f32 to vector<16xf32>
      %parallel_loop3A_274 = arith.select %parallel_loop3A_269, %parallel_loop3A_272, %parallel_loop3A_273 : vector<16xi1>, vector<16xf32>
      %parallel_loop3A_275 = arith.addf %parallel_loop3A_254, %parallel_loop3A_274 : vector<16xf32>
      %parallel_loop3A_276 = arith.constant 4 : i32
      %parallel_loop3A_277 = arith.constant 3 : i32
      %parallel_loop3A_278 = arith.index_cast %parallel_loop3A_276 : i32 to index
      %parallel_loop3A_279 = arith.index_cast %parallel_loop3A_277 : i32 to index
      %parallel_loop3A_280 = arith.index_cast %parallel_loop3A_187 : i32 to index
      %parallel_loop3A_281 = tpu.vector_load %arg6[%parallel_loop3A_278, %parallel_loop3A_279, %parallel_loop3A_280] {strides = array<i32>} : memref<5x8x256xi32, #tpu.memory_space<vmem>>, vector<16xi32>,
      %parallel_loop3A_282 = arith.constant 0 : i32
      %parallel_loop3A_283 = vector.broadcast %parallel_loop3A_282 : i32 to vector<16xi32>
      %parallel_loop3A_284 = arith.maxsi %parallel_loop3A_281, %parallel_loop3A_283 : vector<16xi32>
      %parallel_loop3A_285 = arith.constant 0 : i32
      %parallel_loop3A_286 = vector.broadcast %parallel_loop3A_285 : i32 to vector<16xi32>
      %parallel_loop3A_287 = arith.cmpi sge, %parallel_loop3A_281, %parallel_loop3A_286 : vector<16xi32>
      %parallel_loop3A_288 = arith.constant 0 : i32
      %parallel_loop3A_289 = vector.broadcast %parallel_loop3A_288 : i32 to vector<16xi32>
      %parallel_loop3A_290 = arith.cmpi sge, %parallel_loop3A_281, %parallel_loop3A_289 : vector<16xi32>
      %parallel_loop3A_291 = arith.constant 1.000000e+00 : f32
      %parallel_loop3A_292 = arith.constant 0.000000e+00 : f32
      %parallel_loop3A_293 = vector.broadcast %parallel_loop3A_291 : f32 to vector<16xf32>
      %parallel_loop3A_294 = vector.broadcast %parallel_loop3A_292 : f32 to vector<16xf32>
      %parallel_loop3A_295 = arith.select %parallel_loop3A_290, %parallel_loop3A_293, %parallel_loop3A_294 : vector<16xi1>, vector<16xf32>
      %parallel_loop3A_296 = arith.addf %parallel_loop3A_275, %parallel_loop3A_295 : vector<16xf32>
      %parallel_loop3A_297 = arith.constant 0 : i32
      %parallel_loop3A_298 = vector.broadcast %parallel_loop3A_297 : i32 to vector<16xi32>
      %parallel_loop3A_299 = arith.addi %parallel_loop3A_200, %parallel_loop3A_298 : vector<16xi32>
      %parallel_loop3A_300 = tpu.vector_load_idx %arg5[%parallel_loop3A_299] : memref<24576xi32, #tpu.memory_space<vmem>>[vector<16xi32>], vector<16xi32>,
      %parallel_loop3A_301 = arith.constant 0 : i32
      %parallel_loop3A_302 = vector.broadcast %parallel_loop3A_301 : i32 to vector<16xi32>
      %parallel_loop3A_303 = arith.addi %parallel_loop3A_221, %parallel_loop3A_302 : vector<16xi32>
      %parallel_loop3A_304 = tpu.vector_load_idx %arg5[%parallel_loop3A_303] : memref<24576xi32, #tpu.memory_space<vmem>>[vector<16xi32>], vector<16xi32>,
      %parallel_loop3A_305 = arith.constant 16 : i32
      %parallel_loop3A_306 = vector.broadcast %parallel_loop3A_305 : i32 to vector<16xi32>
      %parallel_loop3A_307 = arith.shli %parallel_loop3A_300, %parallel_loop3A_306 : vector<16xi32>
      %parallel_loop3A_308 = vector.bitcast %parallel_loop3A_307 : vector<16xi32> to vector<16xf32>
      %parallel_loop3A_309 = arith.andi %parallel_loop3A_304, %broadcast_in_dim3A_161 : vector<16xi32>
      %parallel_loop3A_310 = vector.bitcast %parallel_loop3A_309 : vector<16xi32> to vector<16xf32>
      %parallel_loop3A_311 = arith.constant 0.000000e+00 : f32
      %parallel_loop3A_312 = vector.broadcast %parallel_loop3A_311 : f32 to vector<16xf32>
      %parallel_loop3A_313 = arith.select %parallel_loop3A_203, %parallel_loop3A_308, %parallel_loop3A_312 : vector<16xi1>, vector<16xf32>
      %parallel_loop3A_314 = arith.addf %parallel_loop3A_189, %parallel_loop3A_313 : vector<16xf32>
      %parallel_loop3A_315 = arith.constant 0.000000e+00 : f32
      %parallel_loop3A_316 = vector.broadcast %parallel_loop3A_315 : f32 to vector<16xf32>
      %parallel_loop3A_317 = arith.select %parallel_loop3A_224, %parallel_loop3A_310, %parallel_loop3A_316 : vector<16xi1>, vector<16xf32>
      %parallel_loop3A_318 = arith.addf %parallel_loop3A_314, %parallel_loop3A_317 : vector<16xf32>
      %parallel_loop3A_319 = arith.constant 8192 : i32
      %parallel_loop3A_320 = vector.broadcast %parallel_loop3A_319 : i32 to vector<16xi32>
      %parallel_loop3A_321 = arith.addi %parallel_loop3A_242, %parallel_loop3A_320 : vector<16xi32>
      %parallel_loop3A_322 = tpu.vector_load_idx %arg5[%parallel_loop3A_321] : memref<24576xi32, #tpu.memory_space<vmem>>[vector<16xi32>], vector<16xi32>,
      %parallel_loop3A_323 = arith.constant 8192 : i32
      %parallel_loop3A_324 = vector.broadcast %parallel_loop3A_323 : i32 to vector<16xi32>
      %parallel_loop3A_325 = arith.addi %parallel_loop3A_263, %parallel_loop3A_324 : vector<16xi32>
      %parallel_loop3A_326 = tpu.vector_load_idx %arg5[%parallel_loop3A_325] : memref<24576xi32, #tpu.memory_space<vmem>>[vector<16xi32>], vector<16xi32>,
      %parallel_loop3A_327 = arith.constant 16 : i32
      %parallel_loop3A_328 = vector.broadcast %parallel_loop3A_327 : i32 to vector<16xi32>
      %parallel_loop3A_329 = arith.shli %parallel_loop3A_322, %parallel_loop3A_328 : vector<16xi32>
      %parallel_loop3A_330 = vector.bitcast %parallel_loop3A_329 : vector<16xi32> to vector<16xf32>
      %parallel_loop3A_331 = arith.andi %parallel_loop3A_326, %broadcast_in_dim3A_161 : vector<16xi32>
      %parallel_loop3A_332 = vector.bitcast %parallel_loop3A_331 : vector<16xi32> to vector<16xf32>
      %parallel_loop3A_333 = arith.constant 0.000000e+00 : f32
      %parallel_loop3A_334 = vector.broadcast %parallel_loop3A_333 : f32 to vector<16xf32>
      %parallel_loop3A_335 = arith.select %parallel_loop3A_245, %parallel_loop3A_330, %parallel_loop3A_334 : vector<16xi1>, vector<16xf32>
      %parallel_loop3A_336 = arith.addf %parallel_loop3A_318, %parallel_loop3A_335 : vector<16xf32>
      %parallel_loop3A_337 = arith.constant 0.000000e+00 : f32
      %parallel_loop3A_338 = vector.broadcast %parallel_loop3A_337 : f32 to vector<16xf32>
      %parallel_loop3A_339 = arith.select %parallel_loop3A_266, %parallel_loop3A_332, %parallel_loop3A_338 : vector<16xi1>, vector<16xf32>
      %parallel_loop3A_340 = arith.addf %parallel_loop3A_336, %parallel_loop3A_339 : vector<16xf32>
      %parallel_loop3A_341 = arith.constant 16384 : i32
      %parallel_loop3A_342 = vector.broadcast %parallel_loop3A_341 : i32 to vector<16xi32>
      %parallel_loop3A_343 = arith.addi %parallel_loop3A_284, %parallel_loop3A_342 : vector<16xi32>
      %parallel_loop3A_344 = tpu.vector_load_idx %arg5[%parallel_loop3A_343] : memref<24576xi32, #tpu.memory_space<vmem>>[vector<16xi32>], vector<16xi32>,
      %parallel_loop3A_345 = vector.bitcast %parallel_loop3A_344 : vector<16xi32> to vector<16xf32>
      %parallel_loop3A_346 = arith.constant 0.000000e+00 : f32
      %parallel_loop3A_347 = vector.broadcast %parallel_loop3A_346 : f32 to vector<16xf32>
      %parallel_loop3A_348 = arith.select %parallel_loop3A_287, %parallel_loop3A_345, %parallel_loop3A_347 : vector<16xi1>, vector<16xf32>
      %parallel_loop3A_349 = arith.addf %parallel_loop3A_340, %parallel_loop3A_348 : vector<16xf32>
      %parallel_loop3A_350 = arith.constant 1.000000e+00 : f32
      %parallel_loop3A_351 = vector.broadcast %parallel_loop3A_350 : f32 to vector<16xf32>
      %parallel_loop3A_352 = arith.maximumf %parallel_loop3A_296, %parallel_loop3A_351 : vector<16xf32>
      %parallel_loop3A_353 = arith.divf %parallel_loop3A_349, %parallel_loop3A_352 : vector<16xf32>
      %parallel_loop3A_354 = arith.constant 3 : i32
      %parallel_loop3A_355 = arith.index_cast %parallel_loop3A_354 : i32 to index
      %parallel_loop3A_356 = arith.index_cast %parallel_loop3A_187 : i32 to index
      %parallel_loop3A_357 = tpu.vector_load %arg7[%parallel_loop3A_355, %parallel_loop3A_356] {strides = array<i32>} : memref<8x256xf32, #tpu.memory_space<vmem>>, vector<16xf32>,
      tpu.vector_store %arg7[%parallel_loop3A_355, %parallel_loop3A_356], %parallel_loop3A_353 {strides = array<i32>} : memref<8x256xf32, #tpu.memory_space<vmem>>, vector<16xf32>,
    } {sc.loop_unroll_factor = 2 : i64, sc.parallel_access}
    %parallel_loop3A_173 = arith.constant 0 : i32
    %parallel_loop3A_174 = arith.constant 16 : i32
    %parallel_loop3A_175 = arith.constant 1 : i32
    scf.for %parallel_loop3A_185 = %parallel_loop3A_173 to %parallel_loop3A_174 step %parallel_loop3A_175  : i32 {
      %parallel_loop3A_186 = arith.constant 16 : i32
      %parallel_loop3A_187 = arith.muli %parallel_loop3A_185, %parallel_loop3A_186 : i32
      %parallel_loop3A_188 = arith.constant 0.000000e+00 : f32
      %parallel_loop3A_189 = vector.broadcast %parallel_loop3A_188 : f32 to vector<16xf32>
      %parallel_loop3A_190 = arith.constant 0.000000e+00 : f32
      %parallel_loop3A_191 = vector.broadcast %parallel_loop3A_190 : f32 to vector<16xf32>
      %parallel_loop3A_192 = arith.constant 0 : i32
      %parallel_loop3A_193 = arith.constant 4 : i32
      %parallel_loop3A_194 = arith.index_cast %parallel_loop3A_192 : i32 to index
      %parallel_loop3A_195 = arith.index_cast %parallel_loop3A_193 : i32 to index
      %parallel_loop3A_196 = arith.index_cast %parallel_loop3A_187 : i32 to index
      %parallel_loop3A_197 = tpu.vector_load %arg6[%parallel_loop3A_194, %parallel_loop3A_195, %parallel_loop3A_196] {strides = array<i32>} : memref<5x8x256xi32, #tpu.memory_space<vmem>>, vector<16xi32>,
      %parallel_loop3A_198 = arith.constant 0 : i32
      %parallel_loop3A_199 = vector.broadcast %parallel_loop3A_198 : i32 to vector<16xi32>
      %parallel_loop3A_200 = arith.maxsi %parallel_loop3A_197, %parallel_loop3A_199 : vector<16xi32>
      %parallel_loop3A_201 = arith.constant 0 : i32
      %parallel_loop3A_202 = vector.broadcast %parallel_loop3A_201 : i32 to vector<16xi32>
      %parallel_loop3A_203 = arith.cmpi sge, %parallel_loop3A_197, %parallel_loop3A_202 : vector<16xi32>
      %parallel_loop3A_204 = arith.constant 0 : i32
      %parallel_loop3A_205 = vector.broadcast %parallel_loop3A_204 : i32 to vector<16xi32>
      %parallel_loop3A_206 = arith.cmpi sge, %parallel_loop3A_197, %parallel_loop3A_205 : vector<16xi32>
      %parallel_loop3A_207 = arith.constant 1.000000e+00 : f32
      %parallel_loop3A_208 = arith.constant 0.000000e+00 : f32
      %parallel_loop3A_209 = vector.broadcast %parallel_loop3A_207 : f32 to vector<16xf32>
      %parallel_loop3A_210 = vector.broadcast %parallel_loop3A_208 : f32 to vector<16xf32>
      %parallel_loop3A_211 = arith.select %parallel_loop3A_206, %parallel_loop3A_209, %parallel_loop3A_210 : vector<16xi1>, vector<16xf32>
      %parallel_loop3A_212 = arith.addf %parallel_loop3A_191, %parallel_loop3A_211 : vector<16xf32>
      %parallel_loop3A_213 = arith.constant 1 : i32
      %parallel_loop3A_214 = arith.constant 4 : i32
      %parallel_loop3A_215 = arith.index_cast %parallel_loop3A_213 : i32 to index
      %parallel_loop3A_216 = arith.index_cast %parallel_loop3A_214 : i32 to index
      %parallel_loop3A_217 = arith.index_cast %parallel_loop3A_187 : i32 to index
      %parallel_loop3A_218 = tpu.vector_load %arg6[%parallel_loop3A_215, %parallel_loop3A_216, %parallel_loop3A_217] {strides = array<i32>} : memref<5x8x256xi32, #tpu.memory_space<vmem>>, vector<16xi32>,
      %parallel_loop3A_219 = arith.constant 0 : i32
      %parallel_loop3A_220 = vector.broadcast %parallel_loop3A_219 : i32 to vector<16xi32>
      %parallel_loop3A_221 = arith.maxsi %parallel_loop3A_218, %parallel_loop3A_220 : vector<16xi32>
      %parallel_loop3A_222 = arith.constant 0 : i32
      %parallel_loop3A_223 = vector.broadcast %parallel_loop3A_222 : i32 to vector<16xi32>
      %parallel_loop3A_224 = arith.cmpi sge, %parallel_loop3A_218, %parallel_loop3A_223 : vector<16xi32>
      %parallel_loop3A_225 = arith.constant 0 : i32
      %parallel_loop3A_226 = vector.broadcast %parallel_loop3A_225 : i32 to vector<16xi32>
      %parallel_loop3A_227 = arith.cmpi sge, %parallel_loop3A_218, %parallel_loop3A_226 : vector<16xi32>
      %parallel_loop3A_228 = arith.constant 1.000000e+00 : f32
      %parallel_loop3A_229 = arith.constant 0.000000e+00 : f32
      %parallel_loop3A_230 = vector.broadcast %parallel_loop3A_228 : f32 to vector<16xf32>
      %parallel_loop3A_231 = vector.broadcast %parallel_loop3A_229 : f32 to vector<16xf32>
      %parallel_loop3A_232 = arith.select %parallel_loop3A_227, %parallel_loop3A_230, %parallel_loop3A_231 : vector<16xi1>, vector<16xf32>
      %parallel_loop3A_233 = arith.addf %parallel_loop3A_212, %parallel_loop3A_232 : vector<16xf32>
      %parallel_loop3A_234 = arith.constant 2 : i32
      %parallel_loop3A_235 = arith.constant 4 : i32
      %parallel_loop3A_236 = arith.index_cast %parallel_loop3A_234 : i32 to index
      %parallel_loop3A_237 = arith.index_cast %parallel_loop3A_235 : i32 to index
      %parallel_loop3A_238 = arith.index_cast %parallel_loop3A_187 : i32 to index
      %parallel_loop3A_239 = tpu.vector_load %arg6[%parallel_loop3A_236, %parallel_loop3A_237, %parallel_loop3A_238] {strides = array<i32>} : memref<5x8x256xi32, #tpu.memory_space<vmem>>, vector<16xi32>,
      %parallel_loop3A_240 = arith.constant 0 : i32
      %parallel_loop3A_241 = vector.broadcast %parallel_loop3A_240 : i32 to vector<16xi32>
      %parallel_loop3A_242 = arith.maxsi %parallel_loop3A_239, %parallel_loop3A_241 : vector<16xi32>
      %parallel_loop3A_243 = arith.constant 0 : i32
      %parallel_loop3A_244 = vector.broadcast %parallel_loop3A_243 : i32 to vector<16xi32>
      %parallel_loop3A_245 = arith.cmpi sge, %parallel_loop3A_239, %parallel_loop3A_244 : vector<16xi32>
      %parallel_loop3A_246 = arith.constant 0 : i32
      %parallel_loop3A_247 = vector.broadcast %parallel_loop3A_246 : i32 to vector<16xi32>
      %parallel_loop3A_248 = arith.cmpi sge, %parallel_loop3A_239, %parallel_loop3A_247 : vector<16xi32>
      %parallel_loop3A_249 = arith.constant 1.000000e+00 : f32
      %parallel_loop3A_250 = arith.constant 0.000000e+00 : f32
      %parallel_loop3A_251 = vector.broadcast %parallel_loop3A_249 : f32 to vector<16xf32>
      %parallel_loop3A_252 = vector.broadcast %parallel_loop3A_250 : f32 to vector<16xf32>
      %parallel_loop3A_253 = arith.select %parallel_loop3A_248, %parallel_loop3A_251, %parallel_loop3A_252 : vector<16xi1>, vector<16xf32>
      %parallel_loop3A_254 = arith.addf %parallel_loop3A_233, %parallel_loop3A_253 : vector<16xf32>
      %parallel_loop3A_255 = arith.constant 3 : i32
      %parallel_loop3A_256 = arith.constant 4 : i32
      %parallel_loop3A_257 = arith.index_cast %parallel_loop3A_255 : i32 to index
      %parallel_loop3A_258 = arith.index_cast %parallel_loop3A_256 : i32 to index
      %parallel_loop3A_259 = arith.index_cast %parallel_loop3A_187 : i32 to index
      %parallel_loop3A_260 = tpu.vector_load %arg6[%parallel_loop3A_257, %parallel_loop3A_258, %parallel_loop3A_259] {strides = array<i32>} : memref<5x8x256xi32, #tpu.memory_space<vmem>>, vector<16xi32>,
      %parallel_loop3A_261 = arith.constant 0 : i32
      %parallel_loop3A_262 = vector.broadcast %parallel_loop3A_261 : i32 to vector<16xi32>
      %parallel_loop3A_263 = arith.maxsi %parallel_loop3A_260, %parallel_loop3A_262 : vector<16xi32>
      %parallel_loop3A_264 = arith.constant 0 : i32
      %parallel_loop3A_265 = vector.broadcast %parallel_loop3A_264 : i32 to vector<16xi32>
      %parallel_loop3A_266 = arith.cmpi sge, %parallel_loop3A_260, %parallel_loop3A_265 : vector<16xi32>
      %parallel_loop3A_267 = arith.constant 0 : i32
      %parallel_loop3A_268 = vector.broadcast %parallel_loop3A_267 : i32 to vector<16xi32>
      %parallel_loop3A_269 = arith.cmpi sge, %parallel_loop3A_260, %parallel_loop3A_268 : vector<16xi32>
      %parallel_loop3A_270 = arith.constant 1.000000e+00 : f32
      %parallel_loop3A_271 = arith.constant 0.000000e+00 : f32
      %parallel_loop3A_272 = vector.broadcast %parallel_loop3A_270 : f32 to vector<16xf32>
      %parallel_loop3A_273 = vector.broadcast %parallel_loop3A_271 : f32 to vector<16xf32>
      %parallel_loop3A_274 = arith.select %parallel_loop3A_269, %parallel_loop3A_272, %parallel_loop3A_273 : vector<16xi1>, vector<16xf32>
      %parallel_loop3A_275 = arith.addf %parallel_loop3A_254, %parallel_loop3A_274 : vector<16xf32>
      %parallel_loop3A_276 = arith.constant 4 : i32
      %parallel_loop3A_277 = arith.constant 4 : i32
      %parallel_loop3A_278 = arith.index_cast %parallel_loop3A_276 : i32 to index
      %parallel_loop3A_279 = arith.index_cast %parallel_loop3A_277 : i32 to index
      %parallel_loop3A_280 = arith.index_cast %parallel_loop3A_187 : i32 to index
      %parallel_loop3A_281 = tpu.vector_load %arg6[%parallel_loop3A_278, %parallel_loop3A_279, %parallel_loop3A_280] {strides = array<i32>} : memref<5x8x256xi32, #tpu.memory_space<vmem>>, vector<16xi32>,
      %parallel_loop3A_282 = arith.constant 0 : i32
      %parallel_loop3A_283 = vector.broadcast %parallel_loop3A_282 : i32 to vector<16xi32>
      %parallel_loop3A_284 = arith.maxsi %parallel_loop3A_281, %parallel_loop3A_283 : vector<16xi32>
      %parallel_loop3A_285 = arith.constant 0 : i32
      %parallel_loop3A_286 = vector.broadcast %parallel_loop3A_285 : i32 to vector<16xi32>
      %parallel_loop3A_287 = arith.cmpi sge, %parallel_loop3A_281, %parallel_loop3A_286 : vector<16xi32>
      %parallel_loop3A_288 = arith.constant 0 : i32
      %parallel_loop3A_289 = vector.broadcast %parallel_loop3A_288 : i32 to vector<16xi32>
      %parallel_loop3A_290 = arith.cmpi sge, %parallel_loop3A_281, %parallel_loop3A_289 : vector<16xi32>
      %parallel_loop3A_291 = arith.constant 1.000000e+00 : f32
      %parallel_loop3A_292 = arith.constant 0.000000e+00 : f32
      %parallel_loop3A_293 = vector.broadcast %parallel_loop3A_291 : f32 to vector<16xf32>
      %parallel_loop3A_294 = vector.broadcast %parallel_loop3A_292 : f32 to vector<16xf32>
      %parallel_loop3A_295 = arith.select %parallel_loop3A_290, %parallel_loop3A_293, %parallel_loop3A_294 : vector<16xi1>, vector<16xf32>
      %parallel_loop3A_296 = arith.addf %parallel_loop3A_275, %parallel_loop3A_295 : vector<16xf32>
      %parallel_loop3A_297 = arith.constant 0 : i32
      %parallel_loop3A_298 = vector.broadcast %parallel_loop3A_297 : i32 to vector<16xi32>
      %parallel_loop3A_299 = arith.addi %parallel_loop3A_200, %parallel_loop3A_298 : vector<16xi32>
      %parallel_loop3A_300 = tpu.vector_load_idx %arg5[%parallel_loop3A_299] : memref<24576xi32, #tpu.memory_space<vmem>>[vector<16xi32>], vector<16xi32>,
      %parallel_loop3A_301 = arith.constant 0 : i32
      %parallel_loop3A_302 = vector.broadcast %parallel_loop3A_301 : i32 to vector<16xi32>
      %parallel_loop3A_303 = arith.addi %parallel_loop3A_221, %parallel_loop3A_302 : vector<16xi32>
      %parallel_loop3A_304 = tpu.vector_load_idx %arg5[%parallel_loop3A_303] : memref<24576xi32, #tpu.memory_space<vmem>>[vector<16xi32>], vector<16xi32>,
      %parallel_loop3A_305 = arith.constant 16 : i32
      %parallel_loop3A_306 = vector.broadcast %parallel_loop3A_305 : i32 to vector<16xi32>
      %parallel_loop3A_307 = arith.shli %parallel_loop3A_300, %parallel_loop3A_306 : vector<16xi32>
      %parallel_loop3A_308 = vector.bitcast %parallel_loop3A_307 : vector<16xi32> to vector<16xf32>
      %parallel_loop3A_309 = arith.andi %parallel_loop3A_304, %broadcast_in_dim3A_161 : vector<16xi32>
      %parallel_loop3A_310 = vector.bitcast %parallel_loop3A_309 : vector<16xi32> to vector<16xf32>
      %parallel_loop3A_311 = arith.constant 0.000000e+00 : f32
      %parallel_loop3A_312 = vector.broadcast %parallel_loop3A_311 : f32 to vector<16xf32>
      %parallel_loop3A_313 = arith.select %parallel_loop3A_203, %parallel_loop3A_308, %parallel_loop3A_312 : vector<16xi1>, vector<16xf32>
      %parallel_loop3A_314 = arith.addf %parallel_loop3A_189, %parallel_loop3A_313 : vector<16xf32>
      %parallel_loop3A_315 = arith.constant 0.000000e+00 : f32
      %parallel_loop3A_316 = vector.broadcast %parallel_loop3A_315 : f32 to vector<16xf32>
      %parallel_loop3A_317 = arith.select %parallel_loop3A_224, %parallel_loop3A_310, %parallel_loop3A_316 : vector<16xi1>, vector<16xf32>
      %parallel_loop3A_318 = arith.addf %parallel_loop3A_314, %parallel_loop3A_317 : vector<16xf32>
      %parallel_loop3A_319 = arith.constant 8192 : i32
      %parallel_loop3A_320 = vector.broadcast %parallel_loop3A_319 : i32 to vector<16xi32>
      %parallel_loop3A_321 = arith.addi %parallel_loop3A_242, %parallel_loop3A_320 : vector<16xi32>
      %parallel_loop3A_322 = tpu.vector_load_idx %arg5[%parallel_loop3A_321] : memref<24576xi32, #tpu.memory_space<vmem>>[vector<16xi32>], vector<16xi32>,
      %parallel_loop3A_323 = arith.constant 8192 : i32
      %parallel_loop3A_324 = vector.broadcast %parallel_loop3A_323 : i32 to vector<16xi32>
      %parallel_loop3A_325 = arith.addi %parallel_loop3A_263, %parallel_loop3A_324 : vector<16xi32>
      %parallel_loop3A_326 = tpu.vector_load_idx %arg5[%parallel_loop3A_325] : memref<24576xi32, #tpu.memory_space<vmem>>[vector<16xi32>], vector<16xi32>,
      %parallel_loop3A_327 = arith.constant 16 : i32
      %parallel_loop3A_328 = vector.broadcast %parallel_loop3A_327 : i32 to vector<16xi32>
      %parallel_loop3A_329 = arith.shli %parallel_loop3A_322, %parallel_loop3A_328 : vector<16xi32>
      %parallel_loop3A_330 = vector.bitcast %parallel_loop3A_329 : vector<16xi32> to vector<16xf32>
      %parallel_loop3A_331 = arith.andi %parallel_loop3A_326, %broadcast_in_dim3A_161 : vector<16xi32>
      %parallel_loop3A_332 = vector.bitcast %parallel_loop3A_331 : vector<16xi32> to vector<16xf32>
      %parallel_loop3A_333 = arith.constant 0.000000e+00 : f32
      %parallel_loop3A_334 = vector.broadcast %parallel_loop3A_333 : f32 to vector<16xf32>
      %parallel_loop3A_335 = arith.select %parallel_loop3A_245, %parallel_loop3A_330, %parallel_loop3A_334 : vector<16xi1>, vector<16xf32>
      %parallel_loop3A_336 = arith.addf %parallel_loop3A_318, %parallel_loop3A_335 : vector<16xf32>
      %parallel_loop3A_337 = arith.constant 0.000000e+00 : f32
      %parallel_loop3A_338 = vector.broadcast %parallel_loop3A_337 : f32 to vector<16xf32>
      %parallel_loop3A_339 = arith.select %parallel_loop3A_266, %parallel_loop3A_332, %parallel_loop3A_338 : vector<16xi1>, vector<16xf32>
      %parallel_loop3A_340 = arith.addf %parallel_loop3A_336, %parallel_loop3A_339 : vector<16xf32>
      %parallel_loop3A_341 = arith.constant 16384 : i32
      %parallel_loop3A_342 = vector.broadcast %parallel_loop3A_341 : i32 to vector<16xi32>
      %parallel_loop3A_343 = arith.addi %parallel_loop3A_284, %parallel_loop3A_342 : vector<16xi32>
      %parallel_loop3A_344 = tpu.vector_load_idx %arg5[%parallel_loop3A_343] : memref<24576xi32, #tpu.memory_space<vmem>>[vector<16xi32>], vector<16xi32>,
      %parallel_loop3A_345 = vector.bitcast %parallel_loop3A_344 : vector<16xi32> to vector<16xf32>
      %parallel_loop3A_346 = arith.constant 0.000000e+00 : f32
      %parallel_loop3A_347 = vector.broadcast %parallel_loop3A_346 : f32 to vector<16xf32>
      %parallel_loop3A_348 = arith.select %parallel_loop3A_287, %parallel_loop3A_345, %parallel_loop3A_347 : vector<16xi1>, vector<16xf32>
      %parallel_loop3A_349 = arith.addf %parallel_loop3A_340, %parallel_loop3A_348 : vector<16xf32>
      %parallel_loop3A_350 = arith.constant 1.000000e+00 : f32
      %parallel_loop3A_351 = vector.broadcast %parallel_loop3A_350 : f32 to vector<16xf32>
      %parallel_loop3A_352 = arith.maximumf %parallel_loop3A_296, %parallel_loop3A_351 : vector<16xf32>
      %parallel_loop3A_353 = arith.divf %parallel_loop3A_349, %parallel_loop3A_352 : vector<16xf32>
      %parallel_loop3A_354 = arith.constant 4 : i32
      %parallel_loop3A_355 = arith.index_cast %parallel_loop3A_354 : i32 to index
      %parallel_loop3A_356 = arith.index_cast %parallel_loop3A_187 : i32 to index
      %parallel_loop3A_357 = tpu.vector_load %arg7[%parallel_loop3A_355, %parallel_loop3A_356] {strides = array<i32>} : memref<8x256xf32, #tpu.memory_space<vmem>>, vector<16xf32>,
      tpu.vector_store %arg7[%parallel_loop3A_355, %parallel_loop3A_356], %parallel_loop3A_353 {strides = array<i32>} : memref<8x256xf32, #tpu.memory_space<vmem>>, vector<16xf32>,
    } {sc.loop_unroll_factor = 2 : i64, sc.parallel_access}
    %parallel_loop3A_176 = arith.constant 0 : i32
    %parallel_loop3A_177 = arith.constant 16 : i32
    %parallel_loop3A_178 = arith.constant 1 : i32
    scf.for %parallel_loop3A_185 = %parallel_loop3A_176 to %parallel_loop3A_177 step %parallel_loop3A_178  : i32 {
      %parallel_loop3A_186 = arith.constant 16 : i32
      %parallel_loop3A_187 = arith.muli %parallel_loop3A_185, %parallel_loop3A_186 : i32
      %parallel_loop3A_188 = arith.constant 0.000000e+00 : f32
      %parallel_loop3A_189 = vector.broadcast %parallel_loop3A_188 : f32 to vector<16xf32>
      %parallel_loop3A_190 = arith.constant 0.000000e+00 : f32
      %parallel_loop3A_191 = vector.broadcast %parallel_loop3A_190 : f32 to vector<16xf32>
      %parallel_loop3A_192 = arith.constant 0 : i32
      %parallel_loop3A_193 = arith.constant 5 : i32
      %parallel_loop3A_194 = arith.index_cast %parallel_loop3A_192 : i32 to index
      %parallel_loop3A_195 = arith.index_cast %parallel_loop3A_193 : i32 to index
      %parallel_loop3A_196 = arith.index_cast %parallel_loop3A_187 : i32 to index
      %parallel_loop3A_197 = tpu.vector_load %arg6[%parallel_loop3A_194, %parallel_loop3A_195, %parallel_loop3A_196] {strides = array<i32>} : memref<5x8x256xi32, #tpu.memory_space<vmem>>, vector<16xi32>,
      %parallel_loop3A_198 = arith.constant 0 : i32
      %parallel_loop3A_199 = vector.broadcast %parallel_loop3A_198 : i32 to vector<16xi32>
      %parallel_loop3A_200 = arith.maxsi %parallel_loop3A_197, %parallel_loop3A_199 : vector<16xi32>
      %parallel_loop3A_201 = arith.constant 0 : i32
      %parallel_loop3A_202 = vector.broadcast %parallel_loop3A_201 : i32 to vector<16xi32>
      %parallel_loop3A_203 = arith.cmpi sge, %parallel_loop3A_197, %parallel_loop3A_202 : vector<16xi32>
      %parallel_loop3A_204 = arith.constant 0 : i32
      %parallel_loop3A_205 = vector.broadcast %parallel_loop3A_204 : i32 to vector<16xi32>
      %parallel_loop3A_206 = arith.cmpi sge, %parallel_loop3A_197, %parallel_loop3A_205 : vector<16xi32>
      %parallel_loop3A_207 = arith.constant 1.000000e+00 : f32
      %parallel_loop3A_208 = arith.constant 0.000000e+00 : f32
      %parallel_loop3A_209 = vector.broadcast %parallel_loop3A_207 : f32 to vector<16xf32>
      %parallel_loop3A_210 = vector.broadcast %parallel_loop3A_208 : f32 to vector<16xf32>
      %parallel_loop3A_211 = arith.select %parallel_loop3A_206, %parallel_loop3A_209, %parallel_loop3A_210 : vector<16xi1>, vector<16xf32>
      %parallel_loop3A_212 = arith.addf %parallel_loop3A_191, %parallel_loop3A_211 : vector<16xf32>
      %parallel_loop3A_213 = arith.constant 1 : i32
      %parallel_loop3A_214 = arith.constant 5 : i32
      %parallel_loop3A_215 = arith.index_cast %parallel_loop3A_213 : i32 to index
      %parallel_loop3A_216 = arith.index_cast %parallel_loop3A_214 : i32 to index
      %parallel_loop3A_217 = arith.index_cast %parallel_loop3A_187 : i32 to index
      %parallel_loop3A_218 = tpu.vector_load %arg6[%parallel_loop3A_215, %parallel_loop3A_216, %parallel_loop3A_217] {strides = array<i32>} : memref<5x8x256xi32, #tpu.memory_space<vmem>>, vector<16xi32>,
      %parallel_loop3A_219 = arith.constant 0 : i32
      %parallel_loop3A_220 = vector.broadcast %parallel_loop3A_219 : i32 to vector<16xi32>
      %parallel_loop3A_221 = arith.maxsi %parallel_loop3A_218, %parallel_loop3A_220 : vector<16xi32>
      %parallel_loop3A_222 = arith.constant 0 : i32
      %parallel_loop3A_223 = vector.broadcast %parallel_loop3A_222 : i32 to vector<16xi32>
      %parallel_loop3A_224 = arith.cmpi sge, %parallel_loop3A_218, %parallel_loop3A_223 : vector<16xi32>
      %parallel_loop3A_225 = arith.constant 0 : i32
      %parallel_loop3A_226 = vector.broadcast %parallel_loop3A_225 : i32 to vector<16xi32>
      %parallel_loop3A_227 = arith.cmpi sge, %parallel_loop3A_218, %parallel_loop3A_226 : vector<16xi32>
      %parallel_loop3A_228 = arith.constant 1.000000e+00 : f32
      %parallel_loop3A_229 = arith.constant 0.000000e+00 : f32
      %parallel_loop3A_230 = vector.broadcast %parallel_loop3A_228 : f32 to vector<16xf32>
      %parallel_loop3A_231 = vector.broadcast %parallel_loop3A_229 : f32 to vector<16xf32>
      %parallel_loop3A_232 = arith.select %parallel_loop3A_227, %parallel_loop3A_230, %parallel_loop3A_231 : vector<16xi1>, vector<16xf32>
      %parallel_loop3A_233 = arith.addf %parallel_loop3A_212, %parallel_loop3A_232 : vector<16xf32>
      %parallel_loop3A_234 = arith.constant 2 : i32
      %parallel_loop3A_235 = arith.constant 5 : i32
      %parallel_loop3A_236 = arith.index_cast %parallel_loop3A_234 : i32 to index
      %parallel_loop3A_237 = arith.index_cast %parallel_loop3A_235 : i32 to index
      %parallel_loop3A_238 = arith.index_cast %parallel_loop3A_187 : i32 to index
      %parallel_loop3A_239 = tpu.vector_load %arg6[%parallel_loop3A_236, %parallel_loop3A_237, %parallel_loop3A_238] {strides = array<i32>} : memref<5x8x256xi32, #tpu.memory_space<vmem>>, vector<16xi32>,
      %parallel_loop3A_240 = arith.constant 0 : i32
      %parallel_loop3A_241 = vector.broadcast %parallel_loop3A_240 : i32 to vector<16xi32>
      %parallel_loop3A_242 = arith.maxsi %parallel_loop3A_239, %parallel_loop3A_241 : vector<16xi32>
      %parallel_loop3A_243 = arith.constant 0 : i32
      %parallel_loop3A_244 = vector.broadcast %parallel_loop3A_243 : i32 to vector<16xi32>
      %parallel_loop3A_245 = arith.cmpi sge, %parallel_loop3A_239, %parallel_loop3A_244 : vector<16xi32>
      %parallel_loop3A_246 = arith.constant 0 : i32
      %parallel_loop3A_247 = vector.broadcast %parallel_loop3A_246 : i32 to vector<16xi32>
      %parallel_loop3A_248 = arith.cmpi sge, %parallel_loop3A_239, %parallel_loop3A_247 : vector<16xi32>
      %parallel_loop3A_249 = arith.constant 1.000000e+00 : f32
      %parallel_loop3A_250 = arith.constant 0.000000e+00 : f32
      %parallel_loop3A_251 = vector.broadcast %parallel_loop3A_249 : f32 to vector<16xf32>
      %parallel_loop3A_252 = vector.broadcast %parallel_loop3A_250 : f32 to vector<16xf32>
      %parallel_loop3A_253 = arith.select %parallel_loop3A_248, %parallel_loop3A_251, %parallel_loop3A_252 : vector<16xi1>, vector<16xf32>
      %parallel_loop3A_254 = arith.addf %parallel_loop3A_233, %parallel_loop3A_253 : vector<16xf32>
      %parallel_loop3A_255 = arith.constant 3 : i32
      %parallel_loop3A_256 = arith.constant 5 : i32
      %parallel_loop3A_257 = arith.index_cast %parallel_loop3A_255 : i32 to index
      %parallel_loop3A_258 = arith.index_cast %parallel_loop3A_256 : i32 to index
      %parallel_loop3A_259 = arith.index_cast %parallel_loop3A_187 : i32 to index
      %parallel_loop3A_260 = tpu.vector_load %arg6[%parallel_loop3A_257, %parallel_loop3A_258, %parallel_loop3A_259] {strides = array<i32>} : memref<5x8x256xi32, #tpu.memory_space<vmem>>, vector<16xi32>,
      %parallel_loop3A_261 = arith.constant 0 : i32
      %parallel_loop3A_262 = vector.broadcast %parallel_loop3A_261 : i32 to vector<16xi32>
      %parallel_loop3A_263 = arith.maxsi %parallel_loop3A_260, %parallel_loop3A_262 : vector<16xi32>
      %parallel_loop3A_264 = arith.constant 0 : i32
      %parallel_loop3A_265 = vector.broadcast %parallel_loop3A_264 : i32 to vector<16xi32>
      %parallel_loop3A_266 = arith.cmpi sge, %parallel_loop3A_260, %parallel_loop3A_265 : vector<16xi32>
      %parallel_loop3A_267 = arith.constant 0 : i32
      %parallel_loop3A_268 = vector.broadcast %parallel_loop3A_267 : i32 to vector<16xi32>
      %parallel_loop3A_269 = arith.cmpi sge, %parallel_loop3A_260, %parallel_loop3A_268 : vector<16xi32>
      %parallel_loop3A_270 = arith.constant 1.000000e+00 : f32
      %parallel_loop3A_271 = arith.constant 0.000000e+00 : f32
      %parallel_loop3A_272 = vector.broadcast %parallel_loop3A_270 : f32 to vector<16xf32>
      %parallel_loop3A_273 = vector.broadcast %parallel_loop3A_271 : f32 to vector<16xf32>
      %parallel_loop3A_274 = arith.select %parallel_loop3A_269, %parallel_loop3A_272, %parallel_loop3A_273 : vector<16xi1>, vector<16xf32>
      %parallel_loop3A_275 = arith.addf %parallel_loop3A_254, %parallel_loop3A_274 : vector<16xf32>
      %parallel_loop3A_276 = arith.constant 4 : i32
      %parallel_loop3A_277 = arith.constant 5 : i32
      %parallel_loop3A_278 = arith.index_cast %parallel_loop3A_276 : i32 to index
      %parallel_loop3A_279 = arith.index_cast %parallel_loop3A_277 : i32 to index
      %parallel_loop3A_280 = arith.index_cast %parallel_loop3A_187 : i32 to index
      %parallel_loop3A_281 = tpu.vector_load %arg6[%parallel_loop3A_278, %parallel_loop3A_279, %parallel_loop3A_280] {strides = array<i32>} : memref<5x8x256xi32, #tpu.memory_space<vmem>>, vector<16xi32>,
      %parallel_loop3A_282 = arith.constant 0 : i32
      %parallel_loop3A_283 = vector.broadcast %parallel_loop3A_282 : i32 to vector<16xi32>
      %parallel_loop3A_284 = arith.maxsi %parallel_loop3A_281, %parallel_loop3A_283 : vector<16xi32>
      %parallel_loop3A_285 = arith.constant 0 : i32
      %parallel_loop3A_286 = vector.broadcast %parallel_loop3A_285 : i32 to vector<16xi32>
      %parallel_loop3A_287 = arith.cmpi sge, %parallel_loop3A_281, %parallel_loop3A_286 : vector<16xi32>
      %parallel_loop3A_288 = arith.constant 0 : i32
      %parallel_loop3A_289 = vector.broadcast %parallel_loop3A_288 : i32 to vector<16xi32>
      %parallel_loop3A_290 = arith.cmpi sge, %parallel_loop3A_281, %parallel_loop3A_289 : vector<16xi32>
      %parallel_loop3A_291 = arith.constant 1.000000e+00 : f32
      %parallel_loop3A_292 = arith.constant 0.000000e+00 : f32
      %parallel_loop3A_293 = vector.broadcast %parallel_loop3A_291 : f32 to vector<16xf32>
      %parallel_loop3A_294 = vector.broadcast %parallel_loop3A_292 : f32 to vector<16xf32>
      %parallel_loop3A_295 = arith.select %parallel_loop3A_290, %parallel_loop3A_293, %parallel_loop3A_294 : vector<16xi1>, vector<16xf32>
      %parallel_loop3A_296 = arith.addf %parallel_loop3A_275, %parallel_loop3A_295 : vector<16xf32>
      %parallel_loop3A_297 = arith.constant 0 : i32
      %parallel_loop3A_298 = vector.broadcast %parallel_loop3A_297 : i32 to vector<16xi32>
      %parallel_loop3A_299 = arith.addi %parallel_loop3A_200, %parallel_loop3A_298 : vector<16xi32>
      %parallel_loop3A_300 = tpu.vector_load_idx %arg5[%parallel_loop3A_299] : memref<24576xi32, #tpu.memory_space<vmem>>[vector<16xi32>], vector<16xi32>,
      %parallel_loop3A_301 = arith.constant 0 : i32
      %parallel_loop3A_302 = vector.broadcast %parallel_loop3A_301 : i32 to vector<16xi32>
      %parallel_loop3A_303 = arith.addi %parallel_loop3A_221, %parallel_loop3A_302 : vector<16xi32>
      %parallel_loop3A_304 = tpu.vector_load_idx %arg5[%parallel_loop3A_303] : memref<24576xi32, #tpu.memory_space<vmem>>[vector<16xi32>], vector<16xi32>,
      %parallel_loop3A_305 = arith.constant 16 : i32
      %parallel_loop3A_306 = vector.broadcast %parallel_loop3A_305 : i32 to vector<16xi32>
      %parallel_loop3A_307 = arith.shli %parallel_loop3A_300, %parallel_loop3A_306 : vector<16xi32>
      %parallel_loop3A_308 = vector.bitcast %parallel_loop3A_307 : vector<16xi32> to vector<16xf32>
      %parallel_loop3A_309 = arith.andi %parallel_loop3A_304, %broadcast_in_dim3A_161 : vector<16xi32>
      %parallel_loop3A_310 = vector.bitcast %parallel_loop3A_309 : vector<16xi32> to vector<16xf32>
      %parallel_loop3A_311 = arith.constant 0.000000e+00 : f32
      %parallel_loop3A_312 = vector.broadcast %parallel_loop3A_311 : f32 to vector<16xf32>
      %parallel_loop3A_313 = arith.select %parallel_loop3A_203, %parallel_loop3A_308, %parallel_loop3A_312 : vector<16xi1>, vector<16xf32>
      %parallel_loop3A_314 = arith.addf %parallel_loop3A_189, %parallel_loop3A_313 : vector<16xf32>
      %parallel_loop3A_315 = arith.constant 0.000000e+00 : f32
      %parallel_loop3A_316 = vector.broadcast %parallel_loop3A_315 : f32 to vector<16xf32>
      %parallel_loop3A_317 = arith.select %parallel_loop3A_224, %parallel_loop3A_310, %parallel_loop3A_316 : vector<16xi1>, vector<16xf32>
      %parallel_loop3A_318 = arith.addf %parallel_loop3A_314, %parallel_loop3A_317 : vector<16xf32>
      %parallel_loop3A_319 = arith.constant 8192 : i32
      %parallel_loop3A_320 = vector.broadcast %parallel_loop3A_319 : i32 to vector<16xi32>
      %parallel_loop3A_321 = arith.addi %parallel_loop3A_242, %parallel_loop3A_320 : vector<16xi32>
      %parallel_loop3A_322 = tpu.vector_load_idx %arg5[%parallel_loop3A_321] : memref<24576xi32, #tpu.memory_space<vmem>>[vector<16xi32>], vector<16xi32>,
      %parallel_loop3A_323 = arith.constant 8192 : i32
      %parallel_loop3A_324 = vector.broadcast %parallel_loop3A_323 : i32 to vector<16xi32>
      %parallel_loop3A_325 = arith.addi %parallel_loop3A_263, %parallel_loop3A_324 : vector<16xi32>
      %parallel_loop3A_326 = tpu.vector_load_idx %arg5[%parallel_loop3A_325] : memref<24576xi32, #tpu.memory_space<vmem>>[vector<16xi32>], vector<16xi32>,
      %parallel_loop3A_327 = arith.constant 16 : i32
      %parallel_loop3A_328 = vector.broadcast %parallel_loop3A_327 : i32 to vector<16xi32>
      %parallel_loop3A_329 = arith.shli %parallel_loop3A_322, %parallel_loop3A_328 : vector<16xi32>
      %parallel_loop3A_330 = vector.bitcast %parallel_loop3A_329 : vector<16xi32> to vector<16xf32>
      %parallel_loop3A_331 = arith.andi %parallel_loop3A_326, %broadcast_in_dim3A_161 : vector<16xi32>
      %parallel_loop3A_332 = vector.bitcast %parallel_loop3A_331 : vector<16xi32> to vector<16xf32>
      %parallel_loop3A_333 = arith.constant 0.000000e+00 : f32
      %parallel_loop3A_334 = vector.broadcast %parallel_loop3A_333 : f32 to vector<16xf32>
      %parallel_loop3A_335 = arith.select %parallel_loop3A_245, %parallel_loop3A_330, %parallel_loop3A_334 : vector<16xi1>, vector<16xf32>
      %parallel_loop3A_336 = arith.addf %parallel_loop3A_318, %parallel_loop3A_335 : vector<16xf32>
      %parallel_loop3A_337 = arith.constant 0.000000e+00 : f32
      %parallel_loop3A_338 = vector.broadcast %parallel_loop3A_337 : f32 to vector<16xf32>
      %parallel_loop3A_339 = arith.select %parallel_loop3A_266, %parallel_loop3A_332, %parallel_loop3A_338 : vector<16xi1>, vector<16xf32>
      %parallel_loop3A_340 = arith.addf %parallel_loop3A_336, %parallel_loop3A_339 : vector<16xf32>
      %parallel_loop3A_341 = arith.constant 16384 : i32
      %parallel_loop3A_342 = vector.broadcast %parallel_loop3A_341 : i32 to vector<16xi32>
      %parallel_loop3A_343 = arith.addi %parallel_loop3A_284, %parallel_loop3A_342 : vector<16xi32>
      %parallel_loop3A_344 = tpu.vector_load_idx %arg5[%parallel_loop3A_343] : memref<24576xi32, #tpu.memory_space<vmem>>[vector<16xi32>], vector<16xi32>,
      %parallel_loop3A_345 = vector.bitcast %parallel_loop3A_344 : vector<16xi32> to vector<16xf32>
      %parallel_loop3A_346 = arith.constant 0.000000e+00 : f32
      %parallel_loop3A_347 = vector.broadcast %parallel_loop3A_346 : f32 to vector<16xf32>
      %parallel_loop3A_348 = arith.select %parallel_loop3A_287, %parallel_loop3A_345, %parallel_loop3A_347 : vector<16xi1>, vector<16xf32>
      %parallel_loop3A_349 = arith.addf %parallel_loop3A_340, %parallel_loop3A_348 : vector<16xf32>
      %parallel_loop3A_350 = arith.constant 1.000000e+00 : f32
      %parallel_loop3A_351 = vector.broadcast %parallel_loop3A_350 : f32 to vector<16xf32>
      %parallel_loop3A_352 = arith.maximumf %parallel_loop3A_296, %parallel_loop3A_351 : vector<16xf32>
      %parallel_loop3A_353 = arith.divf %parallel_loop3A_349, %parallel_loop3A_352 : vector<16xf32>
      %parallel_loop3A_354 = arith.constant 5 : i32
      %parallel_loop3A_355 = arith.index_cast %parallel_loop3A_354 : i32 to index
      %parallel_loop3A_356 = arith.index_cast %parallel_loop3A_187 : i32 to index
      %parallel_loop3A_357 = tpu.vector_load %arg7[%parallel_loop3A_355, %parallel_loop3A_356] {strides = array<i32>} : memref<8x256xf32, #tpu.memory_space<vmem>>, vector<16xf32>,
      tpu.vector_store %arg7[%parallel_loop3A_355, %parallel_loop3A_356], %parallel_loop3A_353 {strides = array<i32>} : memref<8x256xf32, #tpu.memory_space<vmem>>, vector<16xf32>,
    } {sc.loop_unroll_factor = 2 : i64, sc.parallel_access}
    %parallel_loop3A_179 = arith.constant 0 : i32
    %parallel_loop3A_180 = arith.constant 16 : i32
    %parallel_loop3A_181 = arith.constant 1 : i32
    scf.for %parallel_loop3A_185 = %parallel_loop3A_179 to %parallel_loop3A_180 step %parallel_loop3A_181  : i32 {
      %parallel_loop3A_186 = arith.constant 16 : i32
      %parallel_loop3A_187 = arith.muli %parallel_loop3A_185, %parallel_loop3A_186 : i32
      %parallel_loop3A_188 = arith.constant 0.000000e+00 : f32
      %parallel_loop3A_189 = vector.broadcast %parallel_loop3A_188 : f32 to vector<16xf32>
      %parallel_loop3A_190 = arith.constant 0.000000e+00 : f32
      %parallel_loop3A_191 = vector.broadcast %parallel_loop3A_190 : f32 to vector<16xf32>
      %parallel_loop3A_192 = arith.constant 0 : i32
      %parallel_loop3A_193 = arith.constant 6 : i32
      %parallel_loop3A_194 = arith.index_cast %parallel_loop3A_192 : i32 to index
      %parallel_loop3A_195 = arith.index_cast %parallel_loop3A_193 : i32 to index
      %parallel_loop3A_196 = arith.index_cast %parallel_loop3A_187 : i32 to index
      %parallel_loop3A_197 = tpu.vector_load %arg6[%parallel_loop3A_194, %parallel_loop3A_195, %parallel_loop3A_196] {strides = array<i32>} : memref<5x8x256xi32, #tpu.memory_space<vmem>>, vector<16xi32>,
      %parallel_loop3A_198 = arith.constant 0 : i32
      %parallel_loop3A_199 = vector.broadcast %parallel_loop3A_198 : i32 to vector<16xi32>
      %parallel_loop3A_200 = arith.maxsi %parallel_loop3A_197, %parallel_loop3A_199 : vector<16xi32>
      %parallel_loop3A_201 = arith.constant 0 : i32
      %parallel_loop3A_202 = vector.broadcast %parallel_loop3A_201 : i32 to vector<16xi32>
      %parallel_loop3A_203 = arith.cmpi sge, %parallel_loop3A_197, %parallel_loop3A_202 : vector<16xi32>
      %parallel_loop3A_204 = arith.constant 0 : i32
      %parallel_loop3A_205 = vector.broadcast %parallel_loop3A_204 : i32 to vector<16xi32>
      %parallel_loop3A_206 = arith.cmpi sge, %parallel_loop3A_197, %parallel_loop3A_205 : vector<16xi32>
      %parallel_loop3A_207 = arith.constant 1.000000e+00 : f32
      %parallel_loop3A_208 = arith.constant 0.000000e+00 : f32
      %parallel_loop3A_209 = vector.broadcast %parallel_loop3A_207 : f32 to vector<16xf32>
      %parallel_loop3A_210 = vector.broadcast %parallel_loop3A_208 : f32 to vector<16xf32>
      %parallel_loop3A_211 = arith.select %parallel_loop3A_206, %parallel_loop3A_209, %parallel_loop3A_210 : vector<16xi1>, vector<16xf32>
      %parallel_loop3A_212 = arith.addf %parallel_loop3A_191, %parallel_loop3A_211 : vector<16xf32>
      %parallel_loop3A_213 = arith.constant 1 : i32
      %parallel_loop3A_214 = arith.constant 6 : i32
      %parallel_loop3A_215 = arith.index_cast %parallel_loop3A_213 : i32 to index
      %parallel_loop3A_216 = arith.index_cast %parallel_loop3A_214 : i32 to index
      %parallel_loop3A_217 = arith.index_cast %parallel_loop3A_187 : i32 to index
      %parallel_loop3A_218 = tpu.vector_load %arg6[%parallel_loop3A_215, %parallel_loop3A_216, %parallel_loop3A_217] {strides = array<i32>} : memref<5x8x256xi32, #tpu.memory_space<vmem>>, vector<16xi32>,
      %parallel_loop3A_219 = arith.constant 0 : i32
      %parallel_loop3A_220 = vector.broadcast %parallel_loop3A_219 : i32 to vector<16xi32>
      %parallel_loop3A_221 = arith.maxsi %parallel_loop3A_218, %parallel_loop3A_220 : vector<16xi32>
      %parallel_loop3A_222 = arith.constant 0 : i32
      %parallel_loop3A_223 = vector.broadcast %parallel_loop3A_222 : i32 to vector<16xi32>
      %parallel_loop3A_224 = arith.cmpi sge, %parallel_loop3A_218, %parallel_loop3A_223 : vector<16xi32>
      %parallel_loop3A_225 = arith.constant 0 : i32
      %parallel_loop3A_226 = vector.broadcast %parallel_loop3A_225 : i32 to vector<16xi32>
      %parallel_loop3A_227 = arith.cmpi sge, %parallel_loop3A_218, %parallel_loop3A_226 : vector<16xi32>
      %parallel_loop3A_228 = arith.constant 1.000000e+00 : f32
      %parallel_loop3A_229 = arith.constant 0.000000e+00 : f32
      %parallel_loop3A_230 = vector.broadcast %parallel_loop3A_228 : f32 to vector<16xf32>
      %parallel_loop3A_231 = vector.broadcast %parallel_loop3A_229 : f32 to vector<16xf32>
      %parallel_loop3A_232 = arith.select %parallel_loop3A_227, %parallel_loop3A_230, %parallel_loop3A_231 : vector<16xi1>, vector<16xf32>
      %parallel_loop3A_233 = arith.addf %parallel_loop3A_212, %parallel_loop3A_232 : vector<16xf32>
      %parallel_loop3A_234 = arith.constant 2 : i32
      %parallel_loop3A_235 = arith.constant 6 : i32
      %parallel_loop3A_236 = arith.index_cast %parallel_loop3A_234 : i32 to index
      %parallel_loop3A_237 = arith.index_cast %parallel_loop3A_235 : i32 to index
      %parallel_loop3A_238 = arith.index_cast %parallel_loop3A_187 : i32 to index
      %parallel_loop3A_239 = tpu.vector_load %arg6[%parallel_loop3A_236, %parallel_loop3A_237, %parallel_loop3A_238] {strides = array<i32>} : memref<5x8x256xi32, #tpu.memory_space<vmem>>, vector<16xi32>,
      %parallel_loop3A_240 = arith.constant 0 : i32
      %parallel_loop3A_241 = vector.broadcast %parallel_loop3A_240 : i32 to vector<16xi32>
      %parallel_loop3A_242 = arith.maxsi %parallel_loop3A_239, %parallel_loop3A_241 : vector<16xi32>
      %parallel_loop3A_243 = arith.constant 0 : i32
      %parallel_loop3A_244 = vector.broadcast %parallel_loop3A_243 : i32 to vector<16xi32>
      %parallel_loop3A_245 = arith.cmpi sge, %parallel_loop3A_239, %parallel_loop3A_244 : vector<16xi32>
      %parallel_loop3A_246 = arith.constant 0 : i32
      %parallel_loop3A_247 = vector.broadcast %parallel_loop3A_246 : i32 to vector<16xi32>
      %parallel_loop3A_248 = arith.cmpi sge, %parallel_loop3A_239, %parallel_loop3A_247 : vector<16xi32>
      %parallel_loop3A_249 = arith.constant 1.000000e+00 : f32
      %parallel_loop3A_250 = arith.constant 0.000000e+00 : f32
      %parallel_loop3A_251 = vector.broadcast %parallel_loop3A_249 : f32 to vector<16xf32>
      %parallel_loop3A_252 = vector.broadcast %parallel_loop3A_250 : f32 to vector<16xf32>
      %parallel_loop3A_253 = arith.select %parallel_loop3A_248, %parallel_loop3A_251, %parallel_loop3A_252 : vector<16xi1>, vector<16xf32>
      %parallel_loop3A_254 = arith.addf %parallel_loop3A_233, %parallel_loop3A_253 : vector<16xf32>
      %parallel_loop3A_255 = arith.constant 3 : i32
      %parallel_loop3A_256 = arith.constant 6 : i32
      %parallel_loop3A_257 = arith.index_cast %parallel_loop3A_255 : i32 to index
      %parallel_loop3A_258 = arith.index_cast %parallel_loop3A_256 : i32 to index
      %parallel_loop3A_259 = arith.index_cast %parallel_loop3A_187 : i32 to index
      %parallel_loop3A_260 = tpu.vector_load %arg6[%parallel_loop3A_257, %parallel_loop3A_258, %parallel_loop3A_259] {strides = array<i32>} : memref<5x8x256xi32, #tpu.memory_space<vmem>>, vector<16xi32>,
      %parallel_loop3A_261 = arith.constant 0 : i32
      %parallel_loop3A_262 = vector.broadcast %parallel_loop3A_261 : i32 to vector<16xi32>
      %parallel_loop3A_263 = arith.maxsi %parallel_loop3A_260, %parallel_loop3A_262 : vector<16xi32>
      %parallel_loop3A_264 = arith.constant 0 : i32
      %parallel_loop3A_265 = vector.broadcast %parallel_loop3A_264 : i32 to vector<16xi32>
      %parallel_loop3A_266 = arith.cmpi sge, %parallel_loop3A_260, %parallel_loop3A_265 : vector<16xi32>
      %parallel_loop3A_267 = arith.constant 0 : i32
      %parallel_loop3A_268 = vector.broadcast %parallel_loop3A_267 : i32 to vector<16xi32>
      %parallel_loop3A_269 = arith.cmpi sge, %parallel_loop3A_260, %parallel_loop3A_268 : vector<16xi32>
      %parallel_loop3A_270 = arith.constant 1.000000e+00 : f32
      %parallel_loop3A_271 = arith.constant 0.000000e+00 : f32
      %parallel_loop3A_272 = vector.broadcast %parallel_loop3A_270 : f32 to vector<16xf32>
      %parallel_loop3A_273 = vector.broadcast %parallel_loop3A_271 : f32 to vector<16xf32>
      %parallel_loop3A_274 = arith.select %parallel_loop3A_269, %parallel_loop3A_272, %parallel_loop3A_273 : vector<16xi1>, vector<16xf32>
      %parallel_loop3A_275 = arith.addf %parallel_loop3A_254, %parallel_loop3A_274 : vector<16xf32>
      %parallel_loop3A_276 = arith.constant 4 : i32
      %parallel_loop3A_277 = arith.constant 6 : i32
      %parallel_loop3A_278 = arith.index_cast %parallel_loop3A_276 : i32 to index
      %parallel_loop3A_279 = arith.index_cast %parallel_loop3A_277 : i32 to index
      %parallel_loop3A_280 = arith.index_cast %parallel_loop3A_187 : i32 to index
      %parallel_loop3A_281 = tpu.vector_load %arg6[%parallel_loop3A_278, %parallel_loop3A_279, %parallel_loop3A_280] {strides = array<i32>} : memref<5x8x256xi32, #tpu.memory_space<vmem>>, vector<16xi32>,
      %parallel_loop3A_282 = arith.constant 0 : i32
      %parallel_loop3A_283 = vector.broadcast %parallel_loop3A_282 : i32 to vector<16xi32>
      %parallel_loop3A_284 = arith.maxsi %parallel_loop3A_281, %parallel_loop3A_283 : vector<16xi32>
      %parallel_loop3A_285 = arith.constant 0 : i32
      %parallel_loop3A_286 = vector.broadcast %parallel_loop3A_285 : i32 to vector<16xi32>
      %parallel_loop3A_287 = arith.cmpi sge, %parallel_loop3A_281, %parallel_loop3A_286 : vector<16xi32>
      %parallel_loop3A_288 = arith.constant 0 : i32
      %parallel_loop3A_289 = vector.broadcast %parallel_loop3A_288 : i32 to vector<16xi32>
      %parallel_loop3A_290 = arith.cmpi sge, %parallel_loop3A_281, %parallel_loop3A_289 : vector<16xi32>
      %parallel_loop3A_291 = arith.constant 1.000000e+00 : f32
      %parallel_loop3A_292 = arith.constant 0.000000e+00 : f32
      %parallel_loop3A_293 = vector.broadcast %parallel_loop3A_291 : f32 to vector<16xf32>
      %parallel_loop3A_294 = vector.broadcast %parallel_loop3A_292 : f32 to vector<16xf32>
      %parallel_loop3A_295 = arith.select %parallel_loop3A_290, %parallel_loop3A_293, %parallel_loop3A_294 : vector<16xi1>, vector<16xf32>
      %parallel_loop3A_296 = arith.addf %parallel_loop3A_275, %parallel_loop3A_295 : vector<16xf32>
      %parallel_loop3A_297 = arith.constant 0 : i32
      %parallel_loop3A_298 = vector.broadcast %parallel_loop3A_297 : i32 to vector<16xi32>
      %parallel_loop3A_299 = arith.addi %parallel_loop3A_200, %parallel_loop3A_298 : vector<16xi32>
      %parallel_loop3A_300 = tpu.vector_load_idx %arg5[%parallel_loop3A_299] : memref<24576xi32, #tpu.memory_space<vmem>>[vector<16xi32>], vector<16xi32>,
      %parallel_loop3A_301 = arith.constant 0 : i32
      %parallel_loop3A_302 = vector.broadcast %parallel_loop3A_301 : i32 to vector<16xi32>
      %parallel_loop3A_303 = arith.addi %parallel_loop3A_221, %parallel_loop3A_302 : vector<16xi32>
      %parallel_loop3A_304 = tpu.vector_load_idx %arg5[%parallel_loop3A_303] : memref<24576xi32, #tpu.memory_space<vmem>>[vector<16xi32>], vector<16xi32>,
      %parallel_loop3A_305 = arith.constant 16 : i32
      %parallel_loop3A_306 = vector.broadcast %parallel_loop3A_305 : i32 to vector<16xi32>
      %parallel_loop3A_307 = arith.shli %parallel_loop3A_300, %parallel_loop3A_306 : vector<16xi32>
      %parallel_loop3A_308 = vector.bitcast %parallel_loop3A_307 : vector<16xi32> to vector<16xf32>
      %parallel_loop3A_309 = arith.andi %parallel_loop3A_304, %broadcast_in_dim3A_161 : vector<16xi32>
      %parallel_loop3A_310 = vector.bitcast %parallel_loop3A_309 : vector<16xi32> to vector<16xf32>
      %parallel_loop3A_311 = arith.constant 0.000000e+00 : f32
      %parallel_loop3A_312 = vector.broadcast %parallel_loop3A_311 : f32 to vector<16xf32>
      %parallel_loop3A_313 = arith.select %parallel_loop3A_203, %parallel_loop3A_308, %parallel_loop3A_312 : vector<16xi1>, vector<16xf32>
      %parallel_loop3A_314 = arith.addf %parallel_loop3A_189, %parallel_loop3A_313 : vector<16xf32>
      %parallel_loop3A_315 = arith.constant 0.000000e+00 : f32
      %parallel_loop3A_316 = vector.broadcast %parallel_loop3A_315 : f32 to vector<16xf32>
      %parallel_loop3A_317 = arith.select %parallel_loop3A_224, %parallel_loop3A_310, %parallel_loop3A_316 : vector<16xi1>, vector<16xf32>
      %parallel_loop3A_318 = arith.addf %parallel_loop3A_314, %parallel_loop3A_317 : vector<16xf32>
      %parallel_loop3A_319 = arith.constant 8192 : i32
      %parallel_loop3A_320 = vector.broadcast %parallel_loop3A_319 : i32 to vector<16xi32>
      %parallel_loop3A_321 = arith.addi %parallel_loop3A_242, %parallel_loop3A_320 : vector<16xi32>
      %parallel_loop3A_322 = tpu.vector_load_idx %arg5[%parallel_loop3A_321] : memref<24576xi32, #tpu.memory_space<vmem>>[vector<16xi32>], vector<16xi32>,
      %parallel_loop3A_323 = arith.constant 8192 : i32
      %parallel_loop3A_324 = vector.broadcast %parallel_loop3A_323 : i32 to vector<16xi32>
      %parallel_loop3A_325 = arith.addi %parallel_loop3A_263, %parallel_loop3A_324 : vector<16xi32>
      %parallel_loop3A_326 = tpu.vector_load_idx %arg5[%parallel_loop3A_325] : memref<24576xi32, #tpu.memory_space<vmem>>[vector<16xi32>], vector<16xi32>,
      %parallel_loop3A_327 = arith.constant 16 : i32
      %parallel_loop3A_328 = vector.broadcast %parallel_loop3A_327 : i32 to vector<16xi32>
      %parallel_loop3A_329 = arith.shli %parallel_loop3A_322, %parallel_loop3A_328 : vector<16xi32>
      %parallel_loop3A_330 = vector.bitcast %parallel_loop3A_329 : vector<16xi32> to vector<16xf32>
      %parallel_loop3A_331 = arith.andi %parallel_loop3A_326, %broadcast_in_dim3A_161 : vector<16xi32>
      %parallel_loop3A_332 = vector.bitcast %parallel_loop3A_331 : vector<16xi32> to vector<16xf32>
      %parallel_loop3A_333 = arith.constant 0.000000e+00 : f32
      %parallel_loop3A_334 = vector.broadcast %parallel_loop3A_333 : f32 to vector<16xf32>
      %parallel_loop3A_335 = arith.select %parallel_loop3A_245, %parallel_loop3A_330, %parallel_loop3A_334 : vector<16xi1>, vector<16xf32>
      %parallel_loop3A_336 = arith.addf %parallel_loop3A_318, %parallel_loop3A_335 : vector<16xf32>
      %parallel_loop3A_337 = arith.constant 0.000000e+00 : f32
      %parallel_loop3A_338 = vector.broadcast %parallel_loop3A_337 : f32 to vector<16xf32>
      %parallel_loop3A_339 = arith.select %parallel_loop3A_266, %parallel_loop3A_332, %parallel_loop3A_338 : vector<16xi1>, vector<16xf32>
      %parallel_loop3A_340 = arith.addf %parallel_loop3A_336, %parallel_loop3A_339 : vector<16xf32>
      %parallel_loop3A_341 = arith.constant 16384 : i32
      %parallel_loop3A_342 = vector.broadcast %parallel_loop3A_341 : i32 to vector<16xi32>
      %parallel_loop3A_343 = arith.addi %parallel_loop3A_284, %parallel_loop3A_342 : vector<16xi32>
      %parallel_loop3A_344 = tpu.vector_load_idx %arg5[%parallel_loop3A_343] : memref<24576xi32, #tpu.memory_space<vmem>>[vector<16xi32>], vector<16xi32>,
      %parallel_loop3A_345 = vector.bitcast %parallel_loop3A_344 : vector<16xi32> to vector<16xf32>
      %parallel_loop3A_346 = arith.constant 0.000000e+00 : f32
      %parallel_loop3A_347 = vector.broadcast %parallel_loop3A_346 : f32 to vector<16xf32>
      %parallel_loop3A_348 = arith.select %parallel_loop3A_287, %parallel_loop3A_345, %parallel_loop3A_347 : vector<16xi1>, vector<16xf32>
      %parallel_loop3A_349 = arith.addf %parallel_loop3A_340, %parallel_loop3A_348 : vector<16xf32>
      %parallel_loop3A_350 = arith.constant 1.000000e+00 : f32
      %parallel_loop3A_351 = vector.broadcast %parallel_loop3A_350 : f32 to vector<16xf32>
      %parallel_loop3A_352 = arith.maximumf %parallel_loop3A_296, %parallel_loop3A_351 : vector<16xf32>
      %parallel_loop3A_353 = arith.divf %parallel_loop3A_349, %parallel_loop3A_352 : vector<16xf32>
      %parallel_loop3A_354 = arith.constant 6 : i32
      %parallel_loop3A_355 = arith.index_cast %parallel_loop3A_354 : i32 to index
      %parallel_loop3A_356 = arith.index_cast %parallel_loop3A_187 : i32 to index
      %parallel_loop3A_357 = tpu.vector_load %arg7[%parallel_loop3A_355, %parallel_loop3A_356] {strides = array<i32>} : memref<8x256xf32, #tpu.memory_space<vmem>>, vector<16xf32>,
      tpu.vector_store %arg7[%parallel_loop3A_355, %parallel_loop3A_356], %parallel_loop3A_353 {strides = array<i32>} : memref<8x256xf32, #tpu.memory_space<vmem>>, vector<16xf32>,
    } {sc.loop_unroll_factor = 2 : i64, sc.parallel_access}
    %parallel_loop3A_182 = arith.constant 0 : i32
    %parallel_loop3A_183 = arith.constant 16 : i32
    %parallel_loop3A_184 = arith.constant 1 : i32
    scf.for %parallel_loop3A_185 = %parallel_loop3A_182 to %parallel_loop3A_183 step %parallel_loop3A_184  : i32 {
      %parallel_loop3A_186 = arith.constant 16 : i32
      %parallel_loop3A_187 = arith.muli %parallel_loop3A_185, %parallel_loop3A_186 : i32
      %parallel_loop3A_188 = arith.constant 0.000000e+00 : f32
      %parallel_loop3A_189 = vector.broadcast %parallel_loop3A_188 : f32 to vector<16xf32>
      %parallel_loop3A_190 = arith.constant 0.000000e+00 : f32
      %parallel_loop3A_191 = vector.broadcast %parallel_loop3A_190 : f32 to vector<16xf32>
      %parallel_loop3A_192 = arith.constant 0 : i32
      %parallel_loop3A_193 = arith.constant 7 : i32
      %parallel_loop3A_194 = arith.index_cast %parallel_loop3A_192 : i32 to index
      %parallel_loop3A_195 = arith.index_cast %parallel_loop3A_193 : i32 to index
      %parallel_loop3A_196 = arith.index_cast %parallel_loop3A_187 : i32 to index
      %parallel_loop3A_197 = tpu.vector_load %arg6[%parallel_loop3A_194, %parallel_loop3A_195, %parallel_loop3A_196] {strides = array<i32>} : memref<5x8x256xi32, #tpu.memory_space<vmem>>, vector<16xi32>,
      %parallel_loop3A_198 = arith.constant 0 : i32
      %parallel_loop3A_199 = vector.broadcast %parallel_loop3A_198 : i32 to vector<16xi32>
      %parallel_loop3A_200 = arith.maxsi %parallel_loop3A_197, %parallel_loop3A_199 : vector<16xi32>
      %parallel_loop3A_201 = arith.constant 0 : i32
      %parallel_loop3A_202 = vector.broadcast %parallel_loop3A_201 : i32 to vector<16xi32>
      %parallel_loop3A_203 = arith.cmpi sge, %parallel_loop3A_197, %parallel_loop3A_202 : vector<16xi32>
      %parallel_loop3A_204 = arith.constant 0 : i32
      %parallel_loop3A_205 = vector.broadcast %parallel_loop3A_204 : i32 to vector<16xi32>
      %parallel_loop3A_206 = arith.cmpi sge, %parallel_loop3A_197, %parallel_loop3A_205 : vector<16xi32>
      %parallel_loop3A_207 = arith.constant 1.000000e+00 : f32
      %parallel_loop3A_208 = arith.constant 0.000000e+00 : f32
      %parallel_loop3A_209 = vector.broadcast %parallel_loop3A_207 : f32 to vector<16xf32>
      %parallel_loop3A_210 = vector.broadcast %parallel_loop3A_208 : f32 to vector<16xf32>
      %parallel_loop3A_211 = arith.select %parallel_loop3A_206, %parallel_loop3A_209, %parallel_loop3A_210 : vector<16xi1>, vector<16xf32>
      %parallel_loop3A_212 = arith.addf %parallel_loop3A_191, %parallel_loop3A_211 : vector<16xf32>
      %parallel_loop3A_213 = arith.constant 1 : i32
      %parallel_loop3A_214 = arith.constant 7 : i32
      %parallel_loop3A_215 = arith.index_cast %parallel_loop3A_213 : i32 to index
      %parallel_loop3A_216 = arith.index_cast %parallel_loop3A_214 : i32 to index
      %parallel_loop3A_217 = arith.index_cast %parallel_loop3A_187 : i32 to index
      %parallel_loop3A_218 = tpu.vector_load %arg6[%parallel_loop3A_215, %parallel_loop3A_216, %parallel_loop3A_217] {strides = array<i32>} : memref<5x8x256xi32, #tpu.memory_space<vmem>>, vector<16xi32>,
      %parallel_loop3A_219 = arith.constant 0 : i32
      %parallel_loop3A_220 = vector.broadcast %parallel_loop3A_219 : i32 to vector<16xi32>
      %parallel_loop3A_221 = arith.maxsi %parallel_loop3A_218, %parallel_loop3A_220 : vector<16xi32>
      %parallel_loop3A_222 = arith.constant 0 : i32
      %parallel_loop3A_223 = vector.broadcast %parallel_loop3A_222 : i32 to vector<16xi32>
      %parallel_loop3A_224 = arith.cmpi sge, %parallel_loop3A_218, %parallel_loop3A_223 : vector<16xi32>
      %parallel_loop3A_225 = arith.constant 0 : i32
      %parallel_loop3A_226 = vector.broadcast %parallel_loop3A_225 : i32 to vector<16xi32>
      %parallel_loop3A_227 = arith.cmpi sge, %parallel_loop3A_218, %parallel_loop3A_226 : vector<16xi32>
      %parallel_loop3A_228 = arith.constant 1.000000e+00 : f32
      %parallel_loop3A_229 = arith.constant 0.000000e+00 : f32
      %parallel_loop3A_230 = vector.broadcast %parallel_loop3A_228 : f32 to vector<16xf32>
      %parallel_loop3A_231 = vector.broadcast %parallel_loop3A_229 : f32 to vector<16xf32>
      %parallel_loop3A_232 = arith.select %parallel_loop3A_227, %parallel_loop3A_230, %parallel_loop3A_231 : vector<16xi1>, vector<16xf32>
      %parallel_loop3A_233 = arith.addf %parallel_loop3A_212, %parallel_loop3A_232 : vector<16xf32>
      %parallel_loop3A_234 = arith.constant 2 : i32
      %parallel_loop3A_235 = arith.constant 7 : i32
      %parallel_loop3A_236 = arith.index_cast %parallel_loop3A_234 : i32 to index
      %parallel_loop3A_237 = arith.index_cast %parallel_loop3A_235 : i32 to index
      %parallel_loop3A_238 = arith.index_cast %parallel_loop3A_187 : i32 to index
      %parallel_loop3A_239 = tpu.vector_load %arg6[%parallel_loop3A_236, %parallel_loop3A_237, %parallel_loop3A_238] {strides = array<i32>} : memref<5x8x256xi32, #tpu.memory_space<vmem>>, vector<16xi32>,
      %parallel_loop3A_240 = arith.constant 0 : i32
      %parallel_loop3A_241 = vector.broadcast %parallel_loop3A_240 : i32 to vector<16xi32>
      %parallel_loop3A_242 = arith.maxsi %parallel_loop3A_239, %parallel_loop3A_241 : vector<16xi32>
      %parallel_loop3A_243 = arith.constant 0 : i32
      %parallel_loop3A_244 = vector.broadcast %parallel_loop3A_243 : i32 to vector<16xi32>
      %parallel_loop3A_245 = arith.cmpi sge, %parallel_loop3A_239, %parallel_loop3A_244 : vector<16xi32>
      %parallel_loop3A_246 = arith.constant 0 : i32
      %parallel_loop3A_247 = vector.broadcast %parallel_loop3A_246 : i32 to vector<16xi32>
      %parallel_loop3A_248 = arith.cmpi sge, %parallel_loop3A_239, %parallel_loop3A_247 : vector<16xi32>
      %parallel_loop3A_249 = arith.constant 1.000000e+00 : f32
      %parallel_loop3A_250 = arith.constant 0.000000e+00 : f32
      %parallel_loop3A_251 = vector.broadcast %parallel_loop3A_249 : f32 to vector<16xf32>
      %parallel_loop3A_252 = vector.broadcast %parallel_loop3A_250 : f32 to vector<16xf32>
      %parallel_loop3A_253 = arith.select %parallel_loop3A_248, %parallel_loop3A_251, %parallel_loop3A_252 : vector<16xi1>, vector<16xf32>
      %parallel_loop3A_254 = arith.addf %parallel_loop3A_233, %parallel_loop3A_253 : vector<16xf32>
      %parallel_loop3A_255 = arith.constant 3 : i32
      %parallel_loop3A_256 = arith.constant 7 : i32
      %parallel_loop3A_257 = arith.index_cast %parallel_loop3A_255 : i32 to index
      %parallel_loop3A_258 = arith.index_cast %parallel_loop3A_256 : i32 to index
      %parallel_loop3A_259 = arith.index_cast %parallel_loop3A_187 : i32 to index
      %parallel_loop3A_260 = tpu.vector_load %arg6[%parallel_loop3A_257, %parallel_loop3A_258, %parallel_loop3A_259] {strides = array<i32>} : memref<5x8x256xi32, #tpu.memory_space<vmem>>, vector<16xi32>,
      %parallel_loop3A_261 = arith.constant 0 : i32
      %parallel_loop3A_262 = vector.broadcast %parallel_loop3A_261 : i32 to vector<16xi32>
      %parallel_loop3A_263 = arith.maxsi %parallel_loop3A_260, %parallel_loop3A_262 : vector<16xi32>
      %parallel_loop3A_264 = arith.constant 0 : i32
      %parallel_loop3A_265 = vector.broadcast %parallel_loop3A_264 : i32 to vector<16xi32>
      %parallel_loop3A_266 = arith.cmpi sge, %parallel_loop3A_260, %parallel_loop3A_265 : vector<16xi32>
      %parallel_loop3A_267 = arith.constant 0 : i32
      %parallel_loop3A_268 = vector.broadcast %parallel_loop3A_267 : i32 to vector<16xi32>
      %parallel_loop3A_269 = arith.cmpi sge, %parallel_loop3A_260, %parallel_loop3A_268 : vector<16xi32>
      %parallel_loop3A_270 = arith.constant 1.000000e+00 : f32
      %parallel_loop3A_271 = arith.constant 0.000000e+00 : f32
      %parallel_loop3A_272 = vector.broadcast %parallel_loop3A_270 : f32 to vector<16xf32>
      %parallel_loop3A_273 = vector.broadcast %parallel_loop3A_271 : f32 to vector<16xf32>
      %parallel_loop3A_274 = arith.select %parallel_loop3A_269, %parallel_loop3A_272, %parallel_loop3A_273 : vector<16xi1>, vector<16xf32>
      %parallel_loop3A_275 = arith.addf %parallel_loop3A_254, %parallel_loop3A_274 : vector<16xf32>
      %parallel_loop3A_276 = arith.constant 4 : i32
      %parallel_loop3A_277 = arith.constant 7 : i32
      %parallel_loop3A_278 = arith.index_cast %parallel_loop3A_276 : i32 to index
      %parallel_loop3A_279 = arith.index_cast %parallel_loop3A_277 : i32 to index
      %parallel_loop3A_280 = arith.index_cast %parallel_loop3A_187 : i32 to index
      %parallel_loop3A_281 = tpu.vector_load %arg6[%parallel_loop3A_278, %parallel_loop3A_279, %parallel_loop3A_280] {strides = array<i32>} : memref<5x8x256xi32, #tpu.memory_space<vmem>>, vector<16xi32>,
      %parallel_loop3A_282 = arith.constant 0 : i32
      %parallel_loop3A_283 = vector.broadcast %parallel_loop3A_282 : i32 to vector<16xi32>
      %parallel_loop3A_284 = arith.maxsi %parallel_loop3A_281, %parallel_loop3A_283 : vector<16xi32>
      %parallel_loop3A_285 = arith.constant 0 : i32
      %parallel_loop3A_286 = vector.broadcast %parallel_loop3A_285 : i32 to vector<16xi32>
      %parallel_loop3A_287 = arith.cmpi sge, %parallel_loop3A_281, %parallel_loop3A_286 : vector<16xi32>
      %parallel_loop3A_288 = arith.constant 0 : i32
      %parallel_loop3A_289 = vector.broadcast %parallel_loop3A_288 : i32 to vector<16xi32>
      %parallel_loop3A_290 = arith.cmpi sge, %parallel_loop3A_281, %parallel_loop3A_289 : vector<16xi32>
      %parallel_loop3A_291 = arith.constant 1.000000e+00 : f32
      %parallel_loop3A_292 = arith.constant 0.000000e+00 : f32
      %parallel_loop3A_293 = vector.broadcast %parallel_loop3A_291 : f32 to vector<16xf32>
      %parallel_loop3A_294 = vector.broadcast %parallel_loop3A_292 : f32 to vector<16xf32>
      %parallel_loop3A_295 = arith.select %parallel_loop3A_290, %parallel_loop3A_293, %parallel_loop3A_294 : vector<16xi1>, vector<16xf32>
      %parallel_loop3A_296 = arith.addf %parallel_loop3A_275, %parallel_loop3A_295 : vector<16xf32>
      %parallel_loop3A_297 = arith.constant 0 : i32
      %parallel_loop3A_298 = vector.broadcast %parallel_loop3A_297 : i32 to vector<16xi32>
      %parallel_loop3A_299 = arith.addi %parallel_loop3A_200, %parallel_loop3A_298 : vector<16xi32>
      %parallel_loop3A_300 = tpu.vector_load_idx %arg5[%parallel_loop3A_299] : memref<24576xi32, #tpu.memory_space<vmem>>[vector<16xi32>], vector<16xi32>,
      %parallel_loop3A_301 = arith.constant 0 : i32
      %parallel_loop3A_302 = vector.broadcast %parallel_loop3A_301 : i32 to vector<16xi32>
      %parallel_loop3A_303 = arith.addi %parallel_loop3A_221, %parallel_loop3A_302 : vector<16xi32>
      %parallel_loop3A_304 = tpu.vector_load_idx %arg5[%parallel_loop3A_303] : memref<24576xi32, #tpu.memory_space<vmem>>[vector<16xi32>], vector<16xi32>,
      %parallel_loop3A_305 = arith.constant 16 : i32
      %parallel_loop3A_306 = vector.broadcast %parallel_loop3A_305 : i32 to vector<16xi32>
      %parallel_loop3A_307 = arith.shli %parallel_loop3A_300, %parallel_loop3A_306 : vector<16xi32>
      %parallel_loop3A_308 = vector.bitcast %parallel_loop3A_307 : vector<16xi32> to vector<16xf32>
      %parallel_loop3A_309 = arith.andi %parallel_loop3A_304, %broadcast_in_dim3A_161 : vector<16xi32>
      %parallel_loop3A_310 = vector.bitcast %parallel_loop3A_309 : vector<16xi32> to vector<16xf32>
      %parallel_loop3A_311 = arith.constant 0.000000e+00 : f32
      %parallel_loop3A_312 = vector.broadcast %parallel_loop3A_311 : f32 to vector<16xf32>
      %parallel_loop3A_313 = arith.select %parallel_loop3A_203, %parallel_loop3A_308, %parallel_loop3A_312 : vector<16xi1>, vector<16xf32>
      %parallel_loop3A_314 = arith.addf %parallel_loop3A_189, %parallel_loop3A_313 : vector<16xf32>
      %parallel_loop3A_315 = arith.constant 0.000000e+00 : f32
      %parallel_loop3A_316 = vector.broadcast %parallel_loop3A_315 : f32 to vector<16xf32>
      %parallel_loop3A_317 = arith.select %parallel_loop3A_224, %parallel_loop3A_310, %parallel_loop3A_316 : vector<16xi1>, vector<16xf32>
      %parallel_loop3A_318 = arith.addf %parallel_loop3A_314, %parallel_loop3A_317 : vector<16xf32>
      %parallel_loop3A_319 = arith.constant 8192 : i32
      %parallel_loop3A_320 = vector.broadcast %parallel_loop3A_319 : i32 to vector<16xi32>
      %parallel_loop3A_321 = arith.addi %parallel_loop3A_242, %parallel_loop3A_320 : vector<16xi32>
      %parallel_loop3A_322 = tpu.vector_load_idx %arg5[%parallel_loop3A_321] : memref<24576xi32, #tpu.memory_space<vmem>>[vector<16xi32>], vector<16xi32>,
      %parallel_loop3A_323 = arith.constant 8192 : i32
      %parallel_loop3A_324 = vector.broadcast %parallel_loop3A_323 : i32 to vector<16xi32>
      %parallel_loop3A_325 = arith.addi %parallel_loop3A_263, %parallel_loop3A_324 : vector<16xi32>
      %parallel_loop3A_326 = tpu.vector_load_idx %arg5[%parallel_loop3A_325] : memref<24576xi32, #tpu.memory_space<vmem>>[vector<16xi32>], vector<16xi32>,
      %parallel_loop3A_327 = arith.constant 16 : i32
      %parallel_loop3A_328 = vector.broadcast %parallel_loop3A_327 : i32 to vector<16xi32>
      %parallel_loop3A_329 = arith.shli %parallel_loop3A_322, %parallel_loop3A_328 : vector<16xi32>
      %parallel_loop3A_330 = vector.bitcast %parallel_loop3A_329 : vector<16xi32> to vector<16xf32>
      %parallel_loop3A_331 = arith.andi %parallel_loop3A_326, %broadcast_in_dim3A_161 : vector<16xi32>
      %parallel_loop3A_332 = vector.bitcast %parallel_loop3A_331 : vector<16xi32> to vector<16xf32>
      %parallel_loop3A_333 = arith.constant 0.000000e+00 : f32
      %parallel_loop3A_334 = vector.broadcast %parallel_loop3A_333 : f32 to vector<16xf32>
      %parallel_loop3A_335 = arith.select %parallel_loop3A_245, %parallel_loop3A_330, %parallel_loop3A_334 : vector<16xi1>, vector<16xf32>
      %parallel_loop3A_336 = arith.addf %parallel_loop3A_318, %parallel_loop3A_335 : vector<16xf32>
      %parallel_loop3A_337 = arith.constant 0.000000e+00 : f32
      %parallel_loop3A_338 = vector.broadcast %parallel_loop3A_337 : f32 to vector<16xf32>
      %parallel_loop3A_339 = arith.select %parallel_loop3A_266, %parallel_loop3A_332, %parallel_loop3A_338 : vector<16xi1>, vector<16xf32>
      %parallel_loop3A_340 = arith.addf %parallel_loop3A_336, %parallel_loop3A_339 : vector<16xf32>
      %parallel_loop3A_341 = arith.constant 16384 : i32
      %parallel_loop3A_342 = vector.broadcast %parallel_loop3A_341 : i32 to vector<16xi32>
      %parallel_loop3A_343 = arith.addi %parallel_loop3A_284, %parallel_loop3A_342 : vector<16xi32>
      %parallel_loop3A_344 = tpu.vector_load_idx %arg5[%parallel_loop3A_343] : memref<24576xi32, #tpu.memory_space<vmem>>[vector<16xi32>], vector<16xi32>,
      %parallel_loop3A_345 = vector.bitcast %parallel_loop3A_344 : vector<16xi32> to vector<16xf32>
      %parallel_loop3A_346 = arith.constant 0.000000e+00 : f32
      %parallel_loop3A_347 = vector.broadcast %parallel_loop3A_346 : f32 to vector<16xf32>
      %parallel_loop3A_348 = arith.select %parallel_loop3A_287, %parallel_loop3A_345, %parallel_loop3A_347 : vector<16xi1>, vector<16xf32>
      %parallel_loop3A_349 = arith.addf %parallel_loop3A_340, %parallel_loop3A_348 : vector<16xf32>
      %parallel_loop3A_350 = arith.constant 1.000000e+00 : f32
      %parallel_loop3A_351 = vector.broadcast %parallel_loop3A_350 : f32 to vector<16xf32>
      %parallel_loop3A_352 = arith.maximumf %parallel_loop3A_296, %parallel_loop3A_351 : vector<16xf32>
      %parallel_loop3A_353 = arith.divf %parallel_loop3A_349, %parallel_loop3A_352 : vector<16xf32>
      %parallel_loop3A_354 = arith.constant 7 : i32
      %parallel_loop3A_355 = arith.index_cast %parallel_loop3A_354 : i32 to index
      %parallel_loop3A_356 = arith.index_cast %parallel_loop3A_187 : i32 to index
      %parallel_loop3A_357 = tpu.vector_load %arg7[%parallel_loop3A_355, %parallel_loop3A_356] {strides = array<i32>} : memref<8x256xf32, #tpu.memory_space<vmem>>, vector<16xf32>,
      tpu.vector_store %arg7[%parallel_loop3A_355, %parallel_loop3A_356], %parallel_loop3A_353 {strides = array<i32>} : memref<8x256xf32, #tpu.memory_space<vmem>>, vector<16xf32>,
    } {sc.loop_unroll_factor = 2 : i64, sc.parallel_access}
    "tpu.region"() ({
      %run_scoped3A = tpu.sem_alloc : memref<!tpu.dma_semaphore, #tpu.memory_space<semaphore_mem>>
      %dma_start3A_185 = arith.constant 0 : i32
      %dma_start3A_186 = tpu.memref_slice %arg4[%mul3A_2, %dma_start3A_185] : memref<256x256xf32, #tpu.memory_space<hbm>> -> memref<8x256xf32, #tpu.memory_space<hbm>>
      %dma_start3A_187 = arith.constant 0 : i32
      %dma_start3A_188 = tpu.memref_slice %arg4[%mul3A_2, %dma_start3A_187] : memref<256x256xf32, #tpu.memory_space<hbm>> -> memref<8x256xf32, #tpu.memory_space<hbm>>
      tpu.enqueue_dma source(%arg7 : memref<8x256xf32, #tpu.memory_space<vmem>>) target(%dma_start3A_188 : memref<8x256xf32, #tpu.memory_space<hbm>>) target_semaphore(%run_scoped3A : memref<!tpu.dma_semaphore, #tpu.memory_space<semaphore_mem>>)
      %dma_wait3A_189 = arith.constant 0 : i32
      %dma_wait3A_190 = tpu.memref_slice %arg4[%mul3A_2, %dma_wait3A_189] : memref<256x256xf32, #tpu.memory_space<hbm>> -> memref<8x256xf32, #tpu.memory_space<hbm>>
      %dma_wait3A_191 = arith.constant 0 : i32
      %dma_wait3A_192 = tpu.memref_slice %arg4[%mul3A_2, %dma_wait3A_191] : memref<256x256xf32, #tpu.memory_space<hbm>> -> memref<8x256xf32, #tpu.memory_space<hbm>>
      tpu.wait_dma2 semaphore(%run_scoped3A : memref<!tpu.dma_semaphore, #tpu.memory_space<semaphore_mem>>) src(%arg7 : memref<8x256xf32, #tpu.memory_space<vmem>>) dst(%dma_wait3A_192 : memref<8x256xf32, #tpu.memory_space<hbm>>)
      tpu.yield
    }) : () -> ()
    return
  }
}

module attributes {stable_mosaic.version = 14 : i64} {
  func.func @_wt_body(%arg0: memref<8x64xf32, #tpu.memory_space<vmem>>, %arg1: memref<8192x64xf32, #tpu.memory_space<vmem>>, %arg2: memref<3x8192xi32, #tpu.memory_space<vmem>>) attributes {dimension_semantics = [], scalar_prefetch = 0 : i64, scratch_operands = 0 : i64, tpu.core_type = #tpu.core_type<tc>} {
    %get3A = arith.constant 0 : index
    %get3A_0 = arith.constant 0 : index
    %get3A_1 = vector.load %arg0[%get3A, %get3A_0] : memref<8x64xf32, #tpu.memory_space<vmem>>, vector<8x64xf32>
    %get3A_2 = arith.constant 0 : index
    %get3A_3 = arith.constant 0 : index
    %get3A_4 = vector.load %arg1[%get3A_2, %get3A_3] : memref<8192x64xf32, #tpu.memory_space<vmem>>, vector<8192x64xf32>
    %dot_general3A = arith.constant dense<0.000000e+00> : vector<8x8192xf32>
    %dot_general3A_5 = tpu.matmul %get3A_1, %get3A_4, %dot_general3A {dimension_numbers = #tpu.dot_dimension_numbers<[1], [1], [0], [0], [0, 0, 1, 0], [], []>, transpose_lhs_hint = false} : vector<8x64xf32>, vector<8192x64xf32>, vector<8x8192xf32> -> vector<8x8192xf32>
    %slice3A = vector.extract_strided_slice %dot_general3A_5 {offsets = [0, 0], sizes = [1, 8192], strides = [1, 1]} : vector<8x8192xf32> to vector<1x8192xf32>
    %slice3A_6 = vector.extract_strided_slice %dot_general3A_5 {offsets = [1, 0], sizes = [1, 8192], strides = [1, 1]} : vector<8x8192xf32> to vector<1x8192xf32>
    %convert_element_type3A = arith.truncf %slice3A : vector<1x8192xf32> to vector<1x8192xbf16>
    %bitcast_convert_type3A = tpu.bitcast %convert_element_type3A : vector<1x8192xbf16> -> vector<1x8192xi16>
    %convert_element_type3A_7 = arith.truncf %slice3A_6 : vector<1x8192xf32> to vector<1x8192xbf16>
    %bitcast_convert_type3A_8 = tpu.bitcast %convert_element_type3A_7 : vector<1x8192xbf16> -> vector<1x8192xi16>
    %convert_element_type3A_9 = arith.extui %bitcast_convert_type3A : vector<1x8192xi16> to vector<1x8192xi32>
    %convert_element_type3A_10 = arith.extui %bitcast_convert_type3A_8 : vector<1x8192xi16> to vector<1x8192xi32>
    %shift_left3A = arith.constant 16 : i32
    %shift_left3A_11 = vector.broadcast %shift_left3A : i32 to vector<1x8192xi32>
    %shift_left3A_12 = arith.shli %convert_element_type3A_10, %shift_left3A_11 : vector<1x8192xi32>
    %or3A = arith.ori %convert_element_type3A_9, %shift_left3A_12 : vector<1x8192xi32>
    %swap3A = arith.constant 0 : index
    %swap3A_13 = arith.constant 0 : index
    %swap3A_14 = vector.load %arg2[%swap3A, %swap3A_13] : memref<3x8192xi32, #tpu.memory_space<vmem>>, vector<1x8192xi32>
    tpu.vector_store %arg2[%swap3A, %swap3A_13], %or3A {strides = array<i32>} : memref<3x8192xi32, #tpu.memory_space<vmem>>, vector<1x8192xi32>,
    %slice3A_15 = vector.extract_strided_slice %dot_general3A_5 {offsets = [2, 0], sizes = [1, 8192], strides = [1, 1]} : vector<8x8192xf32> to vector<1x8192xf32>
    %slice3A_16 = vector.extract_strided_slice %dot_general3A_5 {offsets = [3, 0], sizes = [1, 8192], strides = [1, 1]} : vector<8x8192xf32> to vector<1x8192xf32>
    %convert_element_type3A_17 = arith.truncf %slice3A_15 : vector<1x8192xf32> to vector<1x8192xbf16>
    %bitcast_convert_type3A_18 = tpu.bitcast %convert_element_type3A_17 : vector<1x8192xbf16> -> vector<1x8192xi16>
    %convert_element_type3A_19 = arith.truncf %slice3A_16 : vector<1x8192xf32> to vector<1x8192xbf16>
    %bitcast_convert_type3A_20 = tpu.bitcast %convert_element_type3A_19 : vector<1x8192xbf16> -> vector<1x8192xi16>
    %convert_element_type3A_21 = arith.extui %bitcast_convert_type3A_18 : vector<1x8192xi16> to vector<1x8192xi32>
    %convert_element_type3A_22 = arith.extui %bitcast_convert_type3A_20 : vector<1x8192xi16> to vector<1x8192xi32>
    %shift_left3A_23 = arith.constant 16 : i32
    %shift_left3A_24 = vector.broadcast %shift_left3A_23 : i32 to vector<1x8192xi32>
    %shift_left3A_25 = arith.shli %convert_element_type3A_22, %shift_left3A_24 : vector<1x8192xi32>
    %or3A_26 = arith.ori %convert_element_type3A_21, %shift_left3A_25 : vector<1x8192xi32>
    %swap3A_27 = arith.constant 1 : index
    %swap3A_28 = arith.constant 0 : index
    %swap3A_29 = vector.load %arg2[%swap3A_27, %swap3A_28] : memref<3x8192xi32, #tpu.memory_space<vmem>>, vector<1x8192xi32>
    tpu.vector_store %arg2[%swap3A_27, %swap3A_28], %or3A_26 {strides = array<i32>} : memref<3x8192xi32, #tpu.memory_space<vmem>>, vector<1x8192xi32>,
    %slice3A_30 = vector.extract_strided_slice %dot_general3A_5 {offsets = [4, 0], sizes = [1, 8192], strides = [1, 1]} : vector<8x8192xf32> to vector<1x8192xf32>
    %bitcast_convert_type3A_31 = tpu.bitcast %slice3A_30 : vector<1x8192xf32> -> vector<1x8192xi32>
    %swap3A_32 = arith.constant 2 : index
    %swap3A_33 = arith.constant 0 : index
    %swap3A_34 = vector.load %arg2[%swap3A_32, %swap3A_33] : memref<3x8192xi32, #tpu.memory_space<vmem>>, vector<1x8192xi32>
    tpu.vector_store %arg2[%swap3A_32, %swap3A_33], %bitcast_convert_type3A_31 {strides = array<i32>} : memref<3x8192xi32, #tpu.memory_space<vmem>>, vector<1x8192xi32>,
    return
  }
}

</mosaic_0001>

<sc_bundles>
// kernel: kernel.4.cloned.1.call-start
scs
__scs_entry_jumppad:
0x0: {  	(pc) =	sbr.rel $0x88, $3  }
0x1: {  	(tag) =	ssettag $0x0;
	lr =	simm.s32 $0x1  }
0x2: {  	[smem:$0x3F9E] =	sst lr;
	_ =	strace $0xD0000000  }
0x3: {  	_ = 	snop  }
0x4: {  	_ = 	snop  }
0x5: {  	_ = 	snop  }
0x6: {  	_ = 	snop  }
0x7: {  	_ = 	snop  }
__scs_overlays_trampoline_lowered:
0x8: {  	[smem:$0x3FAD] =	sst s0  }
0x9: {  	[smem:$0x3FAE] =	sst s1  }
0xa: {  	[smem:$0x3FAF] =	sst s2  }
0xb: {  	[smem:$0x3FB0] =	sst s3  }
0xc: {  	[smem:$0x3FB1] =	sst s4  }
0xd: {  	[smem:$0x3FB2] =	sst s5  }
0xe: {  	[smem:$0x3FB3] =	sst s6  }
0xf: {  	[smem:$0x3FB4] =	sst s7  }
0x10: {  	[smem:$0x3FB5] =	sst s8  }
0x11: {  	[smem:$0x3FB6] =	sst s9;
	s0 =	simm.s32 @!p0 $0x0  }
0x12: {  	s1 =	sld [smem:$0x3F9C];
	s0 =	simm.s32 @p0 $0x1  }
0x13: {  	[smem:$0x3FB7] =	sst s0;
	s0 =	simm.s32 @!p1 $0x0  }
0x14: {  	s2 =	sld [smem:$0x3F9B];
	s0 =	simm.s32 @p1 $0x1  }
0x15: {  	[smem:$0x3FB8] =	sst s0;
	s0 =	simm.s32 @!p2 $0x0  }
0x16: {  	s3 =	sld [smem:$0x3FDB];
	s0 =	simm.s32 @p2 $0x1  }
0x17: {  	s4 =	simm.s32 $0x1BF5;
	[smem:$0x3FBA] =	sst s0  }
0x18: {  	s0 =	sld [smem:$0x3F9D];
	_ =	swait.ge [sflag:s4], $0x0  }
0x19: {  	s7 =	sld [smem:$0x3F9E]  }
0x1a: {  	s8 =	sadd.s32 $0xFFFFE003, lr  }
0x1b: {  	s9 =	sadd.s32 $0xFFFFFEF7, lr;
	s5 =	simm.s32 $0xFFFFFFFF;
	p2 =	slt.u32 s8, $0xFFFFF086  }
0x1c: {  	p1 =	slt.u32 s9, $0xF7A;
	s5 =	simm.s32 @!p2 $0x0  }
0x1d: {  	s5 =	simm.s32 @p1 $0x1;
	p0 =	seq.s32 s7, s2  }
0x1e: {  	s7 =	smul.u32 @!p0 $0xF7A, s2;
	p2 =	seq.s32 @!p0 s5, $0x0  }
0x1f: {  	s9 =	smul.u32 $0xF7A, s1;
	s8 =	simm.s32 @!p0 $0x1BF5;
	p2 =	por !p2, p0  }
0x20: {  	[sflag:s8] =	ssyncset.s32 @!p0 $0xFFFFF086;
	s6 =	sadd.s32 @!p0 s3, s7;
	s7 =	simm.s32 @!p0 $0x108  }
0x21: {  	s3 =	sadd.s32 s3, s9;
	s6 =	sadd.s32 @!p0 $0x88, s6;
	s7 =	simm.s32 @p2 $0x1082  }
0x22: {  	[simem:s7], [sflag:s8] =	dma.local @!p0 [hbm:s6], $0xF7A  }
0x23: {  	s9 =	sor.u32 $0xD0000000, s2;
	s6 =	simm.s32 $0x108;
	_ =	swait.ge @!p0 [sflag:s8], $0x0  }
0x24: {  	s3 =	sadd.s32 $0x88, s3;
	s6 =	simm.s32 @!p1 $0x1082;
	[sflag:s4] =	ssyncset.s32 $0xFFFFF086  }
0x25: {  	[simem:s6], [sflag:s4] =	dma.local [hbm:s3], $0xF7A  }
0x26: {  	[smem:$0x3F9E] =	sst s1;
	(tag) =	ssettag s2;
	_ =	strace s9  }
0x27: {  	s1 =	sld [smem:$0x3FAE]  }
0x28: {  	s2 =	sld [smem:$0x3FAF]  }
0x29: {  	s4 =	sld [smem:$0x3FB1]  }
0x2a: {  	p0 =	seq.s32 s5, $0x0;
	s5 =	sld [smem:$0x3FB2]  }
0x2b: {  	s6 =	sld [smem:$0x3FB3]  }
0x2c: {  	s7 =	sld [smem:$0x3FB4]  }
0x2d: {  	s3 =	simm.s32 $0x108;
	s8 =	sld [smem:$0x3FB5]  }
0x2e: {  	s3 =	simm.s32 @!p0 $0x1082;
	s9 =	sld [smem:$0x3FB6]  }
0x2f: {  	lr =	sadd.s32 s0, s3;
	s0 =	sld [smem:$0x3FAD]  }
0x30: {  	s3 =	sld [smem:$0x3FB0]  }
0x31: {  	[smem:$0x3FB9] =	sst s10  }
0x32: {  	s10 =	sld [smem:$0x3FB7];
	_ =	sdelay $0x3  }
0x33: {  	p0 =	seq.s32 s10, $0x1;
	s10 =	sld [smem:$0x3FB9];
	_ =	sdelay $0x3  }
0x34: {  	[smem:$0x3FB9] =	sst s10  }
0x35: {  	s10 =	sld [smem:$0x3FB8];
	_ =	sdelay $0x3  }
0x36: {  	p1 =	seq.s32 s10, $0x1;
	s10 =	sld [smem:$0x3FB9];
	_ =	sdelay $0x3  }
0x37: {  	[smem:$0x3FB9] =	sst s10  }
0x38: {  	s10 =	sld [smem:$0x3FBA]  }
0x39: {  	_ = 	snop;
	(pc) =	sbr.ind lr, $3  }
0x3a: {  	_ = 	snop  }
0x3b: {  	_ = 	snop  }
0x3c: {  	p2 =	seq.s32 s10, $0x1;
	s10 =	sld [smem:$0x3FB9]  }
0x3d: {  	_ =	shalt  }
0x3e: {  	_ =	shalt  }
0x3f: {  	_ =	shalt  }
0x40: {  	_ =	shalt  }
0x41: {  	_ =	shalt  }
0x42: {  	_ =	shalt  }
0x43: {  	_ =	shalt  }
0x44: {  	_ =	shalt  }
0x45: {  	_ =	shalt  }
0x46: {  	_ =	shalt  }
0x47: {  	_ =	shalt  }
0x48: {  	_ =	shalt  }
0x49: {  	_ =	shalt  }
0x4a: {  	_ =	shalt  }
0x4b: {  	_ =	shalt  }
0x4c: {  	_ =	shalt  }
0x4d: {  	_ =	shalt  }
0x4e: {  	_ =	shalt  }
0x4f: {  	_ =	shalt  }
0x50: {  	_ =	shalt  }
0x51: {  	_ =	shalt  }
0x52: {  	_ =	shalt  }
0x53: {  	_ =	shalt  }
0x54: {  	_ =	shalt  }
0x55: {  	_ =	shalt  }
0x56: {  	_ =	shalt  }
0x57: {  	_ =	shalt  }
0x58: {  	_ =	shalt  }
0x59: {  	_ =	shalt  }
0x5a: {  	_ =	shalt  }
0x5b: {  	_ =	shalt  }
0x5c: {  	_ =	shalt  }
0x5d: {  	_ =	shalt  }
0x5e: {  	_ =	shalt  }
0x5f: {  	_ =	shalt  }
0x60: {  	_ =	shalt  }
0x61: {  	_ =	shalt  }
0x62: {  	_ =	shalt  }
0x63: {  	_ =	shalt  }
0x64: {  	_ =	shalt  }
0x65: {  	_ =	shalt  }
0x66: {  	_ =	shalt  }
0x67: {  	_ =	shalt  }
0x68: {  	_ =	shalt  }
0x69: {  	_ =	shalt  }
0x6a: {  	_ =	shalt  }
0x6b: {  	_ =	shalt  }
0x6c: {  	_ =	shalt  }
0x6d: {  	_ =	shalt  }
0x6e: {  	_ =	shalt  }
0x6f: {  	_ =	shalt  }
0x70: {  	_ =	shalt  }
0x71: {  	_ =	shalt  }
0x72: {  	_ =	shalt  }
0x73: {  	_ =	shalt  }
0x74: {  	_ =	shalt  }
0x75: {  	_ =	shalt  }
0x76: {  	_ =	shalt  }
0x77: {  	_ =	shalt  }
0x78: {  	_ =	shalt  }
0x79: {  	_ =	shalt  }
0x7a: {  	_ =	shalt  }
0x7b: {  	_ =	shalt  }
0x7c: {  	_ =	shalt  }
0x7d: {  	_ =	shalt  }
0x7e: {  	_ =	shalt  }
0x7f: {  	_ =	shalt  }
0x80: {  	_ =	shalt  }
0x81: {  	_ =	shalt  }
0x82: {  	_ =	shalt  }
0x83: {  	_ =	shalt  }
0x84: {  	_ =	shalt  }
0x85: {  	_ =	shalt  }
0x86: {  	_ =	shalt  }
0x87: {  	_ =	shalt  }
.Lfunc_end0:
.L_simem_size_0:
called_computation_lowered:
.L_overlay_start_0:
0x88: {  	s2 =	sld [smem:$0x3FD9]  }
0x89: {  	s3 =	sld [smem:$0x3FFE];
	_ =	sdelay $0x1  }
0x8a: {  	s1 =	srdreg.scid  }
0x8b: {  	s0 =	sand.u32 $0x1, s1  }
0x8c: {  	s17 =	sshll.u32 s0, $0xA;
	s2 =	sadd.s32 s3, s2  }
0x8d: {  	s2 =	sadd.s32 s2, s17  }
0x8e: {  	[smem:$0x3FC5] =	sst s2  }
0x8f: {  	_ = 	snop  }
0x90: {  	s2 =	sld [smem:$0x3FC8]  }
0x91: {  	s18 =	sld [smem:$0x3FD0];
	(tm) =	ssettm $0x1  }
0x92: {  	s4 =	sld [smem:$0x3FFB];
	_ =	sdelay $0x3  }
0x93: {  	_ =	strace s4  }
0x94: {  	s4 =	sld [smem:$0x3FFC];
	_ =	sdelay $0x3  }
0x95: {  	_ =	strace s4  }
0x96: {  	s4 =	sld [smem:$0x3FFD];
	_ =	sdelay $0x3  }
0x97: {  	_ =	strace s4  }
0x98: {  	_ =	strace $0x8FFFFFFF  }
0x99: {  	s19 =	sld [smem:$0x3FDB];
	_ =	sdelay $0x1  }
0x9a: {  	s5 =	simm.s32 $_scs_section_size  }
0x9b: {  	s6 =	simm.s32 $_size__tile_overlayer_lowered;
	s7 =	simm.s32 $_tile_overlayer_lowered  }
0x9c: {  	s22 =	simm.s32 $0x1BFF;
	s21 =	sshll.u32 s7, $0x1;
	s4 =	sadd.s32 s5, s19  }
0x9d: {  	s8 =	simm.s32 $0x0;
	s20 =	sshll.u32 s6, $0x1;
	s6 =	sadd.s32 s21, s4  }
0x9e: {  	[timem:s8], [sflag:s22] =	dma.local [hbm:s6], s20  }
0x9f: {  	_ =	swait.ge [sflag:s22], s20  }
0xa0: {  	s5 =	ssub.s32 $0x0, s20;
	[sflag:s22] =	ssyncset.done $0x0  }
0xa1: {  	[sflag:s22] =	ssyncadd.s32 s5;
	_ =	sdelay $0x1  }
0xa2: {  	s23 =	simm.s32 $0x1B8B  }
0xa3: {  	_ =	swait.ge [sflag:s23], $0x1  }
0xa4: {  	[sflag:s23] =	ssyncset.done $0x0  }
0xa5: {  	s25 =	simm.s32 $0x1B8E;
	s24 =	sld [smem:$0x3FFE];
	[sflag:s23] =	ssyncadd.s32 $0xFFFFFFFF  }
0xa6: {  	s26 =	simm.s32 $execute0_lowered;
	[smem:$0x3FD2] =	sst s25  }
0xa7: {  	s6 =	sshll.u32 s26, $0x1;
	_ =	strace $0x80000046;
	[dreg:$0x1] =	wrdreg $0xFFFFFFFF  }
0xa8: {  	s28 =	simm.s32 $_size_execute0_lowered;
	s4 =	sadd.s32 s4, s6;
	[dreg:$0x0] =	wrdreg $0x0  }
0xa9: {  	s6 =	sshll.u32 s28, $0x1;
	[dreg:$0x2] =	wrdreg s4  }
0xaa: {  	[dreg:$0x3] =	wrdreg s6  }
0xab: {  	[dreg:$0x4] =	wrdreg $0xC0  }
0xac: {  	_ =	task [dreg:s8], $0x5FFFF  }
0xad: {  	[dreg:$0x1] =	wrdreg $0xFFFFFFFF  }
0xae: {  	[dreg:$0x0] =	wrdreg $0x60  }
0xaf: {  	[dreg:$0x2] =	wrdreg s24  }
0xb0: {  	[dreg:$0x3] =	wrdreg s2  }
0xb1: {  	[dreg:$0x4] =	wrdreg s18  }
0xb2: {  	[dreg:$0x5] =	wrdreg $0x9  }
0xb3: {  	_ =	task.clear_ibuf [dreg:s8], $0x6FFFF;
	_ =	strace $0x90000046  }
0xb4: {  	s29 =	simm.s32 $0x9;
	_ =	strace $0x80000048  }
0xb5: {  	_ =	swait.ge [sflag:s29], $0x1  }
0xb6: {  	[sflag:s29] =	ssyncadd.s32 $0xFFFFFFFF  }
0xb7: {  	_ =	strace $0x90000048  }
0xb8: {  	_ =	sfence  }
0xb9: {  	s30 =	sld [smem:$0x0];
	_ =	sdelay $0x2  }
0xba: {  	s31 =	sshll.u32 s1, $0xD;
	s1 =	sshrl.u32 s1, $0x2  }
0xbb: {  	s3 =	sand.u32 $0x4000, s31;
	s1 =	sadd.s32 s1, s30  }
0xbc: {  	s0 =	sor.u32 s3, s0;
	s1 =	sshll.u32 s1, $0x11  }
0xbd: {  	s0 =	sor.u32 s1, s0  }
0xbe: {  	s0 =	sadd.s32 $0x8F2B, s0  }
0xbf: {  	[sflag:s0] =	ssyncadd.remote.s32 $0x1  }
0xc0: {  	_ =	sfence.sel $0xFFFF  }
0xc1: {  	[dreg:$0x0] =	wrdreg $0xFFFFFFFF;
	(pc) =	sbr.abs _section_cstart, $3  }
0xc2: {  	[dreg:$0x1] =	wrdreg $0xFFFFFFFF  }
0xc3: {  	_ =	task.clear_ibuf [dreg:s8], $0x2FFFF;
	_ =	strace $0x9FFFFFFF  }
0xc4: {  	(tm) =	ssettm $0x7FFFFFFF  }
0xc5: {  	_ =	shalt  }
tec
execute0_lowered:
.L_overlay_start_1:
0x0: {  	(tag) =	ssettag $0x1  }
0x1: {  	s0 =	rddreg [dreg:$0x0]  }
0x2: {  	s1 =	rddreg [dreg:$0x1];
	s2 =	srdreg.scid  }
0x3: {  	s4 =	rddreg [dreg:$0x2];
	s5 =	stileid.u32;
	s3 =	sand.u32 $0x1, s2  }
0x4: {  	s2 =	simm.s32 $0x0;
	s5 =	sshll.u32 s5, $0x9;
	s6 =	sshll.u32 s3, $0x8  }
0x5: {  	s0 =	sadd.s32 $0x600, s0;
	[smem:$0x7FF] =	sst s2;
	s5 =	sor.u32 s6, s5  }
0x6: {  	_ =	strace $0x80000047;
	[dreg:$0x5] =	wrdreg s0;
	s1 =	sadd.s32 s1, s5  }
0x7: {  	s31 =	sadd.s32 s4, s5;
	[dreg:$0x4] =	wrdreg s1  }
0x8: {  	s28 =	sadd.s32 $0x2000, s1;
	[dreg:$0xa] =	wrdreg s31  }
0x9: {  	s7 =	ssub.s32 $0x2, s3;
	s29 =	sadd.s32 $0x4000, s1;
	[dreg:$0x6] =	wrdreg s28  }
0xa: {  	s25 =	sshrl.u32 s7, $0x1;
	s30 =	sadd.s32 $0x6000, s1;
	[dreg:$0x7] =	wrdreg s29  }
0xb: {  	s26 =	ssub.s32 s7, s25;
	s1 =	sadd.s32 $0x8000, s1;
	[dreg:$0x8] =	wrdreg s30  }
0xc: {  	s16 =	simm.s32 $0x2;
	s0 =	smax.u32 s26, $0x1;
	[dreg:$0x9] =	wrdreg s1  }
0xd: {  	v0 =	vimm.f32 $0.0e+00;
	s19 =	simm.s32 $0x3;
	s20 =	simm.s32 $0x0;
	[dreg:$0xb] =	wrdreg s0  }
.LBB2_1:
0xe: {  	s0 =	rddreg [dreg:$0x5]  }
0xf: {  	[tilespmem:s2], [sflag:$0x1] =	stream.linear.gather [hbm4b:s0+s2], $0x6000, $0x38;
	[tilespmem:$0x9000] =	vst v63  }
0x10: {  	s29 =	rddreg [dreg:$0x4];
	s1 =	simm.s32 $0x6000  }
0x11: {  	[tilespmem:s1], [sflag:$0x2] =	stream.linear.gather [hbm4b:s29+s2], $0x800, $0x38;
	[tilespmem:$0x9000] =	vst v63  }
0x12: {  	s30 =	rddreg [dreg:$0x6];
	s31 =	simm.s32 $0x6800  }
0x13: {  	[tilespmem:s31], [sflag:$0x2] =	stream.linear.gather [hbm4b:s30+s2], $0x800, $0x38;
	[tilespmem:$0x9000] =	vst v63  }
0x14: {  	s3 =	rddreg [dreg:$0x7];
	s4 =	simm.s32 $0x7000  }
0x15: {  	[tilespmem:s4], [sflag:$0x2] =	stream.linear.gather [hbm4b:s3+s2], $0x800, $0x38;
	[tilespmem:$0x9000] =	vst v63  }
0x16: {  	s5 =	rddreg [dreg:$0x8];
	s6 =	simm.s32 $0x7800  }
0x17: {  	[tilespmem:s6], [sflag:$0x2] =	stream.linear.gather [hbm4b:s5+s2], $0x800, $0x38;
	[tilespmem:$0x9000] =	vst v63  }
0x18: {  	s7 =	rddreg [dreg:$0x9];
	s8 =	simm.s32 $0x8000  }
0x19: {  	[tilespmem:s8], [sflag:$0x2] =	stream.linear.gather [hbm4b:s7+s2], $0x800, $0x38;
	[tilespmem:$0x9000] =	vst v63  }
0x1a: {  	_ =	swait.ge [sflag:s16], $0x800  }
0x1b: {  	[sflag:s16] =	ssyncset.done $0x0  }
0x1c: {  	[sflag:s16] =	ssyncadd.s32 $0xFFFFF800  }
0x1d: {  	_ =	swait.ge [sflag:s16], $0x800  }
0x1e: {  	[sflag:s16] =	ssyncset.done $0x0  }
0x1f: {  	[sflag:s16] =	ssyncadd.s32 $0xFFFFF800  }
0x20: {  	_ =	swait.ge [sflag:s16], $0x800  }
0x21: {  	[sflag:s16] =	ssyncset.done $0x0  }
0x22: {  	[sflag:s16] =	ssyncadd.s32 $0xFFFFF800  }
0x23: {  	_ =	swait.ge [sflag:s16], $0x800  }
0x24: {  	[sflag:s16] =	ssyncset.done $0x0  }
0x25: {  	[sflag:s16] =	ssyncadd.s32 $0xFFFFF800  }
0x26: {  	_ =	swait.ge [sflag:s16], $0x800  }
0x27: {  	[sflag:s16] =	ssyncset.done $0x0  }
0x28: {  	s9 =	simm.s32 $0x1;
	[sflag:s16] =	ssyncadd.s32 $0xFFFFF800  }
0x29: {  	s10 =	sand.u32 $0x60, s2;
	_ =	swait.ge [sflag:s9], $0x6000  }
0x2a: {  	s4 =	sand.u32 $0x400, s2;
	s5 =	sor.u32 $0x10, s10;
	[sflag:s9] =	ssyncset.done $0x0  }
0x2b: {  	s12 =	sor.u32 $0x6800, s4;
	s21 =	sor.u32 s4, s5;
	[sflag:s9] =	ssyncadd.s32 $0xFFFFA000  }
0x2c: {  	s11 =	sor.u32 $0x7000, s4;
	s13 =	sor.u32 s5, s12;
	v1 =	vld [tilespmem:s21+$0x6000]  }
0x2d: {  	s14 =	sor.u32 s5, s11;
	v3 =	vld [tilespmem:s13+$0x0]  }
0x2e: {  	s15 =	sor.u32 $0x7800, s4;
	v2 =	vld [tilespmem:s14+$0x0]  }
0x2f: {  	s14 =	sor.u32 s5, s15  }
0x30: {  	s0 =	sor.u32 s10, s4;
	s4 =	sor.u32 $0x8000, s4;
	v4 =	vld [tilespmem:s14+$0x0]  }
0x31: {  	v5 =	vld [tilespmem:s0+$0x6000];
	s5 =	sor.u32 s5, s4;
	vm0 =	vgt.s32 v1, $0x0  }
0x32: {  	v7 =	vld [tilespmem:s5+$0x0];
	vm4 =	vgt.s32 v1, $0xFFFFFFFF;
	vm1 =	vgt.s32 v3, $0x0;
	vm6 =	vgt.s32 v3, $0xFFFFFFFF  }
0x33: {  	s12 =	sor.u32 s10, s12;
	vm2 =	vgt.s32 v2, $0x0;
	v6 =	vnsel vm0, $0x0, v1;
	vm0 =	vgt.s32 v2, $0xFFFFFFFF  }
0x34: {  	v1 =	vld [tilespmem:s12+$0x0];
	v8 =	vsel vm4, $0x3F800000, v0;
	v9 =	vsel vm6, $0x3F800000, v0;
	v3 =	vnsel vm1, $0x0, v3  }
0x35: {  	v2 =	vnsel vm2, $0x0, v2;
	vm1 =	vgt.s32 v4, $0x0;
	v8 =	vadd.f32 v9, v8  }
0x36: {  	s17 =	sor.u32 s10, s11;
	vm7 =	vgt.s32 v4, $0xFFFFFFFF;
	v2 =	vadd.s32 $0x2000, v2;
	v9 =	vsel vm0, $0x3F800000, v0  }
0x37: {  	v10 =	vld [tilespmem:s17+$0x0];
	vm2 =	vgt.s32 v5, $0xFFFFFFFF;
	vm3 =	vgt.s32 v7, $0x0;
	v8 =	vadd.f32 v9, v8  }
0x38: {  	vm5 =	vgt.s32 v7, $0xFFFFFFFF;
	v11 =	vnsel vm1, $0x0, v4;
	v9 =	vsel vm7, $0x3F800000, v0;
	v4 =	vld.idx.msk [tilespmem:v6+s2+$0x0], $0xffff  }
0x39: {  	vm1 =	vgt.s32 v1, $0xFFFFFFFF;
	v6 =	vadd.s32 $0x2000, v11;
	v8 =	vadd.f32 v9, v8;
	v3 =	vld.idx.msk [tilespmem:v3+s2+$0x0], $0xffff  }
0x3a: {  	v9 =	vnsel vm3, $0x0, v7;
	vm3 =	vgt.s32 v5, $0x0;
	v7 =	vsel vm5, $0x3F800000, v0  }
0x3b: {  	s18 =	sor.u32 s10, s15;
	v11 =	vsel vm2, $0x3F800000, v0;
	vm8 =	vgt.s32 v1, $0x0;
	v2 =	vld.idx.msk [tilespmem:v2+s2+$0x0], $0xffff;
	v5 =	vnsel vm3, $0x0, v5  }
0x3c: {  	s1 =	sor.u32 s10, s4;
	v9 =	vadd.s32 $0x4000, v9;
	v12 =	vsel vm1, $0x3F800000, v0;
	v7 =	vadd.f32 v7, v8;
	v8 =	vld [tilespmem:s18+$0x0]  }
0x3d: {  	vm3 =	vgt.s32 v10, $0xFFFFFFFF;
	v1 =	vnsel vm8, $0x0, v1;
	v11 =	vadd.f32 v12, v11;
	v12 =	vld [tilespmem:s1+$0x0]  }
0x3e: {  	v7 =	vmax.f32 v7, $1.000000000e+00;
	v4 =	vshll.u32 v4, $0x10;
	v6 =	vld.idx.msk [tilespmem:v6+s2+$0x0], $0xffff;
	v3 =	vand.u32 $0xFFFF0000, v3  }
0x3f: {  	(erf) = vrcp.f32 v7;
	v7 =	vsel vm3, $0x3F800000, v0;
	v4 =	vadd.f32 $0.0e+00, v4  }
0x40: {  	v3 =	vnsel vm6, $0x0, v3;
	v2 =	vshll.u32 v2, $0x10;
	vm6 =	vgt.s32 v10, $0x0;
	v5 =	vld.idx.msk [tilespmem:v5+s2+$0x0], $0xffff  }
0x41: {  	v2 =	vnsel vm0, $0x0, v2;
	vm0 =	vgt.s32 v8, $0x0;
	v4 =	vnsel vm4, $0x0, v4  }
0x42: {  	v9 =	vld.idx.msk [tilespmem:v9+s2+$0x0], $0xffff;
	vm4 =	vgt.s32 v8, $0xFFFFFFFF;
	v3 =	vadd.f32 v3, v4;
	v4 =	vadd.f32 v7, v11  }
0x43: {  	v1 =	vld.idx.msk [tilespmem:v1+s2+$0x0], $0xffff;
	v7 =	vnsel vm6, $0x0, v10;
	vm6 =	vgt.s32 v12, $0xFFFFFFFF;
	v6 =	vand.u32 $0xFFFF0000, v6  }
0x44: {  	s22 =	simm.s32 $0x20;
	s24 =	simm.s32 $0x100;
	v2 =	vadd.f32 v2, v3;
	v3 =	vsel vm4, $0x3F800000, v0;
	v6 =	vnsel vm7, $0x0, v6  }
0x45: {  	s23 =	sand.u32 $0x60, s22;
	s25 =	sand.u32 $0x400, s24;
	v5 =	vshll.u32 v5, $0x10;
	v3 =	vadd.f32 v3, v4;
	v4 =	vadd.s32 $0x2000, v7  }
0x46: {  	s26 =	sor.u32 $0x10, s23;
	s28 =	sor.u32 $0x7000, s25;
	v7 =	vnsel vm0, $0x0, v8;
	v8 =	vsel vm6, $0x3F800000, v0;
	v2 =	vadd.f32 v6, v2  }
0x47: {  	s29 =	sor.u32 s26, s28;
	v10 =	vadd.f32 $0.0e+00, v5;
	v6 =	vnsel vm5, $0x0, v9  }
0x48: {  	s14 =	sor.u32 s25, s26;
	s1 =	sor.u32 $0x6800, s25;
	v1 =	vand.u32 $0xFFFF0000, v1;
	v9 =	vld [tilespmem:s29+$0x0];
	v3 =	vadd.f32 v8, v3;
	v2 =	vadd.f32 v2, v6  }
0x49: {  	s30 =	sor.u32 $0x7800, s25;
	s15 =	sor.u32 s26, s1;
	v1 =	vnsel vm1, $0x0, v1;
	v7 =	vadd.s32 $0x2000, v7;
	v6 =	vld [tilespmem:s14+$0x6000];
	v8 =	vpop (erf)  }
0x4a: {  	s31 =	sor.u32 s26, s30;
	v10 =	vnsel vm2, $0x0, v10;
	v3 =	vmax.f32 v3, $1.000000000e+00;
	v5 =	vmul.f32 v2, v8;
	v2 =	vld [tilespmem:s15+$0x0]  }
0x4b: {  	s18 =	sor.u32 s23, s1;
	vm5 =	vgt.s32 v12, $0x0;
	(erf) = vrcp.f32 v3;
	v3 =	vadd.f32 v1, v10;
	v1 =	vld [tilespmem:s31+$0x0]  }
0x4c: {  	v8 =	vnsel vm5, $0x0, v12;
	v10 =	vld [tilespmem:s18+$0x0]  }
0x4d: {  	vm0 =	vmmov vm6;
	vm2 =	vmmov vm3;
	v4 =	vld.idx.msk [tilespmem:v4+s2+$0x0], $0xffff;
	v8 =	vadd.s32 $0x4000, v8  }
0x4e: {  	s1 =	sor.u32 s23, s25;
	vm6 =	vgt.s32 v9, $0xFFFFFFFF;
	vm1 =	vgt.s32 v6, $0x0;
	vm7 =	vgt.s32 v6, $0xFFFFFFFF  }
0x4f: {  	v12 =	vld [tilespmem:s1+$0x6000];
	v11 =	vnsel vm1, $0x0, v6;
	vm1 =	vmmov vm4;
	v13 =	vsel vm7, $0x3F800000, v0  }
0x50: {  	v7 =	vld.idx.msk [tilespmem:v7+s2+$0x0], $0xffff;
	vm3 =	vgt.s32 v2, $0x0;
	vm8 =	vgt.s32 v2, $0xFFFFFFFF;
	vm4 =	vgt.s32 v1, $0x0  }
0x51: {  	s4 =	sor.u32 $0x8000, s25;
	vm9 =	vgt.s32 v1, $0xFFFFFFFF;
	v6 =	vnsel vm3, $0x0, v2;
	vm3 =	vgt.s32 v9, $0x0  }
0x52: {  	s5 =	sor.u32 s26, s4;
	vm11 =	vgt.s32 v10, $0x0;
	v4 =	vshll.u32 v4, $0x10;
	v9 =	vnsel vm3, $0x0, v9  }
0x53: {  	v2 =	vld [tilespmem:s5+$0x0];
	v14 =	vsel vm8, $0x3F800000, v0;
	v15 =	vnsel vm4, $0x0, v1;
	v9 =	vadd.s32 $0x2000, v9  }
0x54: {  	vm4 =	vgt.s32 v12, $0xFFFFFFFF;
	v4 =	vnsel vm2, $0x0, v4;
	v13 =	vadd.f32 v14, v13;
	v11 =	vld.idx.msk [tilespmem:v11+s2+$0x0], $0xffff  }
0x55: {  	v7 =	vand.u32 $0xFFFF0000, v7;
	v14 =	vsel vm6, $0x3F800000, v0;
	v1 =	vadd.s32 $0x2000, v15  }
0x56: {  	vm3 =	vgt.s32 v10, $0xFFFFFFFF;
	v15 =	vsel vm9, $0x3F800000, v0;
	v13 =	vadd.f32 v14, v13;
	v6 =	vld.idx.msk [tilespmem:v6+s2+$0x0], $0xffff  }
0x57: {  	v16 =	vsel vm4, $0x3F800000, v0;
	v10 =	vnsel vm11, $0x0, v10;
	v3 =	vadd.f32 v4, v3  }
0x58: {  	s3 =	sor.u32 s23, s28;
	vm5 =	vgt.s32 v2, $0x0;
	v13 =	vadd.f32 v15, v13;
	vm10 =	vgt.s32 v2, $0xFFFFFFFF;
	v9 =	vld.idx.msk [tilespmem:v9+s2+$0x0], $0xffff  }
0x59: {  	v14 =	vld [tilespmem:s3+$0x0];
	v15 =	vnsel vm5, $0x0, v2;
	v2 =	vsel vm10, $0x3F800000, v0;
	v11 =	vshll.u32 v11, $0x10  }
0x5a: {  	v1 =	vld.idx.msk [tilespmem:v1+s2+$0x0], $0xffff;
	v15 =	vadd.s32 $0x4000, v15;
	v2 =	vadd.f32 v2, v13;
	v11 =	vadd.f32 $0.0e+00, v11  }
0x5b: {  	s6 =	sor.u32 s23, s30;
	v17 =	vsel vm3, $0x3F800000, v0;
	vm5 =	vgt.s32 v12, $0x0;
	v6 =	vand.u32 $0xFFFF0000, v6  }
0x5c: {  	s4 =	sor.u32 s23, s4;
	v13 =	vld [tilespmem:s6+$0x0];
	v2 =	vmax.f32 v2, $1.000000000e+00;
	v11 =	vnsel vm7, $0x0, v11;
	v6 =	vnsel vm8, $0x0, v6  }
0x5d: {  	(erf) = vrcp.f32 v2;
	v2 =	vld [tilespmem:s4+$0x0];
	v6 =	vadd.f32 v6, v11;
	v9 =	vshll.u32 v9, $0x10  }
0x5e: {  	v16 =	vadd.f32 v17, v16;
	v12 =	vnsel vm5, $0x0, v12;
	v9 =	vnsel vm6, $0x0, v9  }
0x5f: {  	vm5 =	vgt.s32 v14, $0xFFFFFFFF;
	v1 =	vand.u32 $0xFFFF0000, v1;
	v15 =	vld.idx.msk [tilespmem:v15+s2+$0x0], $0xffff;
	v6 =	vadd.f32 v9, v6  }
0x60: {  	s7 =	simm.s32 $0x40;
	s13 =	simm.s32 $0x200;
	v17 =	vsel vm5, $0x3F800000, v0;
	vm7 =	vgt.s32 v14, $0x0;
	v1 =	vnsel vm9, $0x0, v1  }
0x61: {  	s8 =	sand.u32 $0x60, s7;
	s9 =	sand.u32 $0x400, s13;
	v11 =	vadd.f32 v17, v16;
	vm6 =	vgt.s32 v13, $0xFFFFFFFF;
	v1 =	vadd.f32 v1, v6  }
0x62: {  	s10 =	sor.u32 $0x10, s8;
	s24 =	sor.u32 $0x6800, s9;
	v10 =	vld.idx.msk [tilespmem:v10+s2+$0x0], $0xffff;
	v9 =	vnsel vm7, $0x0, v14;
	v14 =	vsel vm6, $0x3F800000, v0;
	vm8 =	vgt.s32 v2, $0xFFFFFFFF  }
0x63: {  	s23 =	sor.u32 s10, s24;
	v7 =	vnsel vm1, $0x0, v7;
	v12 =	vld.idx.msk [tilespmem:v12+s2+$0x0], $0xffff;
	v11 =	vadd.f32 v14, v11;
	v14 =	vsel vm8, $0x3F800000, v0  }
0x64: {  	v3 =	vadd.f32 v7, v3;
	v17 =	vld [tilespmem:s23+$0x0];
	vm7 =	vgt.s32 v13, $0x0;
	v6 =	vnsel vm10, $0x0, v15  }
0x65: {  	v13 =	vnsel vm7, $0x0, v13;
	vm7 =	vmmov vm0;
	v6 =	vadd.f32 v1, v6;
	v1 =	vpop (erf)  }
0x66: {  	s11 =	sor.u32 s9, s10;
	v8 =	vld.idx.msk [tilespmem:v8+s2+$0x0], $0xffff;
	vm0 =	vmmov vm8;
	vm8 =	vgt.s32 v2, $0x0;
	v11 =	vadd.f32 v14, v11;
	v14 =	vpop (erf)  }
0x67: {  	s12 =	sor.u32 s8, s24;
	vm2 =	vmmov vm5;
	v2 =	vnsel vm8, $0x0, v2;
	v16 =	vmul.f32 v6, v14;
	v6 =	vld [tilespmem:s11+$0x6000]  }
0x68: {  	s17 =	sor.u32 $0x7000, s9;
	v12 =	vshll.u32 v12, $0x10;
	v15 =	vadd.s32 $0x4000, v2;
	v2 =	vand.u32 $0xFFFF0000, v10;
	v10 =	vld [tilespmem:s12+$0x0]  }
0x69: {  	s22 =	sor.u32 s10, s17;
	v9 =	vadd.s32 $0x2000, v9;
	vm10 =	vgt.s32 v17, $0xFFFFFFFF;
	v12 =	vadd.f32 $0.0e+00, v12  }
0x6a: {  	s25 =	sor.u32 $0x7800, s9;
	v13 =	vadd.s32 $0x2000, v13;
	v18 =	vsel vm10, $0x3F800000, v0;
	v11 =	vmax.f32 v11, $1.000000000e+00;
	v14 =	vld [tilespmem:s22+$0x0]  }
0x6b: {  	s26 =	sor.u32 s10, s25;
	v2 =	vnsel vm3, $0x0, v2;
	vm3 =	vgt.s32 v17, $0x0;
	v12 =	vnsel vm4, $0x0, v12  }
0x6c: {  	s28 =	sor.u32 $0x8000, s9;
	v4 =	vadd.f32 v2, v12;
	v2 =	vnsel vm7, $0x0, v8;
	v8 =	vld [tilespmem:s26+$0x0];
	vm1 =	vgt.s32 v6, $0x0  }
0x6d: {  	s5 =	sor.u32 s10, s28;
	(erf) = vrcp.f32 v11;
	vm11 =	vgt.s32 v10, $0x0;
	v7 =	vnsel vm1, $0x0, v6  }
0x6e: {  	v11 =	vld [tilespmem:s5+$0x0];
	v12 =	vnsel vm3, $0x0, v17;
	v63 =	vnsel vm11, $0x0, v10;
	vm8 =	vgt.s32 v6, $0xFFFFFFFF  }
0x6f: {  	vm3 =	vgt.s32 v14, $0x0;
	vm1 =	vmmov vm6;
	v17 =	vsel vm8, $0x3F800000, v0  }
0x70: {  	s12 =	sor.u32 s8, s9;
	vm6 =	vgt.s32 v14, $0xFFFFFFFF;
	v14 =	vnsel vm3, $0x0, v14;
	v17 =	vadd.f32 v18, v17  }
0x71: {  	vm4 =	vgt.s32 v8, $0x0;
	v6 =	vld [tilespmem:s12+$0x6000];
	v14 =	vadd.s32 $0x2000, v14;
	v18 =	vsel vm6, $0x3F800000, v0  }
0x72: {  	vm9 =	vgt.s32 v8, $0xFFFFFFFF;
	v19 =	vnsel vm4, $0x0, v8;
	v17 =	vadd.f32 v18, v17;
	v7 =	vld.idx.msk [tilespmem:v7+s2+$0x0], $0xffff  }
0x73: {  	s29 =	sor.u32 s8, s17;
	vm5 =	vgt.s32 v11, $0x0;
	v12 =	vld.idx.msk [tilespmem:v12+s2+$0x0], $0xffff;
	v8 =	vsel vm9, $0x3F800000, v0;
	v18 =	vadd.s32 $0x2000, v19  }
0x74: {  	vm3 =	vgt.s32 v10, $0xFFFFFFFF;
	v19 =	vld [tilespmem:s29+$0x0];
	v8 =	vadd.f32 v8, v17;
	v17 =	vnsel vm5, $0x0, v11  }
0x75: {  	vm7 =	vgt.s32 v11, $0xFFFFFFFF;
	v21 =	vsel vm3, $0x3F800000, v0;
	v17 =	vadd.s32 $0x4000, v17  }
0x76: {  	s30 =	sor.u32 s8, s25;
	vm4 =	vgt.s32 v6, $0xFFFFFFFF;
	vm5 =	vgt.s32 v6, $0x0;
	v11 =	vsel vm7, $0x3F800000, v0;
	v14 =	vld.idx.msk [tilespmem:v14+s2+$0x0], $0xffff  }
0x77: {  	v20 =	vsel vm4, $0x3F800000, v0;
	v11 =	vadd.f32 v11, v8;
	v8 =	vld [tilespmem:s30+$0x0];
	v7 =	vshll.u32 v7, $0x10  }
0x78: {  	v22 =	vnsel vm5, $0x0, v6;
	v6 =	vadd.f32 v21, v20;
	v18 =	vld.idx.msk [tilespmem:v18+s2+$0x0], $0xffff;
	v62 =	vadd.f32 $0.0e+00, v7  }
0x79: {  	v10 =	vld.idx.msk [tilespmem:v9+s2+$0x0], $0xffff;
	vm5 =	vgt.s32 v19, $0xFFFFFFFF;
	v7 =	vmax.f32 v11, $1.000000000e+00;
	v11 =	vand.u32 $0xFFFF0000, v12  }
0x7a: {  	s31 =	sor.u32 s8, s28;
	v17 =	vld.idx.msk [tilespmem:v17+s2+$0x0], $0xffff;
	(erf) = vrcp.f32 v7;
	v11 =	vnsel vm10, $0x0, v11;
	v20 =	vnsel vm8, $0x0, v62  }
0x7b: {  	v12 =	vsel vm5, $0x3F800000, v0;
	v14 =	vshll.u32 v14, $0x10;
	v7 =	vld [tilespmem:s31+$0x0];
	v11 =	vadd.f32 v11, v20  }
0x7c: {  	v9 =	vld.idx.msk [tilespmem:v13+s2+$0x0], $0xffff;
	v12 =	vadd.f32 v12, v6;
	v6 =	vnsel vm6, $0x0, v14;
	vm6 =	vgt.s32 v8, $0xFFFFFFFF  }
0x7d: {  	v13 =	vand.u32 $0xFFFF0000, v18;
	v14 =	vsel vm6, $0x3F800000, v0;
	v18 =	vadd.f32 v6, v11;
	v6 =	vld.idx.msk [tilespmem:v15+s2+$0x0], $0xffff  }
0x7e: {  	vm8 =	vgt.s32 v19, $0x0;
	v14 =	vadd.f32 v14, v12;
	v15 =	vnsel vm9, $0x0, v13;
	v13 =	vld.idx.msk [tilespmem:v22+s2+$0x0], $0xffff  }
0x7f: {  	[tilespmem:s14+$0x8800] =	vst v16;
	v11 =	vnsel vm8, $0x0, v19;
	vm9 =	vgt.s32 v8, $0x0;
	v16 =	vnsel vm7, $0x0, v17  }
0x80: {  	s15 =	simm.s32 $0x60;
	[tilespmem:s21+$0x8800] =	vst v5;
	s21 =	simm.s32 $0x4;
	s14 =	simm.s32 $0x0;
	v5 =	vpop (erf);
	v12 =	vld.idx.msk [tilespmem:v63+s2+$0x0], $0xffff;
	v11 =	vadd.s32 $0x2000, v11;
	vm8 =	vgt.s32 v7, $0xFFFFFFFF;
	v15 =	vadd.f32 v15, v18  }
.LBB2_2:
0x81: {  	v18 =	vnsel vm9, $0x0, v8;
	v17 =	vsel vm8, $0x3F800000, v0  }
0x82: {  	s4 =	sand.u32 $0x60, s15;
	s21 =	sadd.s32 $0x2, s21;
	v15 =	vadd.f32 v15, v16;
	s13 =	sadd.s32 $0x100, s13;
	vm7 =	vmmov vm0;
	vm0 =	vmmov vm8  }
0x83: {  	v13 =	vshll.u32 v13, $0x10;
	s22 =	sand.u32 $0x400, s13;
	s5 =	sor.u32 $0x10, s4;
	p0 =	slt.u32 s21, $0xE;
	v14 =	vadd.f32 v17, v14;
	v16 =	vadd.s32 $0x2000, v18;
	v8 =	vpop (erf)  }
0x84: {  	vm8 =	vgt.s32 v7, $0x0;
	v13 =	vadd.f32 $0.0e+00, v13;
	s18 =	sor.u32 s4, s22;
	s23 =	sor.u32 $0x7000, s22;
	s24 =	sor.u32 s22, s5;
	v8 =	vmul.f32 v15, v8  }
0x85: {  	v10 =	vshll.u32 v10, $0x10;
	v7 =	vnsel vm8, $0x0, v7;
	s25 =	sor.u32 $0x6800, s22;
	s26 =	sor.u32 s4, s23;
	v15 =	vld [tilespmem:s24+$0x6000];
	s23 =	sor.u32 s5, s23;
	v14 =	vmax.f32 v14, $1.000000000e+00  }
0x86: {  	v18 =	vadd.s32 $0x4000, v7;
	s28 =	sor.u32 s4, s25;
	s25 =	sor.u32 s5, s25;
	v13 =	vnsel vm4, $0x0, v13;
	v17 =	vld [tilespmem:s23+$0x0];
	[tilespmem:s11+$0x8800] =	vst v8;
	(erf) = vrcp.f32 v14;
	s11 =	smov.u32 s24  }
0x87: {  	v9 =	vand.u32 $0xFFFF0000, v9;
	v10 =	vnsel vm2, $0x0, v10;
	v8 =	vand.u32 $0xFFFF0000, v12;
	v7 =	vld [tilespmem:s25+$0x0]  }
0x88: {  	v9 =	vnsel vm1, $0x0, v9;
	v10 =	vadd.f32 v10, v4;
	s23 =	sor.u32 $0x7800, s22;
	v8 =	vnsel vm3, $0x0, v8;
	v12 =	vld [tilespmem:s18+$0x6000]  }
0x89: {  	s24 =	sor.u32 s4, s23;
	s23 =	sor.u32 s5, s23;
	v4 =	vadd.f32 v8, v13;
	v8 =	vadd.f32 v3, v2;
	v2 =	vnsel vm7, $0x0, v6;
	v14 =	vld [tilespmem:s28+$0x0]  }
0x8a: {  	vm2 =	vmmov vm5;
	v3 =	vadd.f32 v9, v10;
	vm1 =	vgt.s32 v15, $0x0;
	v6 =	vld [tilespmem:s23+$0x0]  }
0x8b: {  	s22 =	sor.u32 $0x8000, s22;
	v10 =	vmul.f32 v8, v1;
	v1 =	vmovc v5;
	v19 =	vld [tilespmem:s26+$0x0];
	v9 =	vnsel vm1, $0x0, v15;
	vm1 =	vmmov vm6  }
0x8c: {  	s4 =	sor.u32 s4, s22;
	s5 =	sor.u32 s5, s22;
	vm7 =	vgt.s32 v15, $0xFFFFFFFF;
	vm6 =	vgt.s32 v17, $0xFFFFFFFF;
	v8 =	vld [tilespmem:s24+$0x0];
	vm3 =	vgt.s32 v7, $0x0  }
0x8d: {  	vm8 =	vgt.s32 v7, $0xFFFFFFFF;
	v13 =	vnsel vm3, $0x0, v7;
	vm3 =	vgt.s32 v17, $0x0;
	v15 =	vld [tilespmem:s5+$0x0];
	[tilespmem:s0+$0x8800] =	vst v10;
	s0 =	smov.u32 s1;
	s1 =	smov.u32 s12;
	s12 =	smov.u32 s18  }
0x8e: {  	v21 =	vsel vm7, $0x3F800000, v0;
	v10 =	vsel vm8, $0x3F800000, v0;
	v7 =	vld [tilespmem:s4+$0x0];
	v17 =	vnsel vm3, $0x0, v17  }
0x8f: {  	s22 =	simm.s32 $0x0;
	v20 =	vadd.f32 v10, v21;
	vm4 =	vgt.s32 v6, $0x0;
	v17 =	vadd.s32 $0x2000, v17;
	v10 =	vld.idx.msk [tilespmem:v11+s14+$0x0], $0xffff;
	v5 =	vpop (erf)  }
0x90: {  	vm3 =	vgt.s32 v14, $0xFFFFFFFF;
	v11 =	vsel vm6, $0x3F800000, v0;
	v21 =	vnsel vm4, $0x0, v6;
	v22 =	vld.idx.msk [tilespmem:v9+s22+$0x0], $0xffff  }
0x91: {  	vm9 =	vgt.s32 v6, $0xFFFFFFFF;
	v11 =	vadd.f32 v11, v20;
	v20 =	vadd.s32 $0x2000, v21;
	v9 =	vld.idx.msk [tilespmem:v16+s14+$0x0], $0xffff  }
0x92: {  	vm4 =	vgt.s32 v12, $0xFFFFFFFF;
	v6 =	vsel vm9, $0x3F800000, v0;
	vm5 =	vgt.s32 v15, $0x0;
	v13 =	vld.idx.msk [tilespmem:v13+s22+$0x0], $0xffff  }
0x93: {  	v11 =	vadd.f32 v6, v11;
	vm10 =	vgt.s32 v15, $0xFFFFFFFF;
	v16 =	vnsel vm5, $0x0, v15;
	v6 =	vld.idx.msk [tilespmem:v18+s14+$0x0], $0xffff;
	s14 =	smov.u32 s22  }
0x94: {  	vm5 =	vgt.s32 v12, $0x0;
	v15 =	vsel vm10, $0x3F800000, v0;
	v17 =	vld.idx.msk [tilespmem:v17+s14+$0x0], $0xffff;
	v16 =	vadd.s32 $0x4000, v16  }
0x95: {  	v21 =	vsel vm3, $0x3F800000, v0;
	v18 =	vsel vm4, $0x3F800000, v0;
	v11 =	vadd.f32 v15, v11  }
0x96: {  	v12 =	vnsel vm5, $0x0, v12;
	v15 =	vadd.f32 v21, v18;
	v18 =	vshll.u32 v22, $0x10;
	v20 =	vld.idx.msk [tilespmem:v20+s14+$0x0], $0xffff  }
0x97: {  	vm5 =	vgt.s32 v19, $0xFFFFFFFF;
	v18 =	vadd.f32 $0.0e+00, v18;
	v11 =	vmax.f32 v11, $1.000000000e+00  }
0x98: {  	vm11 =	vgt.s32 v14, $0x0;
	v13 =	vand.u32 $0xFFFF0000, v13;
	(erf) = vrcp.f32 v11  }
0x99: {  	v11 =	vsel vm5, $0x3F800000, v0;
	v18 =	vnsel vm7, $0x0, v18;
	v13 =	vnsel vm8, $0x0, v13;
	v16 =	vld.idx.msk [tilespmem:v16+s14+$0x0], $0xffff  }
0x9a: {  	v21 =	vnsel vm11, $0x0, v14;
	v14 =	vadd.f32 v13, v18;
	v17 =	vshll.u32 v17, $0x10  }
.Ltmp0:
0x9b: {  	vm7 =	vgt.s32 v19, $0x0;
	v11 =	vadd.f32 v11, v15;
	v13 =	vld.idx.msk [tilespmem:v12+s14+$0x0], $0xffff;
	v12 =	vnsel vm6, $0x0, v17;
	(pc) =	sbr.rel @p0 .LBB2_2-.Ltmp0, $4  }
0x9c: {  	vm6 =	vgt.s32 v8, $0xFFFFFFFF;
	v15 =	vand.u32 $0xFFFF0000, v20;
	v12 =	vadd.f32 v12, v14  }
0x9d: {  	v17 =	vnsel vm7, $0x0, v19;
	v14 =	vsel vm6, $0x3F800000, v0;
	v15 =	vnsel vm9, $0x0, v15  }
0x9e: {  	v14 =	vadd.f32 v14, v11;
	v11 =	vadd.s32 $0x2000, v17;
	v15 =	vadd.f32 v15, v12  }
0x9f: {  	s15 =	sadd.s32 $0x20, s15;
	vm8 =	vgt.s32 v7, $0xFFFFFFFF;
	vm9 =	vgt.s32 v8, $0x0;
	v16 =	vnsel vm10, $0x0, v16;
	v12 =	vld.idx.msk [tilespmem:v21+s14+$0x0], $0xffff  }
0xa0: {  	v8 =	vnsel vm9, $0x0, v8  }
0xa1: {  	v8 =	vadd.s32 $0x2000, v8;
	_ =	sdelay $0x1  }
0xa2: {  	vm7 =	vgt.s32 v7, $0x0  }
0xa3: {  	v17 =	vsel vm8, $0x3F800000, v0;
	v13 =	vshll.u32 v13, $0x10;
	v11 =	vld.idx.msk [tilespmem:v11+s14+$0x0], $0xffff;
	v7 =	vnsel vm7, $0x0, v7  }
0xa4: {  	vm0 =	vmmov vm0;
	v14 =	vadd.f32 v17, v14;
	v7 =	vadd.s32 $0x4000, v7  }
0xa5: {  	v10 =	vshll.u32 v10, $0x10;
	v9 =	vand.u32 $0xFFFF0000, v9;
	v13 =	vadd.f32 $0.0e+00, v13;
	v8 =	vld.idx.msk [tilespmem:v8+s14+$0x0], $0xffff  }
0xa6: {  	v10 =	vnsel vm2, $0x0, v10;
	v14 =	vmax.f32 v14, $1.000000000e+00;
	v12 =	vand.u32 $0xFFFF0000, v12  }
0xa7: {  	v13 =	vnsel vm4, $0x0, v13;
	(erf) = vrcp.f32 v14;
	v12 =	vnsel vm3, $0x0, v12  }
0xa8: {  	vm2 =	vmmov vm5;
	v11 =	vshll.u32 v11, $0x10;
	v12 =	vadd.f32 v12, v13  }
0xa9: {  	v9 =	vnsel vm1, $0x0, v9;
	v4 =	vadd.f32 v10, v4;
	v10 =	vnsel vm2, $0x0, v11;
	v7 =	vld.idx.msk [tilespmem:v7+s14+$0x0], $0xffff  }
0xaa: {  	vm1 =	vmmov vm6;
	v10 =	vadd.f32 v10, v12;
	v8 =	vand.u32 $0xFFFF0000, v8  }
0xab: {  	v2 =	vadd.f32 v3, v2;
	v4 =	vadd.f32 v9, v4;
	v8 =	vnsel vm1, $0x0, v8  }
0xac: {  	vm7 =	vmmov vm8;
	v6 =	vnsel vm0, $0x0, v6;
	v3 =	vadd.f32 v8, v10  }
0xad: {  	vm0 =	vmmov vm7;
	v4 =	vadd.f32 v4, v6  }
0xae: {  	v15 =	vadd.f32 v15, v16;
	v1 =	vmul.f32 v2, v1;
	v7 =	vnsel vm0, $0x0, v7  }
0xaf: {  	v9 =	vpop (erf);
	v4 =	vmul.f32 v4, v5;
	v2 =	vadd.f32 v3, v7  }
0xb0: {  	[tilespmem:s0+$0x8800] =	vst v1;
	v8 =	vmul.f32 v15, v9;
	v3 =	vpop (erf)  }
0xb1: {  	s26 =	sand.u32 $0x60, s22;
	[tilespmem:s1+$0x8800] =	vst v4;
	v1 =	vmul.f32 v2, v3  }
0xb2: {  	s0 =	sor.u32 $0x10, s26;
	s1 =	sand.u32 $0x400, s22;
	[tilespmem:s11+$0x8800] =	vst v8  }
0xb3: {  	s4 =	sor.u32 $0x7080, s1;
	s21 =	sor.u32 s0, s1;
	[tilespmem:s12+$0x8800] =	vst v1  }
0xb4: {  	s5 =	sor.u32 $0x6880, s1;
	s3 =	sor.u32 s0, s4;
	v1 =	vld [tilespmem:s21+$0x6080]  }
0xb5: {  	s7 =	sor.u32 $0x7880, s1;
	s6 =	sor.u32 s0, s5;
	v2 =	vld [tilespmem:s3+$0x0]  }
0xb6: {  	s13 =	sor.u32 s0, s7;
	v3 =	vld [tilespmem:s6+$0x0]  }
0xb7: {  	v4 =	vld [tilespmem:s13+$0x0]  }
0xb8: {  	s9 =	sor.u32 $0x8080, s1  }
0xb9: {  	s10 =	sor.u32 s0, s9  }
0xba: {  	s8 =	sor.u32 s22, s1;
	v7 =	vld [tilespmem:s10+$0x0];
	vm0 =	vgt.s32 v1, $0x0  }
0xbb: {  	s31 =	sor.u32 $0x80, s8;
	vm4 =	vgt.s32 v1, $0xFFFFFFFF;
	vm1 =	vgt.s32 v3, $0x0;
	vm6 =	vgt.s32 v3, $0xFFFFFFFF  }
0xbc: {  	s5 =	sor.u32 s26, s5;
	v5 =	vld [tilespmem:s31+$0x6000];
	vm2 =	vgt.s32 v2, $0x0;
	vm7 =	vgt.s32 v4, $0xFFFFFFFF;
	v6 =	vnsel vm0, $0x0, v1  }
0xbd: {  	v1 =	vld [tilespmem:s5+$0x0];
	v8 =	vsel vm4, $0x3F800000, v0;
	v9 =	vsel vm6, $0x3F800000, v0;
	v3 =	vnsel vm1, $0x0, v3  }
0xbe: {  	vm0 =	vgt.s32 v2, $0xFFFFFFFF;
	v2 =	vnsel vm2, $0x0, v2;
	v8 =	vadd.f32 v9, v8  }
0xbf: {  	s4 =	sor.u32 s26, s4;
	vm3 =	vgt.s32 v7, $0x0;
	v2 =	vadd.s32 $0x2000, v2;
	v9 =	vsel vm0, $0x3F800000, v0  }
0xc0: {  	v10 =	vld [tilespmem:s4+$0x0];
	vm5 =	vgt.s32 v7, $0xFFFFFFFF;
	vm1 =	vgt.s32 v4, $0x0;
	v8 =	vadd.f32 v9, v8  }
0xc1: {  	v11 =	vnsel vm1, $0x0, v4;
	vm1 =	vgt.s32 v5, $0xFFFFFFFF;
	v9 =	vsel vm7, $0x3F800000, v0;
	v4 =	vld.idx.msk [tilespmem:v6+s22+$0x0], $0xffff  }
0xc2: {  	v6 =	vadd.s32 $0x2000, v11;
	vm2 =	vgt.s32 v1, $0xFFFFFFFF;
	v8 =	vadd.f32 v9, v8;
	v3 =	vld.idx.msk [tilespmem:v3+s22+$0x0], $0xffff  }
0xc3: {  	v9 =	vnsel vm3, $0x0, v7;
	vm3 =	vgt.s32 v5, $0x0;
	v7 =	vsel vm5, $0x3F800000, v0  }
0xc4: {  	s11 =	sor.u32 s26, s7;
	v11 =	vsel vm1, $0x3F800000, v0;
	vm8 =	vgt.s32 v1, $0x0;
	v2 =	vld.idx.msk [tilespmem:v2+s22+$0x0], $0xffff;
	v5 =	vnsel vm3, $0x0, v5  }
0xc5: {  	s13 =	sor.u32 s26, s9;
	v9 =	vadd.s32 $0x4000, v9;
	v12 =	vsel vm2, $0x3F800000, v0;
	v7 =	vadd.f32 v7, v8;
	v8 =	vld [tilespmem:s11+$0x0]  }
0xc6: {  	vm3 =	vgt.s32 v10, $0xFFFFFFFF;
	v1 =	vnsel vm8, $0x0, v1;
	v11 =	vadd.f32 v12, v11;
	v12 =	vld [tilespmem:s13+$0x0]  }
0xc7: {  	v7 =	vmax.f32 v7, $1.000000000e+00;
	v4 =	vshll.u32 v4, $0x10;
	v6 =	vld.idx.msk [tilespmem:v6+s22+$0x0], $0xffff;
	v3 =	vand.u32 $0xFFFF0000, v3  }
0xc8: {  	(erf) = vrcp.f32 v7;
	v7 =	vsel vm3, $0x3F800000, v0;
	v4 =	vadd.f32 $0.0e+00, v4  }
0xc9: {  	v3 =	vnsel vm6, $0x0, v3;
	v2 =	vshll.u32 v2, $0x10;
	vm6 =	vgt.s32 v10, $0x0;
	v5 =	vld.idx.msk [tilespmem:v5+s22+$0x0], $0xffff  }
0xca: {  	v2 =	vnsel vm0, $0x0, v2;
	vm0 =	vgt.s32 v8, $0x0;
	v4 =	vnsel vm4, $0x0, v4  }
0xcb: {  	v9 =	vld.idx.msk [tilespmem:v9+s22+$0x0], $0xffff;
	vm4 =	vgt.s32 v8, $0xFFFFFFFF;
	v3 =	vadd.f32 v3, v4;
	v4 =	vadd.f32 v7, v11  }
0xcc: {  	v1 =	vld.idx.msk [tilespmem:v1+s22+$0x0], $0xffff;
	v7 =	vnsel vm6, $0x0, v10;
	vm6 =	vgt.s32 v12, $0xFFFFFFFF;
	v6 =	vand.u32 $0xFFFF0000, v6  }
0xcd: {  	s15 =	simm.s32 $0x100;
	s14 =	simm.s32 $0x20;
	v2 =	vadd.f32 v2, v3;
	v3 =	vsel vm4, $0x3F800000, v0;
	v6 =	vnsel vm7, $0x0, v6  }
0xce: {  	s30 =	sand.u32 $0x400, s15;
	s25 =	sand.u32 $0x60, s14;
	v5 =	vshll.u32 v5, $0x10;
	v3 =	vadd.f32 v3, v4;
	v4 =	vadd.s32 $0x2000, v7  }
0xcf: {  	s29 =	sor.u32 $0x10, s25;
	s5 =	sor.u32 $0x7080, s30;
	v7 =	vnsel vm0, $0x0, v8;
	v8 =	vsel vm6, $0x3F800000, v0;
	v2 =	vadd.f32 v6, v2  }
0xd0: {  	s18 =	sor.u32 s29, s5;
	v10 =	vadd.f32 $0.0e+00, v5;
	v6 =	vnsel vm5, $0x0, v9  }
0xd1: {  	s17 =	sor.u32 $0x6880, s30;
	s23 =	sor.u32 s29, s30;
	v1 =	vand.u32 $0xFFFF0000, v1;
	v9 =	vld [tilespmem:s18+$0x0];
	v3 =	vadd.f32 v8, v3;
	v2 =	vadd.f32 v2, v6  }
0xd2: {  	s24 =	sor.u32 s29, s17;
	s3 =	sor.u32 $0x7880, s30;
	v1 =	vnsel vm2, $0x0, v1;
	v6 =	vld [tilespmem:s23+$0x6080];
	v8 =	vpop (erf)  }
0xd3: {  	s6 =	sor.u32 s29, s3;
	v10 =	vnsel vm1, $0x0, v10;
	v3 =	vmax.f32 v3, $1.000000000e+00;
	v5 =	vmul.f32 v2, v8;
	v2 =	vld [tilespmem:s24+$0x0]  }
0xd4: {  	vm5 =	vgt.s32 v12, $0x0;
	(erf) = vrcp.f32 v3;
	v3 =	vadd.f32 v1, v10;
	v1 =	vld [tilespmem:s6+$0x0]  }
0xd5: {  	s7 =	sor.u32 s25, s17;
	vm0 =	vmmov vm6;
	v8 =	vnsel vm5, $0x0, v12  }
0xd6: {  	vm2 =	vmmov vm3;
	v7 =	vadd.s32 $0x2000, v7;
	v12 =	vld [tilespmem:s7+$0x0];
	v8 =	vadd.s32 $0x4000, v8  }
0xd7: {  	v4 =	vld.idx.msk [tilespmem:v4+s22+$0x0], $0xffff;
	vm6 =	vgt.s32 v9, $0xFFFFFFFF;
	vm1 =	vgt.s32 v6, $0x0;
	vm7 =	vgt.s32 v6, $0xFFFFFFFF  }
0xd8: {  	s4 =	sor.u32 s14, s30;
	v11 =	vnsel vm1, $0x0, v6;
	vm1 =	vmmov vm4;
	v13 =	vsel vm7, $0x3F800000, v0  }
0xd9: {  	s8 =	sor.u32 $0x8080, s30;
	s11 =	sor.u32 $0x80, s4;
	vm3 =	vgt.s32 v2, $0x0;
	vm8 =	vgt.s32 v2, $0xFFFFFFFF;
	vm4 =	vgt.s32 v1, $0x0  }
0xda: {  	s9 =	sor.u32 s29, s8;
	v10 =	vld [tilespmem:s11+$0x6000];
	vm9 =	vgt.s32 v1, $0xFFFFFFFF;
	v6 =	vnsel vm3, $0x0, v2;
	vm3 =	vgt.s32 v9, $0x0  }
0xdb: {  	vm11 =	vgt.s32 v12, $0x0;
	v2 =	vld [tilespmem:s9+$0x0];
	v14 =	vsel vm8, $0x3F800000, v0;
	v9 =	vnsel vm3, $0x0, v9  }
0xdc: {  	v4 =	vshll.u32 v4, $0x10;
	v13 =	vadd.f32 v14, v13;
	v9 =	vadd.s32 $0x2000, v9  }
0xdd: {  	s10 =	sor.u32 s25, s5;
	v15 =	vnsel vm4, $0x0, v1;
	vm4 =	vgt.s32 v12, $0xFFFFFFFF;
	v14 =	vsel vm6, $0x3F800000, v0;
	v11 =	vld.idx.msk [tilespmem:v11+s22+$0x0], $0xffff  }
0xde: {  	v12 =	vnsel vm11, $0x0, v12;
	v1 =	vadd.s32 $0x2000, v15;
	v13 =	vadd.f32 v14, v13;
	v14 =	vld [tilespmem:s10+$0x0]  }
0xdf: {  	v4 =	vnsel vm2, $0x0, v4;
	vm3 =	vgt.s32 v10, $0xFFFFFFFF;
	v15 =	vsel vm9, $0x3F800000, v0;
	v6 =	vld.idx.msk [tilespmem:v6+s22+$0x0], $0xffff  }
0xe0: {  	v17 =	vsel vm4, $0x3F800000, v0;
	v16 =	vsel vm3, $0x3F800000, v0;
	vm5 =	vgt.s32 v2, $0x0  }
0xe1: {  	v13 =	vadd.f32 v15, v13;
	vm10 =	vgt.s32 v2, $0xFFFFFFFF;
	v15 =	vnsel vm5, $0x0, v2;
	v9 =	vld.idx.msk [tilespmem:v9+s22+$0x0], $0xffff  }
0xe2: {  	vm5 =	vgt.s32 v10, $0x0;
	v2 =	vsel vm10, $0x3F800000, v0;
	v11 =	vshll.u32 v11, $0x10  }
0xe3: {  	s14 =	sor.u32 s25, s3;
	v1 =	vld.idx.msk [tilespmem:v1+s22+$0x0], $0xffff;
	v15 =	vadd.s32 $0x4000, v15;
	v2 =	vadd.f32 v2, v13;
	v11 =	vadd.f32 $0.0e+00, v11  }
0xe4: {  	v13 =	vld [tilespmem:s14+$0x0];
	v10 =	vnsel vm5, $0x0, v10;
	vm5 =	vgt.s32 v14, $0xFFFFFFFF;
	v6 =	vand.u32 $0xFFFF0000, v6  }
0xe5: {  	s15 =	sor.u32 s25, s8;
	v2 =	vmax.f32 v2, $1.000000000e+00;
	v11 =	vnsel vm7, $0x0, v11;
	v6 =	vnsel vm8, $0x0, v6  }
0xe6: {  	(erf) = vrcp.f32 v2;
	v2 =	vld [tilespmem:s15+$0x0];
	v6 =	vadd.f32 v6, v11;
	v9 =	vshll.u32 v9, $0x10  }
0xe7: {  	v7 =	vld.idx.msk [tilespmem:v7+s22+$0x0], $0xffff;
	v16 =	vadd.f32 v17, v16;
	v17 =	vsel vm5, $0x3F800000, v0;
	v9 =	vnsel vm6, $0x0, v9  }
0xe8: {  	vm7 =	vgt.s32 v14, $0x0;
	v1 =	vand.u32 $0xFFFF0000, v1;
	v15 =	vld.idx.msk [tilespmem:v15+s22+$0x0], $0xffff;
	v6 =	vadd.f32 v9, v6  }
0xe9: {  	v11 =	vadd.f32 v17, v16;
	v1 =	vnsel vm9, $0x0, v1;
	vm6 =	vgt.s32 v13, $0xFFFFFFFF  }
0xea: {  	v9 =	vnsel vm7, $0x0, v14;
	v14 =	vsel vm6, $0x3F800000, v0;
	v1 =	vadd.f32 v1, v6  }
0xeb: {  	s17 =	simm.s32 $0x40;
	s14 =	simm.s32 $0x200;
	v10 =	vld.idx.msk [tilespmem:v10+s22+$0x0], $0xffff;
	vm7 =	vgt.s32 v13, $0x0;
	v11 =	vadd.f32 v14, v11;
	vm8 =	vgt.s32 v2, $0xFFFFFFFF  }
0xec: {  	s24 =	sand.u32 $0x60, s17;
	s3 =	sand.u32 $0x400, s14;
	v14 =	vadd.s32 $0x2000, v9;
	v9 =	vld.idx.msk [tilespmem:v12+s22+$0x0], $0xffff;
	v12 =	vnsel vm7, $0x0, v13;
	v13 =	vsel vm8, $0x3F800000, v0  }
0xed: {  	s28 =	sor.u32 $0x10, s24;
	v7 =	vand.u32 $0xFFFF0000, v7;
	v3 =	vadd.f32 v4, v3;
	s18 =	sor.u32 $0x6880, s3;
	v6 =	vnsel vm10, $0x0, v15  }
0xee: {  	v8 =	vld.idx.msk [tilespmem:v8+s22+$0x0], $0xffff;
	v7 =	vnsel vm1, $0x0, v7;
	s6 =	sor.u32 s28, s18;
	v11 =	vadd.f32 v13, v11;
	v6 =	vadd.f32 v1, v6;
	v1 =	vpop (erf)  }
0xef: {  	s12 =	sor.u32 s28, s3;
	s5 =	sor.u32 $0x8080, s3;
	v17 =	vld [tilespmem:s6+$0x0];
	vm7 =	vmmov vm0;
	vm0 =	vmmov vm8;
	vm8 =	vgt.s32 v2, $0x0;
	v13 =	vpop (erf)  }
0xf0: {  	s10 =	sor.u32 s28, s5;
	v10 =	vshll.u32 v10, $0x10;
	v11 =	vmax.f32 v11, $1.000000000e+00;
	v16 =	vmul.f32 v6, v13;
	v6 =	vld [tilespmem:s12+$0x6080]  }
0xf1: {  	s15 =	sor.u32 $0x7080, s3;
	v2 =	vnsel vm8, $0x0, v2;
	v10 =	vadd.f32 $0.0e+00, v10;
	(erf) = vrcp.f32 v11;
	v11 =	vld [tilespmem:s10+$0x0]  }
0xf2: {  	v3 =	vadd.f32 v7, v3;
	s8 =	sor.u32 $0x7880, s3;
	s7 =	sor.u32 s28, s15;
	v15 =	vadd.s32 $0x4000, v2;
	v2 =	vand.u32 $0xFFFF0000, v9  }
0xf3: {  	vm2 =	vmmov vm5;
	v10 =	vnsel vm3, $0x0, v10;
	v2 =	vnsel vm4, $0x0, v2;
	v13 =	vld [tilespmem:s7+$0x0];
	s7 =	sor.u32 s28, s8  }
0xf4: {  	s4 =	sor.u32 s17, s3;
	vm10 =	vgt.s32 v17, $0xFFFFFFFF;
	v4 =	vadd.f32 v2, v10;
	v2 =	vnsel vm7, $0x0, v8;
	v8 =	vld [tilespmem:s7+$0x0]  }
0xf5: {  	s13 =	sor.u32 $0x80, s4;
	v12 =	vadd.s32 $0x2000, v12;
	v18 =	vsel vm10, $0x3F800000, v0;
	vm1 =	vgt.s32 v6, $0x0  }
0xf6: {  	s9 =	sor.u32 s24, s18;
	v7 =	vld [tilespmem:s13+$0x6000];
	vm3 =	vgt.s32 v17, $0x0;
	vm5 =	vgt.s32 v11, $0x0;
	v9 =	vnsel vm1, $0x0, v6  }
0xf7: {  	v10 =	vld [tilespmem:s9+$0x0];
	vm8 =	vgt.s32 v11, $0xFFFFFFFF;
	vm7 =	vgt.s32 v6, $0xFFFFFFFF;
	vm1 =	vmmov vm6  }
0xf8: {  	vm6 =	vgt.s32 v13, $0xFFFFFFFF;
	v6 =	vnsel vm3, $0x0, v17;
	vm3 =	vgt.s32 v13, $0x0  }
0xf9: {  	v17 =	vsel vm7, $0x3F800000, v0;
	vm4 =	vgt.s32 v8, $0x0;
	v13 =	vnsel vm3, $0x0, v13  }
0xfa: {  	v17 =	vadd.f32 v18, v17;
	v19 =	vnsel vm4, $0x0, v8;
	v13 =	vadd.s32 $0x2000, v13  }
0xfb: {  	s15 =	sor.u32 s24, s15;
	vm9 =	vgt.s32 v8, $0xFFFFFFFF;
	v18 =	vsel vm6, $0x3F800000, v0;
	v8 =	vadd.s32 $0x2000, v19;
	v20 =	vld.idx.msk [tilespmem:v9+s22+$0x0], $0xffff  }
0xfc: {  	vm11 =	vgt.s32 v10, $0x0;
	vm3 =	vgt.s32 v7, $0xFFFFFFFF;
	v9 =	vadd.f32 v18, v17;
	v17 =	vld [tilespmem:s15+$0x0]  }
0xfd: {  	vm4 =	vgt.s32 v10, $0xFFFFFFFF;
	v19 =	vsel vm3, $0x3F800000, v0;
	v18 =	vsel vm9, $0x3F800000, v0;
	v6 =	vld.idx.msk [tilespmem:v6+s22+$0x0], $0xffff  }
0xfe: {  	v21 =	vsel vm4, $0x3F800000, v0;
	v9 =	vadd.f32 v18, v9;
	v18 =	vnsel vm5, $0x0, v11  }
0xff: {  	vm5 =	vgt.s32 v7, $0x0;
	v11 =	vsel vm8, $0x3F800000, v0;
	v13 =	vld.idx.msk [tilespmem:v13+s22+$0x0], $0xffff;
	v18 =	vadd.s32 $0x4000, v18  }
0x100: {  	s17 =	sor.u32 s24, s8;
	v62 =	vld.idx.msk [tilespmem:v8+s22+$0x0], $0xffff;
	v22 =	vnsel vm5, $0x0, v7;
	v11 =	vadd.f32 v11, v9;
	v7 =	vshll.u32 v20, $0x10  }
0x101: {  	v63 =	vnsel vm11, $0x0, v10;
	v19 =	vadd.f32 v21, v19;
	v9 =	vld [tilespmem:s17+$0x0];
	v8 =	vadd.f32 $0.0e+00, v7  }
0x102: {  	s18 =	sor.u32 s24, s5;
	v10 =	vld.idx.msk [tilespmem:v14+s22+$0x0], $0xffff;
	vm5 =	vgt.s32 v17, $0xFFFFFFFF;
	v6 =	vand.u32 $0xFFFF0000, v6;
	v7 =	vmax.f32 v11, $1.000000000e+00  }
0x103: {  	v6 =	vnsel vm10, $0x0, v6;
	(erf) = vrcp.f32 v7;
	v7 =	vld [tilespmem:s18+$0x0];
	v8 =	vnsel vm7, $0x0, v8  }
0x104: {  	v11 =	vsel vm5, $0x3F800000, v0;
	v18 =	vld.idx.msk [tilespmem:v18+s22+$0x0], $0xffff;
	v6 =	vadd.f32 v6, v8;
	v8 =	vshll.u32 v13, $0x10  }
0x105: {  	v11 =	vadd.f32 v11, v19;
	vm7 =	vgt.s32 v17, $0x0;
	v13 =	vnsel vm6, $0x0, v8;
	v8 =	vld.idx.msk [tilespmem:v12+s22+$0x0], $0xffff  }
0x106: {  	vm6 =	vgt.s32 v9, $0xFFFFFFFF;
	v12 =	vand.u32 $0xFFFF0000, v62;
	v19 =	vadd.f32 v13, v6;
	v6 =	vld.idx.msk [tilespmem:v15+s22+$0x0], $0xffff  }
0x107: {  	v15 =	vnsel vm7, $0x0, v17;
	v14 =	vsel vm6, $0x3F800000, v0;
	v12 =	vnsel vm9, $0x0, v12;
	v13 =	vld.idx.msk [tilespmem:v22+s22+$0x0], $0xffff  }
0x108: {  	[tilespmem:s21+$0x8880] =	vst v5;
	vm7 =	vgt.s32 v9, $0x0;
	v14 =	vadd.f32 v14, v11;
	v11 =	vadd.s32 $0x2000, v15  }
0x109: {  	[tilespmem:s23+$0x8880] =	vst v16;
	v5 =	vpop (erf);
	s15 =	simm.s32 $0x4;
	s18 =	simm.s32 $0x60;
	vm9 =	vgt.s32 v7, $0xFFFFFFFF;
	v15 =	vadd.f32 v12, v19;
	v12 =	vld.idx.msk [tilespmem:v63+s22+$0x0], $0xffff;
	v16 =	vnsel vm8, $0x0, v18  }
.LBB2_4:
0x10a: {  	v18 =	vnsel vm7, $0x0, v9;
	v17 =	vsel vm9, $0x3F800000, v0  }
0x10b: {  	s4 =	sand.u32 $0x60, s18;
	s15 =	sadd.s32 $0x2, s15;
	v15 =	vadd.f32 v15, v16;
	s14 =	sadd.s32 $0x100, s14;
	vm7 =	vmmov vm0;
	vm0 =	vmmov vm9  }
0x10c: {  	v13 =	vshll.u32 v13, $0x10;
	s6 =	sand.u32 $0x400, s14;
	s5 =	sor.u32 $0x10, s4;
	p0 =	slt.u32 s15, $0xE;
	v14 =	vadd.f32 v17, v14;
	v16 =	vadd.s32 $0x2000, v18;
	v9 =	vpop (erf)  }
0x10d: {  	vm8 =	vgt.s32 v7, $0x0;
	v13 =	vadd.f32 $0.0e+00, v13;
	s7 =	sor.u32 s18, s6;
	s8 =	sor.u32 $0x7080, s6;
	s9 =	sor.u32 s5, s6;
	v9 =	vmul.f32 v15, v9  }
0x10e: {  	v10 =	vshll.u32 v10, $0x10;
	v7 =	vnsel vm8, $0x0, v7;
	s10 =	sor.u32 $0x6880, s6;
	s7 =	sor.u32 $0x80, s7;
	v15 =	vld [tilespmem:s9+$0x6080];
	s3 =	sor.u32 s5, s8;
	v14 =	vmax.f32 v14, $1.000000000e+00  }
0x10f: {  	v18 =	vadd.s32 $0x4000, v7;
	s17 =	sor.u32 s4, s10;
	s8 =	sor.u32 s4, s8;
	s10 =	sor.u32 s5, s10;
	v13 =	vnsel vm3, $0x0, v13;
	v17 =	vld [tilespmem:s3+$0x0];
	[tilespmem:s12+$0x8880] =	vst v9;
	(erf) = vrcp.f32 v14  }
0x110: {  	v8 =	vand.u32 $0xFFFF0000, v8;
	v10 =	vnsel vm2, $0x0, v10;
	v9 =	vand.u32 $0xFFFF0000, v12;
	s12 =	smov.u32 s9;
	v7 =	vld [tilespmem:s10+$0x0]  }
0x111: {  	v8 =	vnsel vm1, $0x0, v8;
	v10 =	vadd.f32 v10, v4;
	s3 =	sor.u32 $0x7880, s6;
	v9 =	vnsel vm4, $0x0, v9;
	v12 =	vld [tilespmem:s7+$0x6000]  }
0x112: {  	s9 =	sor.u32 s4, s3;
	s3 =	sor.u32 s5, s3;
	v4 =	vadd.f32 v9, v13;
	v9 =	vadd.f32 v3, v2;
	v2 =	vnsel vm7, $0x0, v6;
	v14 =	vld [tilespmem:s17+$0x0]  }
0x113: {  	vm2 =	vmmov vm5;
	v3 =	vadd.f32 v8, v10;
	vm1 =	vgt.s32 v15, $0x0;
	v6 =	vld [tilespmem:s3+$0x0]  }
0x114: {  	s3 =	sor.u32 $0x8080, s6;
	v10 =	vmul.f32 v9, v1;
	v1 =	vmovc v5;
	v19 =	vld [tilespmem:s8+$0x0];
	v8 =	vnsel vm1, $0x0, v15;
	vm1 =	vmmov vm6  }
0x115: {  	vm7 =	vgt.s32 v15, $0xFFFFFFFF;
	s4 =	sor.u32 s4, s3;
	vm6 =	vgt.s32 v17, $0xFFFFFFFF;
	s3 =	sor.u32 s5, s3;
	v9 =	vld [tilespmem:s9+$0x0];
	vm3 =	vgt.s32 v7, $0x0  }
0x116: {  	vm8 =	vgt.s32 v7, $0xFFFFFFFF;
	v13 =	vnsel vm3, $0x0, v7;
	vm3 =	vgt.s32 v17, $0x0;
	v15 =	vld [tilespmem:s3+$0x0];
	[tilespmem:s31+$0x8800] =	vst v10;
	s31 =	smov.u32 s11;
	s11 =	smov.u32 s13;
	s13 =	smov.u32 s7  }
0x117: {  	v21 =	vsel vm7, $0x3F800000, v0;
	v10 =	vsel vm8, $0x3F800000, v0;
	v7 =	vld [tilespmem:s4+$0x0];
	v17 =	vnsel vm3, $0x0, v17  }
0x118: {  	v20 =	vadd.f32 v10, v21;
	vm4 =	vgt.s32 v6, $0x0;
	v17 =	vadd.s32 $0x2000, v17;
	v10 =	vld.idx.msk [tilespmem:v11+s22+$0x0], $0xffff;
	v5 =	vpop (erf)  }
0x119: {  	vm3 =	vgt.s32 v12, $0xFFFFFFFF;
	v11 =	vsel vm6, $0x3F800000, v0;
	v21 =	vnsel vm4, $0x0, v6;
	v22 =	vld.idx.msk [tilespmem:v8+s22+$0x0], $0xffff  }
0x11a: {  	vm9 =	vgt.s32 v6, $0xFFFFFFFF;
	v11 =	vadd.f32 v11, v20;
	v20 =	vadd.s32 $0x2000, v21;
	v8 =	vld.idx.msk [tilespmem:v16+s22+$0x0], $0xffff  }
0x11b: {  	vm4 =	vgt.s32 v14, $0xFFFFFFFF;
	v6 =	vsel vm9, $0x3F800000, v0;
	vm5 =	vgt.s32 v15, $0x0;
	v13 =	vld.idx.msk [tilespmem:v13+s22+$0x0], $0xffff  }
0x11c: {  	v11 =	vadd.f32 v6, v11;
	vm10 =	vgt.s32 v15, $0xFFFFFFFF;
	v16 =	vnsel vm5, $0x0, v15;
	v6 =	vld.idx.msk [tilespmem:v18+s22+$0x0], $0xffff  }
0x11d: {  	vm5 =	vgt.s32 v12, $0x0;
	v15 =	vsel vm10, $0x3F800000, v0;
	v17 =	vld.idx.msk [tilespmem:v17+s22+$0x0], $0xffff;
	v16 =	vadd.s32 $0x4000, v16  }
0x11e: {  	v21 =	vsel vm4, $0x3F800000, v0;
	v18 =	vsel vm3, $0x3F800000, v0;
	v11 =	vadd.f32 v15, v11  }
0x11f: {  	v12 =	vnsel vm5, $0x0, v12;
	v15 =	vadd.f32 v21, v18;
	v18 =	vshll.u32 v22, $0x10;
	v20 =	vld.idx.msk [tilespmem:v20+s22+$0x0], $0xffff  }
0x120: {  	vm5 =	vgt.s32 v19, $0xFFFFFFFF;
	v18 =	vadd.f32 $0.0e+00, v18;
	v11 =	vmax.f32 v11, $1.000000000e+00  }
0x121: {  	vm11 =	vgt.s32 v14, $0x0;
	v13 =	vand.u32 $0xFFFF0000, v13;
	(erf) = vrcp.f32 v11  }
0x122: {  	v11 =	vsel vm5, $0x3F800000, v0;
	v18 =	vnsel vm7, $0x0, v18;
	v13 =	vnsel vm8, $0x0, v13;
	v16 =	vld.idx.msk [tilespmem:v16+s22+$0x0], $0xffff  }
0x123: {  	v21 =	vnsel vm11, $0x0, v14;
	v14 =	vadd.f32 v13, v18;
	v17 =	vshll.u32 v17, $0x10  }
.Ltmp1:
0x124: {  	vm7 =	vgt.s32 v19, $0x0;
	v11 =	vadd.f32 v11, v15;
	v13 =	vld.idx.msk [tilespmem:v12+s22+$0x0], $0xffff;
	v12 =	vnsel vm6, $0x0, v17;
	(pc) =	sbr.rel @p0 .LBB2_4-.Ltmp1, $4  }
0x125: {  	vm6 =	vgt.s32 v9, $0xFFFFFFFF;
	v15 =	vand.u32 $0xFFFF0000, v20;
	v12 =	vadd.f32 v12, v14  }
0x126: {  	v17 =	vnsel vm7, $0x0, v19;
	v14 =	vsel vm6, $0x3F800000, v0;
	v15 =	vnsel vm9, $0x0, v15  }
0x127: {  	v14 =	vadd.f32 v14, v11;
	v11 =	vadd.s32 $0x2000, v17;
	v15 =	vadd.f32 v15, v12  }
0x128: {  	s18 =	sadd.s32 $0x20, s18;
	vm7 =	vgt.s32 v9, $0x0;
	vm9 =	vgt.s32 v7, $0xFFFFFFFF;
	v16 =	vnsel vm10, $0x0, v16;
	v12 =	vld.idx.msk [tilespmem:v21+s22+$0x0], $0xffff  }
0x129: {  	v9 =	vnsel vm7, $0x0, v9  }
0x12a: {  	v9 =	vadd.s32 $0x2000, v9;
	_ =	sdelay $0x1  }
0x12b: {  	vm7 =	vgt.s32 v7, $0x0  }
0x12c: {  	v17 =	vsel vm9, $0x3F800000, v0;
	v13 =	vshll.u32 v13, $0x10;
	v11 =	vld.idx.msk [tilespmem:v11+s22+$0x0], $0xffff;
	v7 =	vnsel vm7, $0x0, v7  }
0x12d: {  	vm0 =	vmmov vm0;
	v14 =	vadd.f32 v17, v14;
	v7 =	vadd.s32 $0x4000, v7  }
0x12e: {  	v10 =	vshll.u32 v10, $0x10;
	v8 =	vand.u32 $0xFFFF0000, v8;
	v13 =	vadd.f32 $0.0e+00, v13;
	v9 =	vld.idx.msk [tilespmem:v9+s22+$0x0], $0xffff  }
0x12f: {  	v10 =	vnsel vm2, $0x0, v10;
	v14 =	vmax.f32 v14, $1.000000000e+00;
	v12 =	vand.u32 $0xFFFF0000, v12  }
0x130: {  	v13 =	vnsel vm3, $0x0, v13;
	(erf) = vrcp.f32 v14;
	v12 =	vnsel vm4, $0x0, v12  }
0x131: {  	vm2 =	vmmov vm5;
	v11 =	vshll.u32 v11, $0x10;
	v12 =	vadd.f32 v12, v13  }
0x132: {  	v8 =	vnsel vm1, $0x0, v8;
	v4 =	vadd.f32 v10, v4;
	v10 =	vnsel vm2, $0x0, v11;
	v7 =	vld.idx.msk [tilespmem:v7+s22+$0x0], $0xffff  }
0x133: {  	vm1 =	vmmov vm6;
	v10 =	vadd.f32 v10, v12;
	v9 =	vand.u32 $0xFFFF0000, v9  }
0x134: {  	v2 =	vadd.f32 v3, v2;
	v4 =	vadd.f32 v8, v4;
	v8 =	vnsel vm1, $0x0, v9  }
0x135: {  	vm7 =	vmmov vm9;
	v6 =	vnsel vm0, $0x0, v6;
	v3 =	vadd.f32 v8, v10  }
0x136: {  	vm0 =	vmmov vm7;
	v4 =	vadd.f32 v4, v6  }
0x137: {  	v15 =	vadd.f32 v15, v16;
	v1 =	vmul.f32 v2, v1;
	v7 =	vnsel vm0, $0x0, v7  }
0x138: {  	v4 =	vmul.f32 v4, v5;
	v9 =	vpop (erf);
	v2 =	vadd.f32 v3, v7  }
0x139: {  	[tilespmem:s31+$0x8800] =	vst v1;
	v8 =	vmul.f32 v15, v9;
	v3 =	vpop (erf)  }
0x13a: {  	[tilespmem:s11+$0x8800] =	vst v4;
	v1 =	vmul.f32 v2, v3  }
0x13b: {  	[tilespmem:s12+$0x8880] =	vst v8  }
0x13c: {  	s4 =	sor.u32 $0x6900, s1;
	[tilespmem:s13+$0x8800] =	vst v1  }
0x13d: {  	s14 =	sor.u32 $0x7900, s1;
	s6 =	sor.u32 s0, s4;
	v1 =	vld [tilespmem:s21+$0x6100]  }
0x13e: {  	s3 =	sor.u32 $0x7100, s1;
	s15 =	sor.u32 s0, s14;
	v3 =	vld [tilespmem:s6+$0x0]  }
0x13f: {  	s5 =	sor.u32 s0, s3;
	v4 =	vld [tilespmem:s15+$0x0]  }
0x140: {  	v2 =	vld [tilespmem:s5+$0x0];
	_ =	sdelay $0x1  }
0x141: {  	vm0 =	vgt.s32 v1, $0x0  }
0x142: {  	s4 =	sor.u32 s26, s4;
	vm2 =	vgt.s32 v1, $0xFFFFFFFF;
	vm1 =	vgt.s32 v3, $0x0;
	vm3 =	vgt.s32 v3, $0xFFFFFFFF  }
0x143: {  	s17 =	sor.u32 $0x8100, s1;
	s31 =	sor.u32 s26, s1;
	v5 =	vld [tilespmem:s4+$0x0];
	vm4 =	vgt.s32 v4, $0x0;
	vm7 =	vgt.s32 v4, $0xFFFFFFFF;
	v6 =	vnsel vm0, $0x0, v1  }
0x144: {  	s18 =	sor.u32 s0, s17;
	v8 =	vld [tilespmem:s31+$0x6100];
	vm0 =	vgt.s32 v2, $0xFFFFFFFF;
	v1 =	vnsel vm1, $0x0, v3;
	vm1 =	vgt.s32 v2, $0x0  }
0x145: {  	v3 =	vld [tilespmem:s18+$0x0];
	v7 =	vsel vm2, $0x3F800000, v0;
	v9 =	vsel vm3, $0x3F800000, v0;
	v10 =	vnsel vm4, $0x0, v4  }
0x146: {  	v2 =	vnsel vm1, $0x0, v2;
	v7 =	vadd.f32 v9, v7;
	v4 =	vadd.s32 $0x2000, v10  }
0x147: {  	s3 =	sor.u32 s26, s3;
	v9 =	vsel vm0, $0x3F800000, v0;
	v2 =	vadd.s32 $0x2000, v2  }
0x148: {  	s0 =	simm.s32 $0x0;
	vm6 =	vgt.s32 v5, $0x0;
	v7 =	vadd.f32 v9, v7;
	v9 =	vld [tilespmem:s3+$0x0]  }
0x149: {  	vm4 =	vgt.s32 v8, $0xFFFFFFFF;
	vm1 =	vgt.s32 v5, $0xFFFFFFFF;
	v10 =	vsel vm7, $0x3F800000, v0;
	v6 =	vld.idx.msk [tilespmem:v6+s0+$0x0], $0xffff  }
0x14a: {  	v11 =	vsel vm4, $0x3F800000, v0;
	v5 =	vnsel vm6, $0x0, v5;
	vm5 =	vgt.s32 v3, $0x0;
	v1 =	vld.idx.msk [tilespmem:v1+s0+$0x0], $0xffff  }
0x14b: {  	v7 =	vadd.f32 v10, v7;
	vm9 =	vgt.s32 v3, $0xFFFFFFFF;
	v10 =	vnsel vm5, $0x0, v3;
	v4 =	vld.idx.msk [tilespmem:v4+s0+$0x0], $0xffff  }
0x14c: {  	s22 =	sor.u32 s26, s14;
	v12 =	vsel vm1, $0x3F800000, v0;
	v3 =	vsel vm9, $0x3F800000, v0;
	v10 =	vadd.s32 $0x4000, v10;
	v2 =	vld.idx.msk [tilespmem:v2+s0+$0x0], $0xffff  }
0x14d: {  	v11 =	vadd.f32 v12, v11;
	vm5 =	vgt.s32 v8, $0x0;
	v3 =	vadd.f32 v3, v7;
	v7 =	vld [tilespmem:s22+$0x0]  }
0x14e: {  	v8 =	vnsel vm5, $0x0, v8;
	vm5 =	vgt.s32 v9, $0xFFFFFFFF;
	v6 =	vshll.u32 v6, $0x10  }
0x14f: {  	s1 =	sor.u32 s26, s17;
	v3 =	vmax.f32 v3, $1.000000000e+00;
	v1 =	vand.u32 $0xFFFF0000, v1;
	v12 =	vadd.f32 $0.0e+00, v6  }
0x150: {  	(erf) = vrcp.f32 v3;
	v3 =	vsel vm5, $0x3F800000, v0;
	v6 =	vld [tilespmem:s1+$0x0];
	v1 =	vnsel vm3, $0x0, v1  }
0x151: {  	p1 =	por $0x1, $0x1;
	v3 =	vadd.f32 v3, v11;
	v4 =	vand.u32 $0xFFFF0000, v4;
	v10 =	vld.idx.msk [tilespmem:v10+s0+$0x0], $0xffff;
	v12 =	vnsel vm2, $0x0, v12  }
.Ltmp2:
0x152: {  	v2 =	vshll.u32 v2, $0x10;
	vm6 =	vgt.s32 v7, $0xFFFFFFFF;
	v1 =	vadd.f32 v1, v12;
	(pc) =	sbr.rel @!p1 .LBB2_6-.Ltmp2, $4  }
0x153: {  	v4 =	vnsel vm7, $0x0, v4;
	vm2 =	vgt.s32 v9, $0x0;
	v2 =	vnsel vm0, $0x0, v2  }
0x154: {  	v1 =	vadd.f32 v2, v1;
	v2 =	vnsel vm2, $0x0, v9;
	v9 =	vsel vm6, $0x3F800000, v0  }
0x155: {  	v11 =	vld.idx.msk [tilespmem:v5+s0+$0x0], $0xffff;
	vm8 =	vgt.s32 v7, $0x0;
	vm7 =	vgt.s32 v6, $0xFFFFFFFF;
	v14 =	vadd.f32 v9, v3  }
0x156: {  	p2 =	por $0x0, $0x0;
	p0 =	por $0x0, $0x0;
	v13 =	vld.idx.msk [tilespmem:v8+s0+$0x0], $0xffff;
	v2 =	vadd.s32 $0x2000, v2;
	v16 =	vnsel vm9, $0x0, v10;
	v15 =	vadd.f32 v4, v1  }
0x157: {  	_ = 	snop  }
0x158: {  	v1 =	vnsel vm8, $0x0, v7;
	s3 =	sor.u32 $0x7100, s30;
	v3 =	vsel vm7, $0x3F800000, v0  }
0x159: {  	vm0 =	vmmov vm7;
	s1 =	sor.u32 $0x6900, s30;
	v5 =	vld [tilespmem:s23+$0x6100];
	s4 =	sor.u32 s29, s3;
	v3 =	vadd.f32 v3, v14  }
0x15a: {  	vm2 =	vgt.s32 v6, $0x0;
	vm3 =	vmmov vm6;
	v4 =	vadd.f32 v15, v16;
	s5 =	sor.u32 s29, s1;
	v9 =	vld [tilespmem:s4+$0x0]  }
0x15b: {  	v8 =	vadd.s32 $0x2000, v1;
	s6 =	sor.u32 s25, s1;
	v10 =	vld [tilespmem:s5+$0x0];
	v1 =	vpop (erf);
	v3 =	vmax.f32 v3, $1.000000000e+00;
	v7 =	vshll.u32 v13, $0x10  }
0x15c: {  	s15 =	sor.u32 $0x7900, s30;
	v12 =	vld [tilespmem:s6+$0x0];
	v4 =	vmul.f32 v4, v1;
	v1 =	vnsel vm2, $0x0, v6;
	v6 =	vand.u32 $0xFFFF0000, v11  }
0x15d: {  	s17 =	sor.u32 s29, s15;
	(erf) = vrcp.f32 v3;
	vm2 =	vmmov vm5;
	v7 =	vadd.f32 $0.0e+00, v7  }
0x15e: {  	v3 =	vld [tilespmem:s17+$0x0];
	v11 =	vadd.s32 $0x4000, v1;
	v1 =	vnsel vm1, $0x0, v6;
	vm1 =	vgt.s32 v5, $0x0  }
0x15f: {  	vm7 =	vgt.s32 v5, $0xFFFFFFFF;
	v6 =	vnsel vm1, $0x0, v5;
	v7 =	vnsel vm4, $0x0, v7  }
0x160: {  	s18 =	sor.u32 $0x8100, s30;
	s1 =	sor.u32 s25, s30;
	vm1 =	vgt.s32 v10, $0x0;
	vm6 =	vgt.s32 v9, $0xFFFFFFFF;
	vm8 =	vgt.s32 v10, $0xFFFFFFFF  }
0x161: {  	s26 =	sor.u32 s29, s18;
	v13 =	vld [tilespmem:s1+$0x6100];
	vm11 =	vgt.s32 v12, $0x0;
	v1 =	vadd.f32 v1, v7;
	v5 =	vnsel vm1, $0x0, v10  }
0x162: {  	vm1 =	vgt.s32 v9, $0x0;
	v7 =	vld [tilespmem:s26+$0x0];
	v10 =	vsel vm7, $0x3F800000, v0;
	v14 =	vsel vm8, $0x3F800000, v0  }
0x163: {  	v9 =	vnsel vm1, $0x0, v9;
	v10 =	vadd.f32 v14, v10;
	vm4 =	vgt.s32 v3, $0x0  }
0x164: {  	s22 =	simm.s32 $0x0;
	vm1 =	vgt.s32 v12, $0xFFFFFFFF;
	v9 =	vadd.s32 $0x2000, v9;
	v15 =	vnsel vm4, $0x0, v3  }
0x165: {  	s3 =	sor.u32 s25, s3;
	v14 =	vsel vm6, $0x3F800000, v0;
	vm10 =	vgt.s32 v3, $0xFFFFFFFF;
	v6 =	vld.idx.msk [tilespmem:v6+s22+$0x0], $0xffff;
	v3 =	vadd.s32 $0x2000, v15  }
0x166: {  	v12 =	vnsel vm11, $0x0, v12;
	vm4 =	vgt.s32 v13, $0xFFFFFFFF;
	v10 =	vadd.f32 v14, v10;
	v14 =	vld [tilespmem:s3+$0x0]  }
0x167: {  	v17 =	vsel vm1, $0x3F800000, v0;
	v15 =	vsel vm10, $0x3F800000, v0;
	vm5 =	vgt.s32 v7, $0x0;
	v5 =	vld.idx.msk [tilespmem:v5+s22+$0x0], $0xffff  }
0x168: {  	v10 =	vadd.f32 v15, v10;
	vm9 =	vgt.s32 v7, $0xFFFFFFFF;
	v15 =	vnsel vm5, $0x0, v7  }
0x169: {  	v16 =	vsel vm4, $0x3F800000, v0;
	v7 =	vsel vm9, $0x3F800000, v0;
	v15 =	vadd.s32 $0x4000, v15;
	v9 =	vld.idx.msk [tilespmem:v9+s22+$0x0], $0xffff  }
0x16a: {  	s29 =	sor.u32 s25, s15;
	vm5 =	vgt.s32 v13, $0x0;
	v10 =	vadd.f32 v7, v10;
	v6 =	vshll.u32 v6, $0x10;
	v3 =	vld.idx.msk [tilespmem:v3+s22+$0x0], $0xffff  }
0x16b: {  	v16 =	vadd.f32 v17, v16;
	v7 =	vld [tilespmem:s29+$0x0];
	v13 =	vnsel vm5, $0x0, v13;
	v17 =	vadd.f32 $0.0e+00, v6  }
0x16c: {  	s30 =	sor.u32 s25, s18;
	vm5 =	vgt.s32 v14, $0xFFFFFFFF;
	v6 =	vmax.f32 v10, $1.000000000e+00;
	v5 =	vand.u32 $0xFFFF0000, v5  }
0x16d: {  	(erf) = vrcp.f32 v6;
	v6 =	vld [tilespmem:s30+$0x0];
	v10 =	vnsel vm7, $0x0, v17;
	v5 =	vnsel vm8, $0x0, v5  }
0x16e: {  	p3 =	por $0x1, $0x1;
	v18 =	vsel vm5, $0x3F800000, v0;
	vm7 =	vgt.s32 v14, $0x0;
	v17 =	vld.idx.msk [tilespmem:v15+s22+$0x0], $0xffff;
	v5 =	vadd.f32 v5, v10  }
.Ltmp3:
0x16f: {  	v9 =	vshll.u32 v9, $0x10;
	v10 =	vld.idx.msk [tilespmem:v2+s0+$0x0], $0xffff;
	v2 =	vadd.f32 v18, v16;
	v3 =	vand.u32 $0xFFFF0000, v3;
	(pc) =	sbr.rel @!p3 .LBB2_8-.Ltmp3, $4  }
0x170: {  	v15 =	vnsel vm6, $0x0, v9;
	v9 =	vld.idx.msk [tilespmem:v8+s0+$0x0], $0xffff;
	vm6 =	vgt.s32 v7, $0xFFFFFFFF;
	v3 =	vnsel vm10, $0x0, v3  }
0x171: {  	v8 =	vld.idx.msk [tilespmem:v11+s0+$0x0], $0xffff;
	v11 =	vnsel vm7, $0x0, v14;
	v5 =	vadd.f32 v15, v5;
	v14 =	vsel vm6, $0x3F800000, v0  }
0x172: {  	v13 =	vld.idx.msk [tilespmem:v13+s22+$0x0], $0xffff;
	vm8 =	vgt.s32 v7, $0x0;
	v14 =	vadd.f32 v14, v2;
	v2 =	vadd.s32 $0x2000, v11  }
0x173: {  	p2 =	por $0x1, $0x1;
	[tilespmem:s21+$0x8900] =	vst v4;
	vm7 =	vgt.s32 v6, $0xFFFFFFFF;
	v11 =	vld.idx.msk [tilespmem:v12+s22+$0x0], $0xffff;
	v15 =	vadd.f32 v3, v5;
	v3 =	vpop (erf);
	v16 =	vnsel vm9, $0x0, v17  }
0x174: {  	v4 =	vnsel vm8, $0x0, v7  }
0x175: {  	v5 =	vsel vm7, $0x3F800000, v0;
	s11 =	simm.s32 $0x200;
	vm8 =	vmmov vm0;
	vm0 =	vmmov vm7  }
0x176: {  	vm7 =	vgt.s32 v6, $0x0;
	v7 =	vadd.f32 v15, v16;
	s0 =	sand.u32 $0x400, s11;
	v5 =	vadd.f32 v5, v14  }
0x177: {  	v14 =	vadd.s32 $0x2000, v4;
	v4 =	vnsel vm7, $0x0, v6;
	s3 =	sor.u32 $0x7100, s0;
	s21 =	sor.u32 s28, s0;
	v12 =	vshll.u32 v13, $0x10;
	v13 =	vpop (erf)  }
0x178: {  	v6 =	vshll.u32 v10, $0x10;
	v9 =	vand.u32 $0xFFFF0000, v9;
	s4 =	sor.u32 $0x6900, s0;
	s5 =	sor.u32 s28, s3;
	v16 =	vmul.f32 v7, v13;
	v7 =	vld [tilespmem:s21+$0x6100]  }
0x179: {  	v6 =	vnsel vm2, $0x0, v6;
	vm2 =	vmmov vm5;
	v5 =	vmax.f32 v5, $1.000000000e+00;
	s6 =	sor.u32 s28, s4;
	v10 =	vld [tilespmem:s5+$0x0]  }
0x17a: {  	v6 =	vadd.f32 v6, v1;
	s4 =	sor.u32 s24, s4;
	v12 =	vadd.f32 $0.0e+00, v12;
	v13 =	vadd.s32 $0x4000, v4;
	v15 =	vld [tilespmem:s6+$0x0]  }
0x17b: {  	s18 =	sor.u32 $0x7900, s0;
	v4 =	vand.u32 $0xFFFF0000, v11;
	(erf) = vrcp.f32 v5;
	v5 =	vnsel vm3, $0x0, v9;
	v9 =	vld [tilespmem:s4+$0x0]  }
0x17c: {  	s25 =	sor.u32 s28, s18;
	vm3 =	vmmov vm6;
	v4 =	vnsel vm1, $0x0, v4;
	v12 =	vnsel vm4, $0x0, v12  }
0x17d: {  	s26 =	sor.u32 $0x8100, s0;
	v1 =	vadd.f32 v4, v12;
	v4 =	vnsel vm8, $0x0, v8;
	v8 =	vld [tilespmem:s25+$0x0];
	vm1 =	vgt.s32 v7, $0x0  }
0x17e: {  	s12 =	sor.u32 s24, s0;
	s0 =	sor.u32 s28, s26;
	v5 =	vadd.f32 v5, v6;
	vm7 =	vgt.s32 v7, $0xFFFFFFFF;
	v6 =	vnsel vm1, $0x0, v7  }
0x17f: {  	v12 =	vld [tilespmem:s0+$0x0];
	vm6 =	vgt.s32 v10, $0xFFFFFFFF;
	vm8 =	vgt.s32 v15, $0xFFFFFFFF;
	vm1 =	vgt.s32 v15, $0x0  }
0x180: {  	vm11 =	vgt.s32 v9, $0x0;
	v7 =	vnsel vm1, $0x0, v15;
	vm1 =	vgt.s32 v10, $0x0  }
0x181: {  	v11 =	vld [tilespmem:s12+$0x6100];
	v17 =	vsel vm8, $0x3F800000, v0;
	v15 =	vsel vm7, $0x3F800000, v0;
	v10 =	vnsel vm1, $0x0, v10  }
0x182: {  	s0 =	simm.s32 $0x0;
	v15 =	vadd.f32 v17, v15;
	vm4 =	vgt.s32 v8, $0x0;
	v10 =	vadd.s32 $0x2000, v10  }
0x183: {  	vm1 =	vgt.s32 v9, $0xFFFFFFFF;
	v17 =	vsel vm6, $0x3F800000, v0;
	vm10 =	vgt.s32 v8, $0xFFFFFFFF;
	v6 =	vld.idx.msk [tilespmem:v6+s0+$0x0], $0xffff  }
0x184: {  	vm5 =	vgt.s32 v12, $0x0;
	v18 =	vnsel vm4, $0x0, v8;
	v15 =	vadd.f32 v17, v15  }
0x185: {  	vm9 =	vgt.s32 v12, $0xFFFFFFFF;
	v8 =	vadd.s32 $0x2000, v18;
	v18 =	vsel vm10, $0x3F800000, v0;
	v19 =	vld.idx.msk [tilespmem:v7+s0+$0x0], $0xffff  }
0x186: {  	vm4 =	vgt.s32 v11, $0xFFFFFFFF;
	v7 =	vadd.f32 v18, v15;
	v15 =	vnsel vm5, $0x0, v12  }
0x187: {  	s3 =	sor.u32 s24, s3;
	v20 =	vsel vm1, $0x3F800000, v0;
	v12 =	vsel vm9, $0x3F800000, v0;
	v15 =	vadd.s32 $0x4000, v15;
	v10 =	vld.idx.msk [tilespmem:v10+s0+$0x0], $0xffff  }
0x188: {  	s29 =	sor.u32 s24, s18;
	v17 =	vld [tilespmem:s3+$0x0];
	vm5 =	vgt.s32 v11, $0x0;
	v12 =	vadd.f32 v12, v7;
	v6 =	vshll.u32 v6, $0x10  }
0x189: {  	v18 =	vsel vm4, $0x3F800000, v0;
	v11 =	vnsel vm5, $0x0, v11;
	v7 =	vld [tilespmem:s29+$0x0];
	v63 =	vadd.f32 $0.0e+00, v6  }
0x18a: {  	s30 =	sor.u32 s24, s26;
	v18 =	vadd.f32 v20, v18;
	v8 =	vld.idx.msk [tilespmem:v8+s0+$0x0], $0xffff;
	v6 =	vmax.f32 v12, $1.000000000e+00;
	v12 =	vand.u32 $0xFFFF0000, v19  }
0x18b: {  	(erf) = vrcp.f32 v6;
	v6 =	vld [tilespmem:s30+$0x0];
	v12 =	vnsel vm8, $0x0, v12;
	v20 =	vnsel vm7, $0x0, v63  }
0x18c: {  	v22 =	vnsel vm11, $0x0, v9;
	v21 =	vld.idx.msk [tilespmem:v15+s0+$0x0], $0xffff;
	v9 =	vshll.u32 v10, $0x10;
	v12 =	vadd.f32 v12, v20  }
0x18d: {  	p4 =	por $0x1, $0x1;
	vm5 =	vgt.s32 v17, $0xFFFFFFFF;
	v10 =	vld.idx.msk [tilespmem:v2+s22+$0x0], $0xffff;
	v15 =	vnsel vm6, $0x0, v9  }
.Ltmp4:
0x18e: {  	v19 =	vsel vm5, $0x3F800000, v0;
	vm7 =	vgt.s32 v17, $0x0;
	v9 =	vld.idx.msk [tilespmem:v14+s22+$0x0], $0xffff;
	v12 =	vadd.f32 v15, v12;
	(pc) =	sbr.rel @!p4 .LBB2_10-.Ltmp4, $4  }
0x18f: {  	v2 =	vadd.f32 v19, v18;
	vm6 =	vgt.s32 v7, $0xFFFFFFFF;
	v14 =	vand.u32 $0xFFFF0000, v8;
	v8 =	vld.idx.msk [tilespmem:v13+s22+$0x0], $0xffff  }
0x190: {  	vm8 =	vgt.s32 v7, $0x0;
	v13 =	vld.idx.msk [tilespmem:v11+s0+$0x0], $0xffff;
	v15 =	vnsel vm7, $0x0, v17;
	v17 =	vsel vm6, $0x3F800000, v0  }
0x191: {  	v18 =	vnsel vm10, $0x0, v14;
	v14 =	vadd.f32 v17, v2;
	v2 =	vadd.s32 $0x2000, v15  }
0x192: {  	s13 =	simm.s32 $0x4;
	s14 =	simm.s32 $0x60;
	p3 =	por $0x1, $0x1;
	[tilespmem:s23+$0x8900] =	vst v16;
	v11 =	vld.idx.msk [tilespmem:v22+s0+$0x0], $0xffff;
	vm7 =	vgt.s32 v6, $0xFFFFFFFF;
	v16 =	vnsel vm9, $0x0, v21;
	v15 =	vadd.f32 v18, v12;
	v12 =	vpop (erf)  }
.LBB2_11:
0x193: {  	v18 =	vnsel vm8, $0x0, v7;
	v17 =	vsel vm7, $0x3F800000, v0  }
0x194: {  	s4 =	sand.u32 $0x60, s14;
	s13 =	sadd.s32 $0x2, s13;
	v15 =	vadd.f32 v15, v16;
	s11 =	sadd.s32 $0x100, s11;
	vm8 =	vmmov vm0;
	vm0 =	vmmov vm7  }
0x195: {  	v13 =	vshll.u32 v13, $0x10;
	s3 =	sand.u32 $0x400, s11;
	s5 =	sor.u32 $0x10, s4;
	p4 =	slt.u32 s13, $0xE;
	v14 =	vadd.f32 v17, v14;
	v16 =	vadd.s32 $0x2000, v18;
	v7 =	vpop (erf)  }
0x196: {  	vm7 =	vgt.s32 v6, $0x0;
	v13 =	vadd.f32 $0.0e+00, v13;
	s15 =	sor.u32 s4, s3;
	s6 =	sor.u32 $0x7100, s3;
	s7 =	sor.u32 s5, s3;
	v7 =	vmul.f32 v15, v7  }
0x197: {  	v10 =	vshll.u32 v10, $0x10;
	v6 =	vnsel vm7, $0x0, v6;
	s8 =	sor.u32 $0x6900, s3;
	s9 =	sor.u32 s4, s6;
	v15 =	vld [tilespmem:s7+$0x6100];
	s6 =	sor.u32 s5, s6;
	v14 =	vmax.f32 v14, $1.000000000e+00  }
0x198: {  	v18 =	vadd.s32 $0x4000, v6;
	s10 =	sor.u32 s4, s8;
	s8 =	sor.u32 s5, s8;
	v13 =	vnsel vm4, $0x0, v13;
	v17 =	vld [tilespmem:s6+$0x0];
	[tilespmem:s21+$0x8900] =	vst v7;
	(erf) = vrcp.f32 v14;
	s21 =	smov.u32 s7  }
0x199: {  	v9 =	vand.u32 $0xFFFF0000, v9;
	v10 =	vnsel vm2, $0x0, v10;
	v7 =	vand.u32 $0xFFFF0000, v11;
	v6 =	vld [tilespmem:s8+$0x0]  }
0x19a: {  	v9 =	vnsel vm3, $0x0, v9;
	v10 =	vadd.f32 v10, v1;
	s6 =	sor.u32 $0x7900, s3;
	v7 =	vnsel vm1, $0x0, v7;
	v11 =	vld [tilespmem:s15+$0x6100]  }
0x19b: {  	s7 =	sor.u32 s4, s6;
	s6 =	sor.u32 s5, s6;
	v1 =	vadd.f32 v7, v13;
	v7 =	vadd.f32 v5, v4;
	v4 =	vnsel vm8, $0x0, v8;
	v14 =	vld [tilespmem:s10+$0x0]  }
0x19c: {  	vm2 =	vmmov vm5;
	v5 =	vadd.f32 v9, v10;
	vm1 =	vgt.s32 v15, $0x0;
	v8 =	vld [tilespmem:s6+$0x0]  }
0x19d: {  	vm3 =	vmmov vm6;
	s3 =	sor.u32 $0x8100, s3;
	v10 =	vmul.f32 v7, v3;
	v3 =	vmovc v12;
	v19 =	vld [tilespmem:s9+$0x0];
	v9 =	vnsel vm1, $0x0, v15  }
0x19e: {  	s4 =	sor.u32 s4, s3;
	s3 =	sor.u32 s5, s3;
	vm7 =	vgt.s32 v15, $0xFFFFFFFF;
	vm6 =	vgt.s32 v17, $0xFFFFFFFF;
	v7 =	vld [tilespmem:s7+$0x0];
	vm1 =	vgt.s32 v6, $0x0  }
0x19f: {  	vm8 =	vgt.s32 v6, $0xFFFFFFFF;
	v13 =	vnsel vm1, $0x0, v6;
	vm1 =	vgt.s32 v17, $0x0;
	v15 =	vld [tilespmem:s3+$0x0];
	[tilespmem:s31+$0x8900] =	vst v10;
	s31 =	smov.u32 s1;
	s1 =	smov.u32 s12;
	s12 =	smov.u32 s15  }
0x1a0: {  	v10 =	vsel vm7, $0x3F800000, v0;
	v21 =	vsel vm8, $0x3F800000, v0;
	v6 =	vld [tilespmem:s4+$0x0];
	v17 =	vnsel vm1, $0x0, v17  }
0x1a1: {  	s22 =	simm.s32 $0x0;
	v20 =	vadd.f32 v21, v10;
	vm4 =	vgt.s32 v8, $0x0;
	v17 =	vadd.s32 $0x2000, v17;
	v10 =	vld.idx.msk [tilespmem:v2+s0+$0x0], $0xffff;
	v12 =	vpop (erf)  }
0x1a2: {  	vm1 =	vgt.s32 v14, $0xFFFFFFFF;
	v2 =	vsel vm6, $0x3F800000, v0;
	v21 =	vnsel vm4, $0x0, v8;
	v22 =	vld.idx.msk [tilespmem:v9+s22+$0x0], $0xffff  }
0x1a3: {  	vm9 =	vgt.s32 v8, $0xFFFFFFFF;
	v2 =	vadd.f32 v2, v20;
	v20 =	vadd.s32 $0x2000, v21;
	v9 =	vld.idx.msk [tilespmem:v16+s0+$0x0], $0xffff  }
0x1a4: {  	vm4 =	vgt.s32 v11, $0xFFFFFFFF;
	v8 =	vsel vm9, $0x3F800000, v0;
	vm5 =	vgt.s32 v15, $0x0;
	v13 =	vld.idx.msk [tilespmem:v13+s22+$0x0], $0xffff  }
0x1a5: {  	v2 =	vadd.f32 v8, v2;
	vm10 =	vgt.s32 v15, $0xFFFFFFFF;
	v16 =	vnsel vm5, $0x0, v15;
	v8 =	vld.idx.msk [tilespmem:v18+s0+$0x0], $0xffff;
	s0 =	smov.u32 s22  }
0x1a6: {  	vm5 =	vgt.s32 v11, $0x0;
	v15 =	vsel vm10, $0x3F800000, v0;
	v17 =	vld.idx.msk [tilespmem:v17+s0+$0x0], $0xffff;
	v16 =	vadd.s32 $0x4000, v16  }
0x1a7: {  	v21 =	vsel vm1, $0x3F800000, v0;
	v18 =	vsel vm4, $0x3F800000, v0;
	v2 =	vadd.f32 v15, v2  }
0x1a8: {  	v11 =	vnsel vm5, $0x0, v11;
	v15 =	vadd.f32 v21, v18;
	v18 =	vshll.u32 v22, $0x10;
	v20 =	vld.idx.msk [tilespmem:v20+s0+$0x0], $0xffff  }
0x1a9: {  	vm5 =	vgt.s32 v19, $0xFFFFFFFF;
	v18 =	vadd.f32 $0.0e+00, v18;
	v2 =	vmax.f32 v2, $1.000000000e+00  }
0x1aa: {  	vm11 =	vgt.s32 v14, $0x0;
	v13 =	vand.u32 $0xFFFF0000, v13;
	(erf) = vrcp.f32 v2  }
0x1ab: {  	v2 =	vsel vm5, $0x3F800000, v0;
	v18 =	vnsel vm7, $0x0, v18;
	v13 =	vnsel vm8, $0x0, v13;
	v16 =	vld.idx.msk [tilespmem:v16+s0+$0x0], $0xffff  }
0x1ac: {  	v21 =	vnsel vm11, $0x0, v14;
	v14 =	vadd.f32 v13, v18;
	v17 =	vshll.u32 v17, $0x10  }
.Ltmp5:
0x1ad: {  	vm7 =	vgt.s32 v19, $0x0;
	v2 =	vadd.f32 v2, v15;
	v13 =	vld.idx.msk [tilespmem:v11+s0+$0x0], $0xffff;
	v11 =	vnsel vm6, $0x0, v17;
	(pc) =	sbr.rel @p4 .LBB2_11-.Ltmp5, $4  }
0x1ae: {  	vm6 =	vgt.s32 v7, $0xFFFFFFFF;
	v15 =	vand.u32 $0xFFFF0000, v20;
	v11 =	vadd.f32 v11, v14  }
0x1af: {  	v17 =	vnsel vm7, $0x0, v19;
	v14 =	vsel vm6, $0x3F800000, v0;
	v15 =	vnsel vm9, $0x0, v15  }
0x1b0: {  	v14 =	vadd.f32 v14, v2;
	v2 =	vadd.s32 $0x2000, v17;
	v15 =	vadd.f32 v15, v11  }
0x1b1: {  	s14 =	sadd.s32 $0x20, s14;
	vm8 =	vgt.s32 v7, $0x0;
	vm7 =	vgt.s32 v6, $0xFFFFFFFF;
	v16 =	vnsel vm10, $0x0, v16;
	v11 =	vld.idx.msk [tilespmem:v21+s0+$0x0], $0xffff  }
0x1b2: {  	v17 =	vmov v3;
	s4 =	smov.u32 s31;
	v3 =	vmov v12;
	s11 =	smov.u32 s1;
	s31 =	smov.u32 s12  }
.LBB2_13:
0x1b3: {  	v7 =	vnsel vm8, $0x0, v7  }
0x1b4: {  	v7 =	vadd.s32 $0x2000, v7  }
0x1b5: {  	v12 =	vsel vm7, $0x3F800000, v0;
	vm8 =	vgt.s32 v6, $0x0;
	v13 =	vshll.u32 v13, $0x10  }
0x1b6: {  	vm0 =	vmmov @p2 vm0;
	vm7 =	vmmov vm7;
	v6 =	vnsel vm8, $0x0, v6  }
0x1b7: {  	v2 =	vld.idx.msk [tilespmem:v2+s0+$0x0], $0xffff;
	v10 =	vshll.u32 @p2 v10, $0x10;
	v12 =	vadd.f32 v12, v14;
	v6 =	vadd.s32 $0x4000, v6  }
0x1b8: {  	v9 =	vand.u32 @p2 $0xFFFF0000, v9;
	v4 =	vadd.f32 @p3 v5, v4;
	v3 =	vpsel p2, v3, v0  }
0x1b9: {  	v13 =	vadd.f32 $0.0e+00, v13;
	v10 =	vnsel @p2 vm2, $0x0, v10;
	v12 =	vmax.f32 v12, $1.000000000e+00;
	v7 =	vld.idx.msk [tilespmem:v7+s0+$0x0], $0xffff  }
0x1ba: {  	v9 =	vnsel @p2 vm3, $0x0, v9;
	v11 =	vand.u32 $0xFFFF0000, v11;
	(erf) = vrcp.f32 v12  }
0x1bb: {  	v1 =	vadd.f32 @p2 v10, v1;
	v13 =	vnsel vm4, $0x0, v13;
	v11 =	vnsel vm1, $0x0, v11  }
0x1bc: {  	vm1 =	vmmov vm5;
	v10 =	vadd.f32 v11, v13;
	v2 =	vshll.u32 v2, $0x10;
	v6 =	vld.idx.msk [tilespmem:v6+s0+$0x0], $0xffff  }
0x1bd: {  	v8 =	vnsel @p2 vm0, $0x0, v8;
	v1 =	vadd.f32 @p2 v9, v1;
	v2 =	vnsel vm1, $0x0, v2  }
0x1be: {  	vm0 =	vmmov vm6;
	v2 =	vadd.f32 v2, v10;
	v7 =	vand.u32 $0xFFFF0000, v7  }
0x1bf: {  	v5 =	vpsel p2, v8, v0;
	v1 =	vpsel p2, v1, v0;
	v7 =	vnsel vm0, $0x0, v7  }
0x1c0: {  	v1 =	vadd.f32 @p2 v1, v5;
	vm0 =	vmmov vm7;
	v2 =	vadd.f32 v7, v2  }
0x1c1: {  	v14 =	vadd.f32 v15, v16;
	v4 =	vmul.f32 @p3 v4, v17;
	v6 =	vnsel vm0, $0x0, v6  }
0x1c2: {  	v8 =	vpop (erf);
	s0 =	smov.u32 @p2 s11;
	v1 =	vmul.f32 @p2 v1, v3;
	v2 =	vadd.f32 v2, v6  }
0x1c3: {  	[tilespmem:s4+$0x8900] =	vst @p3 v4;
	s0 =	smov.u32 @p2 s0;
	v7 =	vmul.f32 v14, v8;
	v5 =	vpop (erf)  }
0x1c4: {  	s24 =	sand.u32 $0x60, s22;
	[tilespmem:s0+$0x8900] =	vst @p2 v1;
	v2 =	vmul.f32 v2, v5  }
0x1c5: {  	s26 =	sand.u32 $0x400, s22;
	s25 =	sor.u32 $0x10, s24;
	[tilespmem:s21+$0x8900] =	vst v7  }
0x1c6: {  	s1 =	sor.u32 $0x6980, s26;
	s21 =	sor.u32 s25, s26;
	[tilespmem:s31+$0x8900] =	vst v2  }
0x1c7: {  	s15 =	sor.u32 $0x7980, s26;
	s14 =	sor.u32 s25, s1;
	v1 =	vld [tilespmem:s21+$0x6180]  }
0x1c8: {  	s13 =	sor.u32 $0x7180, s26;
	s5 =	sor.u32 s25, s15;
	v3 =	vld [tilespmem:s14+$0x0]  }
0x1c9: {  	s3 =	sor.u32 s25, s13;
	v4 =	vld [tilespmem:s5+$0x0]  }
0x1ca: {  	v2 =	vld [tilespmem:s3+$0x0];
	_ =	sdelay $0x1  }
0x1cb: {  	vm0 =	vgt.s32 v1, $0x0  }
0x1cc: {  	s17 =	sor.u32 s22, s26;
	s1 =	sor.u32 s24, s1;
	vm2 =	vgt.s32 v1, $0xFFFFFFFF;
	vm1 =	vgt.s32 v3, $0x0;
	vm3 =	vgt.s32 v3, $0xFFFFFFFF  }
0x1cd: {  	s18 =	sor.u32 $0x8180, s26;
	s29 =	sor.u32 $0x180, s17;
	v8 =	vld [tilespmem:s1+$0x0];
	vm4 =	vgt.s32 v4, $0x0;
	vm7 =	vgt.s32 v4, $0xFFFFFFFF;
	v6 =	vnsel vm0, $0x0, v1  }
0x1ce: {  	s23 =	sor.u32 s25, s18;
	v5 =	vld [tilespmem:s29+$0x6000];
	vm0 =	vgt.s32 v2, $0xFFFFFFFF;
	v1 =	vnsel vm1, $0x0, v3;
	vm1 =	vgt.s32 v2, $0x0  }
0x1cf: {  	v3 =	vld [tilespmem:s23+$0x0];
	v7 =	vsel vm2, $0x3F800000, v0;
	v9 =	vsel vm3, $0x3F800000, v0;
	v10 =	vnsel vm4, $0x0, v4  }
0x1d0: {  	v2 =	vnsel vm1, $0x0, v2;
	v7 =	vadd.f32 v9, v7;
	v4 =	vadd.s32 $0x2000, v10  }
0x1d1: {  	s0 =	sor.u32 s24, s13;
	v9 =	vsel vm0, $0x3F800000, v0;
	v2 =	vadd.s32 $0x2000, v2  }
0x1d2: {  	vm6 =	vgt.s32 v8, $0x0;
	v7 =	vadd.f32 v9, v7;
	v9 =	vld [tilespmem:s0+$0x0]  }
0x1d3: {  	vm4 =	vgt.s32 v8, $0xFFFFFFFF;
	v8 =	vnsel vm6, $0x0, v8;
	vm1 =	vgt.s32 v5, $0xFFFFFFFF;
	v6 =	vld.idx.msk [tilespmem:v6+s22+$0x0], $0xffff  }
0x1d4: {  	v10 =	vsel vm7, $0x3F800000, v0;
	v12 =	vsel vm4, $0x3F800000, v0;
	vm5 =	vgt.s32 v3, $0x0;
	v1 =	vld.idx.msk [tilespmem:v1+s22+$0x0], $0xffff  }
0x1d5: {  	v7 =	vadd.f32 v10, v7;
	vm9 =	vgt.s32 v3, $0xFFFFFFFF;
	v10 =	vnsel vm5, $0x0, v3;
	v4 =	vld.idx.msk [tilespmem:v4+s22+$0x0], $0xffff  }
0x1d6: {  	s30 =	sor.u32 s24, s15;
	v11 =	vsel vm1, $0x3F800000, v0;
	v3 =	vsel vm9, $0x3F800000, v0;
	v10 =	vadd.s32 $0x4000, v10;
	v2 =	vld.idx.msk [tilespmem:v2+s22+$0x0], $0xffff  }
0x1d7: {  	v11 =	vadd.f32 v12, v11;
	vm5 =	vgt.s32 v5, $0x0;
	v3 =	vadd.f32 v3, v7;
	v7 =	vld [tilespmem:s30+$0x0]  }
0x1d8: {  	v5 =	vnsel vm5, $0x0, v5;
	vm5 =	vgt.s32 v9, $0xFFFFFFFF;
	v6 =	vshll.u32 v6, $0x10  }
0x1d9: {  	s31 =	sor.u32 s24, s18;
	v3 =	vmax.f32 v3, $1.000000000e+00;
	v1 =	vand.u32 $0xFFFF0000, v1;
	v12 =	vadd.f32 $0.0e+00, v6  }
0x1da: {  	(erf) = vrcp.f32 v3;
	v3 =	vsel vm5, $0x3F800000, v0;
	v6 =	vld [tilespmem:s31+$0x0];
	v1 =	vnsel vm3, $0x0, v1  }
0x1db: {  	v3 =	vadd.f32 v3, v11;
	v4 =	vand.u32 $0xFFFF0000, v4;
	v10 =	vld.idx.msk [tilespmem:v10+s22+$0x0], $0xffff;
	v12 =	vnsel vm2, $0x0, v12  }
.Ltmp6:
0x1dc: {  	v2 =	vshll.u32 v2, $0x10;
	vm6 =	vgt.s32 v7, $0xFFFFFFFF;
	v1 =	vadd.f32 v1, v12;
	(pc) =	sbr.rel @!p1 .LBB2_14-.Ltmp6, $4  }
0x1dd: {  	v4 =	vnsel vm7, $0x0, v4;
	vm2 =	vgt.s32 v9, $0x0;
	v2 =	vnsel vm0, $0x0, v2  }
0x1de: {  	v1 =	vadd.f32 v2, v1;
	v2 =	vnsel vm2, $0x0, v9;
	v9 =	vsel vm6, $0x3F800000, v0  }
0x1df: {  	v11 =	vld.idx.msk [tilespmem:v8+s22+$0x0], $0xffff;
	vm8 =	vgt.s32 v7, $0x0;
	vm7 =	vgt.s32 v6, $0xFFFFFFFF;
	v14 =	vadd.f32 v9, v3  }
0x1e0: {  	s28 =	simm.s32 $0xFFFFFFFE;
	s23 =	sadd.s32 $0x20, s22;
	v13 =	vld.idx.msk [tilespmem:v5+s22+$0x0], $0xffff;
	v2 =	vadd.s32 $0x2000, v2;
	v16 =	vnsel vm9, $0x0, v10;
	v15 =	vadd.f32 v4, v1  }
0x1e1: {  	s12 =	sand.u32 $0x60, s23;
	s11 =	sadd.s32 $0x100, s22  }
0x1e2: {  	v1 =	vnsel vm8, $0x0, v7;
	s3 =	sand.u32 $0x400, s11;
	s4 =	sor.u32 $0x10, s12  }
0x1e3: {  	v3 =	vsel vm7, $0x3F800000, v0;
	s5 =	sor.u32 $0x7180, s3;
	s1 =	sor.u32 s4, s3  }
0x1e4: {  	v4 =	vadd.f32 v15, v16;
	v3 =	vadd.f32 v3, v14;
	s6 =	sor.u32 $0x6980, s3;
	v5 =	vld [tilespmem:s1+$0x6180];
	s0 =	sor.u32 s4, s5  }
0x1e5: {  	vm0 =	vmmov vm7;
	vm2 =	vgt.s32 v6, $0x0;
	v8 =	vadd.s32 $0x2000, v1;
	s17 =	sor.u32 $0x7980, s3;
	v1 =	vpop (erf);
	s7 =	sor.u32 s4, s6;
	v9 =	vld [tilespmem:s0+$0x0]  }
0x1e6: {  	v3 =	vmax.f32 v3, $1.000000000e+00;
	s8 =	sor.u32 s4, s17;
	v7 =	vshll.u32 v13, $0x10;
	v4 =	vmul.f32 v4, v1;
	v10 =	vld [tilespmem:s7+$0x0]  }
0x1e7: {  	v1 =	vnsel vm2, $0x0, v6;
	(erf) = vrcp.f32 v3;
	v3 =	vld [tilespmem:s8+$0x0];
	v7 =	vadd.f32 $0.0e+00, v7  }
0x1e8: {  	v6 =	vand.u32 $0xFFFF0000, v11;
	vm2 =	vmmov vm6;
	v11 =	vadd.s32 $0x4000, v1  }
0x1e9: {  	v1 =	vnsel vm4, $0x0, v6;
	v7 =	vnsel vm1, $0x0, v7;
	vm1 =	vgt.s32 v5, $0x0  }
0x1ea: {  	s18 =	sor.u32 s23, s3;
	s6 =	sor.u32 s12, s6;
	v1 =	vadd.f32 v1, v7;
	vm7 =	vgt.s32 v5, $0xFFFFFFFF;
	v7 =	vnsel vm1, $0x0, v5  }
0x1eb: {  	s3 =	sor.u32 $0x8180, s3;
	s0 =	sor.u32 $0x180, s18;
	v12 =	vld [tilespmem:s6+$0x0];
	vm1 =	vgt.s32 v10, $0x0;
	vm6 =	vgt.s32 v9, $0xFFFFFFFF;
	vm10 =	vgt.s32 v10, $0xFFFFFFFF  }
0x1ec: {  	s4 =	sor.u32 s4, s3;
	v6 =	vld [tilespmem:s0+$0x6000];
	v13 =	vsel vm7, $0x3F800000, v0;
	vm4 =	vgt.s32 v3, $0x0;
	vm8 =	vgt.s32 v3, $0xFFFFFFFF  }
0x1ed: {  	v5 =	vnsel vm1, $0x0, v10;
	vm1 =	vgt.s32 v9, $0x0;
	v10 =	vld [tilespmem:s4+$0x0];
	v15 =	vnsel vm4, $0x0, v3  }
0x1ee: {  	v14 =	vsel vm10, $0x3F800000, v0;
	v9 =	vnsel vm1, $0x0, v9;
	v3 =	vadd.s32 $0x2000, v15  }
0x1ef: {  	vm3 =	vmmov vm5;
	v13 =	vadd.f32 v14, v13;
	v9 =	vadd.s32 $0x2000, v9  }
0x1f0: {  	s30 =	sor.u32 s12, s5;
	vm11 =	vgt.s32 v12, $0x0;
	vm4 =	vgt.s32 v12, $0xFFFFFFFF;
	v14 =	vsel vm6, $0x3F800000, v0;
	v16 =	vld.idx.msk [tilespmem:v7+s22+$0x0], $0xffff  }
0x1f1: {  	v12 =	vnsel vm11, $0x0, v12;
	vm1 =	vgt.s32 v6, $0xFFFFFFFF;
	v7 =	vadd.f32 v14, v13;
	v13 =	vld [tilespmem:s30+$0x0]  }
0x1f2: {  	v17 =	vsel vm4, $0x3F800000, v0;
	v14 =	vsel vm8, $0x3F800000, v0;
	vm5 =	vgt.s32 v10, $0x0;
	v5 =	vld.idx.msk [tilespmem:v5+s22+$0x0], $0xffff  }
0x1f3: {  	vm9 =	vgt.s32 v10, $0xFFFFFFFF;
	v7 =	vadd.f32 v14, v7;
	v14 =	vnsel vm5, $0x0, v10;
	v3 =	vld.idx.msk [tilespmem:v3+s22+$0x0], $0xffff  }
0x1f4: {  	v15 =	vsel vm1, $0x3F800000, v0;
	v10 =	vsel vm9, $0x3F800000, v0;
	v14 =	vadd.s32 $0x4000, v14;
	v9 =	vld.idx.msk [tilespmem:v9+s22+$0x0], $0xffff  }
0x1f5: {  	s31 =	sor.u32 s12, s17;
	v15 =	vadd.f32 v17, v15;
	vm5 =	vgt.s32 v6, $0x0;
	v10 =	vadd.f32 v10, v7  }
0x1f6: {  	v18 =	vnsel vm5, $0x0, v6;
	v7 =	vld [tilespmem:s31+$0x0];
	v6 =	vshll.u32 v16, $0x10;
	vm5 =	vgt.s32 v13, $0xFFFFFFFF  }
0x1f7: {  	s3 =	sor.u32 s12, s3;
	v16 =	vadd.f32 $0.0e+00, v6;
	v6 =	vmax.f32 v10, $1.000000000e+00;
	v5 =	vand.u32 $0xFFFF0000, v5  }
0x1f8: {  	v17 =	vsel vm5, $0x3F800000, v0;
	(erf) = vrcp.f32 v6;
	v6 =	vld [tilespmem:s3+$0x0];
	v5 =	vnsel vm10, $0x0, v5  }
0x1f9: {  	p2 =	por $0x1, $0x1;
	v3 =	vand.u32 $0xFFFF0000, v3;
	v10 =	vnsel vm7, $0x0, v16;
	v16 =	vld.idx.msk [tilespmem:v14+s22+$0x0], $0xffff;
	v9 =	vshll.u32 v9, $0x10  }
.Ltmp7:
0x1fa: {  	vm7 =	vgt.s32 v13, $0x0;
	v3 =	vnsel vm8, $0x0, v3;
	v5 =	vadd.f32 v5, v10;
	v10 =	vld.idx.msk [tilespmem:v2+s22+$0x0], $0xffff;
	(pc) =	sbr.rel @!p2 .LBB2_16-.Ltmp7, $4  }
0x1fb: {  	v2 =	vadd.f32 v17, v15;
	v14 =	vnsel vm6, $0x0, v9;
	v9 =	vld.idx.msk [tilespmem:v8+s22+$0x0], $0xffff;
	vm6 =	vgt.s32 v7, $0xFFFFFFFF  }
0x1fc: {  	v8 =	vld.idx.msk [tilespmem:v11+s22+$0x0], $0xffff;
	v11 =	vnsel vm7, $0x0, v13;
	v5 =	vadd.f32 v14, v5;
	v14 =	vsel vm6, $0x3F800000, v0  }
0x1fd: {  	v13 =	vld.idx.msk [tilespmem:v18+s22+$0x0], $0xffff;
	vm8 =	vgt.s32 v7, $0x0;
	v14 =	vadd.f32 v14, v2;
	v2 =	vadd.s32 $0x2000, v11  }
0x1fe: {  	s15 =	sadd.s32 $0x20, s23;
	p1 =	por $0x1, $0x1;
	[tilespmem:s21+$0x8980] =	vst v4;
	vm7 =	vgt.s32 v6, $0xFFFFFFFF;
	v11 =	vld.idx.msk [tilespmem:v12+s22+$0x0], $0xffff;
	v15 =	vadd.f32 v3, v5;
	v3 =	vpop (erf);
	v16 =	vnsel vm9, $0x0, v16  }
0x1ff: {  	_ = 	snop  }
0x200: {  	s14 =	sand.u32 $0x60, s15;
	v4 =	vnsel vm8, $0x0, v7;
	v5 =	vsel vm7, $0x3F800000, v0;
	s11 =	sadd.s32 $0x100, s11;
	vm8 =	vmmov vm0  }
0x201: {  	vm0 =	vmmov vm7;
	vm7 =	vgt.s32 v6, $0x0;
	v7 =	vadd.f32 v15, v16;
	s3 =	sand.u32 $0x400, s11;
	s4 =	sor.u32 $0x10, s14  }
0x202: {  	v5 =	vadd.f32 v5, v14;
	v14 =	vadd.s32 $0x2000, v4;
	s5 =	sor.u32 $0x7180, s3;
	s12 =	sor.u32 s4, s3;
	v12 =	vshll.u32 v13, $0x10;
	v13 =	vpop (erf)  }
0x203: {  	v4 =	vnsel vm7, $0x0, v6;
	v6 =	vshll.u32 v10, $0x10;
	s6 =	sor.u32 $0x6980, s3;
	s7 =	sor.u32 s4, s5;
	v16 =	vmul.f32 v7, v13;
	v7 =	vld [tilespmem:s12+$0x6180]  }
0x204: {  	v9 =	vand.u32 $0xFFFF0000, v9;
	v6 =	vnsel vm3, $0x0, v6;
	vm3 =	vmmov vm5;
	s8 =	sor.u32 s4, s6;
	v10 =	vld [tilespmem:s7+$0x0]  }
0x205: {  	v5 =	vmax.f32 v5, $1.000000000e+00;
	v6 =	vadd.f32 v6, v1;
	v12 =	vadd.f32 $0.0e+00, v12;
	v15 =	vld [tilespmem:s8+$0x0]  }
0x206: {  	s18 =	sor.u32 s15, s3;
	s6 =	sor.u32 s14, s6;
	v13 =	vadd.s32 $0x4000, v4;
	v4 =	vand.u32 $0xFFFF0000, v11;
	(erf) = vrcp.f32 v5  }
0x207: {  	s17 =	sor.u32 $0x7980, s3;
	s13 =	sor.u32 $0x180, s18;
	v5 =	vnsel vm2, $0x0, v9;
	vm2 =	vmmov vm6;
	v11 =	vld [tilespmem:s6+$0x0];
	v4 =	vnsel vm4, $0x0, v4  }
0x208: {  	s9 =	sor.u32 s4, s17;
	v5 =	vadd.f32 v5, v6;
	v6 =	vld [tilespmem:s13+$0x6000];
	v12 =	vnsel vm1, $0x0, v12;
	vm1 =	vgt.s32 v7, $0x0  }
0x209: {  	s3 =	sor.u32 $0x8180, s3;
	v1 =	vadd.f32 v4, v12;
	v4 =	vnsel vm8, $0x0, v8;
	v8 =	vld [tilespmem:s9+$0x0];
	v9 =	vnsel vm1, $0x0, v7  }
0x20a: {  	s4 =	sor.u32 s4, s3;
	vm7 =	vgt.s32 v7, $0xFFFFFFFF;
	vm6 =	vgt.s32 v10, $0xFFFFFFFF;
	vm1 =	vgt.s32 v15, $0x0  }
0x20b: {  	v12 =	vld [tilespmem:s4+$0x0];
	vm10 =	vgt.s32 v15, $0xFFFFFFFF;
	v7 =	vnsel vm1, $0x0, v15;
	vm1 =	vgt.s32 v10, $0x0  }
0x20c: {  	v17 =	vsel vm10, $0x3F800000, v0;
	v15 =	vsel vm7, $0x3F800000, v0;
	v10 =	vnsel vm1, $0x0, v10  }
0x20d: {  	vm11 =	vgt.s32 v11, $0x0;
	v15 =	vadd.f32 v17, v15;
	v10 =	vadd.s32 $0x2000, v10  }
0x20e: {  	vm4 =	vgt.s32 v8, $0x0;
	vm1 =	vgt.s32 v6, $0xFFFFFFFF;
	v17 =	vsel vm6, $0x3F800000, v0;
	v9 =	vld.idx.msk [tilespmem:v9+s22+$0x0], $0xffff  }
0x20f: {  	vm8 =	vgt.s32 v8, $0xFFFFFFFF;
	v18 =	vnsel vm4, $0x0, v8;
	v15 =	vadd.f32 v17, v15  }
0x210: {  	vm5 =	vgt.s32 v12, $0x0;
	v8 =	vadd.s32 $0x2000, v18;
	v18 =	vsel vm8, $0x3F800000, v0;
	v19 =	vld.idx.msk [tilespmem:v7+s22+$0x0], $0xffff  }
0x211: {  	vm9 =	vgt.s32 v12, $0xFFFFFFFF;
	v7 =	vadd.f32 v18, v15;
	v15 =	vnsel vm5, $0x0, v12  }
0x212: {  	s30 =	sor.u32 s14, s5;
	vm5 =	vgt.s32 v6, $0x0;
	v12 =	vsel vm9, $0x3F800000, v0;
	v15 =	vadd.s32 $0x4000, v15;
	v10 =	vld.idx.msk [tilespmem:v10+s22+$0x0], $0xffff  }
0x213: {  	s31 =	sor.u32 s14, s17;
	v17 =	vld [tilespmem:s30+$0x0];
	v21 =	vnsel vm5, $0x0, v6;
	v12 =	vadd.f32 v12, v7;
	v6 =	vshll.u32 v9, $0x10  }
0x214: {  	vm4 =	vgt.s32 v11, $0xFFFFFFFF;
	v11 =	vnsel vm11, $0x0, v11;
	v7 =	vld [tilespmem:s31+$0x0];
	v9 =	vadd.f32 $0.0e+00, v6  }
0x215: {  	s3 =	sor.u32 s14, s3;
	v20 =	vsel vm4, $0x3F800000, v0;
	v8 =	vld.idx.msk [tilespmem:v8+s22+$0x0], $0xffff;
	v6 =	vmax.f32 v12, $1.000000000e+00;
	v12 =	vand.u32 $0xFFFF0000, v19  }
0x216: {  	(erf) = vrcp.f32 v6;
	v6 =	vld [tilespmem:s3+$0x0];
	v12 =	vnsel vm10, $0x0, v12;
	v9 =	vnsel vm7, $0x0, v9  }
0x217: {  	v18 =	vsel vm1, $0x3F800000, v0;
	v63 =	vld.idx.msk [tilespmem:v15+s22+$0x0], $0xffff;
	v12 =	vadd.f32 v12, v9;
	v9 =	vshll.u32 v10, $0x10  }
0x218: {  	p2 =	por $0x1, $0x1;
	v18 =	vadd.f32 v20, v18;
	vm5 =	vgt.s32 v17, $0xFFFFFFFF;
	v10 =	vld.idx.msk [tilespmem:v2+s22+$0x0], $0xffff;
	v15 =	vnsel vm6, $0x0, v9  }
.Ltmp8:
0x219: {  	v19 =	vsel vm5, $0x3F800000, v0;
	vm7 =	vgt.s32 v17, $0x0;
	v9 =	vld.idx.msk [tilespmem:v14+s22+$0x0], $0xffff;
	v12 =	vadd.f32 v15, v12;
	(pc) =	sbr.rel @!p2 .LBB2_18-.Ltmp8, $4  }
0x21a: {  	v2 =	vadd.f32 v19, v18;
	vm6 =	vgt.s32 v7, $0xFFFFFFFF;
	v14 =	vand.u32 $0xFFFF0000, v8;
	v8 =	vld.idx.msk [tilespmem:v13+s22+$0x0], $0xffff  }
0x21b: {  	v13 =	vld.idx.msk [tilespmem:v21+s22+$0x0], $0xffff;
	v15 =	vnsel vm7, $0x0, v17;
	v17 =	vsel vm6, $0x3F800000, v0;
	v18 =	vnsel vm8, $0x0, v14  }
0x21c: {  	vm8 =	vgt.s32 v7, $0x0;
	v14 =	vadd.f32 v17, v2;
	v2 =	vadd.s32 $0x2000, v15  }
0x21d: {  	p0 =	por $0x1, $0x1;
	s14 =	simm.s32 $0x4;
	[tilespmem:s1+$0x8980] =	vst v16;
	s1 =	sadd.s32 $0x20, s15;
	v11 =	vld.idx.msk [tilespmem:v11+s22+$0x0], $0xffff;
	vm7 =	vgt.s32 v6, $0xFFFFFFFF;
	v16 =	vnsel vm9, $0x0, v63;
	v15 =	vadd.f32 v18, v12;
	v12 =	vpop (erf)  }
.LBB2_19:
0x21e: {  	v18 =	vnsel vm8, $0x0, v7;
	v17 =	vsel vm7, $0x3F800000, v0  }
0x21f: {  	s4 =	sand.u32 $0x60, s1;
	s14 =	sadd.s32 $0x2, s14;
	v15 =	vadd.f32 v15, v16;
	s11 =	sadd.s32 $0x100, s11;
	vm8 =	vmmov vm0;
	vm0 =	vmmov vm7  }
0x220: {  	v13 =	vshll.u32 v13, $0x10;
	s3 =	sand.u32 $0x400, s11;
	s5 =	sor.u32 $0x10, s4;
	p2 =	slt.u32 s14, $0xE;
	v14 =	vadd.f32 v17, v14;
	v16 =	vadd.s32 $0x2000, v18;
	v7 =	vpop (erf)  }
0x221: {  	vm7 =	vgt.s32 v6, $0x0;
	v13 =	vadd.f32 $0.0e+00, v13;
	s6 =	sor.u32 s1, s3;
	s7 =	sor.u32 $0x7180, s3;
	s8 =	sor.u32 s5, s3;
	v7 =	vmul.f32 v15, v7  }
0x222: {  	v10 =	vshll.u32 v10, $0x10;
	v6 =	vnsel vm7, $0x0, v6;
	s9 =	sor.u32 $0x6980, s3;
	s6 =	sor.u32 $0x180, s6;
	v15 =	vld [tilespmem:s8+$0x6180];
	s10 =	sor.u32 s5, s7;
	v14 =	vmax.f32 v14, $1.000000000e+00  }
0x223: {  	v18 =	vadd.s32 $0x4000, v6;
	s15 =	sor.u32 s4, s9;
	s7 =	sor.u32 s4, s7;
	s9 =	sor.u32 s5, s9;
	v13 =	vnsel vm1, $0x0, v13;
	v17 =	vld [tilespmem:s10+$0x0];
	[tilespmem:s12+$0x8980] =	vst v7;
	(erf) = vrcp.f32 v14  }
0x224: {  	v9 =	vand.u32 $0xFFFF0000, v9;
	v10 =	vnsel vm3, $0x0, v10;
	v7 =	vand.u32 $0xFFFF0000, v11;
	s12 =	smov.u32 s8;
	v6 =	vld [tilespmem:s9+$0x0]  }
0x225: {  	v9 =	vnsel vm2, $0x0, v9;
	v10 =	vadd.f32 v10, v1;
	s8 =	sor.u32 $0x7980, s3;
	v7 =	vnsel vm4, $0x0, v7;
	v11 =	vld [tilespmem:s6+$0x6000]  }
0x226: {  	s9 =	sor.u32 s4, s8;
	s8 =	sor.u32 s5, s8;
	v1 =	vadd.f32 v7, v13;
	v7 =	vadd.f32 v5, v4;
	v4 =	vnsel vm8, $0x0, v8;
	v14 =	vld [tilespmem:s15+$0x0]  }
0x227: {  	vm3 =	vmmov vm5;
	v5 =	vadd.f32 v9, v10;
	vm1 =	vgt.s32 v15, $0x0;
	v8 =	vld [tilespmem:s8+$0x0]  }
0x228: {  	vm2 =	vmmov vm6;
	s3 =	sor.u32 $0x8180, s3;
	v10 =	vmul.f32 v7, v3;
	v3 =	vmovc v12;
	v19 =	vld [tilespmem:s7+$0x0];
	v9 =	vnsel vm1, $0x0, v15  }
0x229: {  	s4 =	sor.u32 s4, s3;
	s3 =	sor.u32 s5, s3;
	vm7 =	vgt.s32 v15, $0xFFFFFFFF;
	vm6 =	vgt.s32 v17, $0xFFFFFFFF;
	v7 =	vld [tilespmem:s9+$0x0];
	vm1 =	vgt.s32 v6, $0x0  }
0x22a: {  	vm8 =	vgt.s32 v6, $0xFFFFFFFF;
	v13 =	vnsel vm1, $0x0, v6;
	vm1 =	vgt.s32 v17, $0x0;
	v15 =	vld [tilespmem:s3+$0x0];
	[tilespmem:s29+$0x8800] =	vst v10;
	s29 =	smov.u32 s0;
	s0 =	smov.u32 s13;
	s13 =	smov.u32 s6  }
0x22b: {  	v10 =	vsel vm7, $0x3F800000, v0;
	v21 =	vsel vm8, $0x3F800000, v0;
	v6 =	vld [tilespmem:s4+$0x0];
	v17 =	vnsel vm1, $0x0, v17  }
0x22c: {  	v20 =	vadd.f32 v21, v10;
	vm4 =	vgt.s32 v8, $0x0;
	v17 =	vadd.s32 $0x2000, v17;
	v10 =	vld.idx.msk [tilespmem:v2+s22+$0x0], $0xffff;
	v12 =	vpop (erf)  }
0x22d: {  	vm1 =	vgt.s32 v11, $0xFFFFFFFF;
	v2 =	vsel vm6, $0x3F800000, v0;
	v21 =	vnsel vm4, $0x0, v8;
	v22 =	vld.idx.msk [tilespmem:v9+s22+$0x0], $0xffff  }
0x22e: {  	vm9 =	vgt.s32 v8, $0xFFFFFFFF;
	v2 =	vadd.f32 v2, v20;
	v20 =	vadd.s32 $0x2000, v21;
	v9 =	vld.idx.msk [tilespmem:v16+s22+$0x0], $0xffff  }
0x22f: {  	vm4 =	vgt.s32 v14, $0xFFFFFFFF;
	v8 =	vsel vm9, $0x3F800000, v0;
	vm5 =	vgt.s32 v15, $0x0;
	v13 =	vld.idx.msk [tilespmem:v13+s22+$0x0], $0xffff  }
0x230: {  	v2 =	vadd.f32 v8, v2;
	vm10 =	vgt.s32 v15, $0xFFFFFFFF;
	v16 =	vnsel vm5, $0x0, v15;
	v8 =	vld.idx.msk [tilespmem:v18+s22+$0x0], $0xffff  }
0x231: {  	vm5 =	vgt.s32 v11, $0x0;
	v15 =	vsel vm10, $0x3F800000, v0;
	v17 =	vld.idx.msk [tilespmem:v17+s22+$0x0], $0xffff;
	v16 =	vadd.s32 $0x4000, v16  }
0x232: {  	v21 =	vsel vm4, $0x3F800000, v0;
	v18 =	vsel vm1, $0x3F800000, v0;
	v2 =	vadd.f32 v15, v2  }
0x233: {  	v11 =	vnsel vm5, $0x0, v11;
	v15 =	vadd.f32 v21, v18;
	v18 =	vshll.u32 v22, $0x10;
	v20 =	vld.idx.msk [tilespmem:v20+s22+$0x0], $0xffff  }
0x234: {  	vm5 =	vgt.s32 v19, $0xFFFFFFFF;
	v18 =	vadd.f32 $0.0e+00, v18;
	v2 =	vmax.f32 v2, $1.000000000e+00  }
0x235: {  	vm11 =	vgt.s32 v14, $0x0;
	v13 =	vand.u32 $0xFFFF0000, v13;
	(erf) = vrcp.f32 v2  }
0x236: {  	v2 =	vsel vm5, $0x3F800000, v0;
	v18 =	vnsel vm7, $0x0, v18;
	v13 =	vnsel vm8, $0x0, v13;
	v16 =	vld.idx.msk [tilespmem:v16+s22+$0x0], $0xffff  }
0x237: {  	v21 =	vnsel vm11, $0x0, v14;
	v14 =	vadd.f32 v13, v18;
	v17 =	vshll.u32 v17, $0x10  }
.Ltmp9:
0x238: {  	vm7 =	vgt.s32 v19, $0x0;
	v2 =	vadd.f32 v2, v15;
	v13 =	vld.idx.msk [tilespmem:v11+s22+$0x0], $0xffff;
	v11 =	vnsel vm6, $0x0, v17;
	(pc) =	sbr.rel @p2 .LBB2_19-.Ltmp9, $4  }
0x239: {  	vm6 =	vgt.s32 v7, $0xFFFFFFFF;
	v15 =	vand.u32 $0xFFFF0000, v20;
	v11 =	vadd.f32 v11, v14  }
0x23a: {  	v17 =	vnsel vm7, $0x0, v19;
	v14 =	vsel vm6, $0x3F800000, v0;
	v15 =	vnsel vm9, $0x0, v15  }
0x23b: {  	v14 =	vadd.f32 v14, v2;
	v2 =	vadd.s32 $0x2000, v17;
	v15 =	vadd.f32 v15, v11  }
0x23c: {  	s1 =	sadd.s32 $0x20, s1;
	vm8 =	vgt.s32 v7, $0x0;
	vm7 =	vgt.s32 v6, $0xFFFFFFFF;
	v16 =	vnsel vm10, $0x0, v16;
	v11 =	vld.idx.msk [tilespmem:v21+s22+$0x0], $0xffff  }
0x23d: {  	s4 =	smov.u32 s29  }
0x23e: {  	v17 =	vmov v3;
	s1 =	smov.u32 s12;
	v3 =	vmov v12;
	s5 =	smov.u32 s0;
	s29 =	smov.u32 s13  }
.LBB2_21:
0x23f: {  	v7 =	vnsel vm8, $0x0, v7  }
0x240: {  	v7 =	vadd.s32 $0x2000, v7  }
0x241: {  	v12 =	vsel vm7, $0x3F800000, v0;
	vm8 =	vgt.s32 v6, $0x0;
	v13 =	vshll.u32 v13, $0x10  }
0x242: {  	vm0 =	vmmov @p1 vm0;
	vm7 =	vmmov vm7;
	v6 =	vnsel vm8, $0x0, v6  }
0x243: {  	v2 =	vld.idx.msk [tilespmem:v2+s22+$0x0], $0xffff;
	v10 =	vshll.u32 @p1 v10, $0x10;
	v12 =	vadd.f32 v12, v14;
	v6 =	vadd.s32 $0x4000, v6  }
0x244: {  	v9 =	vand.u32 @p1 $0xFFFF0000, v9;
	v4 =	vadd.f32 @p0 v5, v4;
	v3 =	vpsel p1, v3, v0  }
0x245: {  	v13 =	vadd.f32 $0.0e+00, v13;
	v10 =	vnsel @p1 vm3, $0x0, v10;
	v12 =	vmax.f32 v12, $1.000000000e+00;
	v7 =	vld.idx.msk [tilespmem:v7+s22+$0x0], $0xffff  }
0x246: {  	v9 =	vnsel @p1 vm2, $0x0, v9;
	v11 =	vand.u32 $0xFFFF0000, v11;
	(erf) = vrcp.f32 v12  }
0x247: {  	v1 =	vadd.f32 @p1 v10, v1;
	v13 =	vnsel vm1, $0x0, v13;
	v11 =	vnsel vm4, $0x0, v11  }
0x248: {  	vm1 =	vmmov vm5;
	v10 =	vadd.f32 v11, v13;
	v2 =	vshll.u32 v2, $0x10;
	v6 =	vld.idx.msk [tilespmem:v6+s22+$0x0], $0xffff  }
0x249: {  	v8 =	vnsel @p1 vm0, $0x0, v8;
	v1 =	vadd.f32 @p1 v9, v1;
	v2 =	vnsel vm1, $0x0, v2  }
0x24a: {  	vm0 =	vmmov vm6;
	v2 =	vadd.f32 v2, v10;
	v7 =	vand.u32 $0xFFFF0000, v7  }
0x24b: {  	v5 =	vpsel p1, v8, v0;
	v1 =	vpsel p1, v1, v0;
	v7 =	vnsel vm0, $0x0, v7  }
0x24c: {  	v1 =	vadd.f32 @p1 v1, v5;
	vm0 =	vmmov vm7;
	v2 =	vadd.f32 v7, v2  }
0x24d: {  	v14 =	vadd.f32 v15, v16;
	v4 =	vmul.f32 @p0 v4, v17;
	v6 =	vnsel vm0, $0x0, v6  }
0x24e: {  	s0 =	smov.u32 @p1 s5;
	v8 =	vpop (erf);
	v1 =	vmul.f32 @p1 v1, v3;
	v2 =	vadd.f32 v2, v6  }
0x24f: {  	s0 =	smov.u32 @p1 s0;
	[tilespmem:s4+$0x8800] =	vst @p0 v4;
	v7 =	vmul.f32 v14, v8;
	v5 =	vpop (erf)  }
0x250: {  	[tilespmem:s0+$0x8800] =	vst @p1 v1;
	v2 =	vmul.f32 v2, v5  }
0x251: {  	[tilespmem:s1+$0x8980] =	vst v7  }
0x252: {  	s13 =	sor.u32 $0x6A00, s26;
	[tilespmem:s29+$0x8800] =	vst v2  }
0x253: {  	s15 =	sor.u32 $0x7A00, s26;
	s14 =	sor.u32 s25, s13;
	v1 =	vld [tilespmem:s21+$0x6200]  }
0x254: {  	s12 =	sor.u32 $0x7200, s26;
	s17 =	sor.u32 s25, s15;
	v3 =	vld [tilespmem:s14+$0x0]  }
0x255: {  	s3 =	sor.u32 s25, s12;
	v4 =	vld [tilespmem:s17+$0x0]  }
0x256: {  	v2 =	vld [tilespmem:s3+$0x0];
	_ =	sdelay $0x1  }
0x257: {  	vm0 =	vgt.s32 v1, $0x0  }
0x258: {  	s0 =	sor.u32 s24, s13;
	vm2 =	vgt.s32 v1, $0xFFFFFFFF;
	vm1 =	vgt.s32 v3, $0x0;
	vm3 =	vgt.s32 v3, $0xFFFFFFFF  }
0x259: {  	s18 =	sor.u32 $0x8200, s26;
	s29 =	sor.u32 s24, s26;
	v5 =	vld [tilespmem:s0+$0x0];
	vm4 =	vgt.s32 v4, $0x0;
	vm7 =	vgt.s32 v4, $0xFFFFFFFF;
	v6 =	vnsel vm0, $0x0, v1  }
0x25a: {  	s26 =	sor.u32 s25, s18;
	v8 =	vld [tilespmem:s29+$0x6200];
	vm0 =	vgt.s32 v2, $0xFFFFFFFF;
	v1 =	vnsel vm1, $0x0, v3;
	vm1 =	vgt.s32 v2, $0x0  }
0x25b: {  	v3 =	vld [tilespmem:s26+$0x0];
	v7 =	vsel vm2, $0x3F800000, v0;
	v9 =	vsel vm3, $0x3F800000, v0;
	v10 =	vnsel vm4, $0x0, v4  }
0x25c: {  	v2 =	vnsel vm1, $0x0, v2;
	v7 =	vadd.f32 v9, v7;
	v4 =	vadd.s32 $0x2000, v10  }
0x25d: {  	s1 =	sor.u32 s24, s12;
	v9 =	vsel vm0, $0x3F800000, v0;
	v2 =	vadd.s32 $0x2000, v2  }
0x25e: {  	s0 =	simm.s32 $0x0;
	vm6 =	vgt.s32 v5, $0x0;
	v7 =	vadd.f32 v9, v7;
	v9 =	vld [tilespmem:s1+$0x0]  }
0x25f: {  	vm4 =	vgt.s32 v8, $0xFFFFFFFF;
	vm1 =	vgt.s32 v5, $0xFFFFFFFF;
	v10 =	vsel vm7, $0x3F800000, v0;
	v6 =	vld.idx.msk [tilespmem:v6+s0+$0x0], $0xffff  }
0x260: {  	v11 =	vsel vm4, $0x3F800000, v0;
	v5 =	vnsel vm6, $0x0, v5;
	vm5 =	vgt.s32 v3, $0x0;
	v1 =	vld.idx.msk [tilespmem:v1+s0+$0x0], $0xffff  }
0x261: {  	v7 =	vadd.f32 v10, v7;
	vm9 =	vgt.s32 v3, $0xFFFFFFFF;
	v10 =	vnsel vm5, $0x0, v3;
	v4 =	vld.idx.msk [tilespmem:v4+s0+$0x0], $0xffff  }
0x262: {  	s30 =	sor.u32 s24, s15;
	v12 =	vsel vm1, $0x3F800000, v0;
	v3 =	vsel vm9, $0x3F800000, v0;
	v10 =	vadd.s32 $0x4000, v10;
	v2 =	vld.idx.msk [tilespmem:v2+s0+$0x0], $0xffff  }
0x263: {  	v11 =	vadd.f32 v12, v11;
	vm5 =	vgt.s32 v8, $0x0;
	v3 =	vadd.f32 v3, v7;
	v7 =	vld [tilespmem:s30+$0x0]  }
0x264: {  	v8 =	vnsel vm5, $0x0, v8;
	vm5 =	vgt.s32 v9, $0xFFFFFFFF;
	v6 =	vshll.u32 v6, $0x10  }
0x265: {  	s31 =	sor.u32 s24, s18;
	v3 =	vmax.f32 v3, $1.000000000e+00;
	v1 =	vand.u32 $0xFFFF0000, v1;
	v12 =	vadd.f32 $0.0e+00, v6  }
0x266: {  	s24 =	sadd.s32 $0x2, s28;
	(erf) = vrcp.f32 v3;
	v3 =	vsel vm5, $0x3F800000, v0;
	v6 =	vld [tilespmem:s31+$0x0];
	v1 =	vnsel vm3, $0x0, v1  }
0x267: {  	p1 =	slt.u32 s24, $0xE;
	v3 =	vadd.f32 v3, v11;
	v4 =	vand.u32 $0xFFFF0000, v4;
	v10 =	vld.idx.msk [tilespmem:v10+s0+$0x0], $0xffff;
	v12 =	vnsel vm2, $0x0, v12  }
.Ltmp10:
0x268: {  	v2 =	vshll.u32 v2, $0x10;
	vm6 =	vgt.s32 v7, $0xFFFFFFFF;
	v1 =	vadd.f32 v1, v12;
	(pc) =	sbr.rel @!p1 .LBB2_22-.Ltmp10, $4  }
0x269: {  	v4 =	vnsel vm7, $0x0, v4;
	vm2 =	vgt.s32 v9, $0x0;
	v2 =	vnsel vm0, $0x0, v2  }
0x26a: {  	v1 =	vadd.f32 v2, v1;
	v2 =	vnsel vm2, $0x0, v9;
	v9 =	vsel vm6, $0x3F800000, v0  }
0x26b: {  	v11 =	vld.idx.msk [tilespmem:v5+s0+$0x0], $0xffff;
	vm8 =	vgt.s32 v7, $0x0;
	vm7 =	vgt.s32 v6, $0xFFFFFFFF;
	v14 =	vadd.f32 v9, v3  }
0x26c: {  	p2 =	por $0x0, $0x0;
	p0 =	por $0x0, $0x0;
	v13 =	vld.idx.msk [tilespmem:v8+s0+$0x0], $0xffff;
	v2 =	vadd.s32 $0x2000, v2;
	v16 =	vnsel vm9, $0x0, v10;
	v15 =	vadd.f32 v4, v1  }
0x26d: {  	s12 =	sand.u32 $0x60, s23;
	s11 =	sadd.s32 $0x100, s22  }
0x26e: {  	s3 =	sand.u32 $0x400, s11;
	s4 =	sor.u32 $0x10, s12  }
0x26f: {  	v3 =	vsel vm7, $0x3F800000, v0;
	s5 =	sor.u32 $0x7200, s3;
	s13 =	sor.u32 s4, s3  }
0x270: {  	v1 =	vnsel vm8, $0x0, v7;
	v3 =	vadd.f32 v3, v14;
	s1 =	sor.u32 $0x6A00, s3;
	v5 =	vld [tilespmem:s13+$0x6200];
	s6 =	sor.u32 s4, s5  }
0x271: {  	vm0 =	vmmov vm7;
	vm2 =	vgt.s32 v6, $0x0;
	s26 =	sor.u32 $0x7A00, s3;
	s7 =	sor.u32 s4, s1;
	v9 =	vld [tilespmem:s6+$0x0]  }
0x272: {  	v4 =	vadd.f32 v15, v16;
	v3 =	vmax.f32 v3, $1.000000000e+00;
	s28 =	sor.u32 s4, s26;
	v7 =	vshll.u32 v13, $0x10;
	v10 =	vld [tilespmem:s7+$0x0]  }
0x273: {  	v8 =	vadd.s32 $0x2000, v1;
	v1 =	vpop (erf);
	(erf) = vrcp.f32 v3;
	v3 =	vld [tilespmem:s28+$0x0];
	v7 =	vadd.f32 $0.0e+00, v7  }
0x274: {  	v4 =	vmul.f32 v4, v1;
	v1 =	vnsel vm2, $0x0, v6;
	v6 =	vand.u32 $0xFFFF0000, v11  }
0x275: {  	v11 =	vadd.s32 $0x4000, v1;
	v1 =	vnsel vm1, $0x0, v6;
	v7 =	vnsel vm4, $0x0, v7  }
0x276: {  	vm3 =	vmmov vm6;
	v1 =	vadd.f32 v1, v7;
	vm1 =	vgt.s32 v5, $0x0  }
0x277: {  	s8 =	sor.u32 s12, s1;
	vm7 =	vgt.s32 v5, $0xFFFFFFFF;
	v6 =	vnsel vm1, $0x0, v5;
	vm1 =	vgt.s32 v10, $0x0  }
0x278: {  	s1 =	sor.u32 s12, s3;
	s3 =	sor.u32 $0x8200, s3;
	v12 =	vld [tilespmem:s8+$0x0];
	vm6 =	vgt.s32 v9, $0xFFFFFFFF;
	vm10 =	vgt.s32 v10, $0xFFFFFFFF;
	vm4 =	vgt.s32 v3, $0x0  }
0x279: {  	v13 =	vld [tilespmem:s1+$0x6200];
	s4 =	sor.u32 s4, s3;
	vm8 =	vgt.s32 v3, $0xFFFFFFFF;
	v5 =	vnsel vm1, $0x0, v10;
	vm1 =	vgt.s32 v9, $0x0  }
0x27a: {  	v7 =	vld [tilespmem:s4+$0x0];
	v10 =	vsel vm7, $0x3F800000, v0;
	v14 =	vsel vm10, $0x3F800000, v0;
	v15 =	vnsel vm4, $0x0, v3  }
0x27b: {  	v9 =	vnsel vm1, $0x0, v9;
	v10 =	vadd.f32 v14, v10;
	v3 =	vadd.s32 $0x2000, v15  }
0x27c: {  	s30 =	sor.u32 s12, s5;
	v14 =	vsel vm6, $0x3F800000, v0;
	v9 =	vadd.s32 $0x2000, v9  }
0x27d: {  	s22 =	simm.s32 $0x0;
	vm2 =	vmmov vm5;
	vm11 =	vgt.s32 v12, $0x0;
	v10 =	vadd.f32 v14, v10;
	v14 =	vld [tilespmem:s30+$0x0]  }
0x27e: {  	vm4 =	vgt.s32 v13, $0xFFFFFFFF;
	vm1 =	vgt.s32 v12, $0xFFFFFFFF;
	v15 =	vsel vm8, $0x3F800000, v0;
	v6 =	vld.idx.msk [tilespmem:v6+s22+$0x0], $0xffff  }
0x27f: {  	v16 =	vsel vm4, $0x3F800000, v0;
	v12 =	vnsel vm11, $0x0, v12;
	vm5 =	vgt.s32 v7, $0x0;
	v5 =	vld.idx.msk [tilespmem:v5+s22+$0x0], $0xffff  }
0x280: {  	vm9 =	vgt.s32 v7, $0xFFFFFFFF;
	v10 =	vadd.f32 v15, v10;
	v15 =	vnsel vm5, $0x0, v7;
	v3 =	vld.idx.msk [tilespmem:v3+s22+$0x0], $0xffff  }
0x281: {  	v17 =	vsel vm1, $0x3F800000, v0;
	v7 =	vsel vm9, $0x3F800000, v0;
	v15 =	vadd.s32 $0x4000, v15;
	v9 =	vld.idx.msk [tilespmem:v9+s22+$0x0], $0xffff  }
0x282: {  	s31 =	sor.u32 s12, s26;
	v16 =	vadd.f32 v17, v16;
	vm5 =	vgt.s32 v13, $0x0;
	v10 =	vadd.f32 v7, v10  }
0x283: {  	v13 =	vnsel vm5, $0x0, v13;
	v7 =	vld [tilespmem:s31+$0x0];
	vm5 =	vgt.s32 v14, $0xFFFFFFFF;
	v6 =	vshll.u32 v6, $0x10  }
0x284: {  	s3 =	sor.u32 s12, s3;
	v17 =	vadd.f32 $0.0e+00, v6;
	v6 =	vmax.f32 v10, $1.000000000e+00;
	v5 =	vand.u32 $0xFFFF0000, v5  }
0x285: {  	s14 =	sadd.s32 $0x2, s24;
	v18 =	vsel vm5, $0x3F800000, v0;
	(erf) = vrcp.f32 v6;
	v6 =	vld [tilespmem:s3+$0x0];
	v5 =	vnsel vm10, $0x0, v5  }
0x286: {  	p3 =	slt.u32 s14, $0xE;
	v3 =	vand.u32 $0xFFFF0000, v3;
	v10 =	vnsel vm7, $0x0, v17;
	v17 =	vld.idx.msk [tilespmem:v15+s22+$0x0], $0xffff;
	v9 =	vshll.u32 v9, $0x10  }
.Ltmp11:
0x287: {  	vm7 =	vgt.s32 v14, $0x0;
	v3 =	vnsel vm8, $0x0, v3;
	v5 =	vadd.f32 v5, v10;
	v10 =	vld.idx.msk [tilespmem:v2+s0+$0x0], $0xffff;
	(pc) =	sbr.rel @!p3 .LBB2_24-.Ltmp11, $4  }
0x288: {  	v2 =	vadd.f32 v18, v16;
	v15 =	vnsel vm6, $0x0, v9;
	v9 =	vld.idx.msk [tilespmem:v8+s0+$0x0], $0xffff;
	vm6 =	vgt.s32 v7, $0xFFFFFFFF  }
0x289: {  	v8 =	vld.idx.msk [tilespmem:v11+s0+$0x0], $0xffff;
	v11 =	vnsel vm7, $0x0, v14;
	v14 =	vsel vm6, $0x3F800000, v0;
	v5 =	vadd.f32 v15, v5  }
0x28a: {  	v13 =	vld.idx.msk [tilespmem:v13+s22+$0x0], $0xffff;
	vm8 =	vgt.s32 v7, $0x0;
	v14 =	vadd.f32 v14, v2;
	v2 =	vadd.s32 $0x2000, v11  }
0x28b: {  	s15 =	sadd.s32 $0x20, s23;
	p2 =	por $0x1, $0x1;
	[tilespmem:s21+$0x8A00] =	vst v4;
	v11 =	vld.idx.msk [tilespmem:v12+s22+$0x0], $0xffff;
	vm7 =	vgt.s32 v6, $0xFFFFFFFF;
	v15 =	vadd.f32 v3, v5;
	v3 =	vpop (erf);
	v16 =	vnsel vm9, $0x0, v17  }
0x28c: {  	v4 =	vnsel vm8, $0x0, v7  }
0x28d: {  	s18 =	sand.u32 $0x60, s15;
	v5 =	vsel vm7, $0x3F800000, v0;
	s11 =	sadd.s32 $0x100, s11;
	vm8 =	vmmov vm0;
	vm0 =	vmmov vm7  }
0x28e: {  	vm7 =	vgt.s32 v6, $0x0;
	v7 =	vadd.f32 v15, v16;
	s0 =	sand.u32 $0x400, s11;
	s3 =	sor.u32 $0x10, s18;
	v5 =	vadd.f32 v5, v14  }
0x28f: {  	v14 =	vadd.s32 $0x2000, v4;
	v4 =	vnsel vm7, $0x0, v6;
	s4 =	sor.u32 $0x7200, s0;
	s21 =	sor.u32 s3, s0;
	v12 =	vshll.u32 v13, $0x10;
	v13 =	vpop (erf)  }
0x290: {  	v6 =	vshll.u32 v10, $0x10;
	v9 =	vand.u32 $0xFFFF0000, v9;
	s5 =	sor.u32 $0x6A00, s0;
	s6 =	sor.u32 s3, s4;
	v16 =	vmul.f32 v7, v13;
	v7 =	vld [tilespmem:s21+$0x6200]  }
0x291: {  	v6 =	vnsel vm2, $0x0, v6;
	vm2 =	vmmov vm5;
	v5 =	vmax.f32 v5, $1.000000000e+00;
	s7 =	sor.u32 s3, s5;
	v10 =	vld [tilespmem:s6+$0x0]  }
0x292: {  	v6 =	vadd.f32 v6, v1;
	s5 =	sor.u32 s18, s5;
	v12 =	vadd.f32 $0.0e+00, v12;
	v13 =	vadd.s32 $0x4000, v4;
	v15 =	vld [tilespmem:s7+$0x0]  }
0x293: {  	s23 =	sor.u32 $0x7A00, s0;
	v4 =	vand.u32 $0xFFFF0000, v11;
	(erf) = vrcp.f32 v5;
	v5 =	vnsel vm3, $0x0, v9;
	v9 =	vld [tilespmem:s5+$0x0]  }
0x294: {  	s25 =	sor.u32 s3, s23;
	vm3 =	vmmov vm6;
	v4 =	vnsel vm1, $0x0, v4;
	v12 =	vnsel vm4, $0x0, v12  }
0x295: {  	s26 =	sor.u32 $0x8200, s0;
	v1 =	vadd.f32 v4, v12;
	v4 =	vnsel vm8, $0x0, v8;
	v8 =	vld [tilespmem:s25+$0x0];
	vm1 =	vgt.s32 v7, $0x0  }
0x296: {  	s12 =	sor.u32 s18, s0;
	s0 =	sor.u32 s3, s26;
	v5 =	vadd.f32 v5, v6;
	vm7 =	vgt.s32 v7, $0xFFFFFFFF;
	v6 =	vnsel vm1, $0x0, v7  }
0x297: {  	v12 =	vld [tilespmem:s0+$0x0];
	vm6 =	vgt.s32 v10, $0xFFFFFFFF;
	vm10 =	vgt.s32 v15, $0xFFFFFFFF;
	vm1 =	vgt.s32 v15, $0x0  }
0x298: {  	vm11 =	vgt.s32 v9, $0x0;
	v7 =	vnsel vm1, $0x0, v15;
	vm1 =	vgt.s32 v10, $0x0  }
0x299: {  	v11 =	vld [tilespmem:s12+$0x6200];
	v17 =	vsel vm10, $0x3F800000, v0;
	v15 =	vsel vm7, $0x3F800000, v0;
	v10 =	vnsel vm1, $0x0, v10  }
0x29a: {  	s0 =	simm.s32 $0x0;
	v15 =	vadd.f32 v17, v15;
	vm4 =	vgt.s32 v8, $0x0;
	v10 =	vadd.s32 $0x2000, v10  }
0x29b: {  	vm1 =	vgt.s32 v9, $0xFFFFFFFF;
	v17 =	vsel vm6, $0x3F800000, v0;
	vm8 =	vgt.s32 v8, $0xFFFFFFFF;
	v6 =	vld.idx.msk [tilespmem:v6+s0+$0x0], $0xffff  }
0x29c: {  	vm5 =	vgt.s32 v12, $0x0;
	v18 =	vnsel vm4, $0x0, v8;
	v15 =	vadd.f32 v17, v15  }
0x29d: {  	vm9 =	vgt.s32 v12, $0xFFFFFFFF;
	v8 =	vadd.s32 $0x2000, v18;
	v18 =	vsel vm8, $0x3F800000, v0;
	v19 =	vld.idx.msk [tilespmem:v7+s0+$0x0], $0xffff  }
0x29e: {  	vm4 =	vgt.s32 v11, $0xFFFFFFFF;
	v7 =	vadd.f32 v18, v15;
	v15 =	vnsel vm5, $0x0, v12  }
0x29f: {  	s28 =	sor.u32 s18, s4;
	v20 =	vsel vm1, $0x3F800000, v0;
	v12 =	vsel vm9, $0x3F800000, v0;
	v15 =	vadd.s32 $0x4000, v15;
	v10 =	vld.idx.msk [tilespmem:v10+s0+$0x0], $0xffff  }
0x2a0: {  	s30 =	sor.u32 s18, s23;
	v17 =	vld [tilespmem:s28+$0x0];
	vm5 =	vgt.s32 v11, $0x0;
	v12 =	vadd.f32 v12, v7;
	v6 =	vshll.u32 v6, $0x10  }
0x2a1: {  	v18 =	vsel vm4, $0x3F800000, v0;
	v11 =	vnsel vm5, $0x0, v11;
	v7 =	vld [tilespmem:s30+$0x0];
	v63 =	vadd.f32 $0.0e+00, v6  }
0x2a2: {  	s31 =	sor.u32 s18, s26;
	v18 =	vadd.f32 v20, v18;
	v8 =	vld.idx.msk [tilespmem:v8+s0+$0x0], $0xffff;
	v6 =	vmax.f32 v12, $1.000000000e+00;
	v12 =	vand.u32 $0xFFFF0000, v19  }
0x2a3: {  	(erf) = vrcp.f32 v6;
	v6 =	vld [tilespmem:s31+$0x0];
	v12 =	vnsel vm10, $0x0, v12;
	v20 =	vnsel vm7, $0x0, v63  }
0x2a4: {  	s14 =	sadd.s32 $0x2, s14;
	v22 =	vnsel vm11, $0x0, v9;
	v21 =	vld.idx.msk [tilespmem:v15+s0+$0x0], $0xffff;
	v9 =	vshll.u32 v10, $0x10;
	v12 =	vadd.f32 v12, v20  }
0x2a5: {  	p4 =	slt.u32 s14, $0xE;
	vm5 =	vgt.s32 v17, $0xFFFFFFFF;
	v10 =	vld.idx.msk [tilespmem:v2+s22+$0x0], $0xffff;
	v15 =	vnsel vm6, $0x0, v9  }
.Ltmp12:
0x2a6: {  	v19 =	vsel vm5, $0x3F800000, v0;
	vm7 =	vgt.s32 v17, $0x0;
	v9 =	vld.idx.msk [tilespmem:v14+s22+$0x0], $0xffff;
	v12 =	vadd.f32 v15, v12;
	(pc) =	sbr.rel @!p4 .LBB2_26-.Ltmp12, $4  }
0x2a7: {  	v2 =	vadd.f32 v19, v18;
	vm6 =	vgt.s32 v7, $0xFFFFFFFF;
	v14 =	vand.u32 $0xFFFF0000, v8;
	v8 =	vld.idx.msk [tilespmem:v13+s22+$0x0], $0xffff  }
0x2a8: {  	v13 =	vld.idx.msk [tilespmem:v11+s0+$0x0], $0xffff;
	v18 =	vnsel vm8, $0x0, v14;
	v15 =	vnsel vm7, $0x0, v17;
	v17 =	vsel vm6, $0x3F800000, v0  }
0x2a9: {  	vm8 =	vgt.s32 v7, $0x0;
	v14 =	vadd.f32 v17, v2;
	v2 =	vadd.s32 $0x2000, v15  }
0x2aa: {  	p3 =	por $0x1, $0x1;
	[tilespmem:s13+$0x8A00] =	vst v16;
	s13 =	sadd.s32 $0x20, s15;
	v11 =	vld.idx.msk [tilespmem:v22+s0+$0x0], $0xffff;
	vm7 =	vgt.s32 v6, $0xFFFFFFFF;
	v16 =	vnsel vm9, $0x0, v21;
	v15 =	vadd.f32 v18, v12;
	v12 =	vpop (erf)  }
.LBB2_27:
0x2ab: {  	v18 =	vnsel vm8, $0x0, v7;
	v17 =	vsel vm7, $0x3F800000, v0  }
0x2ac: {  	s4 =	sand.u32 $0x60, s13;
	s14 =	sadd.s32 $0x2, s14;
	v15 =	vadd.f32 v15, v16;
	s11 =	sadd.s32 $0x100, s11;
	vm8 =	vmmov vm0;
	vm0 =	vmmov vm7  }
0x2ad: {  	v13 =	vshll.u32 v13, $0x10;
	s3 =	sand.u32 $0x400, s11;
	s5 =	sor.u32 $0x10, s4;
	p4 =	slt.u32 s14, $0xE;
	v14 =	vadd.f32 v17, v14;
	v16 =	vadd.s32 $0x2000, v18;
	v7 =	vpop (erf)  }
0x2ae: {  	vm7 =	vgt.s32 v6, $0x0;
	v13 =	vadd.f32 $0.0e+00, v13;
	s15 =	sor.u32 s4, s3;
	s6 =	sor.u32 $0x7200, s3;
	s7 =	sor.u32 s5, s3;
	v7 =	vmul.f32 v15, v7  }
0x2af: {  	v10 =	vshll.u32 v10, $0x10;
	v6 =	vnsel vm7, $0x0, v6;
	s8 =	sor.u32 $0x6A00, s3;
	s9 =	sor.u32 s4, s6;
	v15 =	vld [tilespmem:s7+$0x6200];
	s6 =	sor.u32 s5, s6;
	v14 =	vmax.f32 v14, $1.000000000e+00  }
0x2b0: {  	v18 =	vadd.s32 $0x4000, v6;
	s10 =	sor.u32 s4, s8;
	s8 =	sor.u32 s5, s8;
	v13 =	vnsel vm4, $0x0, v13;
	v17 =	vld [tilespmem:s6+$0x0];
	[tilespmem:s21+$0x8A00] =	vst v7;
	(erf) = vrcp.f32 v14;
	s21 =	smov.u32 s7  }
0x2b1: {  	v9 =	vand.u32 $0xFFFF0000, v9;
	v10 =	vnsel vm2, $0x0, v10;
	v7 =	vand.u32 $0xFFFF0000, v11;
	v6 =	vld [tilespmem:s8+$0x0]  }
0x2b2: {  	v9 =	vnsel vm3, $0x0, v9;
	v10 =	vadd.f32 v10, v1;
	s6 =	sor.u32 $0x7A00, s3;
	v7 =	vnsel vm1, $0x0, v7;
	v11 =	vld [tilespmem:s15+$0x6200]  }
0x2b3: {  	s7 =	sor.u32 s4, s6;
	s6 =	sor.u32 s5, s6;
	v1 =	vadd.f32 v7, v13;
	v7 =	vadd.f32 v5, v4;
	v4 =	vnsel vm8, $0x0, v8;
	v14 =	vld [tilespmem:s10+$0x0]  }
0x2b4: {  	vm2 =	vmmov vm5;
	v5 =	vadd.f32 v9, v10;
	vm1 =	vgt.s32 v15, $0x0;
	v8 =	vld [tilespmem:s6+$0x0]  }
0x2b5: {  	vm3 =	vmmov vm6;
	s3 =	sor.u32 $0x8200, s3;
	v10 =	vmul.f32 v7, v3;
	v3 =	vmovc v12;
	v19 =	vld [tilespmem:s9+$0x0];
	v9 =	vnsel vm1, $0x0, v15  }
0x2b6: {  	s4 =	sor.u32 s4, s3;
	s3 =	sor.u32 s5, s3;
	vm7 =	vgt.s32 v15, $0xFFFFFFFF;
	vm6 =	vgt.s32 v17, $0xFFFFFFFF;
	v7 =	vld [tilespmem:s7+$0x0];
	vm1 =	vgt.s32 v6, $0x0  }
0x2b7: {  	vm8 =	vgt.s32 v6, $0xFFFFFFFF;
	v13 =	vnsel vm1, $0x0, v6;
	vm1 =	vgt.s32 v17, $0x0;
	v15 =	vld [tilespmem:s3+$0x0];
	[tilespmem:s29+$0x8A00] =	vst v10;
	s29 =	smov.u32 s1;
	s1 =	smov.u32 s12;
	s12 =	smov.u32 s15  }
0x2b8: {  	v10 =	vsel vm7, $0x3F800000, v0;
	v21 =	vsel vm8, $0x3F800000, v0;
	v6 =	vld [tilespmem:s4+$0x0];
	v17 =	vnsel vm1, $0x0, v17  }
0x2b9: {  	s22 =	simm.s32 $0x0;
	v20 =	vadd.f32 v21, v10;
	vm4 =	vgt.s32 v8, $0x0;
	v17 =	vadd.s32 $0x2000, v17;
	v10 =	vld.idx.msk [tilespmem:v2+s0+$0x0], $0xffff;
	v12 =	vpop (erf)  }
0x2ba: {  	vm1 =	vgt.s32 v14, $0xFFFFFFFF;
	v2 =	vsel vm6, $0x3F800000, v0;
	v21 =	vnsel vm4, $0x0, v8;
	v22 =	vld.idx.msk [tilespmem:v9+s22+$0x0], $0xffff  }
0x2bb: {  	vm9 =	vgt.s32 v8, $0xFFFFFFFF;
	v2 =	vadd.f32 v2, v20;
	v20 =	vadd.s32 $0x2000, v21;
	v9 =	vld.idx.msk [tilespmem:v16+s0+$0x0], $0xffff  }
0x2bc: {  	vm4 =	vgt.s32 v11, $0xFFFFFFFF;
	v8 =	vsel vm9, $0x3F800000, v0;
	vm5 =	vgt.s32 v15, $0x0;
	v13 =	vld.idx.msk [tilespmem:v13+s22+$0x0], $0xffff  }
0x2bd: {  	v2 =	vadd.f32 v8, v2;
	vm10 =	vgt.s32 v15, $0xFFFFFFFF;
	v16 =	vnsel vm5, $0x0, v15;
	v8 =	vld.idx.msk [tilespmem:v18+s0+$0x0], $0xffff;
	s0 =	smov.u32 s22  }
0x2be: {  	vm5 =	vgt.s32 v11, $0x0;
	v15 =	vsel vm10, $0x3F800000, v0;
	v17 =	vld.idx.msk [tilespmem:v17+s0+$0x0], $0xffff;
	v16 =	vadd.s32 $0x4000, v16  }
0x2bf: {  	v21 =	vsel vm1, $0x3F800000, v0;
	v18 =	vsel vm4, $0x3F800000, v0;
	v2 =	vadd.f32 v15, v2  }
0x2c0: {  	v11 =	vnsel vm5, $0x0, v11;
	v15 =	vadd.f32 v21, v18;
	v18 =	vshll.u32 v22, $0x10;
	v20 =	vld.idx.msk [tilespmem:v20+s0+$0x0], $0xffff  }
0x2c1: {  	vm5 =	vgt.s32 v19, $0xFFFFFFFF;
	v18 =	vadd.f32 $0.0e+00, v18;
	v2 =	vmax.f32 v2, $1.000000000e+00  }
0x2c2: {  	vm11 =	vgt.s32 v14, $0x0;
	v13 =	vand.u32 $0xFFFF0000, v13;
	(erf) = vrcp.f32 v2  }
0x2c3: {  	v2 =	vsel vm5, $0x3F800000, v0;
	v18 =	vnsel vm7, $0x0, v18;
	v13 =	vnsel vm8, $0x0, v13;
	v16 =	vld.idx.msk [tilespmem:v16+s0+$0x0], $0xffff  }
0x2c4: {  	v21 =	vnsel vm11, $0x0, v14;
	v14 =	vadd.f32 v13, v18;
	v17 =	vshll.u32 v17, $0x10  }
.Ltmp13:
0x2c5: {  	vm7 =	vgt.s32 v19, $0x0;
	v2 =	vadd.f32 v2, v15;
	v13 =	vld.idx.msk [tilespmem:v11+s0+$0x0], $0xffff;
	v11 =	vnsel vm6, $0x0, v17;
	(pc) =	sbr.rel @p4 .LBB2_27-.Ltmp13, $4  }
0x2c6: {  	vm6 =	vgt.s32 v7, $0xFFFFFFFF;
	v15 =	vand.u32 $0xFFFF0000, v20;
	v11 =	vadd.f32 v11, v14  }
0x2c7: {  	v17 =	vnsel vm7, $0x0, v19;
	v14 =	vsel vm6, $0x3F800000, v0;
	v15 =	vnsel vm9, $0x0, v15  }
0x2c8: {  	v14 =	vadd.f32 v14, v2;
	v2 =	vadd.s32 $0x2000, v17;
	v15 =	vadd.f32 v15, v11  }
0x2c9: {  	s13 =	sadd.s32 $0x20, s13;
	vm8 =	vgt.s32 v7, $0x0;
	vm7 =	vgt.s32 v6, $0xFFFFFFFF;
	v16 =	vnsel vm10, $0x0, v16;
	v11 =	vld.idx.msk [tilespmem:v21+s0+$0x0], $0xffff  }
0x2ca: {  	v17 =	vmov v3;
	s4 =	smov.u32 s29;
	v3 =	vmov v12;
	s11 =	smov.u32 s1;
	s29 =	smov.u32 s12  }
.LBB2_29:
0x2cb: {  	v7 =	vnsel vm8, $0x0, v7  }
0x2cc: {  	v7 =	vadd.s32 $0x2000, v7  }
0x2cd: {  	v12 =	vsel vm7, $0x3F800000, v0;
	vm8 =	vgt.s32 v6, $0x0  }
0x2ce: {  	v13 =	vshll.u32 v13, $0x10;
	vm0 =	vmmov @p2 vm0;
	v6 =	vnsel vm8, $0x0, v6  }
0x2cf: {  	v2 =	vld.idx.msk [tilespmem:v2+s0+$0x0], $0xffff;
	vm7 =	vmmov vm7;
	v12 =	vadd.f32 v12, v14;
	v6 =	vadd.s32 $0x4000, v6  }
0x2d0: {  	v10 =	vshll.u32 @p2 v10, $0x10;
	v9 =	vand.u32 @p2 $0xFFFF0000, v9;
	v4 =	vadd.f32 @p3 v5, v4  }
0x2d1: {  	v13 =	vadd.f32 $0.0e+00, v13;
	v10 =	vnsel @p2 vm2, $0x0, v10;
	v12 =	vmax.f32 v12, $1.000000000e+00;
	v7 =	vld.idx.msk [tilespmem:v7+s0+$0x0], $0xffff  }
0x2d2: {  	v9 =	vnsel @p2 vm3, $0x0, v9;
	v11 =	vand.u32 $0xFFFF0000, v11;
	(erf) = vrcp.f32 v12  }
0x2d3: {  	v1 =	vadd.f32 @p2 v10, v1;
	v13 =	vnsel vm4, $0x0, v13;
	v11 =	vnsel vm1, $0x0, v11  }
0x2d4: {  	vm1 =	vmmov vm5;
	v10 =	vadd.f32 v11, v13;
	v2 =	vshll.u32 v2, $0x10;
	v6 =	vld.idx.msk [tilespmem:v6+s0+$0x0], $0xffff  }
0x2d5: {  	v8 =	vnsel @p2 vm0, $0x0, v8;
	vm0 =	vmmov vm6;
	v2 =	vnsel vm1, $0x0, v2  }
0x2d6: {  	v1 =	vadd.f32 @p2 v9, v1;
	v2 =	vadd.f32 v2, v10;
	v7 =	vand.u32 $0xFFFF0000, v7  }
0x2d7: {  	v14 =	vadd.f32 v15, v16;
	v5 =	vpsel p2, v8, v0;
	v7 =	vnsel vm0, $0x0, v7  }
0x2d8: {  	v1 =	vpsel p2, v1, v0;
	vm0 =	vmmov vm7;
	v2 =	vadd.f32 v7, v2  }
0x2d9: {  	v4 =	vmul.f32 @p3 v4, v17;
	v8 =	vpop (erf);
	v1 =	vadd.f32 @p2 v1, v5;
	v6 =	vnsel vm0, $0x0, v6  }
0x2da: {  	v3 =	vpsel p2, v3, v0;
	v7 =	vmul.f32 v14, v8;
	v2 =	vadd.f32 v2, v6  }
0x2db: {  	[tilespmem:s4+$0x8A00] =	vst @p3 v4;
	s0 =	smov.u32 @p2 s11;
	v1 =	vmul.f32 @p2 v1, v3;
	v5 =	vpop (erf)  }
0x2dc: {  	s0 =	smov.u32 @p2 s0;
	[tilespmem:s21+$0x8A00] =	vst v7;
	s21 =	sand.u32 $0x60, s22;
	v2 =	vmul.f32 v2, v5  }
0x2dd: {  	s26 =	sand.u32 $0x400, s22;
	[tilespmem:s0+$0x8A00] =	vst @p2 v1;
	s25 =	sor.u32 $0x10, s21  }
0x2de: {  	s3 =	sor.u32 $0x6A80, s26;
	s0 =	sor.u32 s25, s26;
	[tilespmem:s29+$0x8A00] =	vst v2  }
0x2df: {  	s15 =	sor.u32 $0x7A80, s26;
	s5 =	sor.u32 s25, s3;
	v1 =	vld [tilespmem:s0+$0x6280]  }
0x2e0: {  	s1 =	sor.u32 $0x7280, s26;
	s6 =	sor.u32 s25, s15;
	v3 =	vld [tilespmem:s5+$0x0]  }
0x2e1: {  	s14 =	sor.u32 s25, s1;
	v4 =	vld [tilespmem:s6+$0x0]  }
0x2e2: {  	v2 =	vld [tilespmem:s14+$0x0];
	_ =	sdelay $0x1  }
0x2e3: {  	vm0 =	vgt.s32 v1, $0x0  }
0x2e4: {  	s17 =	sor.u32 s22, s26;
	s3 =	sor.u32 s21, s3;
	vm2 =	vgt.s32 v1, $0xFFFFFFFF;
	vm1 =	vgt.s32 v3, $0x0;
	vm3 =	vgt.s32 v3, $0xFFFFFFFF  }
0x2e5: {  	s18 =	sor.u32 $0x8280, s26;
	s29 =	sor.u32 $0x280, s17;
	v8 =	vld [tilespmem:s3+$0x0];
	vm4 =	vgt.s32 v4, $0x0;
	vm7 =	vgt.s32 v4, $0xFFFFFFFF;
	v6 =	vnsel vm0, $0x0, v1  }
0x2e6: {  	s23 =	sor.u32 s25, s18;
	v5 =	vld [tilespmem:s29+$0x6000];
	vm0 =	vgt.s32 v2, $0xFFFFFFFF;
	v1 =	vnsel vm1, $0x0, v3;
	vm1 =	vgt.s32 v2, $0x0  }
0x2e7: {  	v3 =	vld [tilespmem:s23+$0x0];
	v7 =	vsel vm2, $0x3F800000, v0;
	v9 =	vsel vm3, $0x3F800000, v0;
	v10 =	vnsel vm4, $0x0, v4  }
0x2e8: {  	v2 =	vnsel vm1, $0x0, v2;
	v7 =	vadd.f32 v9, v7;
	v4 =	vadd.s32 $0x2000, v10  }
0x2e9: {  	s1 =	sor.u32 s21, s1;
	v9 =	vsel vm0, $0x3F800000, v0;
	v2 =	vadd.s32 $0x2000, v2  }
0x2ea: {  	vm6 =	vgt.s32 v8, $0x0;
	v7 =	vadd.f32 v9, v7;
	v9 =	vld [tilespmem:s1+$0x0]  }
0x2eb: {  	vm4 =	vgt.s32 v8, $0xFFFFFFFF;
	v8 =	vnsel vm6, $0x0, v8;
	vm1 =	vgt.s32 v5, $0xFFFFFFFF;
	v6 =	vld.idx.msk [tilespmem:v6+s22+$0x0], $0xffff  }
0x2ec: {  	v10 =	vsel vm7, $0x3F800000, v0;
	v12 =	vsel vm4, $0x3F800000, v0;
	vm5 =	vgt.s32 v3, $0x0;
	v1 =	vld.idx.msk [tilespmem:v1+s22+$0x0], $0xffff  }
0x2ed: {  	v7 =	vadd.f32 v10, v7;
	vm9 =	vgt.s32 v3, $0xFFFFFFFF;
	v10 =	vnsel vm5, $0x0, v3;
	v4 =	vld.idx.msk [tilespmem:v4+s22+$0x0], $0xffff  }
0x2ee: {  	s30 =	sor.u32 s21, s15;
	v11 =	vsel vm1, $0x3F800000, v0;
	v3 =	vsel vm9, $0x3F800000, v0;
	v10 =	vadd.s32 $0x4000, v10;
	v2 =	vld.idx.msk [tilespmem:v2+s22+$0x0], $0xffff  }
0x2ef: {  	v11 =	vadd.f32 v12, v11;
	vm5 =	vgt.s32 v5, $0x0;
	v3 =	vadd.f32 v3, v7;
	v7 =	vld [tilespmem:s30+$0x0]  }
0x2f0: {  	v5 =	vnsel vm5, $0x0, v5;
	vm5 =	vgt.s32 v9, $0xFFFFFFFF;
	v6 =	vshll.u32 v6, $0x10  }
0x2f1: {  	s31 =	sor.u32 s21, s18;
	v3 =	vmax.f32 v3, $1.000000000e+00;
	v1 =	vand.u32 $0xFFFF0000, v1;
	v12 =	vadd.f32 $0.0e+00, v6  }
0x2f2: {  	(erf) = vrcp.f32 v3;
	v3 =	vsel vm5, $0x3F800000, v0;
	v6 =	vld [tilespmem:s31+$0x0];
	v1 =	vnsel vm3, $0x0, v1  }
0x2f3: {  	v3 =	vadd.f32 v3, v11;
	v4 =	vand.u32 $0xFFFF0000, v4;
	v10 =	vld.idx.msk [tilespmem:v10+s22+$0x0], $0xffff;
	v12 =	vnsel vm2, $0x0, v12  }
.Ltmp14:
0x2f4: {  	v2 =	vshll.u32 v2, $0x10;
	vm6 =	vgt.s32 v7, $0xFFFFFFFF;
	v1 =	vadd.f32 v1, v12;
	(pc) =	sbr.rel @!p1 .LBB2_30-.Ltmp14, $4  }
0x2f5: {  	v4 =	vnsel vm7, $0x0, v4;
	vm2 =	vgt.s32 v9, $0x0;
	v2 =	vnsel vm0, $0x0, v2  }
0x2f6: {  	v1 =	vadd.f32 v2, v1;
	v2 =	vnsel vm2, $0x0, v9;
	v9 =	vsel vm6, $0x3F800000, v0  }
0x2f7: {  	v11 =	vld.idx.msk [tilespmem:v8+s22+$0x0], $0xffff;
	vm8 =	vgt.s32 v7, $0x0;
	vm7 =	vgt.s32 v6, $0xFFFFFFFF;
	v14 =	vadd.f32 v9, v3  }
0x2f8: {  	s28 =	simm.s32 $0xFFFFFFFE;
	s23 =	sadd.s32 $0x20, s22;
	v13 =	vld.idx.msk [tilespmem:v5+s22+$0x0], $0xffff;
	v2 =	vadd.s32 $0x2000, v2;
	v16 =	vnsel vm9, $0x0, v10;
	v15 =	vadd.f32 v4, v1  }
0x2f9: {  	s12 =	sand.u32 $0x60, s23;
	s11 =	sadd.s32 $0x100, s22  }
0x2fa: {  	v1 =	vnsel vm8, $0x0, v7;
	s3 =	sand.u32 $0x400, s11;
	s4 =	sor.u32 $0x10, s12  }
0x2fb: {  	v3 =	vsel vm7, $0x3F800000, v0;
	s5 =	sor.u32 $0x7280, s3;
	s13 =	sor.u32 s4, s3  }
0x2fc: {  	v4 =	vadd.f32 v15, v16;
	v3 =	vadd.f32 v3, v14;
	s6 =	sor.u32 $0x6A80, s3;
	v5 =	vld [tilespmem:s13+$0x6280];
	s1 =	sor.u32 s4, s5  }
0x2fd: {  	vm0 =	vmmov vm7;
	vm2 =	vgt.s32 v6, $0x0;
	v8 =	vadd.s32 $0x2000, v1;
	s17 =	sor.u32 $0x7A80, s3;
	v1 =	vpop (erf);
	s7 =	sor.u32 s4, s6;
	v9 =	vld [tilespmem:s1+$0x0]  }
0x2fe: {  	v3 =	vmax.f32 v3, $1.000000000e+00;
	s8 =	sor.u32 s4, s17;
	v7 =	vshll.u32 v13, $0x10;
	v4 =	vmul.f32 v4, v1;
	v10 =	vld [tilespmem:s7+$0x0]  }
0x2ff: {  	v1 =	vnsel vm2, $0x0, v6;
	(erf) = vrcp.f32 v3;
	v3 =	vld [tilespmem:s8+$0x0];
	v7 =	vadd.f32 $0.0e+00, v7  }
0x300: {  	v6 =	vand.u32 $0xFFFF0000, v11;
	vm2 =	vmmov vm6;
	v11 =	vadd.s32 $0x4000, v1  }
0x301: {  	v1 =	vnsel vm4, $0x0, v6;
	v7 =	vnsel vm1, $0x0, v7;
	vm1 =	vgt.s32 v5, $0x0  }
0x302: {  	s18 =	sor.u32 s23, s3;
	s6 =	sor.u32 s12, s6;
	v1 =	vadd.f32 v1, v7;
	vm7 =	vgt.s32 v5, $0xFFFFFFFF;
	v7 =	vnsel vm1, $0x0, v5  }
0x303: {  	s3 =	sor.u32 $0x8280, s3;
	s1 =	sor.u32 $0x280, s18;
	v12 =	vld [tilespmem:s6+$0x0];
	vm1 =	vgt.s32 v10, $0x0;
	vm6 =	vgt.s32 v9, $0xFFFFFFFF;
	vm10 =	vgt.s32 v10, $0xFFFFFFFF  }
0x304: {  	s4 =	sor.u32 s4, s3;
	v6 =	vld [tilespmem:s1+$0x6000];
	v13 =	vsel vm7, $0x3F800000, v0;
	vm4 =	vgt.s32 v3, $0x0;
	vm8 =	vgt.s32 v3, $0xFFFFFFFF  }
0x305: {  	v5 =	vnsel vm1, $0x0, v10;
	vm1 =	vgt.s32 v9, $0x0;
	v10 =	vld [tilespmem:s4+$0x0];
	v15 =	vnsel vm4, $0x0, v3  }
0x306: {  	v14 =	vsel vm10, $0x3F800000, v0;
	v9 =	vnsel vm1, $0x0, v9;
	v3 =	vadd.s32 $0x2000, v15  }
0x307: {  	vm3 =	vmmov vm5;
	v13 =	vadd.f32 v14, v13;
	v9 =	vadd.s32 $0x2000, v9  }
0x308: {  	s30 =	sor.u32 s12, s5;
	vm11 =	vgt.s32 v12, $0x0;
	vm4 =	vgt.s32 v12, $0xFFFFFFFF;
	v14 =	vsel vm6, $0x3F800000, v0;
	v16 =	vld.idx.msk [tilespmem:v7+s22+$0x0], $0xffff  }
0x309: {  	v12 =	vnsel vm11, $0x0, v12;
	vm1 =	vgt.s32 v6, $0xFFFFFFFF;
	v7 =	vadd.f32 v14, v13;
	v13 =	vld [tilespmem:s30+$0x0]  }
0x30a: {  	v17 =	vsel vm4, $0x3F800000, v0;
	v14 =	vsel vm8, $0x3F800000, v0;
	vm5 =	vgt.s32 v10, $0x0;
	v5 =	vld.idx.msk [tilespmem:v5+s22+$0x0], $0xffff  }
0x30b: {  	vm9 =	vgt.s32 v10, $0xFFFFFFFF;
	v7 =	vadd.f32 v14, v7;
	v14 =	vnsel vm5, $0x0, v10;
	v3 =	vld.idx.msk [tilespmem:v3+s22+$0x0], $0xffff  }
0x30c: {  	v15 =	vsel vm1, $0x3F800000, v0;
	v10 =	vsel vm9, $0x3F800000, v0;
	v14 =	vadd.s32 $0x4000, v14;
	v9 =	vld.idx.msk [tilespmem:v9+s22+$0x0], $0xffff  }
0x30d: {  	s31 =	sor.u32 s12, s17;
	v15 =	vadd.f32 v17, v15;
	vm5 =	vgt.s32 v6, $0x0;
	v10 =	vadd.f32 v10, v7  }
0x30e: {  	v18 =	vnsel vm5, $0x0, v6;
	v7 =	vld [tilespmem:s31+$0x0];
	v6 =	vshll.u32 v16, $0x10;
	vm5 =	vgt.s32 v13, $0xFFFFFFFF  }
0x30f: {  	s3 =	sor.u32 s12, s3;
	v16 =	vadd.f32 $0.0e+00, v6;
	v6 =	vmax.f32 v10, $1.000000000e+00;
	v5 =	vand.u32 $0xFFFF0000, v5  }
0x310: {  	s14 =	sadd.s32 $0x2, s24;
	v17 =	vsel vm5, $0x3F800000, v0;
	(erf) = vrcp.f32 v6;
	v6 =	vld [tilespmem:s3+$0x0];
	v5 =	vnsel vm10, $0x0, v5  }
0x311: {  	p2 =	slt.u32 s14, $0xE;
	v3 =	vand.u32 $0xFFFF0000, v3;
	v10 =	vnsel vm7, $0x0, v16;
	v16 =	vld.idx.msk [tilespmem:v14+s22+$0x0], $0xffff;
	v9 =	vshll.u32 v9, $0x10  }
.Ltmp15:
0x312: {  	vm7 =	vgt.s32 v13, $0x0;
	v3 =	vnsel vm8, $0x0, v3;
	v5 =	vadd.f32 v5, v10;
	v10 =	vld.idx.msk [tilespmem:v2+s22+$0x0], $0xffff;
	(pc) =	sbr.rel @!p2 .LBB2_32-.Ltmp15, $4  }
0x313: {  	v2 =	vadd.f32 v17, v15;
	v14 =	vnsel vm6, $0x0, v9;
	v9 =	vld.idx.msk [tilespmem:v8+s22+$0x0], $0xffff;
	vm6 =	vgt.s32 v7, $0xFFFFFFFF  }
0x314: {  	v8 =	vld.idx.msk [tilespmem:v11+s22+$0x0], $0xffff;
	v11 =	vnsel vm7, $0x0, v13;
	v5 =	vadd.f32 v14, v5;
	v14 =	vsel vm6, $0x3F800000, v0  }
0x315: {  	v13 =	vld.idx.msk [tilespmem:v18+s22+$0x0], $0xffff;
	vm8 =	vgt.s32 v7, $0x0;
	v14 =	vadd.f32 v14, v2;
	v2 =	vadd.s32 $0x2000, v11  }
0x316: {  	s15 =	sadd.s32 $0x20, s23;
	p1 =	por $0x1, $0x1;
	[tilespmem:s0+$0x8A80] =	vst v4;
	vm7 =	vgt.s32 v6, $0xFFFFFFFF;
	v11 =	vld.idx.msk [tilespmem:v12+s22+$0x0], $0xffff;
	v15 =	vadd.f32 v3, v5;
	v3 =	vpop (erf);
	v16 =	vnsel vm9, $0x0, v16  }
0x317: {  	_ = 	snop  }
0x318: {  	s18 =	sand.u32 $0x60, s15;
	v4 =	vnsel vm8, $0x0, v7;
	v5 =	vsel vm7, $0x3F800000, v0;
	s11 =	sadd.s32 $0x100, s11;
	vm8 =	vmmov vm0  }
0x319: {  	vm0 =	vmmov vm7;
	vm7 =	vgt.s32 v6, $0x0;
	v7 =	vadd.f32 v15, v16;
	s3 =	sand.u32 $0x400, s11;
	s4 =	sor.u32 $0x10, s18  }
0x31a: {  	v5 =	vadd.f32 v5, v14;
	v14 =	vadd.s32 $0x2000, v4;
	s5 =	sor.u32 $0x7280, s3;
	s0 =	sor.u32 s4, s3;
	v12 =	vshll.u32 v13, $0x10;
	v13 =	vpop (erf)  }
0x31b: {  	v4 =	vnsel vm7, $0x0, v6;
	v6 =	vshll.u32 v10, $0x10;
	s6 =	sor.u32 $0x6A80, s3;
	s7 =	sor.u32 s4, s5;
	v16 =	vmul.f32 v7, v13;
	v7 =	vld [tilespmem:s0+$0x6280]  }
0x31c: {  	v9 =	vand.u32 $0xFFFF0000, v9;
	v6 =	vnsel vm3, $0x0, v6;
	vm3 =	vmmov vm5;
	s8 =	sor.u32 s4, s6;
	v10 =	vld [tilespmem:s7+$0x0]  }
0x31d: {  	v5 =	vmax.f32 v5, $1.000000000e+00;
	v6 =	vadd.f32 v6, v1;
	v12 =	vadd.f32 $0.0e+00, v12;
	v15 =	vld [tilespmem:s8+$0x0]  }
0x31e: {  	s24 =	sor.u32 s15, s3;
	s6 =	sor.u32 s18, s6;
	v13 =	vadd.s32 $0x4000, v4;
	v4 =	vand.u32 $0xFFFF0000, v11;
	(erf) = vrcp.f32 v5  }
0x31f: {  	s17 =	sor.u32 $0x7A80, s3;
	s12 =	sor.u32 $0x280, s24;
	v5 =	vnsel vm2, $0x0, v9;
	vm2 =	vmmov vm6;
	v11 =	vld [tilespmem:s6+$0x0];
	v4 =	vnsel vm4, $0x0, v4  }
0x320: {  	s9 =	sor.u32 s4, s17;
	v5 =	vadd.f32 v5, v6;
	v6 =	vld [tilespmem:s12+$0x6000];
	v12 =	vnsel vm1, $0x0, v12;
	vm1 =	vgt.s32 v7, $0x0  }
0x321: {  	s3 =	sor.u32 $0x8280, s3;
	v1 =	vadd.f32 v4, v12;
	v4 =	vnsel vm8, $0x0, v8;
	v8 =	vld [tilespmem:s9+$0x0];
	v9 =	vnsel vm1, $0x0, v7  }
0x322: {  	s4 =	sor.u32 s4, s3;
	vm7 =	vgt.s32 v7, $0xFFFFFFFF;
	vm6 =	vgt.s32 v10, $0xFFFFFFFF;
	vm1 =	vgt.s32 v15, $0x0  }
0x323: {  	v12 =	vld [tilespmem:s4+$0x0];
	vm10 =	vgt.s32 v15, $0xFFFFFFFF;
	v7 =	vnsel vm1, $0x0, v15;
	vm1 =	vgt.s32 v10, $0x0  }
0x324: {  	v17 =	vsel vm10, $0x3F800000, v0;
	v15 =	vsel vm7, $0x3F800000, v0;
	v10 =	vnsel vm1, $0x0, v10  }
0x325: {  	vm11 =	vgt.s32 v11, $0x0;
	v15 =	vadd.f32 v17, v15;
	v10 =	vadd.s32 $0x2000, v10  }
0x326: {  	vm4 =	vgt.s32 v8, $0x0;
	vm1 =	vgt.s32 v6, $0xFFFFFFFF;
	v17 =	vsel vm6, $0x3F800000, v0;
	v9 =	vld.idx.msk [tilespmem:v9+s22+$0x0], $0xffff  }
0x327: {  	vm8 =	vgt.s32 v8, $0xFFFFFFFF;
	v18 =	vnsel vm4, $0x0, v8;
	v15 =	vadd.f32 v17, v15  }
0x328: {  	vm5 =	vgt.s32 v12, $0x0;
	v8 =	vadd.s32 $0x2000, v18;
	v18 =	vsel vm8, $0x3F800000, v0;
	v19 =	vld.idx.msk [tilespmem:v7+s22+$0x0], $0xffff  }
0x329: {  	vm9 =	vgt.s32 v12, $0xFFFFFFFF;
	v7 =	vadd.f32 v18, v15;
	v15 =	vnsel vm5, $0x0, v12  }
0x32a: {  	s30 =	sor.u32 s18, s5;
	vm5 =	vgt.s32 v6, $0x0;
	v12 =	vsel vm9, $0x3F800000, v0;
	v15 =	vadd.s32 $0x4000, v15;
	v10 =	vld.idx.msk [tilespmem:v10+s22+$0x0], $0xffff  }
0x32b: {  	s31 =	sor.u32 s18, s17;
	v17 =	vld [tilespmem:s30+$0x0];
	v21 =	vnsel vm5, $0x0, v6;
	v12 =	vadd.f32 v12, v7;
	v6 =	vshll.u32 v9, $0x10  }
0x32c: {  	vm4 =	vgt.s32 v11, $0xFFFFFFFF;
	v11 =	vnsel vm11, $0x0, v11;
	v7 =	vld [tilespmem:s31+$0x0];
	v9 =	vadd.f32 $0.0e+00, v6  }
0x32d: {  	s3 =	sor.u32 s18, s3;
	v20 =	vsel vm4, $0x3F800000, v0;
	v8 =	vld.idx.msk [tilespmem:v8+s22+$0x0], $0xffff;
	v6 =	vmax.f32 v12, $1.000000000e+00;
	v12 =	vand.u32 $0xFFFF0000, v19  }
0x32e: {  	(erf) = vrcp.f32 v6;
	v6 =	vld [tilespmem:s3+$0x0];
	v12 =	vnsel vm10, $0x0, v12;
	v9 =	vnsel vm7, $0x0, v9  }
0x32f: {  	s14 =	sadd.s32 $0x2, s14;
	v18 =	vsel vm1, $0x3F800000, v0;
	v63 =	vld.idx.msk [tilespmem:v15+s22+$0x0], $0xffff;
	v12 =	vadd.f32 v12, v9;
	v9 =	vshll.u32 v10, $0x10  }
0x330: {  	p2 =	slt.u32 s14, $0xE;
	v18 =	vadd.f32 v20, v18;
	vm5 =	vgt.s32 v17, $0xFFFFFFFF;
	v10 =	vld.idx.msk [tilespmem:v2+s22+$0x0], $0xffff;
	v15 =	vnsel vm6, $0x0, v9  }
.Ltmp16:
0x331: {  	v19 =	vsel vm5, $0x3F800000, v0;
	vm7 =	vgt.s32 v17, $0x0;
	v9 =	vld.idx.msk [tilespmem:v14+s22+$0x0], $0xffff;
	v12 =	vadd.f32 v15, v12;
	(pc) =	sbr.rel @!p2 .LBB2_34-.Ltmp16, $4  }
0x332: {  	v2 =	vadd.f32 v19, v18;
	vm6 =	vgt.s32 v7, $0xFFFFFFFF;
	v14 =	vand.u32 $0xFFFF0000, v8;
	v8 =	vld.idx.msk [tilespmem:v13+s22+$0x0], $0xffff  }
0x333: {  	v13 =	vld.idx.msk [tilespmem:v21+s22+$0x0], $0xffff;
	v15 =	vnsel vm7, $0x0, v17;
	v17 =	vsel vm6, $0x3F800000, v0;
	v18 =	vnsel vm8, $0x0, v14  }
0x334: {  	vm8 =	vgt.s32 v7, $0x0;
	v14 =	vadd.f32 v17, v2;
	v2 =	vadd.s32 $0x2000, v15  }
0x335: {  	p0 =	por $0x1, $0x1;
	[tilespmem:s13+$0x8A80] =	vst v16;
	s13 =	sadd.s32 $0x20, s15;
	v11 =	vld.idx.msk [tilespmem:v11+s22+$0x0], $0xffff;
	vm7 =	vgt.s32 v6, $0xFFFFFFFF;
	v16 =	vnsel vm9, $0x0, v63;
	v15 =	vadd.f32 v18, v12;
	v12 =	vpop (erf)  }
.LBB2_35:
0x336: {  	v18 =	vnsel vm8, $0x0, v7;
	v17 =	vsel vm7, $0x3F800000, v0  }
0x337: {  	s4 =	sand.u32 $0x60, s13;
	s14 =	sadd.s32 $0x2, s14;
	v15 =	vadd.f32 v15, v16;
	s11 =	sadd.s32 $0x100, s11;
	vm8 =	vmmov vm0;
	vm0 =	vmmov vm7  }
0x338: {  	v13 =	vshll.u32 v13, $0x10;
	s3 =	sand.u32 $0x400, s11;
	s5 =	sor.u32 $0x10, s4;
	p2 =	slt.u32 s14, $0xE;
	v14 =	vadd.f32 v17, v14;
	v16 =	vadd.s32 $0x2000, v18;
	v7 =	vpop (erf)  }
0x339: {  	vm7 =	vgt.s32 v6, $0x0;
	v13 =	vadd.f32 $0.0e+00, v13;
	s6 =	sor.u32 s13, s3;
	s7 =	sor.u32 $0x7280, s3;
	s8 =	sor.u32 s5, s3;
	v7 =	vmul.f32 v15, v7  }
0x33a: {  	v10 =	vshll.u32 v10, $0x10;
	v6 =	vnsel vm7, $0x0, v6;
	s9 =	sor.u32 $0x6A80, s3;
	s6 =	sor.u32 $0x280, s6;
	v15 =	vld [tilespmem:s8+$0x6280];
	s10 =	sor.u32 s5, s7;
	v14 =	vmax.f32 v14, $1.000000000e+00  }
0x33b: {  	v18 =	vadd.s32 $0x4000, v6;
	s15 =	sor.u32 s4, s9;
	s7 =	sor.u32 s4, s7;
	s9 =	sor.u32 s5, s9;
	v13 =	vnsel vm1, $0x0, v13;
	v17 =	vld [tilespmem:s10+$0x0];
	[tilespmem:s0+$0x8A80] =	vst v7;
	(erf) = vrcp.f32 v14  }
0x33c: {  	v9 =	vand.u32 $0xFFFF0000, v9;
	v10 =	vnsel vm3, $0x0, v10;
	v7 =	vand.u32 $0xFFFF0000, v11;
	s0 =	smov.u32 s8;
	v6 =	vld [tilespmem:s9+$0x0]  }
0x33d: {  	v9 =	vnsel vm2, $0x0, v9;
	v10 =	vadd.f32 v10, v1;
	s8 =	sor.u32 $0x7A80, s3;
	v7 =	vnsel vm4, $0x0, v7;
	v11 =	vld [tilespmem:s6+$0x6000]  }
0x33e: {  	s9 =	sor.u32 s4, s8;
	s8 =	sor.u32 s5, s8;
	v1 =	vadd.f32 v7, v13;
	v7 =	vadd.f32 v5, v4;
	v4 =	vnsel vm8, $0x0, v8;
	v14 =	vld [tilespmem:s15+$0x0]  }
0x33f: {  	vm3 =	vmmov vm5;
	v5 =	vadd.f32 v9, v10;
	vm1 =	vgt.s32 v15, $0x0;
	v8 =	vld [tilespmem:s8+$0x0]  }
0x340: {  	vm2 =	vmmov vm6;
	s3 =	sor.u32 $0x8280, s3;
	v10 =	vmul.f32 v7, v3;
	v3 =	vmovc v12;
	v19 =	vld [tilespmem:s7+$0x0];
	v9 =	vnsel vm1, $0x0, v15  }
0x341: {  	s4 =	sor.u32 s4, s3;
	s3 =	sor.u32 s5, s3;
	vm7 =	vgt.s32 v15, $0xFFFFFFFF;
	vm6 =	vgt.s32 v17, $0xFFFFFFFF;
	v7 =	vld [tilespmem:s9+$0x0];
	vm1 =	vgt.s32 v6, $0x0  }
0x342: {  	vm8 =	vgt.s32 v6, $0xFFFFFFFF;
	v13 =	vnsel vm1, $0x0, v6;
	vm1 =	vgt.s32 v17, $0x0;
	v15 =	vld [tilespmem:s3+$0x0];
	[tilespmem:s29+$0x8800] =	vst v10;
	s29 =	smov.u32 s1;
	s1 =	smov.u32 s12;
	s12 =	smov.u32 s6  }
0x343: {  	v10 =	vsel vm7, $0x3F800000, v0;
	v21 =	vsel vm8, $0x3F800000, v0;
	v6 =	vld [tilespmem:s4+$0x0];
	v17 =	vnsel vm1, $0x0, v17  }
0x344: {  	v20 =	vadd.f32 v21, v10;
	vm4 =	vgt.s32 v8, $0x0;
	v17 =	vadd.s32 $0x2000, v17;
	v10 =	vld.idx.msk [tilespmem:v2+s22+$0x0], $0xffff;
	v12 =	vpop (erf)  }
0x345: {  	vm1 =	vgt.s32 v11, $0xFFFFFFFF;
	v2 =	vsel vm6, $0x3F800000, v0;
	v21 =	vnsel vm4, $0x0, v8;
	v22 =	vld.idx.msk [tilespmem:v9+s22+$0x0], $0xffff  }
0x346: {  	vm9 =	vgt.s32 v8, $0xFFFFFFFF;
	v2 =	vadd.f32 v2, v20;
	v20 =	vadd.s32 $0x2000, v21;
	v9 =	vld.idx.msk [tilespmem:v16+s22+$0x0], $0xffff  }
0x347: {  	vm4 =	vgt.s32 v14, $0xFFFFFFFF;
	v8 =	vsel vm9, $0x3F800000, v0;
	vm5 =	vgt.s32 v15, $0x0;
	v13 =	vld.idx.msk [tilespmem:v13+s22+$0x0], $0xffff  }
0x348: {  	v2 =	vadd.f32 v8, v2;
	vm10 =	vgt.s32 v15, $0xFFFFFFFF;
	v16 =	vnsel vm5, $0x0, v15;
	v8 =	vld.idx.msk [tilespmem:v18+s22+$0x0], $0xffff  }
0x349: {  	vm5 =	vgt.s32 v11, $0x0;
	v15 =	vsel vm10, $0x3F800000, v0;
	v17 =	vld.idx.msk [tilespmem:v17+s22+$0x0], $0xffff;
	v16 =	vadd.s32 $0x4000, v16  }
0x34a: {  	v21 =	vsel vm4, $0x3F800000, v0;
	v18 =	vsel vm1, $0x3F800000, v0;
	v2 =	vadd.f32 v15, v2  }
0x34b: {  	v11 =	vnsel vm5, $0x0, v11;
	v15 =	vadd.f32 v21, v18;
	v18 =	vshll.u32 v22, $0x10;
	v20 =	vld.idx.msk [tilespmem:v20+s22+$0x0], $0xffff  }
0x34c: {  	vm5 =	vgt.s32 v19, $0xFFFFFFFF;
	v18 =	vadd.f32 $0.0e+00, v18;
	v2 =	vmax.f32 v2, $1.000000000e+00  }
0x34d: {  	vm11 =	vgt.s32 v14, $0x0;
	v13 =	vand.u32 $0xFFFF0000, v13;
	(erf) = vrcp.f32 v2  }
0x34e: {  	v2 =	vsel vm5, $0x3F800000, v0;
	v18 =	vnsel vm7, $0x0, v18;
	v13 =	vnsel vm8, $0x0, v13;
	v16 =	vld.idx.msk [tilespmem:v16+s22+$0x0], $0xffff  }
0x34f: {  	v21 =	vnsel vm11, $0x0, v14;
	v14 =	vadd.f32 v13, v18;
	v17 =	vshll.u32 v17, $0x10  }
.Ltmp17:
0x350: {  	vm7 =	vgt.s32 v19, $0x0;
	v2 =	vadd.f32 v2, v15;
	v13 =	vld.idx.msk [tilespmem:v11+s22+$0x0], $0xffff;
	v11 =	vnsel vm6, $0x0, v17;
	(pc) =	sbr.rel @p2 .LBB2_35-.Ltmp17, $4  }
0x351: {  	vm6 =	vgt.s32 v7, $0xFFFFFFFF;
	v15 =	vand.u32 $0xFFFF0000, v20;
	v11 =	vadd.f32 v11, v14  }
0x352: {  	v17 =	vnsel vm7, $0x0, v19;
	v14 =	vsel vm6, $0x3F800000, v0;
	v15 =	vnsel vm9, $0x0, v15  }
0x353: {  	v14 =	vadd.f32 v14, v2;
	v2 =	vadd.s32 $0x2000, v17;
	v15 =	vadd.f32 v15, v11  }
0x354: {  	s13 =	sadd.s32 $0x20, s13;
	vm8 =	vgt.s32 v7, $0x0;
	vm7 =	vgt.s32 v6, $0xFFFFFFFF;
	v16 =	vnsel vm10, $0x0, v16;
	v11 =	vld.idx.msk [tilespmem:v21+s22+$0x0], $0xffff  }
0x355: {  	v17 =	vmov v3;
	s4 =	smov.u32 s29;
	v3 =	vmov v12;
	s5 =	smov.u32 s1;
	s29 =	smov.u32 s12  }
.LBB2_37:
0x356: {  	v7 =	vnsel vm8, $0x0, v7  }
0x357: {  	v7 =	vadd.s32 $0x2000, v7  }
0x358: {  	v12 =	vsel vm7, $0x3F800000, v0;
	vm8 =	vgt.s32 v6, $0x0  }
0x359: {  	v13 =	vshll.u32 v13, $0x10;
	vm0 =	vmmov @p1 vm0;
	v6 =	vnsel vm8, $0x0, v6  }
0x35a: {  	v2 =	vld.idx.msk [tilespmem:v2+s22+$0x0], $0xffff;
	vm7 =	vmmov vm7;
	v12 =	vadd.f32 v12, v14;
	v6 =	vadd.s32 $0x4000, v6  }
0x35b: {  	v10 =	vshll.u32 @p1 v10, $0x10;
	v9 =	vand.u32 @p1 $0xFFFF0000, v9;
	v4 =	vadd.f32 @p0 v5, v4  }
0x35c: {  	v13 =	vadd.f32 $0.0e+00, v13;
	v10 =	vnsel @p1 vm3, $0x0, v10;
	v12 =	vmax.f32 v12, $1.000000000e+00;
	v7 =	vld.idx.msk [tilespmem:v7+s22+$0x0], $0xffff  }
0x35d: {  	v9 =	vnsel @p1 vm2, $0x0, v9;
	v11 =	vand.u32 $0xFFFF0000, v11;
	(erf) = vrcp.f32 v12  }
0x35e: {  	v1 =	vadd.f32 @p1 v10, v1;
	v13 =	vnsel vm1, $0x0, v13;
	v11 =	vnsel vm4, $0x0, v11  }
0x35f: {  	vm1 =	vmmov vm5;
	v10 =	vadd.f32 v11, v13;
	v2 =	vshll.u32 v2, $0x10;
	v6 =	vld.idx.msk [tilespmem:v6+s22+$0x0], $0xffff  }
0x360: {  	v8 =	vnsel @p1 vm0, $0x0, v8;
	vm0 =	vmmov vm6;
	v2 =	vnsel vm1, $0x0, v2  }
0x361: {  	v1 =	vadd.f32 @p1 v9, v1;
	v2 =	vadd.f32 v2, v10;
	v7 =	vand.u32 $0xFFFF0000, v7  }
0x362: {  	v14 =	vadd.f32 v15, v16;
	v5 =	vpsel p1, v8, v0;
	v7 =	vnsel vm0, $0x0, v7  }
0x363: {  	v8 =	vpop (erf);
	v1 =	vpsel p1, v1, v0;
	vm0 =	vmmov vm7;
	v2 =	vadd.f32 v7, v2  }
0x364: {  	v1 =	vadd.f32 @p1 v1, v5;
	v7 =	vmul.f32 v14, v8;
	v6 =	vnsel vm0, $0x0, v6  }
0x365: {  	v3 =	vpsel p1, v3, v0;
	s1 =	sand.u32 $0x3, s22;
	v4 =	vmul.f32 @p0 v4, v17;
	v2 =	vadd.f32 v2, v6  }
0x366: {  	s1 =	sshll.u32 s1, $0x5;
	v1 =	vmul.f32 @p1 v1, v3;
	v5 =	vpop (erf);
	[tilespmem:s0+$0x8A80] =	vst v7;
	s0 =	smov.u32 @p1 s5  }
0x367: {  	s1 =	sadd.s32 s1, s22;
	[tilespmem:s4+$0x8800] =	vst @p0 v4;
	s0 =	smov.u32 @p1 s0;
	v2 =	vmul.f32 v2, v5  }
0x368: {  	s12 =	sadd.s32 $0x10, s1;
	[tilespmem:s0+$0x8800] =	vst @p1 v1  }
0x369: {  	s13 =	sor.u32 $0x6B00, s26;
	s0 =	sor.u32 $0x300, s12;
	[tilespmem:s29+$0x8800] =	vst v2  }
0x36a: {  	s3 =	sor.u32 $0x7300, s26;
	s6 =	sor.u32 s25, s13;
	v1 =	vld [tilespmem:s0+$0x6000]  }
0x36b: {  	s15 =	sor.u32 $0x7B00, s26;
	s14 =	sor.u32 s25, s3;
	v3 =	vld [tilespmem:s6+$0x0]  }
0x36c: {  	s17 =	sor.u32 s25, s15;
	v2 =	vld [tilespmem:s14+$0x0]  }
0x36d: {  	v4 =	vld [tilespmem:s17+$0x0];
	_ =	sdelay $0x1  }
0x36e: {  	s18 =	sor.u32 s21, s13  }
0x36f: {  	s24 =	sor.u32 $0x300, s1;
	v7 =	vld [tilespmem:s18+$0x0];
	vm0 =	vgt.s32 v1, $0x0;
	vm2 =	vgt.s32 v3, $0x0  }
0x370: {  	v5 =	vld [tilespmem:s24+$0x6000];
	vm1 =	vgt.s32 v3, $0xFFFFFFFF;
	vm7 =	vgt.s32 v1, $0xFFFFFFFF;
	v6 =	vnsel vm0, $0x0, v1  }
0x371: {  	s26 =	sor.u32 $0x8300, s26;
	vm3 =	vgt.s32 v4, $0x0;
	vm4 =	vgt.s32 v4, $0xFFFFFFFF;
	vm0 =	vgt.s32 v2, $0xFFFFFFFF  }
0x372: {  	s29 =	sor.u32 s25, s26;
	v1 =	vnsel vm2, $0x0, v3;
	vm2 =	vgt.s32 v2, $0x0;
	v8 =	vsel vm7, $0x3F800000, v0  }
0x373: {  	v3 =	vld [tilespmem:s29+$0x0];
	v9 =	vsel vm1, $0x3F800000, v0;
	v10 =	vnsel vm3, $0x0, v4;
	v2 =	vnsel vm2, $0x0, v2  }
0x374: {  	s1 =	simm.s32 $0x0;
	vm3 =	vgt.s32 v7, $0xFFFFFFFF;
	v8 =	vadd.f32 v9, v8;
	v2 =	vadd.s32 $0x2000, v2  }
0x375: {  	s3 =	sor.u32 s21, s3;
	vm2 =	vgt.s32 v5, $0xFFFFFFFF;
	v9 =	vsel vm0, $0x3F800000, v0;
	v4 =	vadd.s32 $0x2000, v10;
	v11 =	vld.idx.msk [tilespmem:v6+s1+$0x0], $0xffff  }
0x376: {  	v12 =	vsel vm3, $0x3F800000, v0;
	v10 =	vsel vm2, $0x3F800000, v0;
	v6 =	vadd.f32 v9, v8;
	v8 =	vld [tilespmem:s3+$0x0]  }
0x377: {  	vm8 =	vgt.s32 v7, $0x0;
	v12 =	vadd.f32 v12, v10;
	v9 =	vsel vm4, $0x3F800000, v0;
	v1 =	vld.idx.msk [tilespmem:v1+s1+$0x0], $0xffff  }
0x378: {  	vm5 =	vgt.s32 v3, $0x0;
	vm6 =	vgt.s32 v3, $0xFFFFFFFF;
	v6 =	vadd.f32 v9, v6  }
0x379: {  	v10 =	vnsel vm8, $0x0, v7;
	v9 =	vnsel vm5, $0x0, v3;
	v3 =	vsel vm6, $0x3F800000, v0;
	v2 =	vld.idx.msk [tilespmem:v2+s1+$0x0], $0xffff  }
0x37a: {  	s30 =	sor.u32 s21, s15;
	v4 =	vld.idx.msk [tilespmem:v4+s1+$0x0], $0xffff;
	vm5 =	vgt.s32 v5, $0x0;
	v9 =	vadd.s32 $0x4000, v9;
	v3 =	vadd.f32 v3, v6  }
0x37b: {  	s31 =	sor.u32 s21, s26;
	s21 =	sadd.s32 $0x2, s28;
	v16 =	vnsel vm5, $0x0, v5;
	v6 =	vld [tilespmem:s30+$0x0];
	v5 =	vshll.u32 v11, $0x10;
	vm5 =	vgt.s32 v8, $0xFFFFFFFF  }
0x37c: {  	p1 =	slt.u32 s21, $0xE;
	v1 =	vand.u32 $0xFFFF0000, v1;
	v5 =	vadd.f32 $0.0e+00, v5;
	v3 =	vmax.f32 v3, $1.000000000e+00  }
.Ltmp18:
0x37d: {  	v1 =	vnsel vm1, $0x0, v1;
	vm1 =	vgt.s32 v8, $0x0;
	(erf) = vrcp.f32 v3;
	(pc) =	sbr.rel @!p1 .LBB2_38-.Ltmp18, $4  }
0x37e: {  	v3 =	vsel vm5, $0x3F800000, v0;
	v2 =	vshll.u32 v2, $0x10;
	v5 =	vnsel vm7, $0x0, v5  }
0x37f: {  	v17 =	vnsel vm1, $0x0, v8;
	v14 =	vadd.f32 v3, v12;
	v13 =	vld.idx.msk [tilespmem:v9+s1+$0x0], $0xffff;
	v1 =	vadd.f32 v1, v5  }
0x380: {  	v2 =	vnsel vm0, $0x0, v2;
	v3 =	vand.u32 $0xFFFF0000, v4;
	v12 =	vld.idx.msk [tilespmem:v16+s1+$0x0], $0xffff;
	vm7 =	vgt.s32 v6, $0xFFFFFFFF  }
0x381: {  	p2 =	por $0x0, $0x0;
	s13 =	sadd.s32 $0x1, s22;
	p0 =	por $0x0, $0x0;
	v5 =	vld [tilespmem:s31+$0x0];
	v16 =	vnsel vm4, $0x0, v3;
	v19 =	vsel vm7, $0x3F800000, v0;
	v15 =	vadd.f32 v2, v1  }
0x382: {  	_ =	sdelay $0x1  }
0x383: {  	s3 =	sand.u32 $0x3, s13;
	s12 =	sadd.s32 $0x100, s22  }
0x384: {  	s14 =	sand.u32 $0x60, s23;
	vm4 =	vgt.s32 v6, $0x0;
	s3 =	sshll.u32 s3, $0x5;
	s4 =	sand.u32 $0x400, s12  }
0x385: {  	v4 =	vld.idx.msk [tilespmem:v10+s1+$0x0], $0xffff;
	v3 =	vadd.f32 v16, v15;
	s7 =	sor.u32 $0x10, s14;
	v6 =	vnsel vm4, $0x0, v6;
	s3 =	sadd.s32 s3, s12;
	s6 =	sor.u32 $0x7300, s4  }
0x386: {  	v1 =	vadd.f32 v19, v14;
	v2 =	vadd.s32 $0x2000, v17;
	v7 =	vnsel vm6, $0x0, v13;
	s5 =	sadd.s32 $0x10, s3;
	s8 =	sor.u32 s7, s6  }
0x387: {  	vm0 =	vmmov vm7;
	s15 =	sor.u32 $0x6B00, s4;
	v3 =	vadd.f32 v3, v7;
	vm1 =	vgt.s32 v5, $0xFFFFFFFF;
	s25 =	sor.u32 $0x300, s5;
	v9 =	vld [tilespmem:s8+$0x0]  }
0x388: {  	v10 =	vadd.s32 $0x2000, v6;
	s9 =	sor.u32 s7, s15;
	v6 =	vpop (erf);
	vm4 =	vgt.s32 v5, $0x0;
	v8 =	vsel vm1, $0x3F800000, v0;
	v7 =	vld [tilespmem:s25+$0x6000]  }
0x389: {  	v3 =	vmul.f32 v3, v6;
	v6 =	vld [tilespmem:s9+$0x0];
	v1 =	vadd.f32 v8, v1;
	v8 =	vshll.u32 v12, $0x10  }
0x38a: {  	s26 =	sor.u32 s14, s15;
	v5 =	vnsel vm4, $0x0, v5;
	v4 =	vand.u32 $0xFFFF0000, v4;
	v8 =	vadd.f32 $0.0e+00, v8  }
0x38b: {  	s17 =	sor.u32 $0x7B00, s4;
	s22 =	sor.u32 $0x300, s3;
	vm4 =	vmmov vm5;
	v11 =	vadd.s32 $0x4000, v5;
	v12 =	vld [tilespmem:s26+$0x0];
	v1 =	vmax.f32 v1, $1.000000000e+00  }
0x38c: {  	s18 =	sor.u32 s7, s17;
	v4 =	vnsel vm3, $0x0, v4;
	v5 =	vld [tilespmem:s22+$0x6000];
	v8 =	vnsel vm2, $0x0, v8;
	(erf) = vrcp.f32 v1  }
0x38d: {  	s4 =	sor.u32 $0x8300, s4;
	vm7 =	vgt.s32 v9, $0xFFFFFFFF;
	v1 =	vadd.f32 v4, v8;
	vm2 =	vgt.s32 v7, $0x0;
	v4 =	vld [tilespmem:s18+$0x0]  }
0x38e: {  	s28 =	sor.u32 s7, s4;
	vm8 =	vgt.s32 v6, $0xFFFFFFFF;
	vm10 =	vgt.s32 v7, $0xFFFFFFFF;
	v8 =	vnsel vm2, $0x0, v7  }
0x38f: {  	vm2 =	vgt.s32 v6, $0x0;
	v7 =	vld [tilespmem:s28+$0x0];
	v13 =	vsel vm10, $0x3F800000, v0;
	v14 =	vsel vm8, $0x3F800000, v0  }
0x390: {  	vm11 =	vgt.s32 v12, $0x0;
	v6 =	vnsel vm2, $0x0, v6;
	vm2 =	vgt.s32 v9, $0x0  }
0x391: {  	v13 =	vadd.f32 v14, v13;
	v14 =	vsel vm7, $0x3F800000, v0;
	v9 =	vnsel vm2, $0x0, v9  }
0x392: {  	s11 =	simm.s32 $0x0;
	vm2 =	vgt.s32 v5, $0xFFFFFFFF;
	v9 =	vadd.s32 $0x2000, v9;
	vm3 =	vgt.s32 v4, $0x0  }
0x393: {  	s29 =	sor.u32 s14, s6;
	v13 =	vadd.f32 v14, v13;
	vm9 =	vgt.s32 v4, $0xFFFFFFFF;
	v15 =	vnsel vm3, $0x0, v4;
	v8 =	vld.idx.msk [tilespmem:v8+s11+$0x0], $0xffff  }
0x394: {  	v16 =	vld [tilespmem:s29+$0x0];
	vm3 =	vgt.s32 v12, $0xFFFFFFFF;
	v14 =	vsel vm9, $0x3F800000, v0;
	vm5 =	vgt.s32 v7, $0x0  }
0x395: {  	vm6 =	vgt.s32 v7, $0xFFFFFFFF;
	v4 =	vadd.s32 $0x2000, v15;
	v15 =	vld.idx.msk [tilespmem:v6+s11+$0x0], $0xffff;
	v6 =	vadd.f32 v14, v13  }
0x396: {  	v13 =	vnsel vm5, $0x0, v7;
	vm5 =	vgt.s32 v5, $0x0;
	v7 =	vsel vm6, $0x3F800000, v0  }
0x397: {  	s30 =	sor.u32 s14, s17;
	v17 =	vsel vm3, $0x3F800000, v0;
	v13 =	vadd.s32 $0x4000, v13;
	v18 =	vnsel vm5, $0x0, v5;
	v14 =	vld.idx.msk [tilespmem:v9+s11+$0x0], $0xffff  }
0x398: {  	v9 =	vsel vm2, $0x3F800000, v0;
	v7 =	vadd.f32 v7, v6;
	v6 =	vld [tilespmem:s30+$0x0];
	v5 =	vshll.u32 v8, $0x10  }
0x399: {  	vm5 =	vgt.s32 v16, $0xFFFFFFFF;
	v17 =	vadd.f32 v17, v9;
	v9 =	vld.idx.msk [tilespmem:v2+s1+$0x0], $0xffff;
	v8 =	vadd.f32 $0.0e+00, v5  }
0x39a: {  	s15 =	sadd.s32 $0x2, s21;
	v2 =	vsel vm5, $0x3F800000, v0;
	v7 =	vmax.f32 v7, $1.000000000e+00;
	v4 =	vld.idx.msk [tilespmem:v4+s11+$0x0], $0xffff;
	v15 =	vand.u32 $0xFFFF0000, v15  }
0x39b: {  	p3 =	slt.u32 s15, $0xE;
	(erf) = vrcp.f32 v7;
	v15 =	vnsel vm8, $0x0, v15;
	v7 =	vnsel vm10, $0x0, v8  }
.Ltmp19:
0x39c: {  	s31 =	sor.u32 s14, s4;
	v8 =	vld.idx.msk [tilespmem:v10+s1+$0x0], $0xffff;
	v10 =	vnsel vm11, $0x0, v12;
	v12 =	vadd.f32 v15, v7;
	v15 =	vshll.u32 v14, $0x10;
	(pc) =	sbr.rel @!p3 .LBB2_40-.Ltmp19, $4  }
0x39d: {  	v5 =	vld [tilespmem:s31+$0x0];
	v14 =	vadd.f32 v2, v17;
	v2 =	vnsel vm7, $0x0, v15  }
0x39e: {  	vm1 =	vmmov vm1;
	vm8 =	vgt.s32 v16, $0x0;
	v13 =	vld.idx.msk [tilespmem:v13+s11+$0x0], $0xffff  }
0x39f: {  	v7 =	vld.idx.msk [tilespmem:v11+s1+$0x0], $0xffff;
	v17 =	vnsel vm8, $0x0, v16;
	vm7 =	vgt.s32 v6, $0xFFFFFFFF;
	v4 =	vand.u32 $0xFFFF0000, v4  }
0x3a0: {  	p2 =	por $0x1, $0x1;
	[tilespmem:s0+$0x8800] =	vst v3;
	s18 =	sadd.s32 $0x1, s13;
	v15 =	vadd.f32 v2, v12;
	v12 =	vld.idx.msk [tilespmem:v18+s11+$0x0], $0xffff;
	v19 =	vsel vm7, $0x3F800000, v0;
	v16 =	vnsel vm9, $0x0, v4;
	v2 =	vpop (erf)  }
0x3a1: {  	v3 =	vadd.f32 v19, v14  }
0x3a2: {  	v11 =	vadd.s32 $0x2000, v17;
	vm8 =	vmmov vm0;
	vm0 =	vmmov vm7  }
0x3a3: {  	s0 =	sand.u32 $0x3, s18;
	vm9 =	vgt.s32 v6, $0x0;
	s12 =	sadd.s32 $0x100, s12;
	s13 =	sadd.s32 $0x20, s23;
	v8 =	vand.u32 $0xFFFF0000, v8;
	vm7 =	vgt.s32 v5, $0xFFFFFFFF  }
0x3a4: {  	v4 =	vadd.f32 v16, v15;
	s0 =	sshll.u32 s0, $0x5;
	s23 =	sand.u32 $0x60, s13;
	s3 =	sand.u32 $0x400, s12;
	v13 =	vnsel vm6, $0x0, v13;
	v14 =	vsel vm7, $0x3F800000, v0  }
0x3a5: {  	v10 =	vld.idx.msk [tilespmem:v10+s11+$0x0], $0xffff;
	v6 =	vnsel vm9, $0x0, v6;
	v8 =	vnsel vm8, $0x0, v8;
	s1 =	sadd.s32 s0, s12;
	s5 =	sor.u32 $0x10, s23;
	s6 =	sor.u32 $0x6B00, s3;
	v3 =	vadd.f32 v14, v3  }
0x3a6: {  	vm6 =	vgt.s32 v5, $0x0;
	v4 =	vadd.f32 v4, v13;
	s0 =	sadd.s32 $0x10, s1;
	s8 =	sor.u32 s5, s6;
	v12 =	vshll.u32 v12, $0x10  }
0x3a7: {  	v14 =	vadd.s32 $0x2000, v6;
	s0 =	sor.u32 $0x300, s0;
	v15 =	vld [tilespmem:s8+$0x0];
	v13 =	vpop (erf);
	v12 =	vadd.f32 $0.0e+00, v12;
	v3 =	vmax.f32 v3, $1.000000000e+00  }
0x3a8: {  	s4 =	sor.u32 $0x7300, s3;
	v6 =	vld [tilespmem:s0+$0x6000];
	v16 =	vmul.f32 v4, v13;
	v4 =	vnsel vm6, $0x0, v5;
	v5 =	vshll.u32 v9, $0x10  }
0x3a9: {  	s26 =	sor.u32 $0x7B00, s3;
	s7 =	sor.u32 s5, s4;
	(erf) = vrcp.f32 v3;
	v3 =	vnsel vm1, $0x0, v7;
	vm1 =	vmmov vm7  }
0x3aa: {  	s28 =	sor.u32 s5, s26;
	v9 =	vld [tilespmem:s7+$0x0];
	v13 =	vadd.s32 $0x4000, v4;
	v4 =	vand.u32 $0xFFFF0000, v10;
	v5 =	vnsel vm4, $0x0, v5  }
0x3ab: {  	v7 =	vld [tilespmem:s28+$0x0];
	v12 =	vnsel vm2, $0x0, v12;
	v4 =	vnsel vm3, $0x0, v4;
	v5 =	vadd.f32 v5, v1  }
0x3ac: {  	vm4 =	vmmov vm5;
	v1 =	vadd.f32 v4, v12;
	vm8 =	vgt.s32 v15, $0xFFFFFFFF  }
0x3ad: {  	s3 =	sor.u32 $0x8300, s3;
	s29 =	sor.u32 s23, s6;
	vm2 =	vgt.s32 v6, $0x0;
	v4 =	vadd.f32 v8, v5;
	vm10 =	vgt.s32 v6, $0xFFFFFFFF  }
0x3ae: {  	s30 =	sor.u32 s5, s3;
	v10 =	vld [tilespmem:s29+$0x0];
	v17 =	vsel vm8, $0x3F800000, v0;
	v8 =	vnsel vm2, $0x0, v6;
	vm2 =	vgt.s32 v15, $0x0  }
0x3af: {  	s14 =	sor.u32 $0x300, s1;
	v12 =	vld [tilespmem:s30+$0x0];
	vm7 =	vgt.s32 v9, $0xFFFFFFFF;
	v6 =	vnsel vm2, $0x0, v15;
	vm2 =	vgt.s32 v9, $0x0  }
0x3b0: {  	v5 =	vld [tilespmem:s14+$0x6000];
	vm3 =	vgt.s32 v7, $0x0;
	v15 =	vsel vm10, $0x3F800000, v0;
	v9 =	vnsel vm2, $0x0, v9  }
0x3b1: {  	v18 =	vnsel vm3, $0x0, v7;
	v15 =	vadd.f32 v17, v15;
	v9 =	vadd.s32 $0x2000, v9  }
0x3b2: {  	s1 =	simm.s32 $0x0;
	vm15 =	vgt.s32 v7, $0xFFFFFFFF;
	v17 =	vsel vm7, $0x3F800000, v0;
	v7 =	vadd.s32 $0x2000, v18  }
0x3b3: {  	s4 =	sor.u32 s23, s4;
	vm3 =	vgt.s32 v10, $0xFFFFFFFF;
	vm11 =	vgt.s32 v10, $0x0;
	v15 =	vadd.f32 v17, v15;
	v8 =	vld.idx.msk [tilespmem:v8+s1+$0x0], $0xffff  }
0x3b4: {  	v18 =	vsel vm15, $0x3F800000, v0;
	v20 =	vsel vm3, $0x3F800000, v0;
	vm5 =	vgt.s32 v12, $0x0;
	v17 =	vld [tilespmem:s4+$0x0]  }
0x3b5: {  	vm6 =	vgt.s32 v12, $0xFFFFFFFF;
	vm2 =	vgt.s32 v5, $0xFFFFFFFF;
	v19 =	vld.idx.msk [tilespmem:v6+s1+$0x0], $0xffff;
	v6 =	vadd.f32 v18, v15  }
0x3b6: {  	v15 =	vnsel vm5, $0x0, v12;
	vm5 =	vgt.s32 v5, $0x0;
	v12 =	vsel vm6, $0x3F800000, v0;
	v18 =	vld.idx.msk [tilespmem:v9+s1+$0x0], $0xffff  }
0x3b7: {  	s31 =	sor.u32 s23, s26;
	v15 =	vadd.s32 $0x4000, v15;
	v22 =	vld.idx.msk [tilespmem:v7+s1+$0x0], $0xffff;
	v9 =	vsel vm2, $0x3F800000, v0;
	v12 =	vadd.f32 v12, v6  }
0x3b8: {  	v21 =	vnsel vm5, $0x0, v5;
	v6 =	vld [tilespmem:s31+$0x0];
	v20 =	vadd.f32 v20, v9;
	v5 =	vshll.u32 v8, $0x10  }
0x3b9: {  	s3 =	sor.u32 s23, s3;
	s23 =	sadd.s32 $0x2, s15;
	vm5 =	vgt.s32 v17, $0xFFFFFFFF;
	v9 =	vld.idx.msk [tilespmem:v11+s11+$0x0], $0xffff;
	v8 =	vmax.f32 v12, $1.000000000e+00;
	v7 =	vadd.f32 $0.0e+00, v5  }
0x3ba: {  	p4 =	slt.u32 s23, $0xE;
	v11 =	vsel vm5, $0x3F800000, v0;
	v5 =	vld [tilespmem:s3+$0x0];
	v12 =	vand.u32 $0xFFFF0000, v19;
	(erf) = vrcp.f32 v8  }
.Ltmp20:
0x3bb: {  	v8 =	vld.idx.msk [tilespmem:v14+s11+$0x0], $0xffff;
	v12 =	vnsel vm8, $0x0, v12;
	v7 =	vnsel vm10, $0x0, v7;
	v18 =	vshll.u32 v18, $0x10;
	(pc) =	sbr.rel @!p4 .LBB2_42-.Ltmp20, $4  }
0x3bc: {  	v14 =	vadd.f32 v11, v20;
	v12 =	vadd.f32 v12, v7;
	v7 =	vld.idx.msk [tilespmem:v13+s11+$0x0], $0xffff;
	v11 =	vnsel vm7, $0x0, v18  }
0x3bd: {  	v10 =	vnsel vm11, $0x0, v10;
	vm8 =	vgt.s32 v17, $0x0;
	v13 =	vld.idx.msk [tilespmem:v15+s1+$0x0], $0xffff  }
0x3be: {  	v17 =	vnsel vm8, $0x0, v17;
	vm7 =	vgt.s32 v6, $0xFFFFFFFF;
	v18 =	vand.u32 $0xFFFF0000, v22  }
0x3bf: {  	p3 =	por $0x1, $0x1;
	[tilespmem:s25+$0x8800] =	vst v16;
	s25 =	sadd.s32 $0x1, s18;
	v19 =	vsel vm7, $0x3F800000, v0;
	v16 =	vnsel vm15, $0x0, v18;
	v15 =	vadd.f32 v11, v12;
	v12 =	vld.idx.msk [tilespmem:v21+s1+$0x0], $0xffff;
	v11 =	vpop (erf)  }
.LBB2_43:
0x3c0: {  	v14 =	vadd.f32 v19, v14;
	v17 =	vadd.s32 $0x2000, v17  }
0x3c1: {  	s3 =	sand.u32 $0x3, s25;
	s23 =	sadd.s32 $0x2, s23;
	v15 =	vadd.f32 v16, v15;
	vm8 =	vmmov vm0;
	vm0 =	vmmov vm7  }
0x3c2: {  	vm9 =	vgt.s32 v6, $0x0;
	vm7 =	vgt.s32 v5, $0xFFFFFFFF;
	v13 =	vnsel vm6, $0x0, v13;
	s12 =	sadd.s32 $0x100, s12;
	s3 =	sshll.u32 s3, $0x5;
	p4 =	slt.u32 s23, $0xE;
	v10 =	vld.idx.msk [tilespmem:v10+s1+$0x0], $0xffff  }
0x3c3: {  	s13 =	sadd.s32 $0x20, s13;
	v18 =	vnsel vm9, $0x0, v6;
	v16 =	vsel vm7, $0x3F800000, v0;
	s3 =	sadd.s32 s3, s12;
	v13 =	vadd.f32 v15, v13  }
0x3c4: {  	s4 =	sand.u32 $0x60, s13;
	s5 =	sand.u32 $0x400, s12;
	v14 =	vadd.f32 v16, v14;
	v12 =	vshll.u32 v12, $0x10;
	v15 =	vadd.s32 $0x2000, v18;
	s6 =	sadd.s32 $0x10, s3;
	v6 =	vpop (erf)  }
0x3c5: {  	vm6 =	vgt.s32 v5, $0x0;
	s7 =	sor.u32 $0x7300, s5;
	s8 =	sor.u32 $0x10, s4;
	v12 =	vadd.f32 $0.0e+00, v12;
	s6 =	sor.u32 $0x300, s6;
	v6 =	vmul.f32 v13, v6  }
0x3c6: {  	v9 =	vshll.u32 v9, $0x10;
	v5 =	vnsel vm6, $0x0, v5;
	s9 =	sor.u32 $0x6B00, s5;
	s3 =	sor.u32 $0x300, s3;
	s10 =	sor.u32 s8, s7;
	v14 =	vmax.f32 v14, $1.000000000e+00;
	v13 =	vld [tilespmem:s6+$0x6000]  }
0x3c7: {  	v18 =	vadd.s32 $0x4000, v5;
	s11 =	sor.u32 s4, s9;
	s7 =	sor.u32 s4, s7;
	s9 =	sor.u32 s8, s9;
	v12 =	vnsel vm2, $0x0, v12;
	v16 =	vld [tilespmem:s10+$0x0];
	[tilespmem:s0+$0x8800] =	vst v6;
	(erf) = vrcp.f32 v14  }
0x3c8: {  	v8 =	vand.u32 $0xFFFF0000, v8;
	v9 =	vnsel vm4, $0x0, v9;
	v6 =	vand.u32 $0xFFFF0000, v10;
	s0 =	smov.u32 s6;
	v5 =	vld [tilespmem:s9+$0x0]  }
0x3c9: {  	v8 =	vnsel vm8, $0x0, v8;
	v9 =	vadd.f32 v9, v1;
	s6 =	sor.u32 $0x7B00, s5;
	v6 =	vnsel vm3, $0x0, v6;
	v10 =	vld [tilespmem:s3+$0x6000]  }
0x3ca: {  	s9 =	sor.u32 s4, s6;
	s6 =	sor.u32 s8, s6;
	v1 =	vadd.f32 v6, v12;
	v6 =	vadd.f32 v4, v3;
	v3 =	vnsel vm1, $0x0, v7;
	v14 =	vld [tilespmem:s11+$0x0]  }
0x3cb: {  	v4 =	vadd.f32 v8, v9;
	vm1 =	vmmov vm7;
	vm2 =	vgt.s32 v13, $0x0;
	v7 =	vld [tilespmem:s6+$0x0]  }
0x3cc: {  	vm4 =	vmmov vm5;
	s5 =	sor.u32 $0x8300, s5;
	v9 =	vmul.f32 v6, v2;
	v2 =	vmovc v11;
	v19 =	vld [tilespmem:s7+$0x0];
	v8 =	vnsel vm2, $0x0, v13  }
0x3cd: {  	s4 =	sor.u32 s4, s5;
	s5 =	sor.u32 s8, s5;
	vm7 =	vgt.s32 v16, $0xFFFFFFFF;
	v6 =	vld [tilespmem:s9+$0x0];
	vm2 =	vgt.s32 v5, $0x0;
	vm8 =	vgt.s32 v5, $0xFFFFFFFF  }
0x3ce: {  	vm9 =	vgt.s32 v13, $0xFFFFFFFF;
	v12 =	vnsel vm2, $0x0, v5;
	vm2 =	vgt.s32 v16, $0x0;
	v13 =	vld [tilespmem:s5+$0x0];
	[tilespmem:s24+$0x8800] =	vst v9;
	s24 =	smov.u32 s22;
	s22 =	smov.u32 s14;
	s14 =	smov.u32 s3  }
0x3cf: {  	v9 =	vsel vm9, $0x3F800000, v0;
	v21 =	vsel vm8, $0x3F800000, v0;
	v5 =	vld [tilespmem:s4+$0x0];
	v16 =	vnsel vm2, $0x0, v16  }
0x3d0: {  	s11 =	simm.s32 $0x0;
	v20 =	vadd.f32 v21, v9;
	vm3 =	vgt.s32 v7, $0x0;
	v16 =	vadd.s32 $0x2000, v16;
	v9 =	vld.idx.msk [tilespmem:v17+s1+$0x0], $0xffff;
	v11 =	vpop (erf)  }
0x3d1: {  	vm2 =	vgt.s32 v10, $0xFFFFFFFF;
	v17 =	vsel vm7, $0x3F800000, v0;
	v21 =	vnsel vm3, $0x0, v7;
	v22 =	vld.idx.msk [tilespmem:v8+s11+$0x0], $0xffff  }
0x3d2: {  	vm10 =	vgt.s32 v7, $0xFFFFFFFF;
	v17 =	vadd.f32 v17, v20;
	v20 =	vadd.s32 $0x2000, v21;
	v8 =	vld.idx.msk [tilespmem:v15+s1+$0x0], $0xffff  }
0x3d3: {  	vm3 =	vgt.s32 v14, $0xFFFFFFFF;
	v7 =	vsel vm10, $0x3F800000, v0;
	vm5 =	vgt.s32 v13, $0x0;
	v12 =	vld.idx.msk [tilespmem:v12+s11+$0x0], $0xffff  }
0x3d4: {  	v15 =	vadd.f32 v7, v17;
	vm6 =	vgt.s32 v13, $0xFFFFFFFF;
	v17 =	vnsel vm5, $0x0, v13;
	v7 =	vld.idx.msk [tilespmem:v18+s1+$0x0], $0xffff;
	s1 =	smov.u32 s11  }
0x3d5: {  	vm5 =	vgt.s32 v10, $0x0;
	v13 =	vsel vm6, $0x3F800000, v0;
	v16 =	vld.idx.msk [tilespmem:v16+s1+$0x0], $0xffff;
	v17 =	vadd.s32 $0x4000, v17  }
0x3d6: {  	v21 =	vsel vm3, $0x3F800000, v0;
	v18 =	vsel vm2, $0x3F800000, v0;
	v13 =	vadd.f32 v13, v15  }
0x3d7: {  	v15 =	vnsel vm5, $0x0, v10;
	v18 =	vadd.f32 v21, v18;
	v10 =	vshll.u32 v22, $0x10;
	v20 =	vld.idx.msk [tilespmem:v20+s1+$0x0], $0xffff  }
0x3d8: {  	vm5 =	vgt.s32 v19, $0xFFFFFFFF;
	v10 =	vadd.f32 $0.0e+00, v10;
	v13 =	vmax.f32 v13, $1.000000000e+00  }
0x3d9: {  	vm11 =	vgt.s32 v14, $0x0;
	v12 =	vand.u32 $0xFFFF0000, v12;
	(erf) = vrcp.f32 v13  }
.Ltmp21:
0x3da: {  	v21 =	vsel vm5, $0x3F800000, v0;
	v22 =	vnsel vm9, $0x0, v10;
	v12 =	vnsel vm8, $0x0, v12;
	v13 =	vld.idx.msk [tilespmem:v17+s1+$0x0], $0xffff;
	(pc) =	sbr.rel @p4 .LBB2_43-.Ltmp21, $4  }
0x3db: {  	v10 =	vnsel vm11, $0x0, v14;
	v17 =	vadd.f32 v12, v22;
	v16 =	vshll.u32 v16, $0x10  }
0x3dc: {  	vm8 =	vgt.s32 v19, $0x0;
	v14 =	vadd.f32 v21, v18;
	v12 =	vld.idx.msk [tilespmem:v15+s1+$0x0], $0xffff;
	v15 =	vnsel vm7, $0x0, v16  }
0x3dd: {  	vm7 =	vgt.s32 v6, $0xFFFFFFFF;
	v16 =	vand.u32 $0xFFFF0000, v20;
	v15 =	vadd.f32 v15, v17  }
0x3de: {  	s25 =	sadd.s32 $0x1, s25;
	v17 =	vnsel vm8, $0x0, v19;
	v19 =	vsel vm7, $0x3F800000, v0;
	v16 =	vnsel vm10, $0x0, v16  }
0x3df: {  	v18 =	vmov v2;
	s12 =	smov.u32 s24;
	v2 =	vmov v11;
	s13 =	smov.u32 s22;
	s24 =	smov.u32 s14  }
.LBB2_45:
0x3e0: {  	vm9 =	vgt.s32 v6, $0x0  }
0x3e1: {  	v11 =	vadd.s32 $0x2000, v17;
	v6 =	vnsel vm9, $0x0, v6  }
0x3e2: {  	v14 =	vadd.f32 v19, v14;
	v6 =	vadd.s32 $0x2000, v6  }
0x3e3: {  	vm8 =	vgt.s32 v5, $0xFFFFFFFF;
	v15 =	vadd.f32 v16, v15;
	vm15 =	vgt.s32 v5, $0x0  }
0x3e4: {  	v10 =	vld.idx.msk [tilespmem:v10+s1+$0x0], $0xffff;
	vm0 =	vmmov @p2 vm0;
	v13 =	vnsel vm6, $0x0, v13;
	v5 =	vnsel vm15, $0x0, v5  }
0x3e5: {  	vm6 =	vmmov vm7;
	v17 =	vsel vm8, $0x3F800000, v0;
	v5 =	vadd.s32 $0x4000, v5  }
0x3e6: {  	v9 =	vshll.u32 @p2 v9, $0x10;
	v8 =	vand.u32 @p2 $0xFFFF0000, v8;
	v14 =	vadd.f32 v17, v14;
	v11 =	vld.idx.msk [tilespmem:v11+s1+$0x0], $0xffff  }
0x3e7: {  	v7 =	vnsel @p2 vm1, $0x0, v7;
	v3 =	vadd.f32 @p3 v4, v3;
	v12 =	vshll.u32 v12, $0x10;
	v6 =	vld.idx.msk [tilespmem:v6+s1+$0x0], $0xffff  }
0x3e8: {  	v9 =	vnsel @p2 vm4, $0x0, v9;
	v12 =	vadd.f32 $0.0e+00, v12;
	v14 =	vmax.f32 v14, $1.000000000e+00  }
0x3e9: {  	v8 =	vnsel @p2 vm0, $0x0, v8;
	(erf) = vrcp.f32 v14;
	v10 =	vand.u32 $0xFFFF0000, v10  }
0x3ea: {  	v1 =	vadd.f32 @p2 v9, v1;
	v12 =	vnsel vm2, $0x0, v12;
	v10 =	vnsel vm3, $0x0, v10;
	v5 =	vld.idx.msk [tilespmem:v5+s1+$0x0], $0xffff  }
0x3eb: {  	vm0 =	vmmov vm5;
	v55 =	vadd.f32 v10, v12;
	v56 =	vshll.u32 v11, $0x10  }
0x3ec: {  	v1 =	vadd.f32 @p2 v8, v1;
	v8 =	vnsel vm0, $0x0, v56;
	v6 =	vand.u32 $0xFFFF0000, v6  }
0x3ed: {  	vm1 =	vmmov vm8;
	vm0 =	vmmov vm6;
	v8 =	vadd.f32 v8, v55  }
0x3ee: {  	v7 =	vpsel p2, v7, v0;
	v13 =	vadd.f32 v15, v13;
	v4 =	vnsel vm0, $0x0, v6  }
0x3ef: {  	v1 =	vpsel p2, v1, v0;
	v5 =	vnsel vm1, $0x0, v5;
	v4 =	vadd.f32 v4, v8;
	v6 =	vpop (erf)  }
0x3f0: {  	v1 =	vadd.f32 @p2 v1, v7;
	v6 =	vmul.f32 v13, v6  }
0x3f1: {  	v2 =	vpsel p2, v2, v0;
	v3 =	vmul.f32 @p3 v3, v18;
	v4 =	vadd.f32 v4, v5  }
0x3f2: {  	s25 =	sand.u32 $0x3, s11;
	v1 =	vmul.f32 @p2 v1, v2;
	v5 =	vpop (erf);
	[tilespmem:s0+$0x8800] =	vst v6;
	s0 =	smov.u32 @p2 s13  }
0x3f3: {  	[tilespmem:s12+$0x8800] =	vst @p3 v3;
	s1 =	sshll.u32 s25, $0x5;
	v2 =	vmul.f32 v4, v5;
	s0 =	smov.u32 @p2 s0  }
0x3f4: {  	s28 =	sand.u32 $0x60, s11;
	s3 =	sand.u32 $0x400, s11;
	s26 =	sadd.s32 $0x10, s1;
	[tilespmem:s0+$0x8800] =	vst @p2 v1  }
0x3f5: {  	s5 =	sor.u32 $0x10, s28;
	s6 =	sor.u32 $0x6B80, s3;
	[tilespmem:s24+$0x8800] =	vst v2;
	s0 =	sor.u32 $0x380, s26  }
0x3f6: {  	s4 =	sor.u32 $0x7380, s3;
	s8 =	sor.u32 s5, s6;
	v1 =	vld [tilespmem:s0+$0x6000]  }
0x3f7: {  	s29 =	sor.u32 $0x7B80, s3;
	s7 =	sor.u32 s5, s4;
	v3 =	vld [tilespmem:s8+$0x0]  }
0x3f8: {  	s30 =	sor.u32 s5, s29;
	v2 =	vld [tilespmem:s7+$0x0]  }
0x3f9: {  	v4 =	vld [tilespmem:s30+$0x0]  }
0x3fa: {  	s9 =	sor.u32 s11, s11  }
0x3fb: {  	s22 =	sor.u32 $0x380, s9  }
0x3fc: {  	s6 =	sor.u32 s28, s6;
	v8 =	vld [tilespmem:s22+$0x6000];
	vm0 =	vgt.s32 v1, $0x0;
	vm1 =	vgt.s32 v3, $0x0  }
0x3fd: {  	v5 =	vld [tilespmem:s6+$0x0];
	vm2 =	vgt.s32 v3, $0xFFFFFFFF;
	vm3 =	vgt.s32 v1, $0xFFFFFFFF;
	v6 =	vnsel vm0, $0x0, v1  }
0x3fe: {  	s3 =	sor.u32 $0x8380, s3;
	vm4 =	vgt.s32 v4, $0x0;
	vm8 =	vgt.s32 v4, $0xFFFFFFFF;
	vm0 =	vgt.s32 v2, $0xFFFFFFFF  }
0x3ff: {  	s5 =	sor.u32 s5, s3;
	v1 =	vnsel vm1, $0x0, v3;
	vm1 =	vgt.s32 v2, $0x0;
	v7 =	vsel vm3, $0x3F800000, v0  }
0x400: {  	v3 =	vld [tilespmem:s5+$0x0];
	v57 =	vsel vm2, $0x3F800000, v0;
	v59 =	vnsel vm4, $0x0, v4;
	v2 =	vnsel vm1, $0x0, v2  }
0x401: {  	vm4 =	vgt.s32 v8, $0xFFFFFFFF;
	v7 =	vadd.f32 v57, v7;
	v2 =	vadd.s32 $0x2000, v2  }
0x402: {  	s4 =	sor.u32 s28, s4;
	vm1 =	vgt.s32 v5, $0xFFFFFFFF;
	v58 =	vsel vm0, $0x3F800000, v0;
	v4 =	vadd.s32 $0x2000, v59;
	v6 =	vld.idx.msk [tilespmem:v6+s2+$0x0], $0xffff  }
0x403: {  	v60 =	vld [tilespmem:s4+$0x0];
	v63 =	vsel vm4, $0x3F800000, v0;
	v12 =	vsel vm1, $0x3F800000, v0;
	v7 =	vadd.f32 v58, v7  }
0x404: {  	vm7 =	vgt.s32 v5, $0x0;
	v61 =	vsel vm8, $0x3F800000, v0;
	v11 =	vadd.f32 v12, v63;
	v1 =	vld.idx.msk [tilespmem:v1+s2+$0x0], $0xffff  }
0x405: {  	vm5 =	vgt.s32 v3, $0x0;
	v7 =	vadd.f32 v61, v7;
	vm6 =	vgt.s32 v3, $0xFFFFFFFF  }
0x406: {  	v12 =	vnsel vm7, $0x0, v5;
	v62 =	vnsel vm5, $0x0, v3;
	v3 =	vsel vm6, $0x3F800000, v0;
	v2 =	vld.idx.msk [tilespmem:v2+s2+$0x0], $0xffff  }
0x407: {  	s31 =	sor.u32 s28, s29;
	vm5 =	vgt.s32 v8, $0x0;
	v4 =	vld.idx.msk [tilespmem:v4+s2+$0x0], $0xffff;
	v3 =	vadd.f32 v3, v7;
	v6 =	vshll.u32 v6, $0x10  }
0x408: {  	v10 =	vadd.s32 $0x4000, v62;
	v7 =	vld [tilespmem:s31+$0x0];
	v8 =	vnsel vm5, $0x0, v8;
	v6 =	vadd.f32 $0.0e+00, v6  }
0x409: {  	vm5 =	vgt.s32 v60, $0xFFFFFFFF;
	v3 =	vmax.f32 v3, $1.000000000e+00;
	v1 =	vand.u32 $0xFFFF0000, v1  }
0x40a: {  	(erf) = vrcp.f32 v3;
	v1 =	vnsel vm2, $0x0, v1;
	v6 =	vnsel vm3, $0x0, v6  }
.Ltmp22:
0x40b: {  	v3 =	vsel vm5, $0x3F800000, v0;
	v2 =	vshll.u32 v2, $0x10;
	v1 =	vadd.f32 v1, v6;
	(pc) =	sbr.rel @!p1 .LBB2_46-.Ltmp22, $4  }
0x40c: {  	vm2 =	vgt.s32 v60, $0x0;
	v3 =	vadd.f32 v3, v11;
	v2 =	vnsel vm0, $0x0, v2  }
0x40d: {  	v4 =	vand.u32 $0xFFFF0000, v4;
	vm7 =	vgt.s32 v7, $0xFFFFFFFF;
	v15 =	vld.idx.msk [tilespmem:v10+s2+$0x0], $0xffff;
	v1 =	vadd.f32 v2, v1  }
0x40e: {  	s1 =	sor.u32 s28, s3;
	v4 =	vnsel vm8, $0x0, v4;
	v13 =	vld.idx.msk [tilespmem:v8+s2+$0x0], $0xffff;
	v5 =	vsel vm7, $0x3F800000, v0;
	v2 =	vnsel vm2, $0x0, v60  }
0x40f: {  	s15 =	sadd.s32 $0x1, s11;
	v6 =	vld [tilespmem:s1+$0x0];
	v14 =	vadd.f32 v5, v3;
	v2 =	vadd.s32 $0x2000, v2;
	v16 =	vadd.f32 v4, v1  }
0x410: {  	_ =	sdelay $0x1  }
0x411: {  	s1 =	sand.u32 $0x3, s15  }
0x412: {  	s13 =	sadd.s32 $0x100, s11;
	s12 =	sadd.s32 $0x20, s11;
	s1 =	sshll.u32 s1, $0x5  }
0x413: {  	vm3 =	vgt.s32 v7, $0x0;
	v1 =	vld.idx.msk [tilespmem:v12+s2+$0x0], $0xffff;
	s11 =	sand.u32 $0x60, s12;
	s3 =	sand.u32 $0x400, s13;
	s1 =	sadd.s32 $0x110, s1  }
0x414: {  	vm0 =	vmmov vm7;
	v4 =	vnsel vm3, $0x0, v7;
	v3 =	vnsel vm6, $0x0, v15;
	s4 =	sor.u32 $0x7380, s3;
	s5 =	sor.u32 $0x10, s11;
	s14 =	sor.u32 $0x380, s1  }
0x415: {  	s28 =	sor.u32 $0x6B80, s3;
	v4 =	vadd.s32 $0x2000, v4;
	v3 =	vadd.f32 v16, v3;
	s6 =	sor.u32 s5, s4;
	v8 =	vshll.u32 v13, $0x10;
	v7 =	vld [tilespmem:s14+$0x6000]  }
0x416: {  	v9 =	vpop (erf);
	s7 =	sor.u32 s5, s28;
	vm2 =	vgt.s32 v6, $0xFFFFFFFF;
	v10 =	vld [tilespmem:s6+$0x0];
	vm3 =	vgt.s32 v6, $0x0;
	v8 =	vadd.f32 $0.0e+00, v8  }
0x417: {  	v5 =	vsel vm2, $0x3F800000, v0;
	v11 =	vmul.f32 v3, v9;
	v3 =	vld [tilespmem:s7+$0x0];
	v6 =	vnsel vm3, $0x0, v6  }
0x418: {  	v1 =	vand.u32 $0xFFFF0000, v1;
	vm2 =	vmmov vm2;
	v5 =	vadd.f32 v5, v14  }
0x419: {  	s29 =	sor.u32 $0x7B80, s3;
	s9 =	sor.u32 s11, s28;
	vm3 =	vmmov vm5;
	v8 =	vnsel vm4, $0x0, v8;
	v1 =	vnsel vm1, $0x0, v1  }
0x41a: {  	s30 =	sor.u32 s5, s29;
	v13 =	vadd.s32 $0x4000, v6;
	v1 =	vadd.f32 v1, v8;
	v8 =	vld [tilespmem:s9+$0x0];
	v5 =	vmax.f32 v5, $1.000000000e+00  }
0x41b: {  	s8 =	sor.u32 s12, s13;
	(erf) = vrcp.f32 v5;
	vm1 =	vgt.s32 v7, $0x0;
	v5 =	vld [tilespmem:s30+$0x0];
	vm7 =	vgt.s32 v10, $0xFFFFFFFF  }
0x41c: {  	s3 =	sor.u32 $0x8380, s3;
	s1 =	sor.u32 $0x380, s8;
	vm10 =	vgt.s32 v7, $0xFFFFFFFF;
	v6 =	vnsel vm1, $0x0, v7;
	vm1 =	vgt.s32 v3, $0x0  }
0x41d: {  	s5 =	sor.u32 s5, s3;
	v9 =	vld [tilespmem:s1+$0x6000];
	vm8 =	vgt.s32 v3, $0xFFFFFFFF;
	v3 =	vnsel vm1, $0x0, v3;
	vm1 =	vgt.s32 v10, $0x0  }
0x41e: {  	v7 =	vld [tilespmem:s5+$0x0];
	v12 =	vsel vm10, $0x3F800000, v0;
	v14 =	vsel vm8, $0x3F800000, v0;
	v10 =	vnsel vm1, $0x0, v10  }
0x41f: {  	v12 =	vadd.f32 v14, v12;
	vm1 =	vgt.s32 v8, $0xFFFFFFFF;
	v14 =	vsel vm7, $0x3F800000, v0  }
0x420: {  	vm11 =	vgt.s32 v8, $0x0;
	v10 =	vadd.s32 $0x2000, v10;
	vm4 =	vgt.s32 v5, $0x0  }
0x421: {  	s4 =	sor.u32 s11, s4;
	v17 =	vsel vm1, $0x3F800000, v0;
	v12 =	vadd.f32 v14, v12;
	v15 =	vnsel vm4, $0x0, v5;
	v6 =	vld.idx.msk [tilespmem:v6+s2+$0x0], $0xffff  }
0x422: {  	vm9 =	vgt.s32 v5, $0xFFFFFFFF;
	v14 =	vld [tilespmem:s4+$0x0];
	vm4 =	vgt.s32 v9, $0xFFFFFFFF;
	v5 =	vadd.s32 $0x2000, v15  }
0x423: {  	vm5 =	vgt.s32 v7, $0x0;
	vm6 =	vgt.s32 v7, $0xFFFFFFFF;
	v15 =	vsel vm9, $0x3F800000, v0;
	v3 =	vld.idx.msk [tilespmem:v3+s2+$0x0], $0xffff  }
0x424: {  	v12 =	vadd.f32 v15, v12;
	v15 =	vnsel vm5, $0x0, v7;
	vm5 =	vgt.s32 v9, $0x0  }
0x425: {  	s31 =	sor.u32 s11, s29;
	v7 =	vsel vm6, $0x3F800000, v0;
	v15 =	vadd.s32 $0x4000, v15;
	v16 =	vld.idx.msk [tilespmem:v10+s2+$0x0], $0xffff;
	v10 =	vsel vm4, $0x3F800000, v0  }
0x426: {  	v18 =	vnsel vm5, $0x0, v9;
	v12 =	vadd.f32 v7, v12;
	v7 =	vld [tilespmem:s31+$0x0];
	v6 =	vshll.u32 v6, $0x10  }
0x427: {  	v17 =	vadd.f32 v17, v10;
	vm5 =	vgt.s32 v14, $0xFFFFFFFF;
	v5 =	vld.idx.msk [tilespmem:v5+s2+$0x0], $0xffff;
	v9 =	vadd.f32 $0.0e+00, v6  }
0x428: {  	s18 =	sadd.s32 $0x2, s21;
	v19 =	vsel vm5, $0x3F800000, v0;
	v6 =	vmax.f32 v12, $1.000000000e+00;
	v3 =	vand.u32 $0xFFFF0000, v3  }
0x429: {  	p2 =	slt.u32 s18, $0xE;
	v10 =	vld.idx.msk [tilespmem:v2+s2+$0x0], $0xffff;
	v12 =	vnsel vm11, $0x0, v8;
	v3 =	vnsel vm8, $0x0, v3;
	v9 =	vnsel vm10, $0x0, v9  }
.Ltmp23:
0x42a: {  	v8 =	vld.idx.msk [tilespmem:v13+s2+$0x0], $0xffff;
	(erf) = vrcp.f32 v6;
	v2 =	vadd.f32 v3, v9;
	v3 =	vshll.u32 v16, $0x10;
	(pc) =	sbr.rel @!p2 .LBB2_48-.Ltmp23, $4  }
0x42b: {  	s3 =	sor.u32 s11, s3;
	vm8 =	vgt.s32 v14, $0x0;
	v9 =	vld.idx.msk [tilespmem:v4+s2+$0x0], $0xffff;
	v4 =	vadd.f32 v19, v17;
	v3 =	vnsel vm7, $0x0, v3  }
0x42c: {  	v6 =	vld [tilespmem:s3+$0x0];
	vm7 =	vgt.s32 v7, $0xFFFFFFFF;
	v5 =	vand.u32 $0xFFFF0000, v5;
	v16 =	vadd.f32 v3, v2  }
0x42d: {  	v15 =	vld.idx.msk [tilespmem:v15+s2+$0x0], $0xffff;
	v2 =	vnsel vm8, $0x0, v14;
	v14 =	vsel vm7, $0x3F800000, v0;
	v5 =	vnsel vm9, $0x0, v5  }
0x42e: {  	s15 =	sadd.s32 $0x1, s15;
	p1 =	por $0x1, $0x1;
	[tilespmem:s0+$0x8800] =	vst v11;
	v13 =	vld.idx.msk [tilespmem:v18+s2+$0x0], $0xffff;
	v14 =	vadd.f32 v14, v4;
	v2 =	vadd.s32 $0x2000, v2;
	v3 =	vpop (erf);
	v16 =	vadd.f32 v5, v16  }
0x42f: {  	_ =	sdelay $0x3  }
0x430: {  	s0 =	sand.u32 $0x3, s15;
	vm10 =	vgt.s32 v7, $0x0;
	vm9 =	vmmov vm0;
	v4 =	vld.idx.msk [tilespmem:v12+s2+$0x0], $0xffff  }
0x431: {  	s11 =	sadd.s32 $0x100, s13;
	vm0 =	vmmov vm7;
	s12 =	sadd.s32 $0x20, s12;
	v10 =	vshll.u32 v10, $0x10;
	s0 =	sshll.u32 s0, $0x5;
	v7 =	vnsel vm10, $0x0, v7  }
0x432: {  	s21 =	sand.u32 $0x60, s12;
	s3 =	sand.u32 $0x400, s11;
	v9 =	vand.u32 $0xFFFF0000, v9;
	vm8 =	vgt.s32 v6, $0xFFFFFFFF;
	s0 =	sadd.s32 $0x210, s0;
	v5 =	vnsel vm6, $0x0, v15  }
0x433: {  	s5 =	sor.u32 $0x10, s21;
	s6 =	sor.u32 $0x6B80, s3;
	v11 =	vsel vm8, $0x3F800000, v0;
	s0 =	sor.u32 $0x380, s0;
	vm6 =	vgt.s32 v6, $0x0;
	v5 =	vadd.f32 v16, v5  }
0x434: {  	s8 =	sor.u32 s5, s6;
	v12 =	vshll.u32 v13, $0x10;
	v11 =	vadd.f32 v11, v14;
	v13 =	vpop (erf);
	v14 =	vadd.s32 $0x2000, v7;
	v7 =	vld [tilespmem:s0+$0x6000]  }
0x435: {  	s4 =	sor.u32 $0x7380, s3;
	v16 =	vld [tilespmem:s8+$0x0];
	v12 =	vadd.f32 $0.0e+00, v12;
	v4 =	vand.u32 $0xFFFF0000, v4;
	v13 =	vmul.f32 v5, v13  }
0x436: {  	s7 =	sor.u32 s5, s4;
	v5 =	vnsel vm6, $0x0, v6;
	v6 =	vmax.f32 v11, $1.000000000e+00;
	v4 =	vnsel vm1, $0x0, v4  }
0x437: {  	v11 =	vld [tilespmem:s7+$0x0];
	v12 =	vnsel vm4, $0x0, v12;
	v15 =	vadd.s32 $0x4000, v5;
	v5 =	vnsel vm3, $0x0, v10  }
0x438: {  	s29 =	sor.u32 $0x7B80, s3;
	s6 =	sor.u32 s21, s6;
	(erf) = vrcp.f32 v6;
	v6 =	vnsel vm9, $0x0, v9;
	vm3 =	vmmov vm5  }
0x439: {  	s30 =	sor.u32 s5, s29;
	v9 =	vld [tilespmem:s6+$0x0];
	v5 =	vadd.f32 v5, v1;
	v1 =	vadd.f32 v4, v12;
	v4 =	vnsel vm2, $0x0, v8  }
0x43a: {  	s3 =	sor.u32 $0x8380, s3;
	v8 =	vld [tilespmem:s30+$0x0];
	vm2 =	vmmov vm8;
	vm1 =	vgt.s32 v7, $0x0;
	vm8 =	vgt.s32 v16, $0xFFFFFFFF  }
0x43b: {  	s5 =	sor.u32 s5, s3;
	vm14 =	vgt.s32 v7, $0xFFFFFFFF;
	v5 =	vadd.f32 v6, v5;
	v6 =	vnsel vm1, $0x0, v7  }
0x43c: {  	s9 =	sor.u32 s12, s11;
	v12 =	vld [tilespmem:s5+$0x0];
	vm1 =	vgt.s32 v16, $0x0;
	v17 =	vsel vm8, $0x3F800000, v0;
	vm7 =	vgt.s32 v11, $0xFFFFFFFF  }
0x43d: {  	s13 =	sor.u32 $0x380, s9;
	v7 =	vnsel vm1, $0x0, v16;
	vm1 =	vgt.s32 v11, $0x0;
	v16 =	vsel vm14, $0x3F800000, v0  }
0x43e: {  	v10 =	vld [tilespmem:s13+$0x6000];
	v11 =	vnsel vm1, $0x0, v11;
	v16 =	vadd.f32 v17, v16;
	vm1 =	vgt.s32 v9, $0xFFFFFFFF  }
0x43f: {  	v17 =	vsel vm7, $0x3F800000, v0;
	vm4 =	vgt.s32 v8, $0x0;
	v11 =	vadd.s32 $0x2000, v11  }
0x440: {  	vm11 =	vgt.s32 v9, $0x0;
	vm15 =	vgt.s32 v8, $0xFFFFFFFF;
	v18 =	vnsel vm4, $0x0, v8;
	v6 =	vld.idx.msk [tilespmem:v6+s2+$0x0], $0xffff  }
0x441: {  	vm5 =	vgt.s32 v12, $0x0;
	v16 =	vadd.f32 v17, v16;
	v8 =	vadd.s32 $0x2000, v18  }
0x442: {  	s4 =	sor.u32 s21, s4;
	vm6 =	vgt.s32 v12, $0xFFFFFFFF;
	v20 =	vsel vm1, $0x3F800000, v0;
	v18 =	vsel vm15, $0x3F800000, v0;
	v19 =	vld.idx.msk [tilespmem:v7+s2+$0x0], $0xffff  }
0x443: {  	v17 =	vld [tilespmem:s4+$0x0];
	vm4 =	vgt.s32 v10, $0xFFFFFFFF;
	v7 =	vadd.f32 v18, v16;
	v16 =	vnsel vm5, $0x0, v12  }
0x444: {  	s31 =	sor.u32 s21, s29;
	vm5 =	vgt.s32 v10, $0x0;
	v12 =	vsel vm6, $0x3F800000, v0;
	v18 =	vsel vm4, $0x3F800000, v0;
	v11 =	vld.idx.msk [tilespmem:v11+s2+$0x0], $0xffff  }
0x445: {  	v16 =	vadd.s32 $0x4000, v16;
	v12 =	vadd.f32 v12, v7;
	v7 =	vld [tilespmem:s31+$0x0];
	v6 =	vshll.u32 v6, $0x10  }
0x446: {  	v21 =	vnsel vm5, $0x0, v10;
	v18 =	vadd.f32 v20, v18;
	v63 =	vld.idx.msk [tilespmem:v8+s2+$0x0], $0xffff;
	v8 =	vadd.f32 $0.0e+00, v6  }
0x447: {  	s3 =	sor.u32 s21, s3;
	v6 =	vmax.f32 v12, $1.000000000e+00;
	v10 =	vand.u32 $0xFFFF0000, v19;
	v12 =	vnsel vm11, $0x0, v9;
	v9 =	vld.idx.msk [tilespmem:v14+s2+$0x0], $0xffff  }
0x448: {  	s21 =	sadd.s32 $0x2, s18;
	(erf) = vrcp.f32 v6;
	v6 =	vld [tilespmem:s3+$0x0];
	v22 =	vnsel vm8, $0x0, v10;
	v8 =	vnsel vm14, $0x0, v8  }
0x449: {  	p2 =	slt.u32 s21, $0xE;
	vm5 =	vgt.s32 v17, $0xFFFFFFFF;
	v10 =	vld.idx.msk [tilespmem:v2+s2+$0x0], $0xffff;
	v2 =	vadd.f32 v22, v8;
	v8 =	vshll.u32 v11, $0x10  }
.Ltmp24:
0x44a: {  	v19 =	vsel vm5, $0x3F800000, v0;
	v11 =	vnsel vm7, $0x0, v8;
	v8 =	vld.idx.msk [tilespmem:v15+s2+$0x0], $0xffff;
	(pc) =	sbr.rel @!p2 .LBB2_50-.Ltmp24, $4  }
0x44b: {  	vm8 =	vgt.s32 v17, $0x0;
	v14 =	vadd.f32 v19, v18;
	v15 =	vld.idx.msk [tilespmem:v16+s2+$0x0], $0xffff  }
0x44c: {  	vm7 =	vgt.s32 v7, $0xFFFFFFFF;
	v18 =	vand.u32 $0xFFFF0000, v63;
	v19 =	vadd.f32 v11, v2  }
0x44d: {  	[tilespmem:s14+$0x8800] =	vst v13;
	v13 =	vld.idx.msk [tilespmem:v21+s2+$0x0], $0xffff;
	v2 =	vnsel vm8, $0x0, v17;
	v16 =	vsel vm7, $0x3F800000, v0;
	v17 =	vnsel vm15, $0x0, v18  }
0x44e: {  	s15 =	sadd.s32 $0x1, s15;
	p0 =	por $0x1, $0x1;
	s14 =	simm.s32 $0x310;
	v14 =	vadd.f32 v16, v14;
	v2 =	vadd.s32 $0x2000, v2;
	v11 =	vpop (erf);
	v16 =	vadd.f32 v17, v19  }
.LBB2_51:
0x44f: {  	vm9 =	vgt.s32 v7, $0x0;
	vm8 =	vgt.s32 v6, $0xFFFFFFFF  }
0x450: {  	s3 =	sand.u32 $0x3, s15;
	s21 =	sadd.s32 $0x2, s21;
	v12 =	vld.idx.msk [tilespmem:v12+s2+$0x0], $0xffff;
	v15 =	vnsel vm6, $0x0, v15;
	s11 =	sadd.s32 $0x100, s11;
	vm6 =	vmmov vm0;
	vm0 =	vmmov vm7  }
0x451: {  	s12 =	sadd.s32 $0x20, s12;
	s3 =	sshll.u32 s3, $0x5;
	p2 =	slt.u32 s21, $0xE;
	v18 =	vnsel vm9, $0x0, v7;
	v17 =	vsel vm8, $0x3F800000, v0;
	v15 =	vadd.f32 v16, v15  }
0x452: {  	s4 =	sand.u32 $0x60, s12;
	s5 =	sand.u32 $0x400, s11;
	v13 =	vshll.u32 v13, $0x10;
	s3 =	sadd.s32 s3, s14;
	v14 =	vadd.f32 v17, v14;
	v16 =	vadd.s32 $0x2000, v18;
	v7 =	vpop (erf)  }
0x453: {  	vm7 =	vgt.s32 v6, $0x0;
	s6 =	sor.u32 $0x7380, s5;
	s7 =	sor.u32 $0x10, s4;
	v13 =	vadd.f32 $0.0e+00, v13;
	s3 =	sor.u32 $0x380, s3;
	v7 =	vmul.f32 v15, v7  }
0x454: {  	v10 =	vshll.u32 v10, $0x10;
	s8 =	sor.u32 s12, s11;
	v6 =	vnsel vm7, $0x0, v6;
	s9 =	sor.u32 $0x6B80, s5;
	s10 =	sor.u32 s7, s6;
	v15 =	vld [tilespmem:s3+$0x6000];
	v14 =	vmax.f32 v14, $1.000000000e+00  }
0x455: {  	s8 =	sor.u32 $0x380, s8;
	v18 =	vadd.s32 $0x4000, v6;
	s17 =	sor.u32 s4, s9;
	s9 =	sor.u32 s7, s9;
	v13 =	vnsel vm4, $0x0, v13;
	v17 =	vld [tilespmem:s10+$0x0];
	[tilespmem:s0+$0x8800] =	vst v7;
	(erf) = vrcp.f32 v14  }
0x456: {  	v9 =	vand.u32 $0xFFFF0000, v9;
	v10 =	vnsel vm3, $0x0, v10;
	s6 =	sor.u32 s4, s6;
	v7 =	vand.u32 $0xFFFF0000, v12;
	s0 =	smov.u32 s3;
	v6 =	vld [tilespmem:s9+$0x0]  }
0x457: {  	v9 =	vnsel vm6, $0x0, v9;
	v10 =	vadd.f32 v10, v1;
	s3 =	sor.u32 $0x7B80, s5;
	v7 =	vnsel vm1, $0x0, v7;
	v12 =	vld [tilespmem:s8+$0x6000]  }
0x458: {  	s9 =	sor.u32 s4, s3;
	s3 =	sor.u32 s7, s3;
	v1 =	vadd.f32 v7, v13;
	v7 =	vadd.f32 v5, v4;
	v4 =	vnsel vm2, $0x0, v8;
	v14 =	vld [tilespmem:s17+$0x0]  }
0x459: {  	v5 =	vadd.f32 v9, v10;
	vm2 =	vmmov vm8;
	vm1 =	vgt.s32 v15, $0x0;
	v8 =	vld [tilespmem:s3+$0x0]  }
0x45a: {  	vm3 =	vmmov vm5;
	s3 =	sor.u32 $0x8380, s5;
	v10 =	vmul.f32 v7, v3;
	v3 =	vmovc v11;
	v19 =	vld [tilespmem:s6+$0x0];
	v9 =	vnsel vm1, $0x0, v15  }
0x45b: {  	s4 =	sor.u32 s4, s3;
	vm7 =	vgt.s32 v17, $0xFFFFFFFF;
	s3 =	sor.u32 s7, s3;
	v7 =	vld [tilespmem:s9+$0x0];
	vm1 =	vgt.s32 v6, $0x0;
	vm8 =	vgt.s32 v6, $0xFFFFFFFF  }
0x45c: {  	vm9 =	vgt.s32 v15, $0xFFFFFFFF;
	v13 =	vnsel vm1, $0x0, v6;
	vm1 =	vgt.s32 v17, $0x0;
	v15 =	vld [tilespmem:s3+$0x0];
	[tilespmem:s22+$0x8800] =	vst v10;
	s22 =	smov.u32 s1;
	s1 =	smov.u32 s13;
	s13 =	smov.u32 s8  }
0x45d: {  	v10 =	vsel vm9, $0x3F800000, v0;
	v21 =	vsel vm8, $0x3F800000, v0;
	v6 =	vld [tilespmem:s4+$0x0];
	v17 =	vnsel vm1, $0x0, v17  }
0x45e: {  	v20 =	vadd.f32 v21, v10;
	vm4 =	vgt.s32 v8, $0x0;
	v17 =	vadd.s32 $0x2000, v17;
	v10 =	vld.idx.msk [tilespmem:v2+s2+$0x0], $0xffff;
	v11 =	vpop (erf)  }
0x45f: {  	vm1 =	vgt.s32 v14, $0xFFFFFFFF;
	v2 =	vsel vm7, $0x3F800000, v0;
	v21 =	vnsel vm4, $0x0, v8;
	v22 =	vld.idx.msk [tilespmem:v9+s2+$0x0], $0xffff  }
0x460: {  	vm10 =	vgt.s32 v8, $0xFFFFFFFF;
	v2 =	vadd.f32 v2, v20;
	v20 =	vadd.s32 $0x2000, v21;
	v9 =	vld.idx.msk [tilespmem:v16+s2+$0x0], $0xffff  }
0x461: {  	vm4 =	vgt.s32 v12, $0xFFFFFFFF;
	v8 =	vsel vm10, $0x3F800000, v0;
	vm5 =	vgt.s32 v15, $0x0;
	v13 =	vld.idx.msk [tilespmem:v13+s2+$0x0], $0xffff  }
0x462: {  	v2 =	vadd.f32 v8, v2;
	vm6 =	vgt.s32 v15, $0xFFFFFFFF;
	v16 =	vnsel vm5, $0x0, v15;
	v8 =	vld.idx.msk [tilespmem:v18+s2+$0x0], $0xffff  }
0x463: {  	vm5 =	vgt.s32 v12, $0x0;
	v15 =	vsel vm6, $0x3F800000, v0;
	v17 =	vld.idx.msk [tilespmem:v17+s2+$0x0], $0xffff;
	v16 =	vadd.s32 $0x4000, v16  }
0x464: {  	v21 =	vsel vm1, $0x3F800000, v0;
	v18 =	vsel vm4, $0x3F800000, v0;
	v2 =	vadd.f32 v15, v2  }
0x465: {  	v23 =	vnsel vm5, $0x0, v12;
	v18 =	vadd.f32 v21, v18;
	v12 =	vshll.u32 v22, $0x10;
	v20 =	vld.idx.msk [tilespmem:v20+s2+$0x0], $0xffff  }
0x466: {  	vm5 =	vgt.s32 v19, $0xFFFFFFFF;
	v12 =	vadd.f32 $0.0e+00, v12;
	v2 =	vmax.f32 v2, $1.000000000e+00  }
0x467: {  	vm11 =	vgt.s32 v14, $0x0;
	v13 =	vand.u32 $0xFFFF0000, v13;
	(erf) = vrcp.f32 v2  }
0x468: {  	v2 =	vsel vm5, $0x3F800000, v0;
	v21 =	vnsel vm9, $0x0, v12;
	v13 =	vnsel vm8, $0x0, v13;
	v15 =	vld.idx.msk [tilespmem:v16+s2+$0x0], $0xffff  }
.Ltmp25:
0x469: {  	v12 =	vnsel vm11, $0x0, v14;
	v14 =	vadd.f32 v13, v21;
	v16 =	vshll.u32 v17, $0x10;
	(pc) =	sbr.rel @p2 .LBB2_51-.Ltmp25, $4  }
0x46a: {  	vm8 =	vgt.s32 v19, $0x0;
	v2 =	vadd.f32 v2, v18;
	v16 =	vnsel vm7, $0x0, v16;
	v13 =	vld.idx.msk [tilespmem:v23+s2+$0x0], $0xffff  }
0x46b: {  	vm7 =	vgt.s32 v7, $0xFFFFFFFF;
	v17 =	vand.u32 $0xFFFF0000, v20;
	v16 =	vadd.f32 v16, v14  }
0x46c: {  	v18 =	vnsel vm8, $0x0, v19;
	v14 =	vsel vm7, $0x3F800000, v0;
	v17 =	vnsel vm10, $0x0, v17  }
0x46d: {  	s15 =	sadd.s32 $0x1, s15;
	s14 =	sadd.s32 $0x100, s14;
	v14 =	vadd.f32 v14, v2;
	v2 =	vadd.s32 $0x2000, v18;
	v16 =	vadd.f32 v17, v16  }
0x46e: {  	v17 =	vmov v3;
	s4 =	smov.u32 s22;
	v3 =	vmov v11;
	s11 =	smov.u32 s1;
	s22 =	smov.u32 s13  }
.LBB2_53:
0x46f: {  	_ = 	snop  }
0x470: {  	vm8 =	vgt.s32 v7, $0x0  }
0x471: {  	v7 =	vnsel vm8, $0x0, v7  }
0x472: {  	vm15 =	vgt.s32 v6, $0xFFFFFFFF;
	v7 =	vadd.s32 $0x2000, v7  }
0x473: {  	v11 =	vld.idx.msk [tilespmem:v12+s2+$0x0], $0xffff;
	v57 =	vnsel vm6, $0x0, v15;
	vm11 =	vgt.s32 v6, $0x0;
	v13 =	vshll.u32 v13, $0x10  }
0x474: {  	vm0 =	vmmov @p1 vm0;
	v58 =	vsel vm15, $0x3F800000, v0;
	v6 =	vnsel vm11, $0x0, v6  }
0x475: {  	v2 =	vld.idx.msk [tilespmem:v2+s2+$0x0], $0xffff;
	vm12 =	vmmov vm7;
	v14 =	vadd.f32 v58, v14;
	v6 =	vadd.s32 $0x4000, v6  }
0x476: {  	v10 =	vshll.u32 @p1 v10, $0x10;
	v9 =	vand.u32 @p1 $0xFFFF0000, v9;
	vm13 =	vmmov vm5  }
0x477: {  	v8 =	vnsel @p1 vm2, $0x0, v8;
	v13 =	vadd.f32 $0.0e+00, v13;
	v14 =	vmax.f32 v14, $1.000000000e+00;
	v7 =	vld.idx.msk [tilespmem:v7+s2+$0x0], $0xffff  }
0x478: {  	v4 =	vadd.f32 @p0 v5, v4;
	(erf) = vrcp.f32 v14;
	v11 =	vand.u32 $0xFFFF0000, v11  }
0x479: {  	v10 =	vnsel @p1 vm3, $0x0, v10;
	v13 =	vnsel vm4, $0x0, v13;
	v11 =	vnsel vm1, $0x0, v11  }
0x47a: {  	v1 =	vadd.f32 @p1 v10, v1;
	v2 =	vshll.u32 v2, $0x10;
	v59 =	vadd.f32 v11, v13;
	v6 =	vld.idx.msk [tilespmem:v6+s2+$0x0], $0xffff  }
0x47b: {  	v9 =	vnsel @p1 vm0, $0x0, v9;
	vm14 =	vmmov vm12;
	v2 =	vnsel vm13, $0x0, v2  }
0x47c: {  	v1 =	vadd.f32 @p1 v9, v1;
	v2 =	vadd.f32 v2, v59;
	v7 =	vand.u32 $0xFFFF0000, v7  }
0x47d: {  	v12 =	vadd.f32 v16, v57;
	vm15 =	vmmov vm15;
	v60 =	vnsel vm14, $0x0, v7  }
0x47e: {  	v61 =	vpop (erf);
	v8 =	vpsel p1, v8, v0;
	v1 =	vpsel p1, v1, v0;
	v2 =	vadd.f32 v60, v2  }
0x47f: {  	v62 =	vmul.f32 v12, v61;
	v1 =	vadd.f32 @p1 v1, v8;
	v6 =	vnsel vm15, $0x0, v6  }
0x480: {  	v3 =	vpsel p1, v3, v0;
	v4 =	vmul.f32 @p0 v4, v17;
	v2 =	vadd.f32 v2, v6  }
0x481: {  	[tilespmem:s0+$0x8800] =	vst v62;
	s0 =	smov.u32 @p1 s11;
	v1 =	vmul.f32 @p1 v1, v3;
	v63 =	vpop (erf)  }
0x482: {  	[tilespmem:s4+$0x8800] =	vst @p0 v4;
	s0 =	smov.u32 @p1 s0;
	v2 =	vmul.f32 v2, v63  }
0x483: {  	[tilespmem:s0+$0x8800] =	vst @p1 v1  }
0x484: {  	[tilespmem:s22+$0x8800] =	vst v2  }
0x485: {  	s1 =	simm.s32 $0x8800;
	s0 =	rddreg [dreg:$0xa]  }
0x486: {  	[hbm4b:s0+s2] =	stream.linear.scatter [tilespmem:s1], [sflag:$0x3], $0x800, $0x38;
	[tilespmem:$0x9000] =	vst v63  }
0x487: {  	_ =	swait.ge [sflag:s19], $0x800  }
0x488: {  	s20 =	sadd.s32 $0x1, s20;
	s31 =	rddreg [dreg:$0xb]  }
0x489: {  	p0 =	sne.s32 s20, s31  }
.Ltmp26:
0x48a: {  	_ = 	snop;
	(pc) =	sbr.rel @p0 .LBB2_1-.Ltmp26, $4  }
.Ltmp27:
0x48b: {  	_ = 	snop;
	(pc) =	sbr.rel @!p0 .LBB2_54-.Ltmp27, $4  }
0x48c: {  	_ = 	snop  }
0x48d: {  	[sflag:s19] =	ssyncset.done $0x0  }
0x48e: {  	[sflag:s19] =	ssyncadd.s32 $0xFFFFF800  }
0x48f: {  	_ = 	snop  }
.LBB2_6:
.Ltmp28:
0x490: {  	(pc) =	sbr.rel .LBB2_13-.Ltmp28, $2  }
0x491: {  	_ =	sdelay $0x2  }
0x492: {  	s22 =	simm.s32 $0x0;
	p3 =	por $0x0, $0x0  }
.LBB2_14:
.Ltmp29:
0x493: {  	(pc) =	sbr.rel .LBB2_21-.Ltmp29, $2  }
0x494: {  	_ =	sdelay $0x2  }
0x495: {  	s1 =	smov.u32 s21;
	p1 =	por $0x0, $0x0  }
.LBB2_22:
.Ltmp30:
0x496: {  	(pc) =	sbr.rel .LBB2_29-.Ltmp30, $2  }
0x497: {  	_ =	sdelay $0x2  }
0x498: {  	s22 =	simm.s32 $0x0;
	p3 =	por $0x0, $0x0  }
.LBB2_30:
.Ltmp31:
0x499: {  	(pc) =	sbr.rel .LBB2_37-.Ltmp31, $2  }
0x49a: {  	_ =	sdelay $0x2  }
0x49b: {  	p1 =	por $0x0, $0x0  }
.LBB2_38:
.Ltmp32:
0x49c: {  	(pc) =	sbr.rel .LBB2_45-.Ltmp32, $2  }
0x49d: {  	_ =	sdelay $0x2  }
0x49e: {  	s11 =	simm.s32 $0x0;
	p3 =	por $0x0, $0x0  }
.LBB2_46:
.Ltmp33:
0x49f: {  	(pc) =	sbr.rel .LBB2_53-.Ltmp33, $2  }
0x4a0: {  	_ =	sdelay $0x2  }
0x4a1: {  	p1 =	por $0x0, $0x0  }
.LBB2_8:
.Ltmp34:
0x4a2: {  	(pc) =	sbr.rel .LBB2_13-.Ltmp34, $3  }
0x4a3: {  	_ =	sdelay $0x1  }
0x4a4: {  	s11 =	smov.u32 s31;
	s21 =	smov.u32 s23  }
0x4a5: {  	s31 =	smov.u32 s1;
	s0 =	simm.s32 $0x0;
	p3 =	por $0x0, $0x0  }
.LBB2_16:
.Ltmp35:
0x4a6: {  	(pc) =	sbr.rel .LBB2_21-.Ltmp35, $2  }
0x4a7: {  	_ =	sdelay $0x2  }
0x4a8: {  	s5 =	smov.u32 s29;
	s29 =	smov.u32 s0  }
.LBB2_24:
.Ltmp36:
0x4a9: {  	(pc) =	sbr.rel .LBB2_29-.Ltmp36, $3  }
0x4aa: {  	_ =	sdelay $0x1  }
0x4ab: {  	s11 =	smov.u32 s29;
	s21 =	smov.u32 s13  }
0x4ac: {  	s29 =	smov.u32 s1;
	s0 =	simm.s32 $0x0;
	p3 =	por $0x0, $0x0  }
.LBB2_32:
.Ltmp37:
0x4ad: {  	(pc) =	sbr.rel .LBB2_37-.Ltmp37, $2  }
0x4ae: {  	_ =	sdelay $0x2  }
0x4af: {  	s5 =	smov.u32 s29;
	s0 =	smov.u32 s13;
	s29 =	smov.u32 s1  }
.LBB2_40:
.Ltmp38:
0x4b0: {  	(pc) =	sbr.rel .LBB2_45-.Ltmp38, $3  }
0x4b1: {  	_ =	sdelay $0x1  }
0x4b2: {  	s13 =	smov.u32 s24;
	s1 =	simm.s32 $0x0  }
0x4b3: {  	s0 =	smov.u32 s25;
	s24 =	smov.u32 s22;
	p3 =	por $0x0, $0x0  }
.LBB2_48:
.Ltmp39:
0x4b4: {  	(pc) =	sbr.rel .LBB2_53-.Ltmp39, $2  }
0x4b5: {  	_ =	sdelay $0x2  }
0x4b6: {  	s11 =	smov.u32 s22;
	s0 =	smov.u32 s14;
	s22 =	smov.u32 s1  }
.LBB2_10:
.Ltmp40:
0x4b7: {  	(pc) =	sbr.rel .LBB2_13-.Ltmp40, $3  }
0x4b8: {  	_ =	sdelay $0x1  }
0x4b9: {  	s4 =	smov.u32 s31  }
0x4ba: {  	v17 =	vmov v3;
	v3 =	vmov v12;
	s11 =	smov.u32 s1;
	s31 =	smov.u32 s12;
	s22 =	simm.s32 $0x0  }
.LBB2_18:
.Ltmp41:
0x4bb: {  	(pc) =	sbr.rel .LBB2_21-.Ltmp41, $3  }
0x4bc: {  	_ =	sdelay $0x1  }
0x4bd: {  	s4 =	smov.u32 s29  }
0x4be: {  	v17 =	vmov v3;
	s1 =	smov.u32 s12;
	v3 =	vmov v12;
	s5 =	smov.u32 s0;
	s29 =	smov.u32 s13  }
.LBB2_26:
.Ltmp42:
0x4bf: {  	(pc) =	sbr.rel .LBB2_29-.Ltmp42, $3  }
0x4c0: {  	_ =	sdelay $0x1  }
0x4c1: {  	s4 =	smov.u32 s29  }
0x4c2: {  	v17 =	vmov v3;
	v3 =	vmov v12;
	s11 =	smov.u32 s1;
	s29 =	smov.u32 s12;
	s22 =	simm.s32 $0x0  }
.LBB2_34:
.Ltmp43:
0x4c3: {  	(pc) =	sbr.rel .LBB2_37-.Ltmp43, $2  }
0x4c4: {  	_ =	sdelay $0x2  }
0x4c5: {  	v17 =	vmov v3;
	s4 =	smov.u32 s29;
	v3 =	vmov v12;
	s5 =	smov.u32 s1;
	s29 =	smov.u32 s12  }
.LBB2_42:
.Ltmp44:
0x4c6: {  	(pc) =	sbr.rel .LBB2_45-.Ltmp44, $3  }
0x4c7: {  	_ =	sdelay $0x1  }
0x4c8: {  	s12 =	smov.u32 s24  }
0x4c9: {  	v18 =	vmov v2;
	v2 =	vmov v11;
	s13 =	smov.u32 s22;
	s24 =	smov.u32 s14;
	s11 =	simm.s32 $0x0  }
.LBB2_50:
.Ltmp45:
0x4ca: {  	(pc) =	sbr.rel .LBB2_53-.Ltmp45, $2  }
0x4cb: {  	_ =	sdelay $0x2  }
0x4cc: {  	v17 =	vmov v3;
	s4 =	smov.u32 s22;
	v3 =	vmov v11;
	s11 =	smov.u32 s1;
	s22 =	smov.u32 s13  }
.LBB2_54:
0x4cd: {  	_ =	sfence.sel $0x180000  }
0x4ce: {  	[bflag:$0x0] =	sbarrier.arrive $0xFFFF  }
0x4cf: {  	_ =	strace $0x90000047  }
0x4d0: {  	s0 =	stileid.u32;
	[bflag:$0x2] =	sbarrier.arrive $0xFFFF  }
0x4d1: {  	p0 =	sne.s32 s0, $0x0;
	s0 =	rddreg [dreg:$0x3]  }
0x4d2: {  	s0 =	sadd.s32 @!p0 $0x100000, s0  }
0x4d3: {  	[sflag:s0] =	ssyncadd.tile.s32 @!p0 $0x1;
	_ =	shalt  }
.Lfunc_end2:
_tile_overlayer_lowered:
.L_overlay_start_2:
0x4d4: {  	(tag) =	ssettag $0x2  }
0x4d5: {  	s0 =	rddreg [dreg:$0x0];
	s2 =	stileid.u32  }
0x4d6: {  	s1 =	rddreg [dreg:$0x1];
	p0 =	sne.s32 s2, $0x0  }
0x4d7: {  	s3 =	rddreg [dreg:$0x2];
	[bflag:$0x3] =	sbarrier.arrive $0xFFFF;
	s2 =	simm.s32 @!p0 $0x1C03  }
0x4d8: {  	[timem:s3], [sflag:s2] =	dma.local @!p0 [hbm:s0], s1  }
0x4d9: {  	s0 =	simm.s32 @!p0 $0x3  }
0x4da: {  	_ =	swait.ge @!p0 [sflag:s0], s1  }
0x4db: {  	s1 =	ssub.s32 @!p0 $0x0, s1;
	[sflag:s0] =	ssyncset.done @!p0 $0x0  }
0x4dc: {  	[sflag:s0] =	ssyncadd.s32 @!p0 s1  }
0x4dd: {  	[bflag:$0x3] =	sbarrier.arrive $0xFFFF  }
0x4de: {  	_ =	shalt  }

</sc_bundles>
